<compile_context>
chip_gen: v7x
topology: tpu7x:2x2x1
jax: 0.10.2.dev20260603
libtpu: 0.0.44.dev20260713+nightly
codegen_flags: <defaults>
</compile_context>

<pallas_src>
import functools

import jax
import jax.numpy as jnp
from jax import lax
from jax.experimental import pallas as pl
from jax.experimental.pallas import tpu as pltpu
from jax.experimental.pallas import tpu_sc as plsc

N = 10000
E = 320000
D = 128

NC = 2
NS = 16
NW = NC * NS
EPT = E // NW

KA = 80
CA = EPT // KA
PADA = 10240
RPT = PADA // NS

KD = 128
CD = 80
EPP = CD * KD
PADD = 10240

_mesh = plsc.VectorSubcoreMesh(core_axis_name="c", subcore_axis_name="s")


@functools.partial(
    pl.kernel,
    mesh=_mesh,
    out_type=jax.ShapeDtypeStruct((NC * N,), jnp.float32),
    scratch_types=[
        pltpu.VMEM((CD, KD), jnp.int32),
        pltpu.VMEM((KD,), jnp.float32),
        pltpu.VMEM((PADD // NS,), jnp.float32),
        pltpu.VMEM_SHARED((PADD,), jnp.float32),
    ],
)
def _sc_degree(dst_hbm, out_hbm, idx_v, ones_v, z_v, acc):
    c = lax.axis_index("c")
    s = lax.axis_index("s")
    wid = s * NC + c

    for i in range(PADD // NS // 16):
        z_v[pl.ds(16 * i, 16)] = jnp.zeros((16,), jnp.float32)
    for i in range(KD // 16):
        ones_v[pl.ds(16 * i, 16)] = jnp.ones((16,), jnp.float32)
    pltpu.sync_copy(dst_hbm.at[wid], idx_v)
    pltpu.sync_copy(z_v, acc.at[pl.ds(s * (PADD // NS), PADD // NS)])
    plsc.subcore_barrier()

    def body(ci, _):
        pltpu.sync_copy(ones_v, acc.at[idx_v.at[ci]], add=True)
        return 0

    lax.fori_loop(0, CD, body, 0)
    plsc.subcore_barrier()

    DPT = PADD // NS
    pltpu.sync_copy(acc.at[pl.ds(s * DPT, DPT)], z_v)

    @pl.when(s < NS - 1)
    def _():
        pltpu.sync_copy(z_v, out_hbm.at[pl.ds(c * N + s * DPT, DPT)])

    @pl.when(s == NS - 1)
    def _():
        pltpu.sync_copy(z_v.at[pl.ds(0, N - (NS - 1) * DPT)],
                        out_hbm.at[pl.ds(c * N + (NS - 1) * DPT,
                                         N - (NS - 1) * DPT)])


@functools.partial(
    pl.kernel,
    mesh=_mesh,
    out_type=jax.ShapeDtypeStruct((NC * PADA, D), jnp.float32),
    scratch_types=[
        pltpu.VMEM((CA, KA), jnp.int32),
        pltpu.VMEM((CA, KA), jnp.int32),
        pltpu.VMEM((KA, D), jnp.float32),
        pltpu.SemaphoreType.DMA,
        pltpu.VMEM_SHARED((PADA, D), jnp.float32),
    ],
)
def _sc_aggregate(h_hbm, src_hbm, dst_hbm, out_hbm, si_v, di_v, rows_v,
                  sem, acc):
    c = lax.axis_index("c")
    s = lax.axis_index("s")
    wid = s * NC + c

    def zrow(i, _):
        for j in range(D // 16):
            rows_v[i, pl.ds(16 * j, 16)] = jnp.zeros((16,), jnp.float32)
        return 0

    lax.fori_loop(0, KA, zrow, 0)
    pltpu.sync_copy(src_hbm.at[wid], si_v)
    pltpu.sync_copy(dst_hbm.at[wid], di_v)
    for r in range(RPT // KA):
        pltpu.sync_copy(rows_v, acc.at[pl.ds(s * RPT + r * KA, KA)])
    plsc.subcore_barrier()

    def body(ci, _):
        pltpu.async_copy(h_hbm.at[si_v.at[ci]], rows_v, sem).wait()
        pltpu.sync_copy(rows_v, acc.at[di_v.at[ci]], add=True)
        return 0

    lax.fori_loop(0, CA, body, 0)
    plsc.subcore_barrier()

    for r in range(RPT // KA):
        pltpu.sync_copy(acc.at[pl.ds(s * RPT + r * KA, KA)], rows_v)
        pltpu.sync_copy(rows_v,
                        out_hbm.at[pl.ds(c * PADA + s * RPT + r * KA, KA)])


BR = 2000
GRID = N // BR
_row_spec = pl.BlockSpec((BR, D), lambda i: (i, 0))
_w_spec = pl.BlockSpec((D, D), lambda i: (0, 0))
_b_spec = pl.BlockSpec((D,), lambda i: (0,))
_dinv_spec = pl.BlockSpec((BR, 1), lambda i: (i, 0))


def _tc_first_body(x_ref, w_ref, d0_ref, d1_ref, hp_ref, dinv_ref):
    deg = d0_ref[:] + d1_ref[:] + 1.0
    dinv = lax.rsqrt(deg)
    dinv_ref[:] = dinv
    h = jnp.dot(x_ref[:], w_ref[:], preferred_element_type=jnp.float32)
    hp_ref[:] = h * dinv


def _tc_first(x, W1, degp):
    return pl.pallas_call(
        _tc_first_body,
        grid=(GRID,),
        in_specs=[_row_spec, _w_spec, _dinv_spec, _dinv_spec],
        out_specs=[_row_spec, _dinv_spec],
        out_shape=[
            jax.ShapeDtypeStruct((N, D), jnp.float32),
            jax.ShapeDtypeStruct((N, 1), jnp.float32),
        ],
    )(x, W1, degp[0].reshape(N, 1), degp[1].reshape(N, 1))


def _tc_mid_body(a0_ref, a1_ref, hp_ref, dinv_ref, b_ref, w_ref, out_ref):
    dinv = dinv_ref[:]
    t = (a0_ref[:] + a1_ref[:] + hp_ref[:]) * dinv + b_ref[:][None, :]
    t = jnp.maximum(t, 0.0)
    h = jnp.dot(t, w_ref[:], preferred_element_type=jnp.float32)
    out_ref[:] = h * dinv


def _tc_mid(agg0, agg1, hp, dinv, b, W):
    return pl.pallas_call(
        _tc_mid_body,
        grid=(GRID,),
        in_specs=[_row_spec, _row_spec, _row_spec, _dinv_spec, _b_spec,
                  _w_spec],
        out_specs=_row_spec,
        out_shape=jax.ShapeDtypeStruct((N, D), jnp.float32),
    )(agg0, agg1, hp, dinv, b, W)


def _tc_last_body(a0_ref, a1_ref, hp_ref, dinv_ref, b_ref, out_ref):
    t = (a0_ref[:] + a1_ref[:] + hp_ref[:]) * dinv_ref[:]
    out_ref[:] = t + b_ref[:][None, :]


def _tc_last(agg0, agg1, hp, dinv, b):
    return pl.pallas_call(
        _tc_last_body,
        grid=(GRID,),
        in_specs=[_row_spec, _row_spec, _row_spec, _dinv_spec, _b_spec],
        out_specs=_row_spec,
        out_shape=jax.ShapeDtypeStruct((N, D), jnp.float32),
    )(agg0, agg1, hp, dinv, b)


@jax.jit
def kernel(x, edge_index, W1, b1, W2, b2, W3, b3):
    src = edge_index[0].reshape(NW, CA, KA)
    dst = edge_index[1].reshape(NW, CA, KA)
    npad = EPP - EPT
    trash = (N + jnp.arange(NW, dtype=jnp.int32))[:, None] * jnp.ones(
        (1, npad), jnp.int32)
    dstp = jnp.concatenate(
        [edge_index[1].reshape(NW, EPT), trash], axis=1).reshape(NW, CD, KD)

    degp = _sc_degree(dstp).reshape(NC, N)
    hp, dinv = _tc_first(x, W1, degp)

    agg = _sc_aggregate(hp, src, dst)
    hp = _tc_mid(agg[:N], agg[PADA:PADA + N], hp, dinv, b1, W2)

    agg = _sc_aggregate(hp, src, dst)
    hp = _tc_mid(agg[:N], agg[PADA:PADA + N], hp, dinv, b2, W3)

    agg = _sc_aggregate(hp, src, dst)
    return _tc_last(agg[:N], agg[PADA:PADA + N], hp, dinv, b3)

# --- scband reference (transcript-rebuilt; emitter-appended) ---
"""Pipeline reference for scband-trajectory-gcn-10806137717432 (READ-ONLY COPY).

The authoritative reference and input builder live on the scoring server;
editing this copy changes nothing except your own understanding.
"""

import jax, jax.numpy as jnp
import numpy as np

N = 10000
E = 320000
D_IN = 128
D_H = 128
D_OUT = 128


def setup_inputs(seed: int = 0) -> dict:
    key = jax.random.key(seed)
    ks = jax.random.split(key, 8)
    x = jax.random.normal(ks[0], (N, D_IN), dtype=jnp.float32)
    edge_index = jax.random.randint(ks[1], (2, E), 0, N, dtype=jnp.int32)
    s1 = 1.0 / np.sqrt(D_IN)
    s2 = 1.0 / np.sqrt(D_H)
    W1 = jax.random.uniform(ks[2], (D_IN, D_H), jnp.float32, -s1, s1)
    b1 = jnp.zeros((D_H,), jnp.float32)
    W2 = jax.random.uniform(ks[3], (D_H, D_H), jnp.float32, -s2, s2)
    b2 = jnp.zeros((D_H,), jnp.float32)
    W3 = jax.random.uniform(ks[4], (D_H, D_OUT), jnp.float32, -s2, s2)
    b3 = jnp.zeros((D_OUT,), jnp.float32)
    return {"x": x, "edge_index": edge_index, "W1": W1, "b1": b1,
            "W2": W2, "b2": b2, "W3": W3, "b3": b3}


def _gcn_layer(x, edge_index, W, b):
    # GCNConv: add self-loops, symmetric normalization D^{-1/2} A D^{-1/2}
    n = x.shape[0]
    src = edge_index[0]
    dst = edge_index[1]
    loop = jnp.arange(n, dtype=src.dtype)
    src2 = jnp.concatenate([src, loop])
    dst2 = jnp.concatenate([dst, loop])
    deg = jnp.zeros((n,), jnp.float32).at[dst2].add(1.0)
    deg_inv_sqrt = jax.lax.rsqrt(deg)  # deg >= 1 because of self-loops
    norm = deg_inv_sqrt[src2] * deg_inv_sqrt[dst2]
    h = x @ W
    msg = h[src2] * norm[:, None]
    out = jnp.zeros((n, W.shape[1]), jnp.float32).at[dst2].add(msg)
    return out + b


def reference(x, edge_index, W1, b1, W2, b2, W3, b3):
    # eval mode: dropout is identity
    h = _gcn_layer(x, edge_index, W1, b1)
    h = jax.nn.relu(h)
    h = _gcn_layer(h, edge_index, W2, b2)
    h = jax.nn.relu(h)
    out = _gcn_layer(h, edge_index, W3, b3)
    return out

if __name__ == "__main__":
    import jax
    _d = setup_inputs()
    print(jax.jit(kernel)(*tuple(_d.values())))

</pallas_src>

<mosaic_0001>
#map = affine_map<(d0, d1) -> (0, 0, 0)>
#map1 = affine_map<(d0, d1) -> (0)>
module attributes {stable_mosaic.version = 14 : i64} {
  func.func @_sc_degree(%arg0: i32, %arg1: i32, %arg2: memref<32x80x128xi32, #tpu.memory_space<hbm>>, %arg3: memref<20000xf32, #tpu.memory_space<hbm>>, %arg4: memref<80x128xi32, #tpu.memory_space<vmem>>, %arg5: memref<128xf32, #tpu.memory_space<vmem>>, %arg6: memref<640xf32, #tpu.memory_space<vmem>>, %arg7: memref<10240xf32, #tpu.memory_space<vmem_shared>>) attributes {dimension_semantics = [#tpu.dimension_semantics<core_parallel>, #tpu.dimension_semantics<subcore_parallel>], iteration_bounds = array<i64: 2, 16>, scalar_prefetch = 0 : i64, scratch_operands = 4 : i64, tpu.core_type = #tpu.core_type<sc_vector_subcore>, window_params = [{transform_indices = #map}, {transform_indices = #map1}]} {
    %mul3A = arith.constant 2 : i32
    %mul3A_0 = arith.muli %arg1, %mul3A : i32
    %add3A = arith.addi %mul3A_0, %arg0 : i32
    %broadcast_in_dim3A = arith.constant 0.000000e+00 : f32
    %broadcast_in_dim3A_1 = vector.broadcast %broadcast_in_dim3A : f32 to vector<16xf32>
    %swap3A = arith.constant 0 : index
    %swap3A_2 = tpu.vector_load %arg6[%swap3A] {strides = array<i32>} : memref<640xf32, #tpu.memory_space<vmem>>, vector<16xf32>,
    %swap3A_3 = vector.shape_cast %swap3A_2 : vector<16xf32> to vector<16xf32>
    %swap3A_4 = vector.shape_cast %broadcast_in_dim3A_1 : vector<16xf32> to vector<16xf32>
    tpu.vector_store %arg6[%swap3A], %swap3A_4 {strides = array<i32>} : memref<640xf32, #tpu.memory_space<vmem>>, vector<16xf32>,
    %broadcast_in_dim3A_5 = arith.constant 0.000000e+00 : f32
    %broadcast_in_dim3A_6 = vector.broadcast %broadcast_in_dim3A_5 : f32 to vector<16xf32>
    %swap3A_7 = arith.constant 16 : index
    %swap3A_8 = tpu.vector_load %arg6[%swap3A_7] {strides = array<i32>} : memref<640xf32, #tpu.memory_space<vmem>>, vector<16xf32>,
    %swap3A_9 = vector.shape_cast %swap3A_8 : vector<16xf32> to vector<16xf32>
    %swap3A_10 = vector.shape_cast %broadcast_in_dim3A_6 : vector<16xf32> to vector<16xf32>
    tpu.vector_store %arg6[%swap3A_7], %swap3A_10 {strides = array<i32>} : memref<640xf32, #tpu.memory_space<vmem>>, vector<16xf32>,
    %broadcast_in_dim3A_11 = arith.constant 0.000000e+00 : f32
    %broadcast_in_dim3A_12 = vector.broadcast %broadcast_in_dim3A_11 : f32 to vector<16xf32>
    %swap3A_13 = arith.constant 32 : index
    %swap3A_14 = tpu.vector_load %arg6[%swap3A_13] {strides = array<i32>} : memref<640xf32, #tpu.memory_space<vmem>>, vector<16xf32>,
    %swap3A_15 = vector.shape_cast %swap3A_14 : vector<16xf32> to vector<16xf32>
    %swap3A_16 = vector.shape_cast %broadcast_in_dim3A_12 : vector<16xf32> to vector<16xf32>
    tpu.vector_store %arg6[%swap3A_13], %swap3A_16 {strides = array<i32>} : memref<640xf32, #tpu.memory_space<vmem>>, vector<16xf32>,
    %broadcast_in_dim3A_17 = arith.constant 0.000000e+00 : f32
    %broadcast_in_dim3A_18 = vector.broadcast %broadcast_in_dim3A_17 : f32 to vector<16xf32>
    %swap3A_19 = arith.constant 48 : index
    %swap3A_20 = tpu.vector_load %arg6[%swap3A_19] {strides = array<i32>} : memref<640xf32, #tpu.memory_space<vmem>>, vector<16xf32>,
    %swap3A_21 = vector.shape_cast %swap3A_20 : vector<16xf32> to vector<16xf32>
    %swap3A_22 = vector.shape_cast %broadcast_in_dim3A_18 : vector<16xf32> to vector<16xf32>
    tpu.vector_store %arg6[%swap3A_19], %swap3A_22 {strides = array<i32>} : memref<640xf32, #tpu.memory_space<vmem>>, vector<16xf32>,
    %broadcast_in_dim3A_23 = arith.constant 0.000000e+00 : f32
    %broadcast_in_dim3A_24 = vector.broadcast %broadcast_in_dim3A_23 : f32 to vector<16xf32>
    %swap3A_25 = arith.constant 64 : index
    %swap3A_26 = tpu.vector_load %arg6[%swap3A_25] {strides = array<i32>} : memref<640xf32, #tpu.memory_space<vmem>>, vector<16xf32>,
    %swap3A_27 = vector.shape_cast %swap3A_26 : vector<16xf32> to vector<16xf32>
    %swap3A_28 = vector.shape_cast %broadcast_in_dim3A_24 : vector<16xf32> to vector<16xf32>
    tpu.vector_store %arg6[%swap3A_25], %swap3A_28 {strides = array<i32>} : memref<640xf32, #tpu.memory_space<vmem>>, vector<16xf32>,
    %broadcast_in_dim3A_29 = arith.constant 0.000000e+00 : f32
    %broadcast_in_dim3A_30 = vector.broadcast %broadcast_in_dim3A_29 : f32 to vector<16xf32>
    %swap3A_31 = arith.constant 80 : index
    %swap3A_32 = tpu.vector_load %arg6[%swap3A_31] {strides = array<i32>} : memref<640xf32, #tpu.memory_space<vmem>>, vector<16xf32>,
    %swap3A_33 = vector.shape_cast %swap3A_32 : vector<16xf32> to vector<16xf32>
    %swap3A_34 = vector.shape_cast %broadcast_in_dim3A_30 : vector<16xf32> to vector<16xf32>
    tpu.vector_store %arg6[%swap3A_31], %swap3A_34 {strides = array<i32>} : memref<640xf32, #tpu.memory_space<vmem>>, vector<16xf32>,
    %broadcast_in_dim3A_35 = arith.constant 0.000000e+00 : f32
    %broadcast_in_dim3A_36 = vector.broadcast %broadcast_in_dim3A_35 : f32 to vector<16xf32>
    %swap3A_37 = arith.constant 96 : index
    %swap3A_38 = tpu.vector_load %arg6[%swap3A_37] {strides = array<i32>} : memref<640xf32, #tpu.memory_space<vmem>>, vector<16xf32>,
    %swap3A_39 = vector.shape_cast %swap3A_38 : vector<16xf32> to vector<16xf32>
    %swap3A_40 = vector.shape_cast %broadcast_in_dim3A_36 : vector<16xf32> to vector<16xf32>
    tpu.vector_store %arg6[%swap3A_37], %swap3A_40 {strides = array<i32>} : memref<640xf32, #tpu.memory_space<vmem>>, vector<16xf32>,
    %broadcast_in_dim3A_41 = arith.constant 0.000000e+00 : f32
    %broadcast_in_dim3A_42 = vector.broadcast %broadcast_in_dim3A_41 : f32 to vector<16xf32>
    %swap3A_43 = arith.constant 112 : index
    %swap3A_44 = tpu.vector_load %arg6[%swap3A_43] {strides = array<i32>} : memref<640xf32, #tpu.memory_space<vmem>>, vector<16xf32>,
    %swap3A_45 = vector.shape_cast %swap3A_44 : vector<16xf32> to vector<16xf32>
    %swap3A_46 = vector.shape_cast %broadcast_in_dim3A_42 : vector<16xf32> to vector<16xf32>
    tpu.vector_store %arg6[%swap3A_43], %swap3A_46 {strides = array<i32>} : memref<640xf32, #tpu.memory_space<vmem>>, vector<16xf32>,
    %broadcast_in_dim3A_47 = arith.constant 0.000000e+00 : f32
    %broadcast_in_dim3A_48 = vector.broadcast %broadcast_in_dim3A_47 : f32 to vector<16xf32>
    %swap3A_49 = arith.constant 128 : index
    %swap3A_50 = tpu.vector_load %arg6[%swap3A_49] {strides = array<i32>} : memref<640xf32, #tpu.memory_space<vmem>>, vector<16xf32>,
    %swap3A_51 = vector.shape_cast %swap3A_50 : vector<16xf32> to vector<16xf32>
    %swap3A_52 = vector.shape_cast %broadcast_in_dim3A_48 : vector<16xf32> to vector<16xf32>
    tpu.vector_store %arg6[%swap3A_49], %swap3A_52 {strides = array<i32>} : memref<640xf32, #tpu.memory_space<vmem>>, vector<16xf32>,
    %broadcast_in_dim3A_53 = arith.constant 0.000000e+00 : f32
    %broadcast_in_dim3A_54 = vector.broadcast %broadcast_in_dim3A_53 : f32 to vector<16xf32>
    %swap3A_55 = arith.constant 144 : index
    %swap3A_56 = tpu.vector_load %arg6[%swap3A_55] {strides = array<i32>} : memref<640xf32, #tpu.memory_space<vmem>>, vector<16xf32>,
    %swap3A_57 = vector.shape_cast %swap3A_56 : vector<16xf32> to vector<16xf32>
    %swap3A_58 = vector.shape_cast %broadcast_in_dim3A_54 : vector<16xf32> to vector<16xf32>
    tpu.vector_store %arg6[%swap3A_55], %swap3A_58 {strides = array<i32>} : memref<640xf32, #tpu.memory_space<vmem>>, vector<16xf32>,
    %broadcast_in_dim3A_59 = arith.constant 0.000000e+00 : f32
    %broadcast_in_dim3A_60 = vector.broadcast %broadcast_in_dim3A_59 : f32 to vector<16xf32>
    %swap3A_61 = arith.constant 160 : index
    %swap3A_62 = tpu.vector_load %arg6[%swap3A_61] {strides = array<i32>} : memref<640xf32, #tpu.memory_space<vmem>>, vector<16xf32>,
    %swap3A_63 = vector.shape_cast %swap3A_62 : vector<16xf32> to vector<16xf32>
    %swap3A_64 = vector.shape_cast %broadcast_in_dim3A_60 : vector<16xf32> to vector<16xf32>
    tpu.vector_store %arg6[%swap3A_61], %swap3A_64 {strides = array<i32>} : memref<640xf32, #tpu.memory_space<vmem>>, vector<16xf32>,
    %broadcast_in_dim3A_65 = arith.constant 0.000000e+00 : f32
    %broadcast_in_dim3A_66 = vector.broadcast %broadcast_in_dim3A_65 : f32 to vector<16xf32>
    %swap3A_67 = arith.constant 176 : index
    %swap3A_68 = tpu.vector_load %arg6[%swap3A_67] {strides = array<i32>} : memref<640xf32, #tpu.memory_space<vmem>>, vector<16xf32>,
    %swap3A_69 = vector.shape_cast %swap3A_68 : vector<16xf32> to vector<16xf32>
    %swap3A_70 = vector.shape_cast %broadcast_in_dim3A_66 : vector<16xf32> to vector<16xf32>
    tpu.vector_store %arg6[%swap3A_67], %swap3A_70 {strides = array<i32>} : memref<640xf32, #tpu.memory_space<vmem>>, vector<16xf32>,
    %broadcast_in_dim3A_71 = arith.constant 0.000000e+00 : f32
    %broadcast_in_dim3A_72 = vector.broadcast %broadcast_in_dim3A_71 : f32 to vector<16xf32>
    %swap3A_73 = arith.constant 192 : index
    %swap3A_74 = tpu.vector_load %arg6[%swap3A_73] {strides = array<i32>} : memref<640xf32, #tpu.memory_space<vmem>>, vector<16xf32>,
    %swap3A_75 = vector.shape_cast %swap3A_74 : vector<16xf32> to vector<16xf32>
    %swap3A_76 = vector.shape_cast %broadcast_in_dim3A_72 : vector<16xf32> to vector<16xf32>
    tpu.vector_store %arg6[%swap3A_73], %swap3A_76 {strides = array<i32>} : memref<640xf32, #tpu.memory_space<vmem>>, vector<16xf32>,
    %broadcast_in_dim3A_77 = arith.constant 0.000000e+00 : f32
    %broadcast_in_dim3A_78 = vector.broadcast %broadcast_in_dim3A_77 : f32 to vector<16xf32>
    %swap3A_79 = arith.constant 208 : index
    %swap3A_80 = tpu.vector_load %arg6[%swap3A_79] {strides = array<i32>} : memref<640xf32, #tpu.memory_space<vmem>>, vector<16xf32>,
    %swap3A_81 = vector.shape_cast %swap3A_80 : vector<16xf32> to vector<16xf32>
    %swap3A_82 = vector.shape_cast %broadcast_in_dim3A_78 : vector<16xf32> to vector<16xf32>
    tpu.vector_store %arg6[%swap3A_79], %swap3A_82 {strides = array<i32>} : memref<640xf32, #tpu.memory_space<vmem>>, vector<16xf32>,
    %broadcast_in_dim3A_83 = arith.constant 0.000000e+00 : f32
    %broadcast_in_dim3A_84 = vector.broadcast %broadcast_in_dim3A_83 : f32 to vector<16xf32>
    %swap3A_85 = arith.constant 224 : index
    %swap3A_86 = tpu.vector_load %arg6[%swap3A_85] {strides = array<i32>} : memref<640xf32, #tpu.memory_space<vmem>>, vector<16xf32>,
    %swap3A_87 = vector.shape_cast %swap3A_86 : vector<16xf32> to vector<16xf32>
    %swap3A_88 = vector.shape_cast %broadcast_in_dim3A_84 : vector<16xf32> to vector<16xf32>
    tpu.vector_store %arg6[%swap3A_85], %swap3A_88 {strides = array<i32>} : memref<640xf32, #tpu.memory_space<vmem>>, vector<16xf32>,
    %broadcast_in_dim3A_89 = arith.constant 0.000000e+00 : f32
    %broadcast_in_dim3A_90 = vector.broadcast %broadcast_in_dim3A_89 : f32 to vector<16xf32>
    %swap3A_91 = arith.constant 240 : index
    %swap3A_92 = tpu.vector_load %arg6[%swap3A_91] {strides = array<i32>} : memref<640xf32, #tpu.memory_space<vmem>>, vector<16xf32>,
    %swap3A_93 = vector.shape_cast %swap3A_92 : vector<16xf32> to vector<16xf32>
    %swap3A_94 = vector.shape_cast %broadcast_in_dim3A_90 : vector<16xf32> to vector<16xf32>
    tpu.vector_store %arg6[%swap3A_91], %swap3A_94 {strides = array<i32>} : memref<640xf32, #tpu.memory_space<vmem>>, vector<16xf32>,
    %broadcast_in_dim3A_95 = arith.constant 0.000000e+00 : f32
    %broadcast_in_dim3A_96 = vector.broadcast %broadcast_in_dim3A_95 : f32 to vector<16xf32>
    %swap3A_97 = arith.constant 256 : index
    %swap3A_98 = tpu.vector_load %arg6[%swap3A_97] {strides = array<i32>} : memref<640xf32, #tpu.memory_space<vmem>>, vector<16xf32>,
    %swap3A_99 = vector.shape_cast %swap3A_98 : vector<16xf32> to vector<16xf32>
    %swap3A_100 = vector.shape_cast %broadcast_in_dim3A_96 : vector<16xf32> to vector<16xf32>
    tpu.vector_store %arg6[%swap3A_97], %swap3A_100 {strides = array<i32>} : memref<640xf32, #tpu.memory_space<vmem>>, vector<16xf32>,
    %broadcast_in_dim3A_101 = arith.constant 0.000000e+00 : f32
    %broadcast_in_dim3A_102 = vector.broadcast %broadcast_in_dim3A_101 : f32 to vector<16xf32>
    %swap3A_103 = arith.constant 272 : index
    %swap3A_104 = tpu.vector_load %arg6[%swap3A_103] {strides = array<i32>} : memref<640xf32, #tpu.memory_space<vmem>>, vector<16xf32>,
    %swap3A_105 = vector.shape_cast %swap3A_104 : vector<16xf32> to vector<16xf32>
    %swap3A_106 = vector.shape_cast %broadcast_in_dim3A_102 : vector<16xf32> to vector<16xf32>
    tpu.vector_store %arg6[%swap3A_103], %swap3A_106 {strides = array<i32>} : memref<640xf32, #tpu.memory_space<vmem>>, vector<16xf32>,
    %broadcast_in_dim3A_107 = arith.constant 0.000000e+00 : f32
    %broadcast_in_dim3A_108 = vector.broadcast %broadcast_in_dim3A_107 : f32 to vector<16xf32>
    %swap3A_109 = arith.constant 288 : index
    %swap3A_110 = tpu.vector_load %arg6[%swap3A_109] {strides = array<i32>} : memref<640xf32, #tpu.memory_space<vmem>>, vector<16xf32>,
    %swap3A_111 = vector.shape_cast %swap3A_110 : vector<16xf32> to vector<16xf32>
    %swap3A_112 = vector.shape_cast %broadcast_in_dim3A_108 : vector<16xf32> to vector<16xf32>
    tpu.vector_store %arg6[%swap3A_109], %swap3A_112 {strides = array<i32>} : memref<640xf32, #tpu.memory_space<vmem>>, vector<16xf32>,
    %broadcast_in_dim3A_113 = arith.constant 0.000000e+00 : f32
    %broadcast_in_dim3A_114 = vector.broadcast %broadcast_in_dim3A_113 : f32 to vector<16xf32>
    %swap3A_115 = arith.constant 304 : index
    %swap3A_116 = tpu.vector_load %arg6[%swap3A_115] {strides = array<i32>} : memref<640xf32, #tpu.memory_space<vmem>>, vector<16xf32>,
    %swap3A_117 = vector.shape_cast %swap3A_116 : vector<16xf32> to vector<16xf32>
    %swap3A_118 = vector.shape_cast %broadcast_in_dim3A_114 : vector<16xf32> to vector<16xf32>
    tpu.vector_store %arg6[%swap3A_115], %swap3A_118 {strides = array<i32>} : memref<640xf32, #tpu.memory_space<vmem>>, vector<16xf32>,
    %broadcast_in_dim3A_119 = arith.constant 0.000000e+00 : f32
    %broadcast_in_dim3A_120 = vector.broadcast %broadcast_in_dim3A_119 : f32 to vector<16xf32>
    %swap3A_121 = arith.constant 320 : index
    %swap3A_122 = tpu.vector_load %arg6[%swap3A_121] {strides = array<i32>} : memref<640xf32, #tpu.memory_space<vmem>>, vector<16xf32>,
    %swap3A_123 = vector.shape_cast %swap3A_122 : vector<16xf32> to vector<16xf32>
    %swap3A_124 = vector.shape_cast %broadcast_in_dim3A_120 : vector<16xf32> to vector<16xf32>
    tpu.vector_store %arg6[%swap3A_121], %swap3A_124 {strides = array<i32>} : memref<640xf32, #tpu.memory_space<vmem>>, vector<16xf32>,
    %broadcast_in_dim3A_125 = arith.constant 0.000000e+00 : f32
    %broadcast_in_dim3A_126 = vector.broadcast %broadcast_in_dim3A_125 : f32 to vector<16xf32>
    %swap3A_127 = arith.constant 336 : index
    %swap3A_128 = tpu.vector_load %arg6[%swap3A_127] {strides = array<i32>} : memref<640xf32, #tpu.memory_space<vmem>>, vector<16xf32>,
    %swap3A_129 = vector.shape_cast %swap3A_128 : vector<16xf32> to vector<16xf32>
    %swap3A_130 = vector.shape_cast %broadcast_in_dim3A_126 : vector<16xf32> to vector<16xf32>
    tpu.vector_store %arg6[%swap3A_127], %swap3A_130 {strides = array<i32>} : memref<640xf32, #tpu.memory_space<vmem>>, vector<16xf32>,
    %broadcast_in_dim3A_131 = arith.constant 0.000000e+00 : f32
    %broadcast_in_dim3A_132 = vector.broadcast %broadcast_in_dim3A_131 : f32 to vector<16xf32>
    %swap3A_133 = arith.constant 352 : index
    %swap3A_134 = tpu.vector_load %arg6[%swap3A_133] {strides = array<i32>} : memref<640xf32, #tpu.memory_space<vmem>>, vector<16xf32>,
    %swap3A_135 = vector.shape_cast %swap3A_134 : vector<16xf32> to vector<16xf32>
    %swap3A_136 = vector.shape_cast %broadcast_in_dim3A_132 : vector<16xf32> to vector<16xf32>
    tpu.vector_store %arg6[%swap3A_133], %swap3A_136 {strides = array<i32>} : memref<640xf32, #tpu.memory_space<vmem>>, vector<16xf32>,
    %broadcast_in_dim3A_137 = arith.constant 0.000000e+00 : f32
    %broadcast_in_dim3A_138 = vector.broadcast %broadcast_in_dim3A_137 : f32 to vector<16xf32>
    %swap3A_139 = arith.constant 368 : index
    %swap3A_140 = tpu.vector_load %arg6[%swap3A_139] {strides = array<i32>} : memref<640xf32, #tpu.memory_space<vmem>>, vector<16xf32>,
    %swap3A_141 = vector.shape_cast %swap3A_140 : vector<16xf32> to vector<16xf32>
    %swap3A_142 = vector.shape_cast %broadcast_in_dim3A_138 : vector<16xf32> to vector<16xf32>
    tpu.vector_store %arg6[%swap3A_139], %swap3A_142 {strides = array<i32>} : memref<640xf32, #tpu.memory_space<vmem>>, vector<16xf32>,
    %broadcast_in_dim3A_143 = arith.constant 0.000000e+00 : f32
    %broadcast_in_dim3A_144 = vector.broadcast %broadcast_in_dim3A_143 : f32 to vector<16xf32>
    %swap3A_145 = arith.constant 384 : index
    %swap3A_146 = tpu.vector_load %arg6[%swap3A_145] {strides = array<i32>} : memref<640xf32, #tpu.memory_space<vmem>>, vector<16xf32>,
    %swap3A_147 = vector.shape_cast %swap3A_146 : vector<16xf32> to vector<16xf32>
    %swap3A_148 = vector.shape_cast %broadcast_in_dim3A_144 : vector<16xf32> to vector<16xf32>
    tpu.vector_store %arg6[%swap3A_145], %swap3A_148 {strides = array<i32>} : memref<640xf32, #tpu.memory_space<vmem>>, vector<16xf32>,
    %broadcast_in_dim3A_149 = arith.constant 0.000000e+00 : f32
    %broadcast_in_dim3A_150 = vector.broadcast %broadcast_in_dim3A_149 : f32 to vector<16xf32>
    %swap3A_151 = arith.constant 400 : index
    %swap3A_152 = tpu.vector_load %arg6[%swap3A_151] {strides = array<i32>} : memref<640xf32, #tpu.memory_space<vmem>>, vector<16xf32>,
    %swap3A_153 = vector.shape_cast %swap3A_152 : vector<16xf32> to vector<16xf32>
    %swap3A_154 = vector.shape_cast %broadcast_in_dim3A_150 : vector<16xf32> to vector<16xf32>
    tpu.vector_store %arg6[%swap3A_151], %swap3A_154 {strides = array<i32>} : memref<640xf32, #tpu.memory_space<vmem>>, vector<16xf32>,
    %broadcast_in_dim3A_155 = arith.constant 0.000000e+00 : f32
    %broadcast_in_dim3A_156 = vector.broadcast %broadcast_in_dim3A_155 : f32 to vector<16xf32>
    %swap3A_157 = arith.constant 416 : index
    %swap3A_158 = tpu.vector_load %arg6[%swap3A_157] {strides = array<i32>} : memref<640xf32, #tpu.memory_space<vmem>>, vector<16xf32>,
    %swap3A_159 = vector.shape_cast %swap3A_158 : vector<16xf32> to vector<16xf32>
    %swap3A_160 = vector.shape_cast %broadcast_in_dim3A_156 : vector<16xf32> to vector<16xf32>
    tpu.vector_store %arg6[%swap3A_157], %swap3A_160 {strides = array<i32>} : memref<640xf32, #tpu.memory_space<vmem>>, vector<16xf32>,
    %broadcast_in_dim3A_161 = arith.constant 0.000000e+00 : f32
    %broadcast_in_dim3A_162 = vector.broadcast %broadcast_in_dim3A_161 : f32 to vector<16xf32>
    %swap3A_163 = arith.constant 432 : index
    %swap3A_164 = tpu.vector_load %arg6[%swap3A_163] {strides = array<i32>} : memref<640xf32, #tpu.memory_space<vmem>>, vector<16xf32>,
    %swap3A_165 = vector.shape_cast %swap3A_164 : vector<16xf32> to vector<16xf32>
    %swap3A_166 = vector.shape_cast %broadcast_in_dim3A_162 : vector<16xf32> to vector<16xf32>
    tpu.vector_store %arg6[%swap3A_163], %swap3A_166 {strides = array<i32>} : memref<640xf32, #tpu.memory_space<vmem>>, vector<16xf32>,
    %broadcast_in_dim3A_167 = arith.constant 0.000000e+00 : f32
    %broadcast_in_dim3A_168 = vector.broadcast %broadcast_in_dim3A_167 : f32 to vector<16xf32>
    %swap3A_169 = arith.constant 448 : index
    %swap3A_170 = tpu.vector_load %arg6[%swap3A_169] {strides = array<i32>} : memref<640xf32, #tpu.memory_space<vmem>>, vector<16xf32>,
    %swap3A_171 = vector.shape_cast %swap3A_170 : vector<16xf32> to vector<16xf32>
    %swap3A_172 = vector.shape_cast %broadcast_in_dim3A_168 : vector<16xf32> to vector<16xf32>
    tpu.vector_store %arg6[%swap3A_169], %swap3A_172 {strides = array<i32>} : memref<640xf32, #tpu.memory_space<vmem>>, vector<16xf32>,
    %broadcast_in_dim3A_173 = arith.constant 0.000000e+00 : f32
    %broadcast_in_dim3A_174 = vector.broadcast %broadcast_in_dim3A_173 : f32 to vector<16xf32>
    %swap3A_175 = arith.constant 464 : index
    %swap3A_176 = tpu.vector_load %arg6[%swap3A_175] {strides = array<i32>} : memref<640xf32, #tpu.memory_space<vmem>>, vector<16xf32>,
    %swap3A_177 = vector.shape_cast %swap3A_176 : vector<16xf32> to vector<16xf32>
    %swap3A_178 = vector.shape_cast %broadcast_in_dim3A_174 : vector<16xf32> to vector<16xf32>
    tpu.vector_store %arg6[%swap3A_175], %swap3A_178 {strides = array<i32>} : memref<640xf32, #tpu.memory_space<vmem>>, vector<16xf32>,
    %broadcast_in_dim3A_179 = arith.constant 0.000000e+00 : f32
    %broadcast_in_dim3A_180 = vector.broadcast %broadcast_in_dim3A_179 : f32 to vector<16xf32>
    %swap3A_181 = arith.constant 480 : index
    %swap3A_182 = tpu.vector_load %arg6[%swap3A_181] {strides = array<i32>} : memref<640xf32, #tpu.memory_space<vmem>>, vector<16xf32>,
    %swap3A_183 = vector.shape_cast %swap3A_182 : vector<16xf32> to vector<16xf32>
    %swap3A_184 = vector.shape_cast %broadcast_in_dim3A_180 : vector<16xf32> to vector<16xf32>
    tpu.vector_store %arg6[%swap3A_181], %swap3A_184 {strides = array<i32>} : memref<640xf32, #tpu.memory_space<vmem>>, vector<16xf32>,
    %broadcast_in_dim3A_185 = arith.constant 0.000000e+00 : f32
    %broadcast_in_dim3A_186 = vector.broadcast %broadcast_in_dim3A_185 : f32 to vector<16xf32>
    %swap3A_187 = arith.constant 496 : index
    %swap3A_188 = tpu.vector_load %arg6[%swap3A_187] {strides = array<i32>} : memref<640xf32, #tpu.memory_space<vmem>>, vector<16xf32>,
    %swap3A_189 = vector.shape_cast %swap3A_188 : vector<16xf32> to vector<16xf32>
    %swap3A_190 = vector.shape_cast %broadcast_in_dim3A_186 : vector<16xf32> to vector<16xf32>
    tpu.vector_store %arg6[%swap3A_187], %swap3A_190 {strides = array<i32>} : memref<640xf32, #tpu.memory_space<vmem>>, vector<16xf32>,
    %broadcast_in_dim3A_191 = arith.constant 0.000000e+00 : f32
    %broadcast_in_dim3A_192 = vector.broadcast %broadcast_in_dim3A_191 : f32 to vector<16xf32>
    %swap3A_193 = arith.constant 512 : index
    %swap3A_194 = tpu.vector_load %arg6[%swap3A_193] {strides = array<i32>} : memref<640xf32, #tpu.memory_space<vmem>>, vector<16xf32>,
    %swap3A_195 = vector.shape_cast %swap3A_194 : vector<16xf32> to vector<16xf32>
    %swap3A_196 = vector.shape_cast %broadcast_in_dim3A_192 : vector<16xf32> to vector<16xf32>
    tpu.vector_store %arg6[%swap3A_193], %swap3A_196 {strides = array<i32>} : memref<640xf32, #tpu.memory_space<vmem>>, vector<16xf32>,
    %broadcast_in_dim3A_197 = arith.constant 0.000000e+00 : f32
    %broadcast_in_dim3A_198 = vector.broadcast %broadcast_in_dim3A_197 : f32 to vector<16xf32>
    %swap3A_199 = arith.constant 528 : index
    %swap3A_200 = tpu.vector_load %arg6[%swap3A_199] {strides = array<i32>} : memref<640xf32, #tpu.memory_space<vmem>>, vector<16xf32>,
    %swap3A_201 = vector.shape_cast %swap3A_200 : vector<16xf32> to vector<16xf32>
    %swap3A_202 = vector.shape_cast %broadcast_in_dim3A_198 : vector<16xf32> to vector<16xf32>
    tpu.vector_store %arg6[%swap3A_199], %swap3A_202 {strides = array<i32>} : memref<640xf32, #tpu.memory_space<vmem>>, vector<16xf32>,
    %broadcast_in_dim3A_203 = arith.constant 0.000000e+00 : f32
    %broadcast_in_dim3A_204 = vector.broadcast %broadcast_in_dim3A_203 : f32 to vector<16xf32>
    %swap3A_205 = arith.constant 544 : index
    %swap3A_206 = tpu.vector_load %arg6[%swap3A_205] {strides = array<i32>} : memref<640xf32, #tpu.memory_space<vmem>>, vector<16xf32>,
    %swap3A_207 = vector.shape_cast %swap3A_206 : vector<16xf32> to vector<16xf32>
    %swap3A_208 = vector.shape_cast %broadcast_in_dim3A_204 : vector<16xf32> to vector<16xf32>
    tpu.vector_store %arg6[%swap3A_205], %swap3A_208 {strides = array<i32>} : memref<640xf32, #tpu.memory_space<vmem>>, vector<16xf32>,
    %broadcast_in_dim3A_209 = arith.constant 0.000000e+00 : f32
    %broadcast_in_dim3A_210 = vector.broadcast %broadcast_in_dim3A_209 : f32 to vector<16xf32>
    %swap3A_211 = arith.constant 560 : index
    %swap3A_212 = tpu.vector_load %arg6[%swap3A_211] {strides = array<i32>} : memref<640xf32, #tpu.memory_space<vmem>>, vector<16xf32>,
    %swap3A_213 = vector.shape_cast %swap3A_212 : vector<16xf32> to vector<16xf32>
    %swap3A_214 = vector.shape_cast %broadcast_in_dim3A_210 : vector<16xf32> to vector<16xf32>
    tpu.vector_store %arg6[%swap3A_211], %swap3A_214 {strides = array<i32>} : memref<640xf32, #tpu.memory_space<vmem>>, vector<16xf32>,
    %broadcast_in_dim3A_215 = arith.constant 0.000000e+00 : f32
    %broadcast_in_dim3A_216 = vector.broadcast %broadcast_in_dim3A_215 : f32 to vector<16xf32>
    %swap3A_217 = arith.constant 576 : index
    %swap3A_218 = tpu.vector_load %arg6[%swap3A_217] {strides = array<i32>} : memref<640xf32, #tpu.memory_space<vmem>>, vector<16xf32>,
    %swap3A_219 = vector.shape_cast %swap3A_218 : vector<16xf32> to vector<16xf32>
    %swap3A_220 = vector.shape_cast %broadcast_in_dim3A_216 : vector<16xf32> to vector<16xf32>
    tpu.vector_store %arg6[%swap3A_217], %swap3A_220 {strides = array<i32>} : memref<640xf32, #tpu.memory_space<vmem>>, vector<16xf32>,
    %broadcast_in_dim3A_221 = arith.constant 0.000000e+00 : f32
    %broadcast_in_dim3A_222 = vector.broadcast %broadcast_in_dim3A_221 : f32 to vector<16xf32>
    %swap3A_223 = arith.constant 592 : index
    %swap3A_224 = tpu.vector_load %arg6[%swap3A_223] {strides = array<i32>} : memref<640xf32, #tpu.memory_space<vmem>>, vector<16xf32>,
    %swap3A_225 = vector.shape_cast %swap3A_224 : vector<16xf32> to vector<16xf32>
    %swap3A_226 = vector.shape_cast %broadcast_in_dim3A_222 : vector<16xf32> to vector<16xf32>
    tpu.vector_store %arg6[%swap3A_223], %swap3A_226 {strides = array<i32>} : memref<640xf32, #tpu.memory_space<vmem>>, vector<16xf32>,
    %broadcast_in_dim3A_227 = arith.constant 0.000000e+00 : f32
    %broadcast_in_dim3A_228 = vector.broadcast %broadcast_in_dim3A_227 : f32 to vector<16xf32>
    %swap3A_229 = arith.constant 608 : index
    %swap3A_230 = tpu.vector_load %arg6[%swap3A_229] {strides = array<i32>} : memref<640xf32, #tpu.memory_space<vmem>>, vector<16xf32>,
    %swap3A_231 = vector.shape_cast %swap3A_230 : vector<16xf32> to vector<16xf32>
    %swap3A_232 = vector.shape_cast %broadcast_in_dim3A_228 : vector<16xf32> to vector<16xf32>
    tpu.vector_store %arg6[%swap3A_229], %swap3A_232 {strides = array<i32>} : memref<640xf32, #tpu.memory_space<vmem>>, vector<16xf32>,
    %broadcast_in_dim3A_233 = arith.constant 0.000000e+00 : f32
    %broadcast_in_dim3A_234 = vector.broadcast %broadcast_in_dim3A_233 : f32 to vector<16xf32>
    %swap3A_235 = arith.constant 624 : index
    %swap3A_236 = tpu.vector_load %arg6[%swap3A_235] {strides = array<i32>} : memref<640xf32, #tpu.memory_space<vmem>>, vector<16xf32>,
    %swap3A_237 = vector.shape_cast %swap3A_236 : vector<16xf32> to vector<16xf32>
    %swap3A_238 = vector.shape_cast %broadcast_in_dim3A_234 : vector<16xf32> to vector<16xf32>
    tpu.vector_store %arg6[%swap3A_235], %swap3A_238 {strides = array<i32>} : memref<640xf32, #tpu.memory_space<vmem>>, vector<16xf32>,
    %broadcast_in_dim3A_239 = arith.constant 1.000000e+00 : f32
    %broadcast_in_dim3A_240 = vector.broadcast %broadcast_in_dim3A_239 : f32 to vector<16xf32>
    %swap3A_241 = arith.constant 0 : index
    %swap3A_242 = tpu.vector_load %arg5[%swap3A_241] {strides = array<i32>} : memref<128xf32, #tpu.memory_space<vmem>>, vector<16xf32>,
    %swap3A_243 = vector.shape_cast %swap3A_242 : vector<16xf32> to vector<16xf32>
    %swap3A_244 = vector.shape_cast %broadcast_in_dim3A_240 : vector<16xf32> to vector<16xf32>
    tpu.vector_store %arg5[%swap3A_241], %swap3A_244 {strides = array<i32>} : memref<128xf32, #tpu.memory_space<vmem>>, vector<16xf32>,
    %broadcast_in_dim3A_245 = arith.constant 1.000000e+00 : f32
    %broadcast_in_dim3A_246 = vector.broadcast %broadcast_in_dim3A_245 : f32 to vector<16xf32>
    %swap3A_247 = arith.constant 16 : index
    %swap3A_248 = tpu.vector_load %arg5[%swap3A_247] {strides = array<i32>} : memref<128xf32, #tpu.memory_space<vmem>>, vector<16xf32>,
    %swap3A_249 = vector.shape_cast %swap3A_248 : vector<16xf32> to vector<16xf32>
    %swap3A_250 = vector.shape_cast %broadcast_in_dim3A_246 : vector<16xf32> to vector<16xf32>
    tpu.vector_store %arg5[%swap3A_247], %swap3A_250 {strides = array<i32>} : memref<128xf32, #tpu.memory_space<vmem>>, vector<16xf32>,
    %broadcast_in_dim3A_251 = arith.constant 1.000000e+00 : f32
    %broadcast_in_dim3A_252 = vector.broadcast %broadcast_in_dim3A_251 : f32 to vector<16xf32>
    %swap3A_253 = arith.constant 32 : index
    %swap3A_254 = tpu.vector_load %arg5[%swap3A_253] {strides = array<i32>} : memref<128xf32, #tpu.memory_space<vmem>>, vector<16xf32>,
    %swap3A_255 = vector.shape_cast %swap3A_254 : vector<16xf32> to vector<16xf32>
    %swap3A_256 = vector.shape_cast %broadcast_in_dim3A_252 : vector<16xf32> to vector<16xf32>
    tpu.vector_store %arg5[%swap3A_253], %swap3A_256 {strides = array<i32>} : memref<128xf32, #tpu.memory_space<vmem>>, vector<16xf32>,
    %broadcast_in_dim3A_257 = arith.constant 1.000000e+00 : f32
    %broadcast_in_dim3A_258 = vector.broadcast %broadcast_in_dim3A_257 : f32 to vector<16xf32>
    %swap3A_259 = arith.constant 48 : index
    %swap3A_260 = tpu.vector_load %arg5[%swap3A_259] {strides = array<i32>} : memref<128xf32, #tpu.memory_space<vmem>>, vector<16xf32>,
    %swap3A_261 = vector.shape_cast %swap3A_260 : vector<16xf32> to vector<16xf32>
    %swap3A_262 = vector.shape_cast %broadcast_in_dim3A_258 : vector<16xf32> to vector<16xf32>
    tpu.vector_store %arg5[%swap3A_259], %swap3A_262 {strides = array<i32>} : memref<128xf32, #tpu.memory_space<vmem>>, vector<16xf32>,
    %broadcast_in_dim3A_263 = arith.constant 1.000000e+00 : f32
    %broadcast_in_dim3A_264 = vector.broadcast %broadcast_in_dim3A_263 : f32 to vector<16xf32>
    %swap3A_265 = arith.constant 64 : index
    %swap3A_266 = tpu.vector_load %arg5[%swap3A_265] {strides = array<i32>} : memref<128xf32, #tpu.memory_space<vmem>>, vector<16xf32>,
    %swap3A_267 = vector.shape_cast %swap3A_266 : vector<16xf32> to vector<16xf32>
    %swap3A_268 = vector.shape_cast %broadcast_in_dim3A_264 : vector<16xf32> to vector<16xf32>
    tpu.vector_store %arg5[%swap3A_265], %swap3A_268 {strides = array<i32>} : memref<128xf32, #tpu.memory_space<vmem>>, vector<16xf32>,
    %broadcast_in_dim3A_269 = arith.constant 1.000000e+00 : f32
    %broadcast_in_dim3A_270 = vector.broadcast %broadcast_in_dim3A_269 : f32 to vector<16xf32>
    %swap3A_271 = arith.constant 80 : index
    %swap3A_272 = tpu.vector_load %arg5[%swap3A_271] {strides = array<i32>} : memref<128xf32, #tpu.memory_space<vmem>>, vector<16xf32>,
    %swap3A_273 = vector.shape_cast %swap3A_272 : vector<16xf32> to vector<16xf32>
    %swap3A_274 = vector.shape_cast %broadcast_in_dim3A_270 : vector<16xf32> to vector<16xf32>
    tpu.vector_store %arg5[%swap3A_271], %swap3A_274 {strides = array<i32>} : memref<128xf32, #tpu.memory_space<vmem>>, vector<16xf32>,
    %broadcast_in_dim3A_275 = arith.constant 1.000000e+00 : f32
    %broadcast_in_dim3A_276 = vector.broadcast %broadcast_in_dim3A_275 : f32 to vector<16xf32>
    %swap3A_277 = arith.constant 96 : index
    %swap3A_278 = tpu.vector_load %arg5[%swap3A_277] {strides = array<i32>} : memref<128xf32, #tpu.memory_space<vmem>>, vector<16xf32>,
    %swap3A_279 = vector.shape_cast %swap3A_278 : vector<16xf32> to vector<16xf32>
    %swap3A_280 = vector.shape_cast %broadcast_in_dim3A_276 : vector<16xf32> to vector<16xf32>
    tpu.vector_store %arg5[%swap3A_277], %swap3A_280 {strides = array<i32>} : memref<128xf32, #tpu.memory_space<vmem>>, vector<16xf32>,
    %broadcast_in_dim3A_281 = arith.constant 1.000000e+00 : f32
    %broadcast_in_dim3A_282 = vector.broadcast %broadcast_in_dim3A_281 : f32 to vector<16xf32>
    %swap3A_283 = arith.constant 112 : index
    %swap3A_284 = tpu.vector_load %arg5[%swap3A_283] {strides = array<i32>} : memref<128xf32, #tpu.memory_space<vmem>>, vector<16xf32>,
    %swap3A_285 = vector.shape_cast %swap3A_284 : vector<16xf32> to vector<16xf32>
    %swap3A_286 = vector.shape_cast %broadcast_in_dim3A_282 : vector<16xf32> to vector<16xf32>
    tpu.vector_store %arg5[%swap3A_283], %swap3A_286 {strides = array<i32>} : memref<128xf32, #tpu.memory_space<vmem>>, vector<16xf32>,
    "tpu.region"() ({
      %run_scoped3A = tpu.sem_alloc : memref<!tpu.dma_semaphore, #tpu.memory_space<semaphore_mem>>
      %dma_start3A = arith.constant 0 : i32
      %dma_start3A_304 = arith.constant 0 : i32
      %dma_start3A_305 = tpu.memref_slice %arg2[%add3A, %dma_start3A, %dma_start3A_304] : memref<32x80x128xi32, #tpu.memory_space<hbm>> -> memref<1x80x128xi32, #tpu.memory_space<hbm>>
      %dma_start3A_306 = tpu.memref_squeeze %dma_start3A_305 : memref<1x80x128xi32, #tpu.memory_space<hbm>> -> memref<80x128xi32, #tpu.memory_space<hbm>>
      %dma_start3A_307 = arith.constant 0 : i32
      %dma_start3A_308 = arith.constant 0 : i32
      %dma_start3A_309 = tpu.memref_slice %arg2[%add3A, %dma_start3A_307, %dma_start3A_308] : memref<32x80x128xi32, #tpu.memory_space<hbm>> -> memref<1x80x128xi32, #tpu.memory_space<hbm>>
      %dma_start3A_310 = tpu.memref_squeeze %dma_start3A_309 : memref<1x80x128xi32, #tpu.memory_space<hbm>> -> memref<80x128xi32, #tpu.memory_space<hbm>>
      tpu.enqueue_dma source(%dma_start3A_310 : memref<80x128xi32, #tpu.memory_space<hbm>>) target(%arg4 : memref<80x128xi32, #tpu.memory_space<vmem>>) target_semaphore(%run_scoped3A : memref<!tpu.dma_semaphore, #tpu.memory_space<semaphore_mem>>)
      %dma_wait3A = arith.constant 0 : i32
      %dma_wait3A_311 = arith.constant 0 : i32
      %dma_wait3A_312 = tpu.memref_slice %arg2[%add3A, %dma_wait3A, %dma_wait3A_311] : memref<32x80x128xi32, #tpu.memory_space<hbm>> -> memref<1x80x128xi32, #tpu.memory_space<hbm>>
      %dma_wait3A_313 = tpu.memref_squeeze %dma_wait3A_312 : memref<1x80x128xi32, #tpu.memory_space<hbm>> -> memref<80x128xi32, #tpu.memory_space<hbm>>
      %dma_wait3A_314 = arith.constant 0 : i32
      %dma_wait3A_315 = arith.constant 0 : i32
      %dma_wait3A_316 = tpu.memref_slice %arg2[%add3A, %dma_wait3A_314, %dma_wait3A_315] : memref<32x80x128xi32, #tpu.memory_space<hbm>> -> memref<1x80x128xi32, #tpu.memory_space<hbm>>
      %dma_wait3A_317 = tpu.memref_squeeze %dma_wait3A_316 : memref<1x80x128xi32, #tpu.memory_space<hbm>> -> memref<80x128xi32, #tpu.memory_space<hbm>>
      tpu.wait_dma2 semaphore(%run_scoped3A : memref<!tpu.dma_semaphore, #tpu.memory_space<semaphore_mem>>) src(%dma_wait3A_317 : memref<80x128xi32, #tpu.memory_space<hbm>>) dst(%arg4 : memref<80x128xi32, #tpu.memory_space<vmem>>)
      tpu.yield
    }) : () -> ()
    %mul3A_287 = arith.constant 640 : i32
    %mul3A_288 = arith.muli %arg1, %mul3A_287 : i32
    "tpu.region"() ({
      %run_scoped3A = tpu.sem_alloc : memref<!tpu.dma_semaphore, #tpu.memory_space<semaphore_mem>>
      %dma_start3A = tpu.memref_slice %arg7[%mul3A_288] : memref<10240xf32, #tpu.memory_space<vmem_shared>> -> memref<640xf32, #tpu.memory_space<vmem_shared>>
      %dma_start3A_304 = tpu.memref_slice %arg7[%mul3A_288] : memref<10240xf32, #tpu.memory_space<vmem_shared>> -> memref<640xf32, #tpu.memory_space<vmem_shared>>
      tpu.enqueue_dma source(%arg6 : memref<640xf32, #tpu.memory_space<vmem>>) target(%dma_start3A_304 : memref<640xf32, #tpu.memory_space<vmem_shared>>) target_semaphore(%run_scoped3A : memref<!tpu.dma_semaphore, #tpu.memory_space<semaphore_mem>>)
      %dma_wait3A = tpu.memref_slice %arg7[%mul3A_288] : memref<10240xf32, #tpu.memory_space<vmem_shared>> -> memref<640xf32, #tpu.memory_space<vmem_shared>>
      %dma_wait3A_305 = tpu.memref_slice %arg7[%mul3A_288] : memref<10240xf32, #tpu.memory_space<vmem_shared>> -> memref<640xf32, #tpu.memory_space<vmem_shared>>
      tpu.wait_dma2 semaphore(%run_scoped3A : memref<!tpu.dma_semaphore, #tpu.memory_space<semaphore_mem>>) src(%arg6 : memref<640xf32, #tpu.memory_space<vmem>>) dst(%dma_wait3A_305 : memref<640xf32, #tpu.memory_space<vmem_shared>>)
      tpu.yield
    }) : () -> ()
    %barrier3A = arith.constant 0 : index
    tpu.barrier barrier_id(%barrier3A)
    %scan3A = arith.constant 0 : i32
    %scan3A_289 = arith.constant 0 : i32
    %scan3A_290 = arith.constant 80 : i32
    %scan3A_291 = arith.addi %scan3A_289, %scan3A_290 : i32
    %scan3A_292 = arith.constant 1 : i32
    %scan3A_293 = scf.for %scan3A_304 = %scan3A_289 to %scan3A_291 step %scan3A_292 iter_args(%scan3A_305 = %scan3A) -> (i32)  : i32 {
      "tpu.region"() ({
        %run_scoped3A = tpu.sem_alloc : memref<!tpu.dma_semaphore, #tpu.memory_space<semaphore_mem>>
        %dma_start3A = arith.constant 0 : i32
        %dma_start3A_307 = tpu.memref_slice %arg4[%scan3A_304, %dma_start3A] : memref<80x128xi32, #tpu.memory_space<vmem>> -> memref<1x128xi32, #tpu.memory_space<vmem>>
        %dma_start3A_308 = tpu.memref_squeeze %dma_start3A_307 : memref<1x128xi32, #tpu.memory_space<vmem>> -> memref<128xi32, #tpu.memory_space<vmem>>
        %dma_start3A_309 = arith.constant 0 : i32
        %dma_start3A_310 = tpu.memref_slice %arg7[%dma_start3A_309] : memref<10240xf32, #tpu.memory_space<vmem_shared>> -> memref<10240xf32, #tpu.memory_space<vmem_shared>>
        tpu.enqueue_indirect_dma source(%arg5 : memref<128xf32, #tpu.memory_space<vmem>>) target(%dma_start3A_310 : memref<10240xf32, #tpu.memory_space<vmem_shared>>) offsets(%dma_start3A_308 : memref<128xi32, #tpu.memory_space<vmem>>) semaphore(%run_scoped3A : memref<!tpu.dma_semaphore, #tpu.memory_space<semaphore_mem>>) {add = true}
        %dma_wait3A = arith.constant 0 : i32
        %dma_wait3A_311 = tpu.memref_slice %arg4[%scan3A_304, %dma_wait3A] : memref<80x128xi32, #tpu.memory_space<vmem>> -> memref<1x128xi32, #tpu.memory_space<vmem>>
        %dma_wait3A_312 = tpu.memref_squeeze %dma_wait3A_311 : memref<1x128xi32, #tpu.memory_space<vmem>> -> memref<128xi32, #tpu.memory_space<vmem>>
        %dma_wait3A_313 = arith.constant 0 : i32
        %dma_wait3A_314 = tpu.memref_slice %arg7[%dma_wait3A_313] : memref<10240xf32, #tpu.memory_space<vmem_shared>> -> memref<10240xf32, #tpu.memory_space<vmem_shared>>
        tpu.wait_indirect_dma semaphore(%run_scoped3A : memref<!tpu.dma_semaphore, #tpu.memory_space<semaphore_mem>>) src(%arg5 : memref<128xf32, #tpu.memory_space<vmem>>) dst(%dma_wait3A_314 : memref<10240xf32, #tpu.memory_space<vmem_shared>>)
        tpu.yield
      }) : () -> ()
      %scan3A_306 = arith.constant 0 : i32
      scf.yield %scan3A_306 : i32
    }
    %scan3A_294 = arith.constant 80 : i32
    %barrier3A_295 = arith.constant 0 : index
    tpu.barrier barrier_id(%barrier3A_295)
    %mul3A_296 = arith.constant 640 : i32
    %mul3A_297 = arith.muli %arg1, %mul3A_296 : i32
    "tpu.region"() ({
      %run_scoped3A = tpu.sem_alloc : memref<!tpu.dma_semaphore, #tpu.memory_space<semaphore_mem>>
      %dma_start3A = tpu.memref_slice %arg7[%mul3A_297] : memref<10240xf32, #tpu.memory_space<vmem_shared>> -> memref<640xf32, #tpu.memory_space<vmem_shared>>
      %dma_start3A_304 = tpu.memref_slice %arg7[%mul3A_297] : memref<10240xf32, #tpu.memory_space<vmem_shared>> -> memref<640xf32, #tpu.memory_space<vmem_shared>>
      tpu.enqueue_dma source(%dma_start3A_304 : memref<640xf32, #tpu.memory_space<vmem_shared>>) target(%arg6 : memref<640xf32, #tpu.memory_space<vmem>>) target_semaphore(%run_scoped3A : memref<!tpu.dma_semaphore, #tpu.memory_space<semaphore_mem>>)
      %dma_wait3A = tpu.memref_slice %arg7[%mul3A_297] : memref<10240xf32, #tpu.memory_space<vmem_shared>> -> memref<640xf32, #tpu.memory_space<vmem_shared>>
      %dma_wait3A_305 = tpu.memref_slice %arg7[%mul3A_297] : memref<10240xf32, #tpu.memory_space<vmem_shared>> -> memref<640xf32, #tpu.memory_space<vmem_shared>>
      tpu.wait_dma2 semaphore(%run_scoped3A : memref<!tpu.dma_semaphore, #tpu.memory_space<semaphore_mem>>) src(%dma_wait3A_305 : memref<640xf32, #tpu.memory_space<vmem_shared>>) dst(%arg6 : memref<640xf32, #tpu.memory_space<vmem>>)
      tpu.yield
    }) : () -> ()
    %lt3A = arith.constant 15 : i32
    %lt3A_298 = arith.cmpi slt, %arg1, %lt3A : i32
    %convert_element_type3A = arith.extui %lt3A_298 : i1 to i32
    %cond3A = arith.constant 0 : i32
    %cond3A_299 = arith.cmpi ne, %convert_element_type3A, %cond3A : i32
    scf.if %cond3A_299 {
      %mul3A_304 = arith.constant 10000 : i32
      %mul3A_305 = arith.muli %arg0, %mul3A_304 : i32
      %mul3A_306 = arith.constant 640 : i32
      %mul3A_307 = arith.muli %arg1, %mul3A_306 : i32
      %add3A_308 = arith.addi %mul3A_305, %mul3A_307 : i32
      "tpu.region"() ({
        %run_scoped3A = tpu.sem_alloc : memref<!tpu.dma_semaphore, #tpu.memory_space<semaphore_mem>>
        %dma_start3A = tpu.memref_slice %arg3[%add3A_308] : memref<20000xf32, #tpu.memory_space<hbm>> -> memref<640xf32, #tpu.memory_space<hbm>>
        %dma_start3A_309 = tpu.memref_slice %arg3[%add3A_308] : memref<20000xf32, #tpu.memory_space<hbm>> -> memref<640xf32, #tpu.memory_space<hbm>>
        tpu.enqueue_dma source(%arg6 : memref<640xf32, #tpu.memory_space<vmem>>) target(%dma_start3A_309 : memref<640xf32, #tpu.memory_space<hbm>>) target_semaphore(%run_scoped3A : memref<!tpu.dma_semaphore, #tpu.memory_space<semaphore_mem>>)
        %dma_wait3A = tpu.memref_slice %arg3[%add3A_308] : memref<20000xf32, #tpu.memory_space<hbm>> -> memref<640xf32, #tpu.memory_space<hbm>>
        %dma_wait3A_310 = tpu.memref_slice %arg3[%add3A_308] : memref<20000xf32, #tpu.memory_space<hbm>> -> memref<640xf32, #tpu.memory_space<hbm>>
        tpu.wait_dma2 semaphore(%run_scoped3A : memref<!tpu.dma_semaphore, #tpu.memory_space<semaphore_mem>>) src(%arg6 : memref<640xf32, #tpu.memory_space<vmem>>) dst(%dma_wait3A_310 : memref<640xf32, #tpu.memory_space<hbm>>)
        tpu.yield
      }) : () -> ()
    } else {
    }
    %eq3A = arith.constant 15 : i32
    %eq3A_300 = arith.cmpi eq, %arg1, %eq3A : i32
    %convert_element_type3A_301 = arith.extui %eq3A_300 : i1 to i32
    %cond3A_302 = arith.constant 0 : i32
    %cond3A_303 = arith.cmpi ne, %convert_element_type3A_301, %cond3A_302 : i32
    scf.if %cond3A_303 {
      %mul3A_304 = arith.constant 10000 : i32
      %mul3A_305 = arith.muli %arg0, %mul3A_304 : i32
      %add3A_306 = arith.constant 9600 : i32
      %add3A_307 = arith.addi %mul3A_305, %add3A_306 : i32
      "tpu.region"() ({
        %run_scoped3A = tpu.sem_alloc : memref<!tpu.dma_semaphore, #tpu.memory_space<semaphore_mem>>
        %dma_start3A = arith.constant 0 : i32
        %dma_start3A_308 = tpu.memref_slice %arg6[%dma_start3A] : memref<640xf32, #tpu.memory_space<vmem>> -> memref<400xf32, #tpu.memory_space<vmem>>
        %dma_start3A_309 = tpu.memref_slice %arg3[%add3A_307] : memref<20000xf32, #tpu.memory_space<hbm>> -> memref<400xf32, #tpu.memory_space<hbm>>
        %dma_start3A_310 = tpu.memref_slice %arg3[%add3A_307] : memref<20000xf32, #tpu.memory_space<hbm>> -> memref<400xf32, #tpu.memory_space<hbm>>
        %dma_start3A_311 = arith.constant 0 : i32
        %dma_start3A_312 = tpu.memref_slice %arg6[%dma_start3A_311] : memref<640xf32, #tpu.memory_space<vmem>> -> memref<400xf32, #tpu.memory_space<vmem>>
        tpu.enqueue_dma source(%dma_start3A_312 : memref<400xf32, #tpu.memory_space<vmem>>) target(%dma_start3A_310 : memref<400xf32, #tpu.memory_space<hbm>>) target_semaphore(%run_scoped3A : memref<!tpu.dma_semaphore, #tpu.memory_space<semaphore_mem>>)
        %dma_wait3A = arith.constant 0 : i32
        %dma_wait3A_313 = tpu.memref_slice %arg6[%dma_wait3A] : memref<640xf32, #tpu.memory_space<vmem>> -> memref<400xf32, #tpu.memory_space<vmem>>
        %dma_wait3A_314 = tpu.memref_slice %arg3[%add3A_307] : memref<20000xf32, #tpu.memory_space<hbm>> -> memref<400xf32, #tpu.memory_space<hbm>>
        %dma_wait3A_315 = tpu.memref_slice %arg3[%add3A_307] : memref<20000xf32, #tpu.memory_space<hbm>> -> memref<400xf32, #tpu.memory_space<hbm>>
        %dma_wait3A_316 = arith.constant 0 : i32
        %dma_wait3A_317 = tpu.memref_slice %arg6[%dma_wait3A_316] : memref<640xf32, #tpu.memory_space<vmem>> -> memref<400xf32, #tpu.memory_space<vmem>>
        tpu.wait_dma2 semaphore(%run_scoped3A : memref<!tpu.dma_semaphore, #tpu.memory_space<semaphore_mem>>) src(%dma_wait3A_317 : memref<400xf32, #tpu.memory_space<vmem>>) dst(%dma_wait3A_315 : memref<400xf32, #tpu.memory_space<hbm>>)
        tpu.yield
      }) : () -> ()
    } else {
    }
    return
  }
}

#map = affine_map<(d0, d1) -> (0, 0)>
#map1 = affine_map<(d0, d1) -> (0, 0, 0)>
module attributes {stable_mosaic.version = 14 : i64} {
  func.func @_sc_aggregate(%arg0: i32, %arg1: i32, %arg2: memref<10000x128xf32, #tpu.memory_space<hbm>>, %arg3: memref<32x125x80xi32, #tpu.memory_space<hbm>>, %arg4: memref<32x125x80xi32, #tpu.memory_space<hbm>>, %arg5: memref<20480x128xf32, #tpu.memory_space<hbm>>, %arg6: memref<125x80xi32, #tpu.memory_space<vmem>>, %arg7: memref<125x80xi32, #tpu.memory_space<vmem>>, %arg8: memref<80x128xf32, #tpu.memory_space<vmem>>, %arg9: memref<!tpu.dma_semaphore, #tpu.memory_space<semaphore_mem>>, %arg10: memref<10240x128xf32, #tpu.memory_space<vmem_shared>>) attributes {dimension_semantics = [#tpu.dimension_semantics<core_parallel>, #tpu.dimension_semantics<subcore_parallel>], iteration_bounds = array<i64: 2, 16>, scalar_prefetch = 0 : i64, scratch_operands = 5 : i64, tpu.core_type = #tpu.core_type<sc_vector_subcore>, window_params = [{transform_indices = #map}, {transform_indices = #map1}, {transform_indices = #map1}, {transform_indices = #map}]} {
    %mul3A = arith.constant 2 : i32
    %mul3A_0 = arith.muli %arg1, %mul3A : i32
    %add3A = arith.addi %mul3A_0, %arg0 : i32
    %scan3A = arith.constant 0 : i32
    %scan3A_1 = arith.constant 0 : i32
    %scan3A_2 = arith.constant 80 : i32
    %scan3A_3 = arith.addi %scan3A_1, %scan3A_2 : i32
    %scan3A_4 = arith.constant 1 : i32
    %scan3A_5 = scf.for %scan3A_135 = %scan3A_1 to %scan3A_3 step %scan3A_4 iter_args(%scan3A_136 = %scan3A) -> (i32)  : i32 {
      %broadcast_in_dim3A = arith.constant 0.000000e+00 : f32
      %broadcast_in_dim3A_137 = vector.broadcast %broadcast_in_dim3A : f32 to vector<16xf32>
      %swap3A = arith.index_cast %scan3A_135 : i32 to index
      %swap3A_138 = arith.constant 0 : index
      %swap3A_139 = tpu.vector_load %arg8[%swap3A, %swap3A_138] {strides = array<i32>} : memref<80x128xf32, #tpu.memory_space<vmem>>, vector<1x16xf32>,
      %swap3A_140 = vector.shape_cast %swap3A_139 : vector<1x16xf32> to vector<16xf32>
      %swap3A_141 = vector.shape_cast %broadcast_in_dim3A_137 : vector<16xf32> to vector<1x16xf32>
      tpu.vector_store %arg8[%swap3A, %swap3A_138], %swap3A_141 {strides = array<i32>} : memref<80x128xf32, #tpu.memory_space<vmem>>, vector<1x16xf32>,
      %broadcast_in_dim3A_142 = arith.constant 0.000000e+00 : f32
      %broadcast_in_dim3A_143 = vector.broadcast %broadcast_in_dim3A_142 : f32 to vector<16xf32>
      %swap3A_144 = arith.index_cast %scan3A_135 : i32 to index
      %swap3A_145 = arith.constant 16 : index
      %swap3A_146 = tpu.vector_load %arg8[%swap3A_144, %swap3A_145] {strides = array<i32>} : memref<80x128xf32, #tpu.memory_space<vmem>>, vector<1x16xf32>,
      %swap3A_147 = vector.shape_cast %swap3A_146 : vector<1x16xf32> to vector<16xf32>
      %swap3A_148 = vector.shape_cast %broadcast_in_dim3A_143 : vector<16xf32> to vector<1x16xf32>
      tpu.vector_store %arg8[%swap3A_144, %swap3A_145], %swap3A_148 {strides = array<i32>} : memref<80x128xf32, #tpu.memory_space<vmem>>, vector<1x16xf32>,
      %broadcast_in_dim3A_149 = arith.constant 0.000000e+00 : f32
      %broadcast_in_dim3A_150 = vector.broadcast %broadcast_in_dim3A_149 : f32 to vector<16xf32>
      %swap3A_151 = arith.index_cast %scan3A_135 : i32 to index
      %swap3A_152 = arith.constant 32 : index
      %swap3A_153 = tpu.vector_load %arg8[%swap3A_151, %swap3A_152] {strides = array<i32>} : memref<80x128xf32, #tpu.memory_space<vmem>>, vector<1x16xf32>,
      %swap3A_154 = vector.shape_cast %swap3A_153 : vector<1x16xf32> to vector<16xf32>
      %swap3A_155 = vector.shape_cast %broadcast_in_dim3A_150 : vector<16xf32> to vector<1x16xf32>
      tpu.vector_store %arg8[%swap3A_151, %swap3A_152], %swap3A_155 {strides = array<i32>} : memref<80x128xf32, #tpu.memory_space<vmem>>, vector<1x16xf32>,
      %broadcast_in_dim3A_156 = arith.constant 0.000000e+00 : f32
      %broadcast_in_dim3A_157 = vector.broadcast %broadcast_in_dim3A_156 : f32 to vector<16xf32>
      %swap3A_158 = arith.index_cast %scan3A_135 : i32 to index
      %swap3A_159 = arith.constant 48 : index
      %swap3A_160 = tpu.vector_load %arg8[%swap3A_158, %swap3A_159] {strides = array<i32>} : memref<80x128xf32, #tpu.memory_space<vmem>>, vector<1x16xf32>,
      %swap3A_161 = vector.shape_cast %swap3A_160 : vector<1x16xf32> to vector<16xf32>
      %swap3A_162 = vector.shape_cast %broadcast_in_dim3A_157 : vector<16xf32> to vector<1x16xf32>
      tpu.vector_store %arg8[%swap3A_158, %swap3A_159], %swap3A_162 {strides = array<i32>} : memref<80x128xf32, #tpu.memory_space<vmem>>, vector<1x16xf32>,
      %broadcast_in_dim3A_163 = arith.constant 0.000000e+00 : f32
      %broadcast_in_dim3A_164 = vector.broadcast %broadcast_in_dim3A_163 : f32 to vector<16xf32>
      %swap3A_165 = arith.index_cast %scan3A_135 : i32 to index
      %swap3A_166 = arith.constant 64 : index
      %swap3A_167 = tpu.vector_load %arg8[%swap3A_165, %swap3A_166] {strides = array<i32>} : memref<80x128xf32, #tpu.memory_space<vmem>>, vector<1x16xf32>,
      %swap3A_168 = vector.shape_cast %swap3A_167 : vector<1x16xf32> to vector<16xf32>
      %swap3A_169 = vector.shape_cast %broadcast_in_dim3A_164 : vector<16xf32> to vector<1x16xf32>
      tpu.vector_store %arg8[%swap3A_165, %swap3A_166], %swap3A_169 {strides = array<i32>} : memref<80x128xf32, #tpu.memory_space<vmem>>, vector<1x16xf32>,
      %broadcast_in_dim3A_170 = arith.constant 0.000000e+00 : f32
      %broadcast_in_dim3A_171 = vector.broadcast %broadcast_in_dim3A_170 : f32 to vector<16xf32>
      %swap3A_172 = arith.index_cast %scan3A_135 : i32 to index
      %swap3A_173 = arith.constant 80 : index
      %swap3A_174 = tpu.vector_load %arg8[%swap3A_172, %swap3A_173] {strides = array<i32>} : memref<80x128xf32, #tpu.memory_space<vmem>>, vector<1x16xf32>,
      %swap3A_175 = vector.shape_cast %swap3A_174 : vector<1x16xf32> to vector<16xf32>
      %swap3A_176 = vector.shape_cast %broadcast_in_dim3A_171 : vector<16xf32> to vector<1x16xf32>
      tpu.vector_store %arg8[%swap3A_172, %swap3A_173], %swap3A_176 {strides = array<i32>} : memref<80x128xf32, #tpu.memory_space<vmem>>, vector<1x16xf32>,
      %broadcast_in_dim3A_177 = arith.constant 0.000000e+00 : f32
      %broadcast_in_dim3A_178 = vector.broadcast %broadcast_in_dim3A_177 : f32 to vector<16xf32>
      %swap3A_179 = arith.index_cast %scan3A_135 : i32 to index
      %swap3A_180 = arith.constant 96 : index
      %swap3A_181 = tpu.vector_load %arg8[%swap3A_179, %swap3A_180] {strides = array<i32>} : memref<80x128xf32, #tpu.memory_space<vmem>>, vector<1x16xf32>,
      %swap3A_182 = vector.shape_cast %swap3A_181 : vector<1x16xf32> to vector<16xf32>
      %swap3A_183 = vector.shape_cast %broadcast_in_dim3A_178 : vector<16xf32> to vector<1x16xf32>
      tpu.vector_store %arg8[%swap3A_179, %swap3A_180], %swap3A_183 {strides = array<i32>} : memref<80x128xf32, #tpu.memory_space<vmem>>, vector<1x16xf32>,
      %broadcast_in_dim3A_184 = arith.constant 0.000000e+00 : f32
      %broadcast_in_dim3A_185 = vector.broadcast %broadcast_in_dim3A_184 : f32 to vector<16xf32>
      %swap3A_186 = arith.index_cast %scan3A_135 : i32 to index
      %swap3A_187 = arith.constant 112 : index
      %swap3A_188 = tpu.vector_load %arg8[%swap3A_186, %swap3A_187] {strides = array<i32>} : memref<80x128xf32, #tpu.memory_space<vmem>>, vector<1x16xf32>,
      %swap3A_189 = vector.shape_cast %swap3A_188 : vector<1x16xf32> to vector<16xf32>
      %swap3A_190 = vector.shape_cast %broadcast_in_dim3A_185 : vector<16xf32> to vector<1x16xf32>
      tpu.vector_store %arg8[%swap3A_186, %swap3A_187], %swap3A_190 {strides = array<i32>} : memref<80x128xf32, #tpu.memory_space<vmem>>, vector<1x16xf32>,
      %scan3A_191 = arith.constant 0 : i32
      scf.yield %scan3A_191 : i32
    }
    %scan3A_6 = arith.constant 80 : i32
    "tpu.region"() ({
      %run_scoped3A = tpu.sem_alloc : memref<!tpu.dma_semaphore, #tpu.memory_space<semaphore_mem>>
      %dma_start3A = arith.constant 0 : i32
      %dma_start3A_135 = arith.constant 0 : i32
      %dma_start3A_136 = tpu.memref_slice %arg3[%add3A, %dma_start3A, %dma_start3A_135] : memref<32x125x80xi32, #tpu.memory_space<hbm>> -> memref<1x125x80xi32, #tpu.memory_space<hbm>>
      %dma_start3A_137 = tpu.memref_squeeze %dma_start3A_136 : memref<1x125x80xi32, #tpu.memory_space<hbm>> -> memref<125x80xi32, #tpu.memory_space<hbm>>
      %dma_start3A_138 = arith.constant 0 : i32
      %dma_start3A_139 = arith.constant 0 : i32
      %dma_start3A_140 = tpu.memref_slice %arg3[%add3A, %dma_start3A_138, %dma_start3A_139] : memref<32x125x80xi32, #tpu.memory_space<hbm>> -> memref<1x125x80xi32, #tpu.memory_space<hbm>>
      %dma_start3A_141 = tpu.memref_squeeze %dma_start3A_140 : memref<1x125x80xi32, #tpu.memory_space<hbm>> -> memref<125x80xi32, #tpu.memory_space<hbm>>
      tpu.enqueue_dma source(%dma_start3A_141 : memref<125x80xi32, #tpu.memory_space<hbm>>) target(%arg6 : memref<125x80xi32, #tpu.memory_space<vmem>>) target_semaphore(%run_scoped3A : memref<!tpu.dma_semaphore, #tpu.memory_space<semaphore_mem>>)
      %dma_wait3A = arith.constant 0 : i32
      %dma_wait3A_142 = arith.constant 0 : i32
      %dma_wait3A_143 = tpu.memref_slice %arg3[%add3A, %dma_wait3A, %dma_wait3A_142] : memref<32x125x80xi32, #tpu.memory_space<hbm>> -> memref<1x125x80xi32, #tpu.memory_space<hbm>>
      %dma_wait3A_144 = tpu.memref_squeeze %dma_wait3A_143 : memref<1x125x80xi32, #tpu.memory_space<hbm>> -> memref<125x80xi32, #tpu.memory_space<hbm>>
      %dma_wait3A_145 = arith.constant 0 : i32
      %dma_wait3A_146 = arith.constant 0 : i32
      %dma_wait3A_147 = tpu.memref_slice %arg3[%add3A, %dma_wait3A_145, %dma_wait3A_146] : memref<32x125x80xi32, #tpu.memory_space<hbm>> -> memref<1x125x80xi32, #tpu.memory_space<hbm>>
      %dma_wait3A_148 = tpu.memref_squeeze %dma_wait3A_147 : memref<1x125x80xi32, #tpu.memory_space<hbm>> -> memref<125x80xi32, #tpu.memory_space<hbm>>
      tpu.wait_dma2 semaphore(%run_scoped3A : memref<!tpu.dma_semaphore, #tpu.memory_space<semaphore_mem>>) src(%dma_wait3A_148 : memref<125x80xi32, #tpu.memory_space<hbm>>) dst(%arg6 : memref<125x80xi32, #tpu.memory_space<vmem>>)
      tpu.yield
    }) : () -> ()
    "tpu.region"() ({
      %run_scoped3A = tpu.sem_alloc : memref<!tpu.dma_semaphore, #tpu.memory_space<semaphore_mem>>
      %dma_start3A = arith.constant 0 : i32
      %dma_start3A_135 = arith.constant 0 : i32
      %dma_start3A_136 = tpu.memref_slice %arg4[%add3A, %dma_start3A, %dma_start3A_135] : memref<32x125x80xi32, #tpu.memory_space<hbm>> -> memref<1x125x80xi32, #tpu.memory_space<hbm>>
      %dma_start3A_137 = tpu.memref_squeeze %dma_start3A_136 : memref<1x125x80xi32, #tpu.memory_space<hbm>> -> memref<125x80xi32, #tpu.memory_space<hbm>>
      %dma_start3A_138 = arith.constant 0 : i32
      %dma_start3A_139 = arith.constant 0 : i32
      %dma_start3A_140 = tpu.memref_slice %arg4[%add3A, %dma_start3A_138, %dma_start3A_139] : memref<32x125x80xi32, #tpu.memory_space<hbm>> -> memref<1x125x80xi32, #tpu.memory_space<hbm>>
      %dma_start3A_141 = tpu.memref_squeeze %dma_start3A_140 : memref<1x125x80xi32, #tpu.memory_space<hbm>> -> memref<125x80xi32, #tpu.memory_space<hbm>>
      tpu.enqueue_dma source(%dma_start3A_141 : memref<125x80xi32, #tpu.memory_space<hbm>>) target(%arg7 : memref<125x80xi32, #tpu.memory_space<vmem>>) target_semaphore(%run_scoped3A : memref<!tpu.dma_semaphore, #tpu.memory_space<semaphore_mem>>)
      %dma_wait3A = arith.constant 0 : i32
      %dma_wait3A_142 = arith.constant 0 : i32
      %dma_wait3A_143 = tpu.memref_slice %arg4[%add3A, %dma_wait3A, %dma_wait3A_142] : memref<32x125x80xi32, #tpu.memory_space<hbm>> -> memref<1x125x80xi32, #tpu.memory_space<hbm>>
      %dma_wait3A_144 = tpu.memref_squeeze %dma_wait3A_143 : memref<1x125x80xi32, #tpu.memory_space<hbm>> -> memref<125x80xi32, #tpu.memory_space<hbm>>
      %dma_wait3A_145 = arith.constant 0 : i32
      %dma_wait3A_146 = arith.constant 0 : i32
      %dma_wait3A_147 = tpu.memref_slice %arg4[%add3A, %dma_wait3A_145, %dma_wait3A_146] : memref<32x125x80xi32, #tpu.memory_space<hbm>> -> memref<1x125x80xi32, #tpu.memory_space<hbm>>
      %dma_wait3A_148 = tpu.memref_squeeze %dma_wait3A_147 : memref<1x125x80xi32, #tpu.memory_space<hbm>> -> memref<125x80xi32, #tpu.memory_space<hbm>>
      tpu.wait_dma2 semaphore(%run_scoped3A : memref<!tpu.dma_semaphore, #tpu.memory_space<semaphore_mem>>) src(%dma_wait3A_148 : memref<125x80xi32, #tpu.memory_space<hbm>>) dst(%arg7 : memref<125x80xi32, #tpu.memory_space<vmem>>)
      tpu.yield
    }) : () -> ()
    %mul3A_7 = arith.constant 640 : i32
    %mul3A_8 = arith.muli %arg1, %mul3A_7 : i32
    %add3A_9 = arith.constant 0 : i32
    %add3A_10 = arith.addi %mul3A_8, %add3A_9 : i32
    "tpu.region"() ({
      %run_scoped3A = tpu.sem_alloc : memref<!tpu.dma_semaphore, #tpu.memory_space<semaphore_mem>>
      %dma_start3A = arith.constant 0 : i32
      %dma_start3A_135 = tpu.memref_slice %arg10[%add3A_10, %dma_start3A] : memref<10240x128xf32, #tpu.memory_space<vmem_shared>> -> memref<80x128xf32, #tpu.memory_space<vmem_shared>>
      %dma_start3A_136 = arith.constant 0 : i32
      %dma_start3A_137 = tpu.memref_slice %arg10[%add3A_10, %dma_start3A_136] : memref<10240x128xf32, #tpu.memory_space<vmem_shared>> -> memref<80x128xf32, #tpu.memory_space<vmem_shared>>
      tpu.enqueue_dma source(%arg8 : memref<80x128xf32, #tpu.memory_space<vmem>>) target(%dma_start3A_137 : memref<80x128xf32, #tpu.memory_space<vmem_shared>>) target_semaphore(%run_scoped3A : memref<!tpu.dma_semaphore, #tpu.memory_space<semaphore_mem>>)
      %dma_wait3A = arith.constant 0 : i32
      %dma_wait3A_138 = tpu.memref_slice %arg10[%add3A_10, %dma_wait3A] : memref<10240x128xf32, #tpu.memory_space<vmem_shared>> -> memref<80x128xf32, #tpu.memory_space<vmem_shared>>
      %dma_wait3A_139 = arith.constant 0 : i32
      %dma_wait3A_140 = tpu.memref_slice %arg10[%add3A_10, %dma_wait3A_139] : memref<10240x128xf32, #tpu.memory_space<vmem_shared>> -> memref<80x128xf32, #tpu.memory_space<vmem_shared>>
      tpu.wait_dma2 semaphore(%run_scoped3A : memref<!tpu.dma_semaphore, #tpu.memory_space<semaphore_mem>>) src(%arg8 : memref<80x128xf32, #tpu.memory_space<vmem>>) dst(%dma_wait3A_140 : memref<80x128xf32, #tpu.memory_space<vmem_shared>>)
      tpu.yield
    }) : () -> ()
    %mul3A_11 = arith.constant 640 : i32
    %mul3A_12 = arith.muli %arg1, %mul3A_11 : i32
    %add3A_13 = arith.constant 80 : i32
    %add3A_14 = arith.addi %mul3A_12, %add3A_13 : i32
    "tpu.region"() ({
      %run_scoped3A = tpu.sem_alloc : memref<!tpu.dma_semaphore, #tpu.memory_space<semaphore_mem>>
      %dma_start3A = arith.constant 0 : i32
      %dma_start3A_135 = tpu.memref_slice %arg10[%add3A_14, %dma_start3A] : memref<10240x128xf32, #tpu.memory_space<vmem_shared>> -> memref<80x128xf32, #tpu.memory_space<vmem_shared>>
      %dma_start3A_136 = arith.constant 0 : i32
      %dma_start3A_137 = tpu.memref_slice %arg10[%add3A_14, %dma_start3A_136] : memref<10240x128xf32, #tpu.memory_space<vmem_shared>> -> memref<80x128xf32, #tpu.memory_space<vmem_shared>>
      tpu.enqueue_dma source(%arg8 : memref<80x128xf32, #tpu.memory_space<vmem>>) target(%dma_start3A_137 : memref<80x128xf32, #tpu.memory_space<vmem_shared>>) target_semaphore(%run_scoped3A : memref<!tpu.dma_semaphore, #tpu.memory_space<semaphore_mem>>)
      %dma_wait3A = arith.constant 0 : i32
      %dma_wait3A_138 = tpu.memref_slice %arg10[%add3A_14, %dma_wait3A] : memref<10240x128xf32, #tpu.memory_space<vmem_shared>> -> memref<80x128xf32, #tpu.memory_space<vmem_shared>>
      %dma_wait3A_139 = arith.constant 0 : i32
      %dma_wait3A_140 = tpu.memref_slice %arg10[%add3A_14, %dma_wait3A_139] : memref<10240x128xf32, #tpu.memory_space<vmem_shared>> -> memref<80x128xf32, #tpu.memory_space<vmem_shared>>
      tpu.wait_dma2 semaphore(%run_scoped3A : memref<!tpu.dma_semaphore, #tpu.memory_space<semaphore_mem>>) src(%arg8 : memref<80x128xf32, #tpu.memory_space<vmem>>) dst(%dma_wait3A_140 : memref<80x128xf32, #tpu.memory_space<vmem_shared>>)
      tpu.yield
    }) : () -> ()
    %mul3A_15 = arith.constant 640 : i32
    %mul3A_16 = arith.muli %arg1, %mul3A_15 : i32
    %add3A_17 = arith.constant 160 : i32
    %add3A_18 = arith.addi %mul3A_16, %add3A_17 : i32
    "tpu.region"() ({
      %run_scoped3A = tpu.sem_alloc : memref<!tpu.dma_semaphore, #tpu.memory_space<semaphore_mem>>
      %dma_start3A = arith.constant 0 : i32
      %dma_start3A_135 = tpu.memref_slice %arg10[%add3A_18, %dma_start3A] : memref<10240x128xf32, #tpu.memory_space<vmem_shared>> -> memref<80x128xf32, #tpu.memory_space<vmem_shared>>
      %dma_start3A_136 = arith.constant 0 : i32
      %dma_start3A_137 = tpu.memref_slice %arg10[%add3A_18, %dma_start3A_136] : memref<10240x128xf32, #tpu.memory_space<vmem_shared>> -> memref<80x128xf32, #tpu.memory_space<vmem_shared>>
      tpu.enqueue_dma source(%arg8 : memref<80x128xf32, #tpu.memory_space<vmem>>) target(%dma_start3A_137 : memref<80x128xf32, #tpu.memory_space<vmem_shared>>) target_semaphore(%run_scoped3A : memref<!tpu.dma_semaphore, #tpu.memory_space<semaphore_mem>>)
      %dma_wait3A = arith.constant 0 : i32
      %dma_wait3A_138 = tpu.memref_slice %arg10[%add3A_18, %dma_wait3A] : memref<10240x128xf32, #tpu.memory_space<vmem_shared>> -> memref<80x128xf32, #tpu.memory_space<vmem_shared>>
      %dma_wait3A_139 = arith.constant 0 : i32
      %dma_wait3A_140 = tpu.memref_slice %arg10[%add3A_18, %dma_wait3A_139] : memref<10240x128xf32, #tpu.memory_space<vmem_shared>> -> memref<80x128xf32, #tpu.memory_space<vmem_shared>>
      tpu.wait_dma2 semaphore(%run_scoped3A : memref<!tpu.dma_semaphore, #tpu.memory_space<semaphore_mem>>) src(%arg8 : memref<80x128xf32, #tpu.memory_space<vmem>>) dst(%dma_wait3A_140 : memref<80x128xf32, #tpu.memory_space<vmem_shared>>)
      tpu.yield
    }) : () -> ()
    %mul3A_19 = arith.constant 640 : i32
    %mul3A_20 = arith.muli %arg1, %mul3A_19 : i32
    %add3A_21 = arith.constant 240 : i32
    %add3A_22 = arith.addi %mul3A_20, %add3A_21 : i32
    "tpu.region"() ({
      %run_scoped3A = tpu.sem_alloc : memref<!tpu.dma_semaphore, #tpu.memory_space<semaphore_mem>>
      %dma_start3A = arith.constant 0 : i32
      %dma_start3A_135 = tpu.memref_slice %arg10[%add3A_22, %dma_start3A] : memref<10240x128xf32, #tpu.memory_space<vmem_shared>> -> memref<80x128xf32, #tpu.memory_space<vmem_shared>>
      %dma_start3A_136 = arith.constant 0 : i32
      %dma_start3A_137 = tpu.memref_slice %arg10[%add3A_22, %dma_start3A_136] : memref<10240x128xf32, #tpu.memory_space<vmem_shared>> -> memref<80x128xf32, #tpu.memory_space<vmem_shared>>
      tpu.enqueue_dma source(%arg8 : memref<80x128xf32, #tpu.memory_space<vmem>>) target(%dma_start3A_137 : memref<80x128xf32, #tpu.memory_space<vmem_shared>>) target_semaphore(%run_scoped3A : memref<!tpu.dma_semaphore, #tpu.memory_space<semaphore_mem>>)
      %dma_wait3A = arith.constant 0 : i32
      %dma_wait3A_138 = tpu.memref_slice %arg10[%add3A_22, %dma_wait3A] : memref<10240x128xf32, #tpu.memory_space<vmem_shared>> -> memref<80x128xf32, #tpu.memory_space<vmem_shared>>
      %dma_wait3A_139 = arith.constant 0 : i32
      %dma_wait3A_140 = tpu.memref_slice %arg10[%add3A_22, %dma_wait3A_139] : memref<10240x128xf32, #tpu.memory_space<vmem_shared>> -> memref<80x128xf32, #tpu.memory_space<vmem_shared>>
      tpu.wait_dma2 semaphore(%run_scoped3A : memref<!tpu.dma_semaphore, #tpu.memory_space<semaphore_mem>>) src(%arg8 : memref<80x128xf32, #tpu.memory_space<vmem>>) dst(%dma_wait3A_140 : memref<80x128xf32, #tpu.memory_space<vmem_shared>>)
      tpu.yield
    }) : () -> ()
    %mul3A_23 = arith.constant 640 : i32
    %mul3A_24 = arith.muli %arg1, %mul3A_23 : i32
    %add3A_25 = arith.constant 320 : i32
    %add3A_26 = arith.addi %mul3A_24, %add3A_25 : i32
    "tpu.region"() ({
      %run_scoped3A = tpu.sem_alloc : memref<!tpu.dma_semaphore, #tpu.memory_space<semaphore_mem>>
      %dma_start3A = arith.constant 0 : i32
      %dma_start3A_135 = tpu.memref_slice %arg10[%add3A_26, %dma_start3A] : memref<10240x128xf32, #tpu.memory_space<vmem_shared>> -> memref<80x128xf32, #tpu.memory_space<vmem_shared>>
      %dma_start3A_136 = arith.constant 0 : i32
      %dma_start3A_137 = tpu.memref_slice %arg10[%add3A_26, %dma_start3A_136] : memref<10240x128xf32, #tpu.memory_space<vmem_shared>> -> memref<80x128xf32, #tpu.memory_space<vmem_shared>>
      tpu.enqueue_dma source(%arg8 : memref<80x128xf32, #tpu.memory_space<vmem>>) target(%dma_start3A_137 : memref<80x128xf32, #tpu.memory_space<vmem_shared>>) target_semaphore(%run_scoped3A : memref<!tpu.dma_semaphore, #tpu.memory_space<semaphore_mem>>)
      %dma_wait3A = arith.constant 0 : i32
      %dma_wait3A_138 = tpu.memref_slice %arg10[%add3A_26, %dma_wait3A] : memref<10240x128xf32, #tpu.memory_space<vmem_shared>> -> memref<80x128xf32, #tpu.memory_space<vmem_shared>>
      %dma_wait3A_139 = arith.constant 0 : i32
      %dma_wait3A_140 = tpu.memref_slice %arg10[%add3A_26, %dma_wait3A_139] : memref<10240x128xf32, #tpu.memory_space<vmem_shared>> -> memref<80x128xf32, #tpu.memory_space<vmem_shared>>
      tpu.wait_dma2 semaphore(%run_scoped3A : memref<!tpu.dma_semaphore, #tpu.memory_space<semaphore_mem>>) src(%arg8 : memref<80x128xf32, #tpu.memory_space<vmem>>) dst(%dma_wait3A_140 : memref<80x128xf32, #tpu.memory_space<vmem_shared>>)
      tpu.yield
    }) : () -> ()
    %mul3A_27 = arith.constant 640 : i32
    %mul3A_28 = arith.muli %arg1, %mul3A_27 : i32
    %add3A_29 = arith.constant 400 : i32
    %add3A_30 = arith.addi %mul3A_28, %add3A_29 : i32
    "tpu.region"() ({
      %run_scoped3A = tpu.sem_alloc : memref<!tpu.dma_semaphore, #tpu.memory_space<semaphore_mem>>
      %dma_start3A = arith.constant 0 : i32
      %dma_start3A_135 = tpu.memref_slice %arg10[%add3A_30, %dma_start3A] : memref<10240x128xf32, #tpu.memory_space<vmem_shared>> -> memref<80x128xf32, #tpu.memory_space<vmem_shared>>
      %dma_start3A_136 = arith.constant 0 : i32
      %dma_start3A_137 = tpu.memref_slice %arg10[%add3A_30, %dma_start3A_136] : memref<10240x128xf32, #tpu.memory_space<vmem_shared>> -> memref<80x128xf32, #tpu.memory_space<vmem_shared>>
      tpu.enqueue_dma source(%arg8 : memref<80x128xf32, #tpu.memory_space<vmem>>) target(%dma_start3A_137 : memref<80x128xf32, #tpu.memory_space<vmem_shared>>) target_semaphore(%run_scoped3A : memref<!tpu.dma_semaphore, #tpu.memory_space<semaphore_mem>>)
      %dma_wait3A = arith.constant 0 : i32
      %dma_wait3A_138 = tpu.memref_slice %arg10[%add3A_30, %dma_wait3A] : memref<10240x128xf32, #tpu.memory_space<vmem_shared>> -> memref<80x128xf32, #tpu.memory_space<vmem_shared>>
      %dma_wait3A_139 = arith.constant 0 : i32
      %dma_wait3A_140 = tpu.memref_slice %arg10[%add3A_30, %dma_wait3A_139] : memref<10240x128xf32, #tpu.memory_space<vmem_shared>> -> memref<80x128xf32, #tpu.memory_space<vmem_shared>>
      tpu.wait_dma2 semaphore(%run_scoped3A : memref<!tpu.dma_semaphore, #tpu.memory_space<semaphore_mem>>) src(%arg8 : memref<80x128xf32, #tpu.memory_space<vmem>>) dst(%dma_wait3A_140 : memref<80x128xf32, #tpu.memory_space<vmem_shared>>)
      tpu.yield
    }) : () -> ()
    %mul3A_31 = arith.constant 640 : i32
    %mul3A_32 = arith.muli %arg1, %mul3A_31 : i32
    %add3A_33 = arith.constant 480 : i32
    %add3A_34 = arith.addi %mul3A_32, %add3A_33 : i32
    "tpu.region"() ({
      %run_scoped3A = tpu.sem_alloc : memref<!tpu.dma_semaphore, #tpu.memory_space<semaphore_mem>>
      %dma_start3A = arith.constant 0 : i32
      %dma_start3A_135 = tpu.memref_slice %arg10[%add3A_34, %dma_start3A] : memref<10240x128xf32, #tpu.memory_space<vmem_shared>> -> memref<80x128xf32, #tpu.memory_space<vmem_shared>>
      %dma_start3A_136 = arith.constant 0 : i32
      %dma_start3A_137 = tpu.memref_slice %arg10[%add3A_34, %dma_start3A_136] : memref<10240x128xf32, #tpu.memory_space<vmem_shared>> -> memref<80x128xf32, #tpu.memory_space<vmem_shared>>
      tpu.enqueue_dma source(%arg8 : memref<80x128xf32, #tpu.memory_space<vmem>>) target(%dma_start3A_137 : memref<80x128xf32, #tpu.memory_space<vmem_shared>>) target_semaphore(%run_scoped3A : memref<!tpu.dma_semaphore, #tpu.memory_space<semaphore_mem>>)
      %dma_wait3A = arith.constant 0 : i32
      %dma_wait3A_138 = tpu.memref_slice %arg10[%add3A_34, %dma_wait3A] : memref<10240x128xf32, #tpu.memory_space<vmem_shared>> -> memref<80x128xf32, #tpu.memory_space<vmem_shared>>
      %dma_wait3A_139 = arith.constant 0 : i32
      %dma_wait3A_140 = tpu.memref_slice %arg10[%add3A_34, %dma_wait3A_139] : memref<10240x128xf32, #tpu.memory_space<vmem_shared>> -> memref<80x128xf32, #tpu.memory_space<vmem_shared>>
      tpu.wait_dma2 semaphore(%run_scoped3A : memref<!tpu.dma_semaphore, #tpu.memory_space<semaphore_mem>>) src(%arg8 : memref<80x128xf32, #tpu.memory_space<vmem>>) dst(%dma_wait3A_140 : memref<80x128xf32, #tpu.memory_space<vmem_shared>>)
      tpu.yield
    }) : () -> ()
    %mul3A_35 = arith.constant 640 : i32
    %mul3A_36 = arith.muli %arg1, %mul3A_35 : i32
    %add3A_37 = arith.constant 560 : i32
    %add3A_38 = arith.addi %mul3A_36, %add3A_37 : i32
    "tpu.region"() ({
      %run_scoped3A = tpu.sem_alloc : memref<!tpu.dma_semaphore, #tpu.memory_space<semaphore_mem>>
      %dma_start3A = arith.constant 0 : i32
      %dma_start3A_135 = tpu.memref_slice %arg10[%add3A_38, %dma_start3A] : memref<10240x128xf32, #tpu.memory_space<vmem_shared>> -> memref<80x128xf32, #tpu.memory_space<vmem_shared>>
      %dma_start3A_136 = arith.constant 0 : i32
      %dma_start3A_137 = tpu.memref_slice %arg10[%add3A_38, %dma_start3A_136] : memref<10240x128xf32, #tpu.memory_space<vmem_shared>> -> memref<80x128xf32, #tpu.memory_space<vmem_shared>>
      tpu.enqueue_dma source(%arg8 : memref<80x128xf32, #tpu.memory_space<vmem>>) target(%dma_start3A_137 : memref<80x128xf32, #tpu.memory_space<vmem_shared>>) target_semaphore(%run_scoped3A : memref<!tpu.dma_semaphore, #tpu.memory_space<semaphore_mem>>)
      %dma_wait3A = arith.constant 0 : i32
      %dma_wait3A_138 = tpu.memref_slice %arg10[%add3A_38, %dma_wait3A] : memref<10240x128xf32, #tpu.memory_space<vmem_shared>> -> memref<80x128xf32, #tpu.memory_space<vmem_shared>>
      %dma_wait3A_139 = arith.constant 0 : i32
      %dma_wait3A_140 = tpu.memref_slice %arg10[%add3A_38, %dma_wait3A_139] : memref<10240x128xf32, #tpu.memory_space<vmem_shared>> -> memref<80x128xf32, #tpu.memory_space<vmem_shared>>
      tpu.wait_dma2 semaphore(%run_scoped3A : memref<!tpu.dma_semaphore, #tpu.memory_space<semaphore_mem>>) src(%arg8 : memref<80x128xf32, #tpu.memory_space<vmem>>) dst(%dma_wait3A_140 : memref<80x128xf32, #tpu.memory_space<vmem_shared>>)
      tpu.yield
    }) : () -> ()
    %barrier3A = arith.constant 0 : index
    tpu.barrier barrier_id(%barrier3A)
    %scan3A_39 = arith.constant 0 : i32
    %scan3A_40 = arith.constant 0 : i32
    %scan3A_41 = arith.constant 125 : i32
    %scan3A_42 = arith.addi %scan3A_40, %scan3A_41 : i32
    %scan3A_43 = arith.constant 1 : i32
    %scan3A_44 = scf.for %scan3A_135 = %scan3A_40 to %scan3A_42 step %scan3A_43 iter_args(%scan3A_136 = %scan3A_39) -> (i32)  : i32 {
      %dma_start3A = arith.constant 0 : i32
      %dma_start3A_137 = tpu.memref_slice %arg6[%scan3A_135, %dma_start3A] : memref<125x80xi32, #tpu.memory_space<vmem>> -> memref<1x80xi32, #tpu.memory_space<vmem>>
      %dma_start3A_138 = tpu.memref_squeeze %dma_start3A_137 : memref<1x80xi32, #tpu.memory_space<vmem>> -> memref<80xi32, #tpu.memory_space<vmem>>
      %dma_start3A_139 = arith.constant 0 : i32
      %dma_start3A_140 = arith.constant 0 : i32
      %dma_start3A_141 = tpu.memref_slice %arg2[%dma_start3A_139, %dma_start3A_140] : memref<10000x128xf32, #tpu.memory_space<hbm>> -> memref<10000x128xf32, #tpu.memory_space<hbm>>
      tpu.enqueue_indirect_dma source(%dma_start3A_141 : memref<10000x128xf32, #tpu.memory_space<hbm>>) target(%arg8 : memref<80x128xf32, #tpu.memory_space<vmem>>) offsets(%dma_start3A_138 : memref<80xi32, #tpu.memory_space<vmem>>) semaphore(%arg9 : memref<!tpu.dma_semaphore, #tpu.memory_space<semaphore_mem>>)
      %dma_wait3A = arith.constant 0 : i32
      %dma_wait3A_142 = tpu.memref_slice %arg6[%scan3A_135, %dma_wait3A] : memref<125x80xi32, #tpu.memory_space<vmem>> -> memref<1x80xi32, #tpu.memory_space<vmem>>
      %dma_wait3A_143 = tpu.memref_squeeze %dma_wait3A_142 : memref<1x80xi32, #tpu.memory_space<vmem>> -> memref<80xi32, #tpu.memory_space<vmem>>
      %dma_wait3A_144 = arith.constant 0 : i32
      %dma_wait3A_145 = arith.constant 0 : i32
      %dma_wait3A_146 = tpu.memref_slice %arg2[%dma_wait3A_144, %dma_wait3A_145] : memref<10000x128xf32, #tpu.memory_space<hbm>> -> memref<10000x128xf32, #tpu.memory_space<hbm>>
      tpu.wait_indirect_dma semaphore(%arg9 : memref<!tpu.dma_semaphore, #tpu.memory_space<semaphore_mem>>) src(%dma_wait3A_146 : memref<10000x128xf32, #tpu.memory_space<hbm>>) dst(%arg8 : memref<80x128xf32, #tpu.memory_space<vmem>>)
      "tpu.region"() ({
        %run_scoped3A = tpu.sem_alloc : memref<!tpu.dma_semaphore, #tpu.memory_space<semaphore_mem>>
        %dma_start3A_148 = arith.constant 0 : i32
        %dma_start3A_149 = tpu.memref_slice %arg7[%scan3A_135, %dma_start3A_148] : memref<125x80xi32, #tpu.memory_space<vmem>> -> memref<1x80xi32, #tpu.memory_space<vmem>>
        %dma_start3A_150 = tpu.memref_squeeze %dma_start3A_149 : memref<1x80xi32, #tpu.memory_space<vmem>> -> memref<80xi32, #tpu.memory_space<vmem>>
        %dma_start3A_151 = arith.constant 0 : i32
        %dma_start3A_152 = arith.constant 0 : i32
        %dma_start3A_153 = tpu.memref_slice %arg10[%dma_start3A_151, %dma_start3A_152] : memref<10240x128xf32, #tpu.memory_space<vmem_shared>> -> memref<10240x128xf32, #tpu.memory_space<vmem_shared>>
        tpu.enqueue_indirect_dma source(%arg8 : memref<80x128xf32, #tpu.memory_space<vmem>>) target(%dma_start3A_153 : memref<10240x128xf32, #tpu.memory_space<vmem_shared>>) offsets(%dma_start3A_150 : memref<80xi32, #tpu.memory_space<vmem>>) semaphore(%run_scoped3A : memref<!tpu.dma_semaphore, #tpu.memory_space<semaphore_mem>>) {add = true}
        %dma_wait3A_154 = arith.constant 0 : i32
        %dma_wait3A_155 = tpu.memref_slice %arg7[%scan3A_135, %dma_wait3A_154] : memref<125x80xi32, #tpu.memory_space<vmem>> -> memref<1x80xi32, #tpu.memory_space<vmem>>
        %dma_wait3A_156 = tpu.memref_squeeze %dma_wait3A_155 : memref<1x80xi32, #tpu.memory_space<vmem>> -> memref<80xi32, #tpu.memory_space<vmem>>
        %dma_wait3A_157 = arith.constant 0 : i32
        %dma_wait3A_158 = arith.constant 0 : i32
        %dma_wait3A_159 = tpu.memref_slice %arg10[%dma_wait3A_157, %dma_wait3A_158] : memref<10240x128xf32, #tpu.memory_space<vmem_shared>> -> memref<10240x128xf32, #tpu.memory_space<vmem_shared>>
        tpu.wait_indirect_dma semaphore(%run_scoped3A : memref<!tpu.dma_semaphore, #tpu.memory_space<semaphore_mem>>) src(%arg8 : memref<80x128xf32, #tpu.memory_space<vmem>>) dst(%dma_wait3A_159 : memref<10240x128xf32, #tpu.memory_space<vmem_shared>>)
        tpu.yield
      }) : () -> ()
      %scan3A_147 = arith.constant 0 : i32
      scf.yield %scan3A_147 : i32
    }
    %scan3A_45 = arith.constant 125 : i32
    %barrier3A_46 = arith.constant 0 : index
    tpu.barrier barrier_id(%barrier3A_46)
    %mul3A_47 = arith.constant 640 : i32
    %mul3A_48 = arith.muli %arg1, %mul3A_47 : i32
    %add3A_49 = arith.constant 0 : i32
    %add3A_50 = arith.addi %mul3A_48, %add3A_49 : i32
    "tpu.region"() ({
      %run_scoped3A = tpu.sem_alloc : memref<!tpu.dma_semaphore, #tpu.memory_space<semaphore_mem>>
      %dma_start3A = arith.constant 0 : i32
      %dma_start3A_135 = tpu.memref_slice %arg10[%add3A_50, %dma_start3A] : memref<10240x128xf32, #tpu.memory_space<vmem_shared>> -> memref<80x128xf32, #tpu.memory_space<vmem_shared>>
      %dma_start3A_136 = arith.constant 0 : i32
      %dma_start3A_137 = tpu.memref_slice %arg10[%add3A_50, %dma_start3A_136] : memref<10240x128xf32, #tpu.memory_space<vmem_shared>> -> memref<80x128xf32, #tpu.memory_space<vmem_shared>>
      tpu.enqueue_dma source(%dma_start3A_137 : memref<80x128xf32, #tpu.memory_space<vmem_shared>>) target(%arg8 : memref<80x128xf32, #tpu.memory_space<vmem>>) target_semaphore(%run_scoped3A : memref<!tpu.dma_semaphore, #tpu.memory_space<semaphore_mem>>)
      %dma_wait3A = arith.constant 0 : i32
      %dma_wait3A_138 = tpu.memref_slice %arg10[%add3A_50, %dma_wait3A] : memref<10240x128xf32, #tpu.memory_space<vmem_shared>> -> memref<80x128xf32, #tpu.memory_space<vmem_shared>>
      %dma_wait3A_139 = arith.constant 0 : i32
      %dma_wait3A_140 = tpu.memref_slice %arg10[%add3A_50, %dma_wait3A_139] : memref<10240x128xf32, #tpu.memory_space<vmem_shared>> -> memref<80x128xf32, #tpu.memory_space<vmem_shared>>
      tpu.wait_dma2 semaphore(%run_scoped3A : memref<!tpu.dma_semaphore, #tpu.memory_space<semaphore_mem>>) src(%dma_wait3A_140 : memref<80x128xf32, #tpu.memory_space<vmem_shared>>) dst(%arg8 : memref<80x128xf32, #tpu.memory_space<vmem>>)
      tpu.yield
    }) : () -> ()
    %mul3A_51 = arith.constant 10240 : i32
    %mul3A_52 = arith.muli %arg0, %mul3A_51 : i32
    %mul3A_53 = arith.constant 640 : i32
    %mul3A_54 = arith.muli %arg1, %mul3A_53 : i32
    %add3A_55 = arith.addi %mul3A_52, %mul3A_54 : i32
    %add3A_56 = arith.constant 0 : i32
    %add3A_57 = arith.addi %add3A_55, %add3A_56 : i32
    "tpu.region"() ({
      %run_scoped3A = tpu.sem_alloc : memref<!tpu.dma_semaphore, #tpu.memory_space<semaphore_mem>>
      %dma_start3A = arith.constant 0 : i32
      %dma_start3A_135 = tpu.memref_slice %arg5[%add3A_57, %dma_start3A] : memref<20480x128xf32, #tpu.memory_space<hbm>> -> memref<80x128xf32, #tpu.memory_space<hbm>>
      %dma_start3A_136 = arith.constant 0 : i32
      %dma_start3A_137 = tpu.memref_slice %arg5[%add3A_57, %dma_start3A_136] : memref<20480x128xf32, #tpu.memory_space<hbm>> -> memref<80x128xf32, #tpu.memory_space<hbm>>
      tpu.enqueue_dma source(%arg8 : memref<80x128xf32, #tpu.memory_space<vmem>>) target(%dma_start3A_137 : memref<80x128xf32, #tpu.memory_space<hbm>>) target_semaphore(%run_scoped3A : memref<!tpu.dma_semaphore, #tpu.memory_space<semaphore_mem>>)
      %dma_wait3A = arith.constant 0 : i32
      %dma_wait3A_138 = tpu.memref_slice %arg5[%add3A_57, %dma_wait3A] : memref<20480x128xf32, #tpu.memory_space<hbm>> -> memref<80x128xf32, #tpu.memory_space<hbm>>
      %dma_wait3A_139 = arith.constant 0 : i32
      %dma_wait3A_140 = tpu.memref_slice %arg5[%add3A_57, %dma_wait3A_139] : memref<20480x128xf32, #tpu.memory_space<hbm>> -> memref<80x128xf32, #tpu.memory_space<hbm>>
      tpu.wait_dma2 semaphore(%run_scoped3A : memref<!tpu.dma_semaphore, #tpu.memory_space<semaphore_mem>>) src(%arg8 : memref<80x128xf32, #tpu.memory_space<vmem>>) dst(%dma_wait3A_140 : memref<80x128xf32, #tpu.memory_space<hbm>>)
      tpu.yield
    }) : () -> ()
    %mul3A_58 = arith.constant 640 : i32
    %mul3A_59 = arith.muli %arg1, %mul3A_58 : i32
    %add3A_60 = arith.constant 80 : i32
    %add3A_61 = arith.addi %mul3A_59, %add3A_60 : i32
    "tpu.region"() ({
      %run_scoped3A = tpu.sem_alloc : memref<!tpu.dma_semaphore, #tpu.memory_space<semaphore_mem>>
      %dma_start3A = arith.constant 0 : i32
      %dma_start3A_135 = tpu.memref_slice %arg10[%add3A_61, %dma_start3A] : memref<10240x128xf32, #tpu.memory_space<vmem_shared>> -> memref<80x128xf32, #tpu.memory_space<vmem_shared>>
      %dma_start3A_136 = arith.constant 0 : i32
      %dma_start3A_137 = tpu.memref_slice %arg10[%add3A_61, %dma_start3A_136] : memref<10240x128xf32, #tpu.memory_space<vmem_shared>> -> memref<80x128xf32, #tpu.memory_space<vmem_shared>>
      tpu.enqueue_dma source(%dma_start3A_137 : memref<80x128xf32, #tpu.memory_space<vmem_shared>>) target(%arg8 : memref<80x128xf32, #tpu.memory_space<vmem>>) target_semaphore(%run_scoped3A : memref<!tpu.dma_semaphore, #tpu.memory_space<semaphore_mem>>)
      %dma_wait3A = arith.constant 0 : i32
      %dma_wait3A_138 = tpu.memref_slice %arg10[%add3A_61, %dma_wait3A] : memref<10240x128xf32, #tpu.memory_space<vmem_shared>> -> memref<80x128xf32, #tpu.memory_space<vmem_shared>>
      %dma_wait3A_139 = arith.constant 0 : i32
      %dma_wait3A_140 = tpu.memref_slice %arg10[%add3A_61, %dma_wait3A_139] : memref<10240x128xf32, #tpu.memory_space<vmem_shared>> -> memref<80x128xf32, #tpu.memory_space<vmem_shared>>
      tpu.wait_dma2 semaphore(%run_scoped3A : memref<!tpu.dma_semaphore, #tpu.memory_space<semaphore_mem>>) src(%dma_wait3A_140 : memref<80x128xf32, #tpu.memory_space<vmem_shared>>) dst(%arg8 : memref<80x128xf32, #tpu.memory_space<vmem>>)
      tpu.yield
    }) : () -> ()
    %mul3A_62 = arith.constant 10240 : i32
    %mul3A_63 = arith.muli %arg0, %mul3A_62 : i32
    %mul3A_64 = arith.constant 640 : i32
    %mul3A_65 = arith.muli %arg1, %mul3A_64 : i32
    %add3A_66 = arith.addi %mul3A_63, %mul3A_65 : i32
    %add3A_67 = arith.constant 80 : i32
    %add3A_68 = arith.addi %add3A_66, %add3A_67 : i32
    "tpu.region"() ({
      %run_scoped3A = tpu.sem_alloc : memref<!tpu.dma_semaphore, #tpu.memory_space<semaphore_mem>>
      %dma_start3A = arith.constant 0 : i32
      %dma_start3A_135 = tpu.memref_slice %arg5[%add3A_68, %dma_start3A] : memref<20480x128xf32, #tpu.memory_space<hbm>> -> memref<80x128xf32, #tpu.memory_space<hbm>>
      %dma_start3A_136 = arith.constant 0 : i32
      %dma_start3A_137 = tpu.memref_slice %arg5[%add3A_68, %dma_start3A_136] : memref<20480x128xf32, #tpu.memory_space<hbm>> -> memref<80x128xf32, #tpu.memory_space<hbm>>
      tpu.enqueue_dma source(%arg8 : memref<80x128xf32, #tpu.memory_space<vmem>>) target(%dma_start3A_137 : memref<80x128xf32, #tpu.memory_space<hbm>>) target_semaphore(%run_scoped3A : memref<!tpu.dma_semaphore, #tpu.memory_space<semaphore_mem>>)
      %dma_wait3A = arith.constant 0 : i32
      %dma_wait3A_138 = tpu.memref_slice %arg5[%add3A_68, %dma_wait3A] : memref<20480x128xf32, #tpu.memory_space<hbm>> -> memref<80x128xf32, #tpu.memory_space<hbm>>
      %dma_wait3A_139 = arith.constant 0 : i32
      %dma_wait3A_140 = tpu.memref_slice %arg5[%add3A_68, %dma_wait3A_139] : memref<20480x128xf32, #tpu.memory_space<hbm>> -> memref<80x128xf32, #tpu.memory_space<hbm>>
      tpu.wait_dma2 semaphore(%run_scoped3A : memref<!tpu.dma_semaphore, #tpu.memory_space<semaphore_mem>>) src(%arg8 : memref<80x128xf32, #tpu.memory_space<vmem>>) dst(%dma_wait3A_140 : memref<80x128xf32, #tpu.memory_space<hbm>>)
      tpu.yield
    }) : () -> ()
    %mul3A_69 = arith.constant 640 : i32
    %mul3A_70 = arith.muli %arg1, %mul3A_69 : i32
    %add3A_71 = arith.constant 160 : i32
    %add3A_72 = arith.addi %mul3A_70, %add3A_71 : i32
    "tpu.region"() ({
      %run_scoped3A = tpu.sem_alloc : memref<!tpu.dma_semaphore, #tpu.memory_space<semaphore_mem>>
      %dma_start3A = arith.constant 0 : i32
      %dma_start3A_135 = tpu.memref_slice %arg10[%add3A_72, %dma_start3A] : memref<10240x128xf32, #tpu.memory_space<vmem_shared>> -> memref<80x128xf32, #tpu.memory_space<vmem_shared>>
      %dma_start3A_136 = arith.constant 0 : i32
      %dma_start3A_137 = tpu.memref_slice %arg10[%add3A_72, %dma_start3A_136] : memref<10240x128xf32, #tpu.memory_space<vmem_shared>> -> memref<80x128xf32, #tpu.memory_space<vmem_shared>>
      tpu.enqueue_dma source(%dma_start3A_137 : memref<80x128xf32, #tpu.memory_space<vmem_shared>>) target(%arg8 : memref<80x128xf32, #tpu.memory_space<vmem>>) target_semaphore(%run_scoped3A : memref<!tpu.dma_semaphore, #tpu.memory_space<semaphore_mem>>)
      %dma_wait3A = arith.constant 0 : i32
      %dma_wait3A_138 = tpu.memref_slice %arg10[%add3A_72, %dma_wait3A] : memref<10240x128xf32, #tpu.memory_space<vmem_shared>> -> memref<80x128xf32, #tpu.memory_space<vmem_shared>>
      %dma_wait3A_139 = arith.constant 0 : i32
      %dma_wait3A_140 = tpu.memref_slice %arg10[%add3A_72, %dma_wait3A_139] : memref<10240x128xf32, #tpu.memory_space<vmem_shared>> -> memref<80x128xf32, #tpu.memory_space<vmem_shared>>
      tpu.wait_dma2 semaphore(%run_scoped3A : memref<!tpu.dma_semaphore, #tpu.memory_space<semaphore_mem>>) src(%dma_wait3A_140 : memref<80x128xf32, #tpu.memory_space<vmem_shared>>) dst(%arg8 : memref<80x128xf32, #tpu.memory_space<vmem>>)
      tpu.yield
    }) : () -> ()
    %mul3A_73 = arith.constant 10240 : i32
    %mul3A_74 = arith.muli %arg0, %mul3A_73 : i32
    %mul3A_75 = arith.constant 640 : i32
    %mul3A_76 = arith.muli %arg1, %mul3A_75 : i32
    %add3A_77 = arith.addi %mul3A_74, %mul3A_76 : i32
    %add3A_78 = arith.constant 160 : i32
    %add3A_79 = arith.addi %add3A_77, %add3A_78 : i32
    "tpu.region"() ({
      %run_scoped3A = tpu.sem_alloc : memref<!tpu.dma_semaphore, #tpu.memory_space<semaphore_mem>>
      %dma_start3A = arith.constant 0 : i32
      %dma_start3A_135 = tpu.memref_slice %arg5[%add3A_79, %dma_start3A] : memref<20480x128xf32, #tpu.memory_space<hbm>> -> memref<80x128xf32, #tpu.memory_space<hbm>>
      %dma_start3A_136 = arith.constant 0 : i32
      %dma_start3A_137 = tpu.memref_slice %arg5[%add3A_79, %dma_start3A_136] : memref<20480x128xf32, #tpu.memory_space<hbm>> -> memref<80x128xf32, #tpu.memory_space<hbm>>
      tpu.enqueue_dma source(%arg8 : memref<80x128xf32, #tpu.memory_space<vmem>>) target(%dma_start3A_137 : memref<80x128xf32, #tpu.memory_space<hbm>>) target_semaphore(%run_scoped3A : memref<!tpu.dma_semaphore, #tpu.memory_space<semaphore_mem>>)
      %dma_wait3A = arith.constant 0 : i32
      %dma_wait3A_138 = tpu.memref_slice %arg5[%add3A_79, %dma_wait3A] : memref<20480x128xf32, #tpu.memory_space<hbm>> -> memref<80x128xf32, #tpu.memory_space<hbm>>
      %dma_wait3A_139 = arith.constant 0 : i32
      %dma_wait3A_140 = tpu.memref_slice %arg5[%add3A_79, %dma_wait3A_139] : memref<20480x128xf32, #tpu.memory_space<hbm>> -> memref<80x128xf32, #tpu.memory_space<hbm>>
      tpu.wait_dma2 semaphore(%run_scoped3A : memref<!tpu.dma_semaphore, #tpu.memory_space<semaphore_mem>>) src(%arg8 : memref<80x128xf32, #tpu.memory_space<vmem>>) dst(%dma_wait3A_140 : memref<80x128xf32, #tpu.memory_space<hbm>>)
      tpu.yield
    }) : () -> ()
    %mul3A_80 = arith.constant 640 : i32
    %mul3A_81 = arith.muli %arg1, %mul3A_80 : i32
    %add3A_82 = arith.constant 240 : i32
    %add3A_83 = arith.addi %mul3A_81, %add3A_82 : i32
    "tpu.region"() ({
      %run_scoped3A = tpu.sem_alloc : memref<!tpu.dma_semaphore, #tpu.memory_space<semaphore_mem>>
      %dma_start3A = arith.constant 0 : i32
      %dma_start3A_135 = tpu.memref_slice %arg10[%add3A_83, %dma_start3A] : memref<10240x128xf32, #tpu.memory_space<vmem_shared>> -> memref<80x128xf32, #tpu.memory_space<vmem_shared>>
      %dma_start3A_136 = arith.constant 0 : i32
      %dma_start3A_137 = tpu.memref_slice %arg10[%add3A_83, %dma_start3A_136] : memref<10240x128xf32, #tpu.memory_space<vmem_shared>> -> memref<80x128xf32, #tpu.memory_space<vmem_shared>>
      tpu.enqueue_dma source(%dma_start3A_137 : memref<80x128xf32, #tpu.memory_space<vmem_shared>>) target(%arg8 : memref<80x128xf32, #tpu.memory_space<vmem>>) target_semaphore(%run_scoped3A : memref<!tpu.dma_semaphore, #tpu.memory_space<semaphore_mem>>)
      %dma_wait3A = arith.constant 0 : i32
      %dma_wait3A_138 = tpu.memref_slice %arg10[%add3A_83, %dma_wait3A] : memref<10240x128xf32, #tpu.memory_space<vmem_shared>> -> memref<80x128xf32, #tpu.memory_space<vmem_shared>>
      %dma_wait3A_139 = arith.constant 0 : i32
      %dma_wait3A_140 = tpu.memref_slice %arg10[%add3A_83, %dma_wait3A_139] : memref<10240x128xf32, #tpu.memory_space<vmem_shared>> -> memref<80x128xf32, #tpu.memory_space<vmem_shared>>
      tpu.wait_dma2 semaphore(%run_scoped3A : memref<!tpu.dma_semaphore, #tpu.memory_space<semaphore_mem>>) src(%dma_wait3A_140 : memref<80x128xf32, #tpu.memory_space<vmem_shared>>) dst(%arg8 : memref<80x128xf32, #tpu.memory_space<vmem>>)
      tpu.yield
    }) : () -> ()
    %mul3A_84 = arith.constant 10240 : i32
    %mul3A_85 = arith.muli %arg0, %mul3A_84 : i32
    %mul3A_86 = arith.constant 640 : i32
    %mul3A_87 = arith.muli %arg1, %mul3A_86 : i32
    %add3A_88 = arith.addi %mul3A_85, %mul3A_87 : i32
    %add3A_89 = arith.constant 240 : i32
    %add3A_90 = arith.addi %add3A_88, %add3A_89 : i32
    "tpu.region"() ({
      %run_scoped3A = tpu.sem_alloc : memref<!tpu.dma_semaphore, #tpu.memory_space<semaphore_mem>>
      %dma_start3A = arith.constant 0 : i32
      %dma_start3A_135 = tpu.memref_slice %arg5[%add3A_90, %dma_start3A] : memref<20480x128xf32, #tpu.memory_space<hbm>> -> memref<80x128xf32, #tpu.memory_space<hbm>>
      %dma_start3A_136 = arith.constant 0 : i32
      %dma_start3A_137 = tpu.memref_slice %arg5[%add3A_90, %dma_start3A_136] : memref<20480x128xf32, #tpu.memory_space<hbm>> -> memref<80x128xf32, #tpu.memory_space<hbm>>
      tpu.enqueue_dma source(%arg8 : memref<80x128xf32, #tpu.memory_space<vmem>>) target(%dma_start3A_137 : memref<80x128xf32, #tpu.memory_space<hbm>>) target_semaphore(%run_scoped3A : memref<!tpu.dma_semaphore, #tpu.memory_space<semaphore_mem>>)
      %dma_wait3A = arith.constant 0 : i32
      %dma_wait3A_138 = tpu.memref_slice %arg5[%add3A_90, %dma_wait3A] : memref<20480x128xf32, #tpu.memory_space<hbm>> -> memref<80x128xf32, #tpu.memory_space<hbm>>
      %dma_wait3A_139 = arith.constant 0 : i32
      %dma_wait3A_140 = tpu.memref_slice %arg5[%add3A_90, %dma_wait3A_139] : memref<20480x128xf32, #tpu.memory_space<hbm>> -> memref<80x128xf32, #tpu.memory_space<hbm>>
      tpu.wait_dma2 semaphore(%run_scoped3A : memref<!tpu.dma_semaphore, #tpu.memory_space<semaphore_mem>>) src(%arg8 : memref<80x128xf32, #tpu.memory_space<vmem>>) dst(%dma_wait3A_140 : memref<80x128xf32, #tpu.memory_space<hbm>>)
      tpu.yield
    }) : () -> ()
    %mul3A_91 = arith.constant 640 : i32
    %mul3A_92 = arith.muli %arg1, %mul3A_91 : i32
    %add3A_93 = arith.constant 320 : i32
    %add3A_94 = arith.addi %mul3A_92, %add3A_93 : i32
    "tpu.region"() ({
      %run_scoped3A = tpu.sem_alloc : memref<!tpu.dma_semaphore, #tpu.memory_space<semaphore_mem>>
      %dma_start3A = arith.constant 0 : i32
      %dma_start3A_135 = tpu.memref_slice %arg10[%add3A_94, %dma_start3A] : memref<10240x128xf32, #tpu.memory_space<vmem_shared>> -> memref<80x128xf32, #tpu.memory_space<vmem_shared>>
      %dma_start3A_136 = arith.constant 0 : i32
      %dma_start3A_137 = tpu.memref_slice %arg10[%add3A_94, %dma_start3A_136] : memref<10240x128xf32, #tpu.memory_space<vmem_shared>> -> memref<80x128xf32, #tpu.memory_space<vmem_shared>>
      tpu.enqueue_dma source(%dma_start3A_137 : memref<80x128xf32, #tpu.memory_space<vmem_shared>>) target(%arg8 : memref<80x128xf32, #tpu.memory_space<vmem>>) target_semaphore(%run_scoped3A : memref<!tpu.dma_semaphore, #tpu.memory_space<semaphore_mem>>)
      %dma_wait3A = arith.constant 0 : i32
      %dma_wait3A_138 = tpu.memref_slice %arg10[%add3A_94, %dma_wait3A] : memref<10240x128xf32, #tpu.memory_space<vmem_shared>> -> memref<80x128xf32, #tpu.memory_space<vmem_shared>>
      %dma_wait3A_139 = arith.constant 0 : i32
      %dma_wait3A_140 = tpu.memref_slice %arg10[%add3A_94, %dma_wait3A_139] : memref<10240x128xf32, #tpu.memory_space<vmem_shared>> -> memref<80x128xf32, #tpu.memory_space<vmem_shared>>
      tpu.wait_dma2 semaphore(%run_scoped3A : memref<!tpu.dma_semaphore, #tpu.memory_space<semaphore_mem>>) src(%dma_wait3A_140 : memref<80x128xf32, #tpu.memory_space<vmem_shared>>) dst(%arg8 : memref<80x128xf32, #tpu.memory_space<vmem>>)
      tpu.yield
    }) : () -> ()
    %mul3A_95 = arith.constant 10240 : i32
    %mul3A_96 = arith.muli %arg0, %mul3A_95 : i32
    %mul3A_97 = arith.constant 640 : i32
    %mul3A_98 = arith.muli %arg1, %mul3A_97 : i32
    %add3A_99 = arith.addi %mul3A_96, %mul3A_98 : i32
    %add3A_100 = arith.constant 320 : i32
    %add3A_101 = arith.addi %add3A_99, %add3A_100 : i32
    "tpu.region"() ({
      %run_scoped3A = tpu.sem_alloc : memref<!tpu.dma_semaphore, #tpu.memory_space<semaphore_mem>>
      %dma_start3A = arith.constant 0 : i32
      %dma_start3A_135 = tpu.memref_slice %arg5[%add3A_101, %dma_start3A] : memref<20480x128xf32, #tpu.memory_space<hbm>> -> memref<80x128xf32, #tpu.memory_space<hbm>>
      %dma_start3A_136 = arith.constant 0 : i32
      %dma_start3A_137 = tpu.memref_slice %arg5[%add3A_101, %dma_start3A_136] : memref<20480x128xf32, #tpu.memory_space<hbm>> -> memref<80x128xf32, #tpu.memory_space<hbm>>
      tpu.enqueue_dma source(%arg8 : memref<80x128xf32, #tpu.memory_space<vmem>>) target(%dma_start3A_137 : memref<80x128xf32, #tpu.memory_space<hbm>>) target_semaphore(%run_scoped3A : memref<!tpu.dma_semaphore, #tpu.memory_space<semaphore_mem>>)
      %dma_wait3A = arith.constant 0 : i32
      %dma_wait3A_138 = tpu.memref_slice %arg5[%add3A_101, %dma_wait3A] : memref<20480x128xf32, #tpu.memory_space<hbm>> -> memref<80x128xf32, #tpu.memory_space<hbm>>
      %dma_wait3A_139 = arith.constant 0 : i32
      %dma_wait3A_140 = tpu.memref_slice %arg5[%add3A_101, %dma_wait3A_139] : memref<20480x128xf32, #tpu.memory_space<hbm>> -> memref<80x128xf32, #tpu.memory_space<hbm>>
      tpu.wait_dma2 semaphore(%run_scoped3A : memref<!tpu.dma_semaphore, #tpu.memory_space<semaphore_mem>>) src(%arg8 : memref<80x128xf32, #tpu.memory_space<vmem>>) dst(%dma_wait3A_140 : memref<80x128xf32, #tpu.memory_space<hbm>>)
      tpu.yield
    }) : () -> ()
    %mul3A_102 = arith.constant 640 : i32
    %mul3A_103 = arith.muli %arg1, %mul3A_102 : i32
    %add3A_104 = arith.constant 400 : i32
    %add3A_105 = arith.addi %mul3A_103, %add3A_104 : i32
    "tpu.region"() ({
      %run_scoped3A = tpu.sem_alloc : memref<!tpu.dma_semaphore, #tpu.memory_space<semaphore_mem>>
      %dma_start3A = arith.constant 0 : i32
      %dma_start3A_135 = tpu.memref_slice %arg10[%add3A_105, %dma_start3A] : memref<10240x128xf32, #tpu.memory_space<vmem_shared>> -> memref<80x128xf32, #tpu.memory_space<vmem_shared>>
      %dma_start3A_136 = arith.constant 0 : i32
      %dma_start3A_137 = tpu.memref_slice %arg10[%add3A_105, %dma_start3A_136] : memref<10240x128xf32, #tpu.memory_space<vmem_shared>> -> memref<80x128xf32, #tpu.memory_space<vmem_shared>>
      tpu.enqueue_dma source(%dma_start3A_137 : memref<80x128xf32, #tpu.memory_space<vmem_shared>>) target(%arg8 : memref<80x128xf32, #tpu.memory_space<vmem>>) target_semaphore(%run_scoped3A : memref<!tpu.dma_semaphore, #tpu.memory_space<semaphore_mem>>)
      %dma_wait3A = arith.constant 0 : i32
      %dma_wait3A_138 = tpu.memref_slice %arg10[%add3A_105, %dma_wait3A] : memref<10240x128xf32, #tpu.memory_space<vmem_shared>> -> memref<80x128xf32, #tpu.memory_space<vmem_shared>>
      %dma_wait3A_139 = arith.constant 0 : i32
      %dma_wait3A_140 = tpu.memref_slice %arg10[%add3A_105, %dma_wait3A_139] : memref<10240x128xf32, #tpu.memory_space<vmem_shared>> -> memref<80x128xf32, #tpu.memory_space<vmem_shared>>
      tpu.wait_dma2 semaphore(%run_scoped3A : memref<!tpu.dma_semaphore, #tpu.memory_space<semaphore_mem>>) src(%dma_wait3A_140 : memref<80x128xf32, #tpu.memory_space<vmem_shared>>) dst(%arg8 : memref<80x128xf32, #tpu.memory_space<vmem>>)
      tpu.yield
    }) : () -> ()
    %mul3A_106 = arith.constant 10240 : i32
    %mul3A_107 = arith.muli %arg0, %mul3A_106 : i32
    %mul3A_108 = arith.constant 640 : i32
    %mul3A_109 = arith.muli %arg1, %mul3A_108 : i32
    %add3A_110 = arith.addi %mul3A_107, %mul3A_109 : i32
    %add3A_111 = arith.constant 400 : i32
    %add3A_112 = arith.addi %add3A_110, %add3A_111 : i32
    "tpu.region"() ({
      %run_scoped3A = tpu.sem_alloc : memref<!tpu.dma_semaphore, #tpu.memory_space<semaphore_mem>>
      %dma_start3A = arith.constant 0 : i32
      %dma_start3A_135 = tpu.memref_slice %arg5[%add3A_112, %dma_start3A] : memref<20480x128xf32, #tpu.memory_space<hbm>> -> memref<80x128xf32, #tpu.memory_space<hbm>>
      %dma_start3A_136 = arith.constant 0 : i32
      %dma_start3A_137 = tpu.memref_slice %arg5[%add3A_112, %dma_start3A_136] : memref<20480x128xf32, #tpu.memory_space<hbm>> -> memref<80x128xf32, #tpu.memory_space<hbm>>
      tpu.enqueue_dma source(%arg8 : memref<80x128xf32, #tpu.memory_space<vmem>>) target(%dma_start3A_137 : memref<80x128xf32, #tpu.memory_space<hbm>>) target_semaphore(%run_scoped3A : memref<!tpu.dma_semaphore, #tpu.memory_space<semaphore_mem>>)
      %dma_wait3A = arith.constant 0 : i32
      %dma_wait3A_138 = tpu.memref_slice %arg5[%add3A_112, %dma_wait3A] : memref<20480x128xf32, #tpu.memory_space<hbm>> -> memref<80x128xf32, #tpu.memory_space<hbm>>
      %dma_wait3A_139 = arith.constant 0 : i32
      %dma_wait3A_140 = tpu.memref_slice %arg5[%add3A_112, %dma_wait3A_139] : memref<20480x128xf32, #tpu.memory_space<hbm>> -> memref<80x128xf32, #tpu.memory_space<hbm>>
      tpu.wait_dma2 semaphore(%run_scoped3A : memref<!tpu.dma_semaphore, #tpu.memory_space<semaphore_mem>>) src(%arg8 : memref<80x128xf32, #tpu.memory_space<vmem>>) dst(%dma_wait3A_140 : memref<80x128xf32, #tpu.memory_space<hbm>>)
      tpu.yield
    }) : () -> ()
    %mul3A_113 = arith.constant 640 : i32
    %mul3A_114 = arith.muli %arg1, %mul3A_113 : i32
    %add3A_115 = arith.constant 480 : i32
    %add3A_116 = arith.addi %mul3A_114, %add3A_115 : i32
    "tpu.region"() ({
      %run_scoped3A = tpu.sem_alloc : memref<!tpu.dma_semaphore, #tpu.memory_space<semaphore_mem>>
      %dma_start3A = arith.constant 0 : i32
      %dma_start3A_135 = tpu.memref_slice %arg10[%add3A_116, %dma_start3A] : memref<10240x128xf32, #tpu.memory_space<vmem_shared>> -> memref<80x128xf32, #tpu.memory_space<vmem_shared>>
      %dma_start3A_136 = arith.constant 0 : i32
      %dma_start3A_137 = tpu.memref_slice %arg10[%add3A_116, %dma_start3A_136] : memref<10240x128xf32, #tpu.memory_space<vmem_shared>> -> memref<80x128xf32, #tpu.memory_space<vmem_shared>>
      tpu.enqueue_dma source(%dma_start3A_137 : memref<80x128xf32, #tpu.memory_space<vmem_shared>>) target(%arg8 : memref<80x128xf32, #tpu.memory_space<vmem>>) target_semaphore(%run_scoped3A : memref<!tpu.dma_semaphore, #tpu.memory_space<semaphore_mem>>)
      %dma_wait3A = arith.constant 0 : i32
      %dma_wait3A_138 = tpu.memref_slice %arg10[%add3A_116, %dma_wait3A] : memref<10240x128xf32, #tpu.memory_space<vmem_shared>> -> memref<80x128xf32, #tpu.memory_space<vmem_shared>>
      %dma_wait3A_139 = arith.constant 0 : i32
      %dma_wait3A_140 = tpu.memref_slice %arg10[%add3A_116, %dma_wait3A_139] : memref<10240x128xf32, #tpu.memory_space<vmem_shared>> -> memref<80x128xf32, #tpu.memory_space<vmem_shared>>
      tpu.wait_dma2 semaphore(%run_scoped3A : memref<!tpu.dma_semaphore, #tpu.memory_space<semaphore_mem>>) src(%dma_wait3A_140 : memref<80x128xf32, #tpu.memory_space<vmem_shared>>) dst(%arg8 : memref<80x128xf32, #tpu.memory_space<vmem>>)
      tpu.yield
    }) : () -> ()
    %mul3A_117 = arith.constant 10240 : i32
    %mul3A_118 = arith.muli %arg0, %mul3A_117 : i32
    %mul3A_119 = arith.constant 640 : i32
    %mul3A_120 = arith.muli %arg1, %mul3A_119 : i32
    %add3A_121 = arith.addi %mul3A_118, %mul3A_120 : i32
    %add3A_122 = arith.constant 480 : i32
    %add3A_123 = arith.addi %add3A_121, %add3A_122 : i32
    "tpu.region"() ({
      %run_scoped3A = tpu.sem_alloc : memref<!tpu.dma_semaphore, #tpu.memory_space<semaphore_mem>>
      %dma_start3A = arith.constant 0 : i32
      %dma_start3A_135 = tpu.memref_slice %arg5[%add3A_123, %dma_start3A] : memref<20480x128xf32, #tpu.memory_space<hbm>> -> memref<80x128xf32, #tpu.memory_space<hbm>>
      %dma_start3A_136 = arith.constant 0 : i32
      %dma_start3A_137 = tpu.memref_slice %arg5[%add3A_123, %dma_start3A_136] : memref<20480x128xf32, #tpu.memory_space<hbm>> -> memref<80x128xf32, #tpu.memory_space<hbm>>
      tpu.enqueue_dma source(%arg8 : memref<80x128xf32, #tpu.memory_space<vmem>>) target(%dma_start3A_137 : memref<80x128xf32, #tpu.memory_space<hbm>>) target_semaphore(%run_scoped3A : memref<!tpu.dma_semaphore, #tpu.memory_space<semaphore_mem>>)
      %dma_wait3A = arith.constant 0 : i32
      %dma_wait3A_138 = tpu.memref_slice %arg5[%add3A_123, %dma_wait3A] : memref<20480x128xf32, #tpu.memory_space<hbm>> -> memref<80x128xf32, #tpu.memory_space<hbm>>
      %dma_wait3A_139 = arith.constant 0 : i32
      %dma_wait3A_140 = tpu.memref_slice %arg5[%add3A_123, %dma_wait3A_139] : memref<20480x128xf32, #tpu.memory_space<hbm>> -> memref<80x128xf32, #tpu.memory_space<hbm>>
      tpu.wait_dma2 semaphore(%run_scoped3A : memref<!tpu.dma_semaphore, #tpu.memory_space<semaphore_mem>>) src(%arg8 : memref<80x128xf32, #tpu.memory_space<vmem>>) dst(%dma_wait3A_140 : memref<80x128xf32, #tpu.memory_space<hbm>>)
      tpu.yield
    }) : () -> ()
    %mul3A_124 = arith.constant 640 : i32
    %mul3A_125 = arith.muli %arg1, %mul3A_124 : i32
    %add3A_126 = arith.constant 560 : i32
    %add3A_127 = arith.addi %mul3A_125, %add3A_126 : i32
    "tpu.region"() ({
      %run_scoped3A = tpu.sem_alloc : memref<!tpu.dma_semaphore, #tpu.memory_space<semaphore_mem>>
      %dma_start3A = arith.constant 0 : i32
      %dma_start3A_135 = tpu.memref_slice %arg10[%add3A_127, %dma_start3A] : memref<10240x128xf32, #tpu.memory_space<vmem_shared>> -> memref<80x128xf32, #tpu.memory_space<vmem_shared>>
      %dma_start3A_136 = arith.constant 0 : i32
      %dma_start3A_137 = tpu.memref_slice %arg10[%add3A_127, %dma_start3A_136] : memref<10240x128xf32, #tpu.memory_space<vmem_shared>> -> memref<80x128xf32, #tpu.memory_space<vmem_shared>>
      tpu.enqueue_dma source(%dma_start3A_137 : memref<80x128xf32, #tpu.memory_space<vmem_shared>>) target(%arg8 : memref<80x128xf32, #tpu.memory_space<vmem>>) target_semaphore(%run_scoped3A : memref<!tpu.dma_semaphore, #tpu.memory_space<semaphore_mem>>)
      %dma_wait3A = arith.constant 0 : i32
      %dma_wait3A_138 = tpu.memref_slice %arg10[%add3A_127, %dma_wait3A] : memref<10240x128xf32, #tpu.memory_space<vmem_shared>> -> memref<80x128xf32, #tpu.memory_space<vmem_shared>>
      %dma_wait3A_139 = arith.constant 0 : i32
      %dma_wait3A_140 = tpu.memref_slice %arg10[%add3A_127, %dma_wait3A_139] : memref<10240x128xf32, #tpu.memory_space<vmem_shared>> -> memref<80x128xf32, #tpu.memory_space<vmem_shared>>
      tpu.wait_dma2 semaphore(%run_scoped3A : memref<!tpu.dma_semaphore, #tpu.memory_space<semaphore_mem>>) src(%dma_wait3A_140 : memref<80x128xf32, #tpu.memory_space<vmem_shared>>) dst(%arg8 : memref<80x128xf32, #tpu.memory_space<vmem>>)
      tpu.yield
    }) : () -> ()
    %mul3A_128 = arith.constant 10240 : i32
    %mul3A_129 = arith.muli %arg0, %mul3A_128 : i32
    %mul3A_130 = arith.constant 640 : i32
    %mul3A_131 = arith.muli %arg1, %mul3A_130 : i32
    %add3A_132 = arith.addi %mul3A_129, %mul3A_131 : i32
    %add3A_133 = arith.constant 560 : i32
    %add3A_134 = arith.addi %add3A_132, %add3A_133 : i32
    "tpu.region"() ({
      %run_scoped3A = tpu.sem_alloc : memref<!tpu.dma_semaphore, #tpu.memory_space<semaphore_mem>>
      %dma_start3A = arith.constant 0 : i32
      %dma_start3A_135 = tpu.memref_slice %arg5[%add3A_134, %dma_start3A] : memref<20480x128xf32, #tpu.memory_space<hbm>> -> memref<80x128xf32, #tpu.memory_space<hbm>>
      %dma_start3A_136 = arith.constant 0 : i32
      %dma_start3A_137 = tpu.memref_slice %arg5[%add3A_134, %dma_start3A_136] : memref<20480x128xf32, #tpu.memory_space<hbm>> -> memref<80x128xf32, #tpu.memory_space<hbm>>
      tpu.enqueue_dma source(%arg8 : memref<80x128xf32, #tpu.memory_space<vmem>>) target(%dma_start3A_137 : memref<80x128xf32, #tpu.memory_space<hbm>>) target_semaphore(%run_scoped3A : memref<!tpu.dma_semaphore, #tpu.memory_space<semaphore_mem>>)
      %dma_wait3A = arith.constant 0 : i32
      %dma_wait3A_138 = tpu.memref_slice %arg5[%add3A_134, %dma_wait3A] : memref<20480x128xf32, #tpu.memory_space<hbm>> -> memref<80x128xf32, #tpu.memory_space<hbm>>
      %dma_wait3A_139 = arith.constant 0 : i32
      %dma_wait3A_140 = tpu.memref_slice %arg5[%add3A_134, %dma_wait3A_139] : memref<20480x128xf32, #tpu.memory_space<hbm>> -> memref<80x128xf32, #tpu.memory_space<hbm>>
      tpu.wait_dma2 semaphore(%run_scoped3A : memref<!tpu.dma_semaphore, #tpu.memory_space<semaphore_mem>>) src(%arg8 : memref<80x128xf32, #tpu.memory_space<vmem>>) dst(%dma_wait3A_140 : memref<80x128xf32, #tpu.memory_space<hbm>>)
      tpu.yield
    }) : () -> ()
    return
  }
}

#map = affine_map<(d0, d1) -> (0, 0)>
#map1 = affine_map<(d0, d1) -> (0, 0, 0)>
module attributes {stable_mosaic.version = 14 : i64} {
  func.func @_sc_aggregate(%arg0: i32, %arg1: i32, %arg2: memref<10000x128xf32, #tpu.memory_space<hbm>>, %arg3: memref<32x125x80xi32, #tpu.memory_space<hbm>>, %arg4: memref<32x125x80xi32, #tpu.memory_space<hbm>>, %arg5: memref<20480x128xf32, #tpu.memory_space<hbm>>, %arg6: memref<125x80xi32, #tpu.memory_space<vmem>>, %arg7: memref<125x80xi32, #tpu.memory_space<vmem>>, %arg8: memref<80x128xf32, #tpu.memory_space<vmem>>, %arg9: memref<!tpu.dma_semaphore, #tpu.memory_space<semaphore_mem>>, %arg10: memref<10240x128xf32, #tpu.memory_space<vmem_shared>>) attributes {dimension_semantics = [#tpu.dimension_semantics<core_parallel>, #tpu.dimension_semantics<subcore_parallel>], iteration_bounds = array<i64: 2, 16>, scalar_prefetch = 0 : i64, scratch_operands = 5 : i64, tpu.core_type = #tpu.core_type<sc_vector_subcore>, window_params = [{transform_indices = #map}, {transform_indices = #map1}, {transform_indices = #map1}, {transform_indices = #map}]} {
    %mul3A = arith.constant 2 : i32
    %mul3A_0 = arith.muli %arg1, %mul3A : i32
    %add3A = arith.addi %mul3A_0, %arg0 : i32
    %scan3A = arith.constant 0 : i32
    %scan3A_1 = arith.constant 0 : i32
    %scan3A_2 = arith.constant 80 : i32
    %scan3A_3 = arith.addi %scan3A_1, %scan3A_2 : i32
    %scan3A_4 = arith.constant 1 : i32
    %scan3A_5 = scf.for %scan3A_135 = %scan3A_1 to %scan3A_3 step %scan3A_4 iter_args(%scan3A_136 = %scan3A) -> (i32)  : i32 {
      %broadcast_in_dim3A = arith.constant 0.000000e+00 : f32
      %broadcast_in_dim3A_137 = vector.broadcast %broadcast_in_dim3A : f32 to vector<16xf32>
      %swap3A = arith.index_cast %scan3A_135 : i32 to index
      %swap3A_138 = arith.constant 0 : index
      %swap3A_139 = tpu.vector_load %arg8[%swap3A, %swap3A_138] {strides = array<i32>} : memref<80x128xf32, #tpu.memory_space<vmem>>, vector<1x16xf32>,
      %swap3A_140 = vector.shape_cast %swap3A_139 : vector<1x16xf32> to vector<16xf32>
      %swap3A_141 = vector.shape_cast %broadcast_in_dim3A_137 : vector<16xf32> to vector<1x16xf32>
      tpu.vector_store %arg8[%swap3A, %swap3A_138], %swap3A_141 {strides = array<i32>} : memref<80x128xf32, #tpu.memory_space<vmem>>, vector<1x16xf32>,
      %broadcast_in_dim3A_142 = arith.constant 0.000000e+00 : f32
      %broadcast_in_dim3A_143 = vector.broadcast %broadcast_in_dim3A_142 : f32 to vector<16xf32>
      %swap3A_144 = arith.index_cast %scan3A_135 : i32 to index
      %swap3A_145 = arith.constant 16 : index
      %swap3A_146 = tpu.vector_load %arg8[%swap3A_144, %swap3A_145] {strides = array<i32>} : memref<80x128xf32, #tpu.memory_space<vmem>>, vector<1x16xf32>,
      %swap3A_147 = vector.shape_cast %swap3A_146 : vector<1x16xf32> to vector<16xf32>
      %swap3A_148 = vector.shape_cast %broadcast_in_dim3A_143 : vector<16xf32> to vector<1x16xf32>
      tpu.vector_store %arg8[%swap3A_144, %swap3A_145], %swap3A_148 {strides = array<i32>} : memref<80x128xf32, #tpu.memory_space<vmem>>, vector<1x16xf32>,
      %broadcast_in_dim3A_149 = arith.constant 0.000000e+00 : f32
      %broadcast_in_dim3A_150 = vector.broadcast %broadcast_in_dim3A_149 : f32 to vector<16xf32>
      %swap3A_151 = arith.index_cast %scan3A_135 : i32 to index
      %swap3A_152 = arith.constant 32 : index
      %swap3A_153 = tpu.vector_load %arg8[%swap3A_151, %swap3A_152] {strides = array<i32>} : memref<80x128xf32, #tpu.memory_space<vmem>>, vector<1x16xf32>,
      %swap3A_154 = vector.shape_cast %swap3A_153 : vector<1x16xf32> to vector<16xf32>
      %swap3A_155 = vector.shape_cast %broadcast_in_dim3A_150 : vector<16xf32> to vector<1x16xf32>
      tpu.vector_store %arg8[%swap3A_151, %swap3A_152], %swap3A_155 {strides = array<i32>} : memref<80x128xf32, #tpu.memory_space<vmem>>, vector<1x16xf32>,
      %broadcast_in_dim3A_156 = arith.constant 0.000000e+00 : f32
      %broadcast_in_dim3A_157 = vector.broadcast %broadcast_in_dim3A_156 : f32 to vector<16xf32>
      %swap3A_158 = arith.index_cast %scan3A_135 : i32 to index
      %swap3A_159 = arith.constant 48 : index
      %swap3A_160 = tpu.vector_load %arg8[%swap3A_158, %swap3A_159] {strides = array<i32>} : memref<80x128xf32, #tpu.memory_space<vmem>>, vector<1x16xf32>,
      %swap3A_161 = vector.shape_cast %swap3A_160 : vector<1x16xf32> to vector<16xf32>
      %swap3A_162 = vector.shape_cast %broadcast_in_dim3A_157 : vector<16xf32> to vector<1x16xf32>
      tpu.vector_store %arg8[%swap3A_158, %swap3A_159], %swap3A_162 {strides = array<i32>} : memref<80x128xf32, #tpu.memory_space<vmem>>, vector<1x16xf32>,
      %broadcast_in_dim3A_163 = arith.constant 0.000000e+00 : f32
      %broadcast_in_dim3A_164 = vector.broadcast %broadcast_in_dim3A_163 : f32 to vector<16xf32>
      %swap3A_165 = arith.index_cast %scan3A_135 : i32 to index
      %swap3A_166 = arith.constant 64 : index
      %swap3A_167 = tpu.vector_load %arg8[%swap3A_165, %swap3A_166] {strides = array<i32>} : memref<80x128xf32, #tpu.memory_space<vmem>>, vector<1x16xf32>,
      %swap3A_168 = vector.shape_cast %swap3A_167 : vector<1x16xf32> to vector<16xf32>
      %swap3A_169 = vector.shape_cast %broadcast_in_dim3A_164 : vector<16xf32> to vector<1x16xf32>
      tpu.vector_store %arg8[%swap3A_165, %swap3A_166], %swap3A_169 {strides = array<i32>} : memref<80x128xf32, #tpu.memory_space<vmem>>, vector<1x16xf32>,
      %broadcast_in_dim3A_170 = arith.constant 0.000000e+00 : f32
      %broadcast_in_dim3A_171 = vector.broadcast %broadcast_in_dim3A_170 : f32 to vector<16xf32>
      %swap3A_172 = arith.index_cast %scan3A_135 : i32 to index
      %swap3A_173 = arith.constant 80 : index
      %swap3A_174 = tpu.vector_load %arg8[%swap3A_172, %swap3A_173] {strides = array<i32>} : memref<80x128xf32, #tpu.memory_space<vmem>>, vector<1x16xf32>,
      %swap3A_175 = vector.shape_cast %swap3A_174 : vector<1x16xf32> to vector<16xf32>
      %swap3A_176 = vector.shape_cast %broadcast_in_dim3A_171 : vector<16xf32> to vector<1x16xf32>
      tpu.vector_store %arg8[%swap3A_172, %swap3A_173], %swap3A_176 {strides = array<i32>} : memref<80x128xf32, #tpu.memory_space<vmem>>, vector<1x16xf32>,
      %broadcast_in_dim3A_177 = arith.constant 0.000000e+00 : f32
      %broadcast_in_dim3A_178 = vector.broadcast %broadcast_in_dim3A_177 : f32 to vector<16xf32>
      %swap3A_179 = arith.index_cast %scan3A_135 : i32 to index
      %swap3A_180 = arith.constant 96 : index
      %swap3A_181 = tpu.vector_load %arg8[%swap3A_179, %swap3A_180] {strides = array<i32>} : memref<80x128xf32, #tpu.memory_space<vmem>>, vector<1x16xf32>,
      %swap3A_182 = vector.shape_cast %swap3A_181 : vector<1x16xf32> to vector<16xf32>
      %swap3A_183 = vector.shape_cast %broadcast_in_dim3A_178 : vector<16xf32> to vector<1x16xf32>
      tpu.vector_store %arg8[%swap3A_179, %swap3A_180], %swap3A_183 {strides = array<i32>} : memref<80x128xf32, #tpu.memory_space<vmem>>, vector<1x16xf32>,
      %broadcast_in_dim3A_184 = arith.constant 0.000000e+00 : f32
      %broadcast_in_dim3A_185 = vector.broadcast %broadcast_in_dim3A_184 : f32 to vector<16xf32>
      %swap3A_186 = arith.index_cast %scan3A_135 : i32 to index
      %swap3A_187 = arith.constant 112 : index
      %swap3A_188 = tpu.vector_load %arg8[%swap3A_186, %swap3A_187] {strides = array<i32>} : memref<80x128xf32, #tpu.memory_space<vmem>>, vector<1x16xf32>,
      %swap3A_189 = vector.shape_cast %swap3A_188 : vector<1x16xf32> to vector<16xf32>
      %swap3A_190 = vector.shape_cast %broadcast_in_dim3A_185 : vector<16xf32> to vector<1x16xf32>
      tpu.vector_store %arg8[%swap3A_186, %swap3A_187], %swap3A_190 {strides = array<i32>} : memref<80x128xf32, #tpu.memory_space<vmem>>, vector<1x16xf32>,
      %scan3A_191 = arith.constant 0 : i32
      scf.yield %scan3A_191 : i32
    }
    %scan3A_6 = arith.constant 80 : i32
    "tpu.region"() ({
      %run_scoped3A = tpu.sem_alloc : memref<!tpu.dma_semaphore, #tpu.memory_space<semaphore_mem>>
      %dma_start3A = arith.constant 0 : i32
      %dma_start3A_135 = arith.constant 0 : i32
      %dma_start3A_136 = tpu.memref_slice %arg3[%add3A, %dma_start3A, %dma_start3A_135] : memref<32x125x80xi32, #tpu.memory_space<hbm>> -> memref<1x125x80xi32, #tpu.memory_space<hbm>>
      %dma_start3A_137 = tpu.memref_squeeze %dma_start3A_136 : memref<1x125x80xi32, #tpu.memory_space<hbm>> -> memref<125x80xi32, #tpu.memory_space<hbm>>
      %dma_start3A_138 = arith.constant 0 : i32
      %dma_start3A_139 = arith.constant 0 : i32
      %dma_start3A_140 = tpu.memref_slice %arg3[%add3A, %dma_start3A_138, %dma_start3A_139] : memref<32x125x80xi32, #tpu.memory_space<hbm>> -> memref<1x125x80xi32, #tpu.memory_space<hbm>>
      %dma_start3A_141 = tpu.memref_squeeze %dma_start3A_140 : memref<1x125x80xi32, #tpu.memory_space<hbm>> -> memref<125x80xi32, #tpu.memory_space<hbm>>
      tpu.enqueue_dma source(%dma_start3A_141 : memref<125x80xi32, #tpu.memory_space<hbm>>) target(%arg6 : memref<125x80xi32, #tpu.memory_space<vmem>>) target_semaphore(%run_scoped3A : memref<!tpu.dma_semaphore, #tpu.memory_space<semaphore_mem>>)
      %dma_wait3A = arith.constant 0 : i32
      %dma_wait3A_142 = arith.constant 0 : i32
      %dma_wait3A_143 = tpu.memref_slice %arg3[%add3A, %dma_wait3A, %dma_wait3A_142] : memref<32x125x80xi32, #tpu.memory_space<hbm>> -> memref<1x125x80xi32, #tpu.memory_space<hbm>>
      %dma_wait3A_144 = tpu.memref_squeeze %dma_wait3A_143 : memref<1x125x80xi32, #tpu.memory_space<hbm>> -> memref<125x80xi32, #tpu.memory_space<hbm>>
      %dma_wait3A_145 = arith.constant 0 : i32
      %dma_wait3A_146 = arith.constant 0 : i32
      %dma_wait3A_147 = tpu.memref_slice %arg3[%add3A, %dma_wait3A_145, %dma_wait3A_146] : memref<32x125x80xi32, #tpu.memory_space<hbm>> -> memref<1x125x80xi32, #tpu.memory_space<hbm>>
      %dma_wait3A_148 = tpu.memref_squeeze %dma_wait3A_147 : memref<1x125x80xi32, #tpu.memory_space<hbm>> -> memref<125x80xi32, #tpu.memory_space<hbm>>
      tpu.wait_dma2 semaphore(%run_scoped3A : memref<!tpu.dma_semaphore, #tpu.memory_space<semaphore_mem>>) src(%dma_wait3A_148 : memref<125x80xi32, #tpu.memory_space<hbm>>) dst(%arg6 : memref<125x80xi32, #tpu.memory_space<vmem>>)
      tpu.yield
    }) : () -> ()
    "tpu.region"() ({
      %run_scoped3A = tpu.sem_alloc : memref<!tpu.dma_semaphore, #tpu.memory_space<semaphore_mem>>
      %dma_start3A = arith.constant 0 : i32
      %dma_start3A_135 = arith.constant 0 : i32
      %dma_start3A_136 = tpu.memref_slice %arg4[%add3A, %dma_start3A, %dma_start3A_135] : memref<32x125x80xi32, #tpu.memory_space<hbm>> -> memref<1x125x80xi32, #tpu.memory_space<hbm>>
      %dma_start3A_137 = tpu.memref_squeeze %dma_start3A_136 : memref<1x125x80xi32, #tpu.memory_space<hbm>> -> memref<125x80xi32, #tpu.memory_space<hbm>>
      %dma_start3A_138 = arith.constant 0 : i32
      %dma_start3A_139 = arith.constant 0 : i32
      %dma_start3A_140 = tpu.memref_slice %arg4[%add3A, %dma_start3A_138, %dma_start3A_139] : memref<32x125x80xi32, #tpu.memory_space<hbm>> -> memref<1x125x80xi32, #tpu.memory_space<hbm>>
      %dma_start3A_141 = tpu.memref_squeeze %dma_start3A_140 : memref<1x125x80xi32, #tpu.memory_space<hbm>> -> memref<125x80xi32, #tpu.memory_space<hbm>>
      tpu.enqueue_dma source(%dma_start3A_141 : memref<125x80xi32, #tpu.memory_space<hbm>>) target(%arg7 : memref<125x80xi32, #tpu.memory_space<vmem>>) target_semaphore(%run_scoped3A : memref<!tpu.dma_semaphore, #tpu.memory_space<semaphore_mem>>)
      %dma_wait3A = arith.constant 0 : i32
      %dma_wait3A_142 = arith.constant 0 : i32
      %dma_wait3A_143 = tpu.memref_slice %arg4[%add3A, %dma_wait3A, %dma_wait3A_142] : memref<32x125x80xi32, #tpu.memory_space<hbm>> -> memref<1x125x80xi32, #tpu.memory_space<hbm>>
      %dma_wait3A_144 = tpu.memref_squeeze %dma_wait3A_143 : memref<1x125x80xi32, #tpu.memory_space<hbm>> -> memref<125x80xi32, #tpu.memory_space<hbm>>
      %dma_wait3A_145 = arith.constant 0 : i32
      %dma_wait3A_146 = arith.constant 0 : i32
      %dma_wait3A_147 = tpu.memref_slice %arg4[%add3A, %dma_wait3A_145, %dma_wait3A_146] : memref<32x125x80xi32, #tpu.memory_space<hbm>> -> memref<1x125x80xi32, #tpu.memory_space<hbm>>
      %dma_wait3A_148 = tpu.memref_squeeze %dma_wait3A_147 : memref<1x125x80xi32, #tpu.memory_space<hbm>> -> memref<125x80xi32, #tpu.memory_space<hbm>>
      tpu.wait_dma2 semaphore(%run_scoped3A : memref<!tpu.dma_semaphore, #tpu.memory_space<semaphore_mem>>) src(%dma_wait3A_148 : memref<125x80xi32, #tpu.memory_space<hbm>>) dst(%arg7 : memref<125x80xi32, #tpu.memory_space<vmem>>)
      tpu.yield
    }) : () -> ()
    %mul3A_7 = arith.constant 640 : i32
    %mul3A_8 = arith.muli %arg1, %mul3A_7 : i32
    %add3A_9 = arith.constant 0 : i32
    %add3A_10 = arith.addi %mul3A_8, %add3A_9 : i32
    "tpu.region"() ({
      %run_scoped3A = tpu.sem_alloc : memref<!tpu.dma_semaphore, #tpu.memory_space<semaphore_mem>>
      %dma_start3A = arith.constant 0 : i32
      %dma_start3A_135 = tpu.memref_slice %arg10[%add3A_10, %dma_start3A] : memref<10240x128xf32, #tpu.memory_space<vmem_shared>> -> memref<80x128xf32, #tpu.memory_space<vmem_shared>>
      %dma_start3A_136 = arith.constant 0 : i32
      %dma_start3A_137 = tpu.memref_slice %arg10[%add3A_10, %dma_start3A_136] : memref<10240x128xf32, #tpu.memory_space<vmem_shared>> -> memref<80x128xf32, #tpu.memory_space<vmem_shared>>
      tpu.enqueue_dma source(%arg8 : memref<80x128xf32, #tpu.memory_space<vmem>>) target(%dma_start3A_137 : memref<80x128xf32, #tpu.memory_space<vmem_shared>>) target_semaphore(%run_scoped3A : memref<!tpu.dma_semaphore, #tpu.memory_space<semaphore_mem>>)
      %dma_wait3A = arith.constant 0 : i32
      %dma_wait3A_138 = tpu.memref_slice %arg10[%add3A_10, %dma_wait3A] : memref<10240x128xf32, #tpu.memory_space<vmem_shared>> -> memref<80x128xf32, #tpu.memory_space<vmem_shared>>
      %dma_wait3A_139 = arith.constant 0 : i32
      %dma_wait3A_140 = tpu.memref_slice %arg10[%add3A_10, %dma_wait3A_139] : memref<10240x128xf32, #tpu.memory_space<vmem_shared>> -> memref<80x128xf32, #tpu.memory_space<vmem_shared>>
      tpu.wait_dma2 semaphore(%run_scoped3A : memref<!tpu.dma_semaphore, #tpu.memory_space<semaphore_mem>>) src(%arg8 : memref<80x128xf32, #tpu.memory_space<vmem>>) dst(%dma_wait3A_140 : memref<80x128xf32, #tpu.memory_space<vmem_shared>>)
      tpu.yield
    }) : () -> ()
    %mul3A_11 = arith.constant 640 : i32
    %mul3A_12 = arith.muli %arg1, %mul3A_11 : i32
    %add3A_13 = arith.constant 80 : i32
    %add3A_14 = arith.addi %mul3A_12, %add3A_13 : i32
    "tpu.region"() ({
      %run_scoped3A = tpu.sem_alloc : memref<!tpu.dma_semaphore, #tpu.memory_space<semaphore_mem>>
      %dma_start3A = arith.constant 0 : i32
      %dma_start3A_135 = tpu.memref_slice %arg10[%add3A_14, %dma_start3A] : memref<10240x128xf32, #tpu.memory_space<vmem_shared>> -> memref<80x128xf32, #tpu.memory_space<vmem_shared>>
      %dma_start3A_136 = arith.constant 0 : i32
      %dma_start3A_137 = tpu.memref_slice %arg10[%add3A_14, %dma_start3A_136] : memref<10240x128xf32, #tpu.memory_space<vmem_shared>> -> memref<80x128xf32, #tpu.memory_space<vmem_shared>>
      tpu.enqueue_dma source(%arg8 : memref<80x128xf32, #tpu.memory_space<vmem>>) target(%dma_start3A_137 : memref<80x128xf32, #tpu.memory_space<vmem_shared>>) target_semaphore(%run_scoped3A : memref<!tpu.dma_semaphore, #tpu.memory_space<semaphore_mem>>)
      %dma_wait3A = arith.constant 0 : i32
      %dma_wait3A_138 = tpu.memref_slice %arg10[%add3A_14, %dma_wait3A] : memref<10240x128xf32, #tpu.memory_space<vmem_shared>> -> memref<80x128xf32, #tpu.memory_space<vmem_shared>>
      %dma_wait3A_139 = arith.constant 0 : i32
      %dma_wait3A_140 = tpu.memref_slice %arg10[%add3A_14, %dma_wait3A_139] : memref<10240x128xf32, #tpu.memory_space<vmem_shared>> -> memref<80x128xf32, #tpu.memory_space<vmem_shared>>
      tpu.wait_dma2 semaphore(%run_scoped3A : memref<!tpu.dma_semaphore, #tpu.memory_space<semaphore_mem>>) src(%arg8 : memref<80x128xf32, #tpu.memory_space<vmem>>) dst(%dma_wait3A_140 : memref<80x128xf32, #tpu.memory_space<vmem_shared>>)
      tpu.yield
    }) : () -> ()
    %mul3A_15 = arith.constant 640 : i32
    %mul3A_16 = arith.muli %arg1, %mul3A_15 : i32
    %add3A_17 = arith.constant 160 : i32
    %add3A_18 = arith.addi %mul3A_16, %add3A_17 : i32
    "tpu.region"() ({
      %run_scoped3A = tpu.sem_alloc : memref<!tpu.dma_semaphore, #tpu.memory_space<semaphore_mem>>
      %dma_start3A = arith.constant 0 : i32
      %dma_start3A_135 = tpu.memref_slice %arg10[%add3A_18, %dma_start3A] : memref<10240x128xf32, #tpu.memory_space<vmem_shared>> -> memref<80x128xf32, #tpu.memory_space<vmem_shared>>
      %dma_start3A_136 = arith.constant 0 : i32
      %dma_start3A_137 = tpu.memref_slice %arg10[%add3A_18, %dma_start3A_136] : memref<10240x128xf32, #tpu.memory_space<vmem_shared>> -> memref<80x128xf32, #tpu.memory_space<vmem_shared>>
      tpu.enqueue_dma source(%arg8 : memref<80x128xf32, #tpu.memory_space<vmem>>) target(%dma_start3A_137 : memref<80x128xf32, #tpu.memory_space<vmem_shared>>) target_semaphore(%run_scoped3A : memref<!tpu.dma_semaphore, #tpu.memory_space<semaphore_mem>>)
      %dma_wait3A = arith.constant 0 : i32
      %dma_wait3A_138 = tpu.memref_slice %arg10[%add3A_18, %dma_wait3A] : memref<10240x128xf32, #tpu.memory_space<vmem_shared>> -> memref<80x128xf32, #tpu.memory_space<vmem_shared>>
      %dma_wait3A_139 = arith.constant 0 : i32
      %dma_wait3A_140 = tpu.memref_slice %arg10[%add3A_18, %dma_wait3A_139] : memref<10240x128xf32, #tpu.memory_space<vmem_shared>> -> memref<80x128xf32, #tpu.memory_space<vmem_shared>>
      tpu.wait_dma2 semaphore(%run_scoped3A : memref<!tpu.dma_semaphore, #tpu.memory_space<semaphore_mem>>) src(%arg8 : memref<80x128xf32, #tpu.memory_space<vmem>>) dst(%dma_wait3A_140 : memref<80x128xf32, #tpu.memory_space<vmem_shared>>)
      tpu.yield
    }) : () -> ()
    %mul3A_19 = arith.constant 640 : i32
    %mul3A_20 = arith.muli %arg1, %mul3A_19 : i32
    %add3A_21 = arith.constant 240 : i32
    %add3A_22 = arith.addi %mul3A_20, %add3A_21 : i32
    "tpu.region"() ({
      %run_scoped3A = tpu.sem_alloc : memref<!tpu.dma_semaphore, #tpu.memory_space<semaphore_mem>>
      %dma_start3A = arith.constant 0 : i32
      %dma_start3A_135 = tpu.memref_slice %arg10[%add3A_22, %dma_start3A] : memref<10240x128xf32, #tpu.memory_space<vmem_shared>> -> memref<80x128xf32, #tpu.memory_space<vmem_shared>>
      %dma_start3A_136 = arith.constant 0 : i32
      %dma_start3A_137 = tpu.memref_slice %arg10[%add3A_22, %dma_start3A_136] : memref<10240x128xf32, #tpu.memory_space<vmem_shared>> -> memref<80x128xf32, #tpu.memory_space<vmem_shared>>
      tpu.enqueue_dma source(%arg8 : memref<80x128xf32, #tpu.memory_space<vmem>>) target(%dma_start3A_137 : memref<80x128xf32, #tpu.memory_space<vmem_shared>>) target_semaphore(%run_scoped3A : memref<!tpu.dma_semaphore, #tpu.memory_space<semaphore_mem>>)
      %dma_wait3A = arith.constant 0 : i32
      %dma_wait3A_138 = tpu.memref_slice %arg10[%add3A_22, %dma_wait3A] : memref<10240x128xf32, #tpu.memory_space<vmem_shared>> -> memref<80x128xf32, #tpu.memory_space<vmem_shared>>
      %dma_wait3A_139 = arith.constant 0 : i32
      %dma_wait3A_140 = tpu.memref_slice %arg10[%add3A_22, %dma_wait3A_139] : memref<10240x128xf32, #tpu.memory_space<vmem_shared>> -> memref<80x128xf32, #tpu.memory_space<vmem_shared>>
      tpu.wait_dma2 semaphore(%run_scoped3A : memref<!tpu.dma_semaphore, #tpu.memory_space<semaphore_mem>>) src(%arg8 : memref<80x128xf32, #tpu.memory_space<vmem>>) dst(%dma_wait3A_140 : memref<80x128xf32, #tpu.memory_space<vmem_shared>>)
      tpu.yield
    }) : () -> ()
    %mul3A_23 = arith.constant 640 : i32
    %mul3A_24 = arith.muli %arg1, %mul3A_23 : i32
    %add3A_25 = arith.constant 320 : i32
    %add3A_26 = arith.addi %mul3A_24, %add3A_25 : i32
    "tpu.region"() ({
      %run_scoped3A = tpu.sem_alloc : memref<!tpu.dma_semaphore, #tpu.memory_space<semaphore_mem>>
      %dma_start3A = arith.constant 0 : i32
      %dma_start3A_135 = tpu.memref_slice %arg10[%add3A_26, %dma_start3A] : memref<10240x128xf32, #tpu.memory_space<vmem_shared>> -> memref<80x128xf32, #tpu.memory_space<vmem_shared>>
      %dma_start3A_136 = arith.constant 0 : i32
      %dma_start3A_137 = tpu.memref_slice %arg10[%add3A_26, %dma_start3A_136] : memref<10240x128xf32, #tpu.memory_space<vmem_shared>> -> memref<80x128xf32, #tpu.memory_space<vmem_shared>>
      tpu.enqueue_dma source(%arg8 : memref<80x128xf32, #tpu.memory_space<vmem>>) target(%dma_start3A_137 : memref<80x128xf32, #tpu.memory_space<vmem_shared>>) target_semaphore(%run_scoped3A : memref<!tpu.dma_semaphore, #tpu.memory_space<semaphore_mem>>)
      %dma_wait3A = arith.constant 0 : i32
      %dma_wait3A_138 = tpu.memref_slice %arg10[%add3A_26, %dma_wait3A] : memref<10240x128xf32, #tpu.memory_space<vmem_shared>> -> memref<80x128xf32, #tpu.memory_space<vmem_shared>>
      %dma_wait3A_139 = arith.constant 0 : i32
      %dma_wait3A_140 = tpu.memref_slice %arg10[%add3A_26, %dma_wait3A_139] : memref<10240x128xf32, #tpu.memory_space<vmem_shared>> -> memref<80x128xf32, #tpu.memory_space<vmem_shared>>
      tpu.wait_dma2 semaphore(%run_scoped3A : memref<!tpu.dma_semaphore, #tpu.memory_space<semaphore_mem>>) src(%arg8 : memref<80x128xf32, #tpu.memory_space<vmem>>) dst(%dma_wait3A_140 : memref<80x128xf32, #tpu.memory_space<vmem_shared>>)
      tpu.yield
    }) : () -> ()
    %mul3A_27 = arith.constant 640 : i32
    %mul3A_28 = arith.muli %arg1, %mul3A_27 : i32
    %add3A_29 = arith.constant 400 : i32
    %add3A_30 = arith.addi %mul3A_28, %add3A_29 : i32
    "tpu.region"() ({
      %run_scoped3A = tpu.sem_alloc : memref<!tpu.dma_semaphore, #tpu.memory_space<semaphore_mem>>
      %dma_start3A = arith.constant 0 : i32
      %dma_start3A_135 = tpu.memref_slice %arg10[%add3A_30, %dma_start3A] : memref<10240x128xf32, #tpu.memory_space<vmem_shared>> -> memref<80x128xf32, #tpu.memory_space<vmem_shared>>
      %dma_start3A_136 = arith.constant 0 : i32
      %dma_start3A_137 = tpu.memref_slice %arg10[%add3A_30, %dma_start3A_136] : memref<10240x128xf32, #tpu.memory_space<vmem_shared>> -> memref<80x128xf32, #tpu.memory_space<vmem_shared>>
      tpu.enqueue_dma source(%arg8 : memref<80x128xf32, #tpu.memory_space<vmem>>) target(%dma_start3A_137 : memref<80x128xf32, #tpu.memory_space<vmem_shared>>) target_semaphore(%run_scoped3A : memref<!tpu.dma_semaphore, #tpu.memory_space<semaphore_mem>>)
      %dma_wait3A = arith.constant 0 : i32
      %dma_wait3A_138 = tpu.memref_slice %arg10[%add3A_30, %dma_wait3A] : memref<10240x128xf32, #tpu.memory_space<vmem_shared>> -> memref<80x128xf32, #tpu.memory_space<vmem_shared>>
      %dma_wait3A_139 = arith.constant 0 : i32
      %dma_wait3A_140 = tpu.memref_slice %arg10[%add3A_30, %dma_wait3A_139] : memref<10240x128xf32, #tpu.memory_space<vmem_shared>> -> memref<80x128xf32, #tpu.memory_space<vmem_shared>>
      tpu.wait_dma2 semaphore(%run_scoped3A : memref<!tpu.dma_semaphore, #tpu.memory_space<semaphore_mem>>) src(%arg8 : memref<80x128xf32, #tpu.memory_space<vmem>>) dst(%dma_wait3A_140 : memref<80x128xf32, #tpu.memory_space<vmem_shared>>)
      tpu.yield
    }) : () -> ()
    %mul3A_31 = arith.constant 640 : i32
    %mul3A_32 = arith.muli %arg1, %mul3A_31 : i32
    %add3A_33 = arith.constant 480 : i32
    %add3A_34 = arith.addi %mul3A_32, %add3A_33 : i32
    "tpu.region"() ({
      %run_scoped3A = tpu.sem_alloc : memref<!tpu.dma_semaphore, #tpu.memory_space<semaphore_mem>>
      %dma_start3A = arith.constant 0 : i32
      %dma_start3A_135 = tpu.memref_slice %arg10[%add3A_34, %dma_start3A] : memref<10240x128xf32, #tpu.memory_space<vmem_shared>> -> memref<80x128xf32, #tpu.memory_space<vmem_shared>>
      %dma_start3A_136 = arith.constant 0 : i32
      %dma_start3A_137 = tpu.memref_slice %arg10[%add3A_34, %dma_start3A_136] : memref<10240x128xf32, #tpu.memory_space<vmem_shared>> -> memref<80x128xf32, #tpu.memory_space<vmem_shared>>
      tpu.enqueue_dma source(%arg8 : memref<80x128xf32, #tpu.memory_space<vmem>>) target(%dma_start3A_137 : memref<80x128xf32, #tpu.memory_space<vmem_shared>>) target_semaphore(%run_scoped3A : memref<!tpu.dma_semaphore, #tpu.memory_space<semaphore_mem>>)
      %dma_wait3A = arith.constant 0 : i32
      %dma_wait3A_138 = tpu.memref_slice %arg10[%add3A_34, %dma_wait3A] : memref<10240x128xf32, #tpu.memory_space<vmem_shared>> -> memref<80x128xf32, #tpu.memory_space<vmem_shared>>
      %dma_wait3A_139 = arith.constant 0 : i32
      %dma_wait3A_140 = tpu.memref_slice %arg10[%add3A_34, %dma_wait3A_139] : memref<10240x128xf32, #tpu.memory_space<vmem_shared>> -> memref<80x128xf32, #tpu.memory_space<vmem_shared>>
      tpu.wait_dma2 semaphore(%run_scoped3A : memref<!tpu.dma_semaphore, #tpu.memory_space<semaphore_mem>>) src(%arg8 : memref<80x128xf32, #tpu.memory_space<vmem>>) dst(%dma_wait3A_140 : memref<80x128xf32, #tpu.memory_space<vmem_shared>>)
      tpu.yield
    }) : () -> ()
    %mul3A_35 = arith.constant 640 : i32
    %mul3A_36 = arith.muli %arg1, %mul3A_35 : i32
    %add3A_37 = arith.constant 560 : i32
    %add3A_38 = arith.addi %mul3A_36, %add3A_37 : i32
    "tpu.region"() ({
      %run_scoped3A = tpu.sem_alloc : memref<!tpu.dma_semaphore, #tpu.memory_space<semaphore_mem>>
      %dma_start3A = arith.constant 0 : i32
      %dma_start3A_135 = tpu.memref_slice %arg10[%add3A_38, %dma_start3A] : memref<10240x128xf32, #tpu.memory_space<vmem_shared>> -> memref<80x128xf32, #tpu.memory_space<vmem_shared>>
      %dma_start3A_136 = arith.constant 0 : i32
      %dma_start3A_137 = tpu.memref_slice %arg10[%add3A_38, %dma_start3A_136] : memref<10240x128xf32, #tpu.memory_space<vmem_shared>> -> memref<80x128xf32, #tpu.memory_space<vmem_shared>>
      tpu.enqueue_dma source(%arg8 : memref<80x128xf32, #tpu.memory_space<vmem>>) target(%dma_start3A_137 : memref<80x128xf32, #tpu.memory_space<vmem_shared>>) target_semaphore(%run_scoped3A : memref<!tpu.dma_semaphore, #tpu.memory_space<semaphore_mem>>)
      %dma_wait3A = arith.constant 0 : i32
      %dma_wait3A_138 = tpu.memref_slice %arg10[%add3A_38, %dma_wait3A] : memref<10240x128xf32, #tpu.memory_space<vmem_shared>> -> memref<80x128xf32, #tpu.memory_space<vmem_shared>>
      %dma_wait3A_139 = arith.constant 0 : i32
      %dma_wait3A_140 = tpu.memref_slice %arg10[%add3A_38, %dma_wait3A_139] : memref<10240x128xf32, #tpu.memory_space<vmem_shared>> -> memref<80x128xf32, #tpu.memory_space<vmem_shared>>
      tpu.wait_dma2 semaphore(%run_scoped3A : memref<!tpu.dma_semaphore, #tpu.memory_space<semaphore_mem>>) src(%arg8 : memref<80x128xf32, #tpu.memory_space<vmem>>) dst(%dma_wait3A_140 : memref<80x128xf32, #tpu.memory_space<vmem_shared>>)
      tpu.yield
    }) : () -> ()
    %barrier3A = arith.constant 0 : index
    tpu.barrier barrier_id(%barrier3A)
    %scan3A_39 = arith.constant 0 : i32
    %scan3A_40 = arith.constant 0 : i32
    %scan3A_41 = arith.constant 125 : i32
    %scan3A_42 = arith.addi %scan3A_40, %scan3A_41 : i32
    %scan3A_43 = arith.constant 1 : i32
    %scan3A_44 = scf.for %scan3A_135 = %scan3A_40 to %scan3A_42 step %scan3A_43 iter_args(%scan3A_136 = %scan3A_39) -> (i32)  : i32 {
      %dma_start3A = arith.constant 0 : i32
      %dma_start3A_137 = tpu.memref_slice %arg6[%scan3A_135, %dma_start3A] : memref<125x80xi32, #tpu.memory_space<vmem>> -> memref<1x80xi32, #tpu.memory_space<vmem>>
      %dma_start3A_138 = tpu.memref_squeeze %dma_start3A_137 : memref<1x80xi32, #tpu.memory_space<vmem>> -> memref<80xi32, #tpu.memory_space<vmem>>
      %dma_start3A_139 = arith.constant 0 : i32
      %dma_start3A_140 = arith.constant 0 : i32
      %dma_start3A_141 = tpu.memref_slice %arg2[%dma_start3A_139, %dma_start3A_140] : memref<10000x128xf32, #tpu.memory_space<hbm>> -> memref<10000x128xf32, #tpu.memory_space<hbm>>
      tpu.enqueue_indirect_dma source(%dma_start3A_141 : memref<10000x128xf32, #tpu.memory_space<hbm>>) target(%arg8 : memref<80x128xf32, #tpu.memory_space<vmem>>) offsets(%dma_start3A_138 : memref<80xi32, #tpu.memory_space<vmem>>) semaphore(%arg9 : memref<!tpu.dma_semaphore, #tpu.memory_space<semaphore_mem>>)
      %dma_wait3A = arith.constant 0 : i32
      %dma_wait3A_142 = tpu.memref_slice %arg6[%scan3A_135, %dma_wait3A] : memref<125x80xi32, #tpu.memory_space<vmem>> -> memref<1x80xi32, #tpu.memory_space<vmem>>
      %dma_wait3A_143 = tpu.memref_squeeze %dma_wait3A_142 : memref<1x80xi32, #tpu.memory_space<vmem>> -> memref<80xi32, #tpu.memory_space<vmem>>
      %dma_wait3A_144 = arith.constant 0 : i32
      %dma_wait3A_145 = arith.constant 0 : i32
      %dma_wait3A_146 = tpu.memref_slice %arg2[%dma_wait3A_144, %dma_wait3A_145] : memref<10000x128xf32, #tpu.memory_space<hbm>> -> memref<10000x128xf32, #tpu.memory_space<hbm>>
      tpu.wait_indirect_dma semaphore(%arg9 : memref<!tpu.dma_semaphore, #tpu.memory_space<semaphore_mem>>) src(%dma_wait3A_146 : memref<10000x128xf32, #tpu.memory_space<hbm>>) dst(%arg8 : memref<80x128xf32, #tpu.memory_space<vmem>>)
      "tpu.region"() ({
        %run_scoped3A = tpu.sem_alloc : memref<!tpu.dma_semaphore, #tpu.memory_space<semaphore_mem>>
        %dma_start3A_148 = arith.constant 0 : i32
        %dma_start3A_149 = tpu.memref_slice %arg7[%scan3A_135, %dma_start3A_148] : memref<125x80xi32, #tpu.memory_space<vmem>> -> memref<1x80xi32, #tpu.memory_space<vmem>>
        %dma_start3A_150 = tpu.memref_squeeze %dma_start3A_149 : memref<1x80xi32, #tpu.memory_space<vmem>> -> memref<80xi32, #tpu.memory_space<vmem>>
        %dma_start3A_151 = arith.constant 0 : i32
        %dma_start3A_152 = arith.constant 0 : i32
        %dma_start3A_153 = tpu.memref_slice %arg10[%dma_start3A_151, %dma_start3A_152] : memref<10240x128xf32, #tpu.memory_space<vmem_shared>> -> memref<10240x128xf32, #tpu.memory_space<vmem_shared>>
        tpu.enqueue_indirect_dma source(%arg8 : memref<80x128xf32, #tpu.memory_space<vmem>>) target(%dma_start3A_153 : memref<10240x128xf32, #tpu.memory_space<vmem_shared>>) offsets(%dma_start3A_150 : memref<80xi32, #tpu.memory_space<vmem>>) semaphore(%run_scoped3A : memref<!tpu.dma_semaphore, #tpu.memory_space<semaphore_mem>>) {add = true}
        %dma_wait3A_154 = arith.constant 0 : i32
        %dma_wait3A_155 = tpu.memref_slice %arg7[%scan3A_135, %dma_wait3A_154] : memref<125x80xi32, #tpu.memory_space<vmem>> -> memref<1x80xi32, #tpu.memory_space<vmem>>
        %dma_wait3A_156 = tpu.memref_squeeze %dma_wait3A_155 : memref<1x80xi32, #tpu.memory_space<vmem>> -> memref<80xi32, #tpu.memory_space<vmem>>
        %dma_wait3A_157 = arith.constant 0 : i32
        %dma_wait3A_158 = arith.constant 0 : i32
        %dma_wait3A_159 = tpu.memref_slice %arg10[%dma_wait3A_157, %dma_wait3A_158] : memref<10240x128xf32, #tpu.memory_space<vmem_shared>> -> memref<10240x128xf32, #tpu.memory_space<vmem_shared>>
        tpu.wait_indirect_dma semaphore(%run_scoped3A : memref<!tpu.dma_semaphore, #tpu.memory_space<semaphore_mem>>) src(%arg8 : memref<80x128xf32, #tpu.memory_space<vmem>>) dst(%dma_wait3A_159 : memref<10240x128xf32, #tpu.memory_space<vmem_shared>>)
        tpu.yield
      }) : () -> ()
      %scan3A_147 = arith.constant 0 : i32
      scf.yield %scan3A_147 : i32
    }
    %scan3A_45 = arith.constant 125 : i32
    %barrier3A_46 = arith.constant 0 : index
    tpu.barrier barrier_id(%barrier3A_46)
    %mul3A_47 = arith.constant 640 : i32
    %mul3A_48 = arith.muli %arg1, %mul3A_47 : i32
    %add3A_49 = arith.constant 0 : i32
    %add3A_50 = arith.addi %mul3A_48, %add3A_49 : i32
    "tpu.region"() ({
      %run_scoped3A = tpu.sem_alloc : memref<!tpu.dma_semaphore, #tpu.memory_space<semaphore_mem>>
      %dma_start3A = arith.constant 0 : i32
      %dma_start3A_135 = tpu.memref_slice %arg10[%add3A_50, %dma_start3A] : memref<10240x128xf32, #tpu.memory_space<vmem_shared>> -> memref<80x128xf32, #tpu.memory_space<vmem_shared>>
      %dma_start3A_136 = arith.constant 0 : i32
      %dma_start3A_137 = tpu.memref_slice %arg10[%add3A_50, %dma_start3A_136] : memref<10240x128xf32, #tpu.memory_space<vmem_shared>> -> memref<80x128xf32, #tpu.memory_space<vmem_shared>>
      tpu.enqueue_dma source(%dma_start3A_137 : memref<80x128xf32, #tpu.memory_space<vmem_shared>>) target(%arg8 : memref<80x128xf32, #tpu.memory_space<vmem>>) target_semaphore(%run_scoped3A : memref<!tpu.dma_semaphore, #tpu.memory_space<semaphore_mem>>)
      %dma_wait3A = arith.constant 0 : i32
      %dma_wait3A_138 = tpu.memref_slice %arg10[%add3A_50, %dma_wait3A] : memref<10240x128xf32, #tpu.memory_space<vmem_shared>> -> memref<80x128xf32, #tpu.memory_space<vmem_shared>>
      %dma_wait3A_139 = arith.constant 0 : i32
      %dma_wait3A_140 = tpu.memref_slice %arg10[%add3A_50, %dma_wait3A_139] : memref<10240x128xf32, #tpu.memory_space<vmem_shared>> -> memref<80x128xf32, #tpu.memory_space<vmem_shared>>
      tpu.wait_dma2 semaphore(%run_scoped3A : memref<!tpu.dma_semaphore, #tpu.memory_space<semaphore_mem>>) src(%dma_wait3A_140 : memref<80x128xf32, #tpu.memory_space<vmem_shared>>) dst(%arg8 : memref<80x128xf32, #tpu.memory_space<vmem>>)
      tpu.yield
    }) : () -> ()
    %mul3A_51 = arith.constant 10240 : i32
    %mul3A_52 = arith.muli %arg0, %mul3A_51 : i32
    %mul3A_53 = arith.constant 640 : i32
    %mul3A_54 = arith.muli %arg1, %mul3A_53 : i32
    %add3A_55 = arith.addi %mul3A_52, %mul3A_54 : i32
    %add3A_56 = arith.constant 0 : i32
    %add3A_57 = arith.addi %add3A_55, %add3A_56 : i32
    "tpu.region"() ({
      %run_scoped3A = tpu.sem_alloc : memref<!tpu.dma_semaphore, #tpu.memory_space<semaphore_mem>>
      %dma_start3A = arith.constant 0 : i32
      %dma_start3A_135 = tpu.memref_slice %arg5[%add3A_57, %dma_start3A] : memref<20480x128xf32, #tpu.memory_space<hbm>> -> memref<80x128xf32, #tpu.memory_space<hbm>>
      %dma_start3A_136 = arith.constant 0 : i32
      %dma_start3A_137 = tpu.memref_slice %arg5[%add3A_57, %dma_start3A_136] : memref<20480x128xf32, #tpu.memory_space<hbm>> -> memref<80x128xf32, #tpu.memory_space<hbm>>
      tpu.enqueue_dma source(%arg8 : memref<80x128xf32, #tpu.memory_space<vmem>>) target(%dma_start3A_137 : memref<80x128xf32, #tpu.memory_space<hbm>>) target_semaphore(%run_scoped3A : memref<!tpu.dma_semaphore, #tpu.memory_space<semaphore_mem>>)
      %dma_wait3A = arith.constant 0 : i32
      %dma_wait3A_138 = tpu.memref_slice %arg5[%add3A_57, %dma_wait3A] : memref<20480x128xf32, #tpu.memory_space<hbm>> -> memref<80x128xf32, #tpu.memory_space<hbm>>
      %dma_wait3A_139 = arith.constant 0 : i32
      %dma_wait3A_140 = tpu.memref_slice %arg5[%add3A_57, %dma_wait3A_139] : memref<20480x128xf32, #tpu.memory_space<hbm>> -> memref<80x128xf32, #tpu.memory_space<hbm>>
      tpu.wait_dma2 semaphore(%run_scoped3A : memref<!tpu.dma_semaphore, #tpu.memory_space<semaphore_mem>>) src(%arg8 : memref<80x128xf32, #tpu.memory_space<vmem>>) dst(%dma_wait3A_140 : memref<80x128xf32, #tpu.memory_space<hbm>>)
      tpu.yield
    }) : () -> ()
    %mul3A_58 = arith.constant 640 : i32
    %mul3A_59 = arith.muli %arg1, %mul3A_58 : i32
    %add3A_60 = arith.constant 80 : i32
    %add3A_61 = arith.addi %mul3A_59, %add3A_60 : i32
    "tpu.region"() ({
      %run_scoped3A = tpu.sem_alloc : memref<!tpu.dma_semaphore, #tpu.memory_space<semaphore_mem>>
      %dma_start3A = arith.constant 0 : i32
      %dma_start3A_135 = tpu.memref_slice %arg10[%add3A_61, %dma_start3A] : memref<10240x128xf32, #tpu.memory_space<vmem_shared>> -> memref<80x128xf32, #tpu.memory_space<vmem_shared>>
      %dma_start3A_136 = arith.constant 0 : i32
      %dma_start3A_137 = tpu.memref_slice %arg10[%add3A_61, %dma_start3A_136] : memref<10240x128xf32, #tpu.memory_space<vmem_shared>> -> memref<80x128xf32, #tpu.memory_space<vmem_shared>>
      tpu.enqueue_dma source(%dma_start3A_137 : memref<80x128xf32, #tpu.memory_space<vmem_shared>>) target(%arg8 : memref<80x128xf32, #tpu.memory_space<vmem>>) target_semaphore(%run_scoped3A : memref<!tpu.dma_semaphore, #tpu.memory_space<semaphore_mem>>)
      %dma_wait3A = arith.constant 0 : i32
      %dma_wait3A_138 = tpu.memref_slice %arg10[%add3A_61, %dma_wait3A] : memref<10240x128xf32, #tpu.memory_space<vmem_shared>> -> memref<80x128xf32, #tpu.memory_space<vmem_shared>>
      %dma_wait3A_139 = arith.constant 0 : i32
      %dma_wait3A_140 = tpu.memref_slice %arg10[%add3A_61, %dma_wait3A_139] : memref<10240x128xf32, #tpu.memory_space<vmem_shared>> -> memref<80x128xf32, #tpu.memory_space<vmem_shared>>
      tpu.wait_dma2 semaphore(%run_scoped3A : memref<!tpu.dma_semaphore, #tpu.memory_space<semaphore_mem>>) src(%dma_wait3A_140 : memref<80x128xf32, #tpu.memory_space<vmem_shared>>) dst(%arg8 : memref<80x128xf32, #tpu.memory_space<vmem>>)
      tpu.yield
    }) : () -> ()
    %mul3A_62 = arith.constant 10240 : i32
    %mul3A_63 = arith.muli %arg0, %mul3A_62 : i32
    %mul3A_64 = arith.constant 640 : i32
    %mul3A_65 = arith.muli %arg1, %mul3A_64 : i32
    %add3A_66 = arith.addi %mul3A_63, %mul3A_65 : i32
    %add3A_67 = arith.constant 80 : i32
    %add3A_68 = arith.addi %add3A_66, %add3A_67 : i32
    "tpu.region"() ({
      %run_scoped3A = tpu.sem_alloc : memref<!tpu.dma_semaphore, #tpu.memory_space<semaphore_mem>>
      %dma_start3A = arith.constant 0 : i32
      %dma_start3A_135 = tpu.memref_slice %arg5[%add3A_68, %dma_start3A] : memref<20480x128xf32, #tpu.memory_space<hbm>> -> memref<80x128xf32, #tpu.memory_space<hbm>>
      %dma_start3A_136 = arith.constant 0 : i32
      %dma_start3A_137 = tpu.memref_slice %arg5[%add3A_68, %dma_start3A_136] : memref<20480x128xf32, #tpu.memory_space<hbm>> -> memref<80x128xf32, #tpu.memory_space<hbm>>
      tpu.enqueue_dma source(%arg8 : memref<80x128xf32, #tpu.memory_space<vmem>>) target(%dma_start3A_137 : memref<80x128xf32, #tpu.memory_space<hbm>>) target_semaphore(%run_scoped3A : memref<!tpu.dma_semaphore, #tpu.memory_space<semaphore_mem>>)
      %dma_wait3A = arith.constant 0 : i32
      %dma_wait3A_138 = tpu.memref_slice %arg5[%add3A_68, %dma_wait3A] : memref<20480x128xf32, #tpu.memory_space<hbm>> -> memref<80x128xf32, #tpu.memory_space<hbm>>
      %dma_wait3A_139 = arith.constant 0 : i32
      %dma_wait3A_140 = tpu.memref_slice %arg5[%add3A_68, %dma_wait3A_139] : memref<20480x128xf32, #tpu.memory_space<hbm>> -> memref<80x128xf32, #tpu.memory_space<hbm>>
      tpu.wait_dma2 semaphore(%run_scoped3A : memref<!tpu.dma_semaphore, #tpu.memory_space<semaphore_mem>>) src(%arg8 : memref<80x128xf32, #tpu.memory_space<vmem>>) dst(%dma_wait3A_140 : memref<80x128xf32, #tpu.memory_space<hbm>>)
      tpu.yield
    }) : () -> ()
    %mul3A_69 = arith.constant 640 : i32
    %mul3A_70 = arith.muli %arg1, %mul3A_69 : i32
    %add3A_71 = arith.constant 160 : i32
    %add3A_72 = arith.addi %mul3A_70, %add3A_71 : i32
    "tpu.region"() ({
      %run_scoped3A = tpu.sem_alloc : memref<!tpu.dma_semaphore, #tpu.memory_space<semaphore_mem>>
      %dma_start3A = arith.constant 0 : i32
      %dma_start3A_135 = tpu.memref_slice %arg10[%add3A_72, %dma_start3A] : memref<10240x128xf32, #tpu.memory_space<vmem_shared>> -> memref<80x128xf32, #tpu.memory_space<vmem_shared>>
      %dma_start3A_136 = arith.constant 0 : i32
      %dma_start3A_137 = tpu.memref_slice %arg10[%add3A_72, %dma_start3A_136] : memref<10240x128xf32, #tpu.memory_space<vmem_shared>> -> memref<80x128xf32, #tpu.memory_space<vmem_shared>>
      tpu.enqueue_dma source(%dma_start3A_137 : memref<80x128xf32, #tpu.memory_space<vmem_shared>>) target(%arg8 : memref<80x128xf32, #tpu.memory_space<vmem>>) target_semaphore(%run_scoped3A : memref<!tpu.dma_semaphore, #tpu.memory_space<semaphore_mem>>)
      %dma_wait3A = arith.constant 0 : i32
      %dma_wait3A_138 = tpu.memref_slice %arg10[%add3A_72, %dma_wait3A] : memref<10240x128xf32, #tpu.memory_space<vmem_shared>> -> memref<80x128xf32, #tpu.memory_space<vmem_shared>>
      %dma_wait3A_139 = arith.constant 0 : i32
      %dma_wait3A_140 = tpu.memref_slice %arg10[%add3A_72, %dma_wait3A_139] : memref<10240x128xf32, #tpu.memory_space<vmem_shared>> -> memref<80x128xf32, #tpu.memory_space<vmem_shared>>
      tpu.wait_dma2 semaphore(%run_scoped3A : memref<!tpu.dma_semaphore, #tpu.memory_space<semaphore_mem>>) src(%dma_wait3A_140 : memref<80x128xf32, #tpu.memory_space<vmem_shared>>) dst(%arg8 : memref<80x128xf32, #tpu.memory_space<vmem>>)
      tpu.yield
    }) : () -> ()
    %mul3A_73 = arith.constant 10240 : i32
    %mul3A_74 = arith.muli %arg0, %mul3A_73 : i32
    %mul3A_75 = arith.constant 640 : i32
    %mul3A_76 = arith.muli %arg1, %mul3A_75 : i32
    %add3A_77 = arith.addi %mul3A_74, %mul3A_76 : i32
    %add3A_78 = arith.constant 160 : i32
    %add3A_79 = arith.addi %add3A_77, %add3A_78 : i32
    "tpu.region"() ({
      %run_scoped3A = tpu.sem_alloc : memref<!tpu.dma_semaphore, #tpu.memory_space<semaphore_mem>>
      %dma_start3A = arith.constant 0 : i32
      %dma_start3A_135 = tpu.memref_slice %arg5[%add3A_79, %dma_start3A] : memref<20480x128xf32, #tpu.memory_space<hbm>> -> memref<80x128xf32, #tpu.memory_space<hbm>>
      %dma_start3A_136 = arith.constant 0 : i32
      %dma_start3A_137 = tpu.memref_slice %arg5[%add3A_79, %dma_start3A_136] : memref<20480x128xf32, #tpu.memory_space<hbm>> -> memref<80x128xf32, #tpu.memory_space<hbm>>
      tpu.enqueue_dma source(%arg8 : memref<80x128xf32, #tpu.memory_space<vmem>>) target(%dma_start3A_137 : memref<80x128xf32, #tpu.memory_space<hbm>>) target_semaphore(%run_scoped3A : memref<!tpu.dma_semaphore, #tpu.memory_space<semaphore_mem>>)
      %dma_wait3A = arith.constant 0 : i32
      %dma_wait3A_138 = tpu.memref_slice %arg5[%add3A_79, %dma_wait3A] : memref<20480x128xf32, #tpu.memory_space<hbm>> -> memref<80x128xf32, #tpu.memory_space<hbm>>
      %dma_wait3A_139 = arith.constant 0 : i32
      %dma_wait3A_140 = tpu.memref_slice %arg5[%add3A_79, %dma_wait3A_139] : memref<20480x128xf32, #tpu.memory_space<hbm>> -> memref<80x128xf32, #tpu.memory_space<hbm>>
      tpu.wait_dma2 semaphore(%run_scoped3A : memref<!tpu.dma_semaphore, #tpu.memory_space<semaphore_mem>>) src(%arg8 : memref<80x128xf32, #tpu.memory_space<vmem>>) dst(%dma_wait3A_140 : memref<80x128xf32, #tpu.memory_space<hbm>>)
      tpu.yield
    }) : () -> ()
    %mul3A_80 = arith.constant 640 : i32
    %mul3A_81 = arith.muli %arg1, %mul3A_80 : i32
    %add3A_82 = arith.constant 240 : i32
    %add3A_83 = arith.addi %mul3A_81, %add3A_82 : i32
    "tpu.region"() ({
      %run_scoped3A = tpu.sem_alloc : memref<!tpu.dma_semaphore, #tpu.memory_space<semaphore_mem>>
      %dma_start3A = arith.constant 0 : i32
      %dma_start3A_135 = tpu.memref_slice %arg10[%add3A_83, %dma_start3A] : memref<10240x128xf32, #tpu.memory_space<vmem_shared>> -> memref<80x128xf32, #tpu.memory_space<vmem_shared>>
      %dma_start3A_136 = arith.constant 0 : i32
      %dma_start3A_137 = tpu.memref_slice %arg10[%add3A_83, %dma_start3A_136] : memref<10240x128xf32, #tpu.memory_space<vmem_shared>> -> memref<80x128xf32, #tpu.memory_space<vmem_shared>>
      tpu.enqueue_dma source(%dma_start3A_137 : memref<80x128xf32, #tpu.memory_space<vmem_shared>>) target(%arg8 : memref<80x128xf32, #tpu.memory_space<vmem>>) target_semaphore(%run_scoped3A : memref<!tpu.dma_semaphore, #tpu.memory_space<semaphore_mem>>)
      %dma_wait3A = arith.constant 0 : i32
      %dma_wait3A_138 = tpu.memref_slice %arg10[%add3A_83, %dma_wait3A] : memref<10240x128xf32, #tpu.memory_space<vmem_shared>> -> memref<80x128xf32, #tpu.memory_space<vmem_shared>>
      %dma_wait3A_139 = arith.constant 0 : i32
      %dma_wait3A_140 = tpu.memref_slice %arg10[%add3A_83, %dma_wait3A_139] : memref<10240x128xf32, #tpu.memory_space<vmem_shared>> -> memref<80x128xf32, #tpu.memory_space<vmem_shared>>
      tpu.wait_dma2 semaphore(%run_scoped3A : memref<!tpu.dma_semaphore, #tpu.memory_space<semaphore_mem>>) src(%dma_wait3A_140 : memref<80x128xf32, #tpu.memory_space<vmem_shared>>) dst(%arg8 : memref<80x128xf32, #tpu.memory_space<vmem>>)
      tpu.yield
    }) : () -> ()
    %mul3A_84 = arith.constant 10240 : i32
    %mul3A_85 = arith.muli %arg0, %mul3A_84 : i32
    %mul3A_86 = arith.constant 640 : i32
    %mul3A_87 = arith.muli %arg1, %mul3A_86 : i32
    %add3A_88 = arith.addi %mul3A_85, %mul3A_87 : i32
    %add3A_89 = arith.constant 240 : i32
    %add3A_90 = arith.addi %add3A_88, %add3A_89 : i32
    "tpu.region"() ({
      %run_scoped3A = tpu.sem_alloc : memref<!tpu.dma_semaphore, #tpu.memory_space<semaphore_mem>>
      %dma_start3A = arith.constant 0 : i32
      %dma_start3A_135 = tpu.memref_slice %arg5[%add3A_90, %dma_start3A] : memref<20480x128xf32, #tpu.memory_space<hbm>> -> memref<80x128xf32, #tpu.memory_space<hbm>>
      %dma_start3A_136 = arith.constant 0 : i32
      %dma_start3A_137 = tpu.memref_slice %arg5[%add3A_90, %dma_start3A_136] : memref<20480x128xf32, #tpu.memory_space<hbm>> -> memref<80x128xf32, #tpu.memory_space<hbm>>
      tpu.enqueue_dma source(%arg8 : memref<80x128xf32, #tpu.memory_space<vmem>>) target(%dma_start3A_137 : memref<80x128xf32, #tpu.memory_space<hbm>>) target_semaphore(%run_scoped3A : memref<!tpu.dma_semaphore, #tpu.memory_space<semaphore_mem>>)
      %dma_wait3A = arith.constant 0 : i32
      %dma_wait3A_138 = tpu.memref_slice %arg5[%add3A_90, %dma_wait3A] : memref<20480x128xf32, #tpu.memory_space<hbm>> -> memref<80x128xf32, #tpu.memory_space<hbm>>
      %dma_wait3A_139 = arith.constant 0 : i32
      %dma_wait3A_140 = tpu.memref_slice %arg5[%add3A_90, %dma_wait3A_139] : memref<20480x128xf32, #tpu.memory_space<hbm>> -> memref<80x128xf32, #tpu.memory_space<hbm>>
      tpu.wait_dma2 semaphore(%run_scoped3A : memref<!tpu.dma_semaphore, #tpu.memory_space<semaphore_mem>>) src(%arg8 : memref<80x128xf32, #tpu.memory_space<vmem>>) dst(%dma_wait3A_140 : memref<80x128xf32, #tpu.memory_space<hbm>>)
      tpu.yield
    }) : () -> ()
    %mul3A_91 = arith.constant 640 : i32
    %mul3A_92 = arith.muli %arg1, %mul3A_91 : i32
    %add3A_93 = arith.constant 320 : i32
    %add3A_94 = arith.addi %mul3A_92, %add3A_93 : i32
    "tpu.region"() ({
      %run_scoped3A = tpu.sem_alloc : memref<!tpu.dma_semaphore, #tpu.memory_space<semaphore_mem>>
      %dma_start3A = arith.constant 0 : i32
      %dma_start3A_135 = tpu.memref_slice %arg10[%add3A_94, %dma_start3A] : memref<10240x128xf32, #tpu.memory_space<vmem_shared>> -> memref<80x128xf32, #tpu.memory_space<vmem_shared>>
      %dma_start3A_136 = arith.constant 0 : i32
      %dma_start3A_137 = tpu.memref_slice %arg10[%add3A_94, %dma_start3A_136] : memref<10240x128xf32, #tpu.memory_space<vmem_shared>> -> memref<80x128xf32, #tpu.memory_space<vmem_shared>>
      tpu.enqueue_dma source(%dma_start3A_137 : memref<80x128xf32, #tpu.memory_space<vmem_shared>>) target(%arg8 : memref<80x128xf32, #tpu.memory_space<vmem>>) target_semaphore(%run_scoped3A : memref<!tpu.dma_semaphore, #tpu.memory_space<semaphore_mem>>)
      %dma_wait3A = arith.constant 0 : i32
      %dma_wait3A_138 = tpu.memref_slice %arg10[%add3A_94, %dma_wait3A] : memref<10240x128xf32, #tpu.memory_space<vmem_shared>> -> memref<80x128xf32, #tpu.memory_space<vmem_shared>>
      %dma_wait3A_139 = arith.constant 0 : i32
      %dma_wait3A_140 = tpu.memref_slice %arg10[%add3A_94, %dma_wait3A_139] : memref<10240x128xf32, #tpu.memory_space<vmem_shared>> -> memref<80x128xf32, #tpu.memory_space<vmem_shared>>
      tpu.wait_dma2 semaphore(%run_scoped3A : memref<!tpu.dma_semaphore, #tpu.memory_space<semaphore_mem>>) src(%dma_wait3A_140 : memref<80x128xf32, #tpu.memory_space<vmem_shared>>) dst(%arg8 : memref<80x128xf32, #tpu.memory_space<vmem>>)
      tpu.yield
    }) : () -> ()
    %mul3A_95 = arith.constant 10240 : i32
    %mul3A_96 = arith.muli %arg0, %mul3A_95 : i32
    %mul3A_97 = arith.constant 640 : i32
    %mul3A_98 = arith.muli %arg1, %mul3A_97 : i32
    %add3A_99 = arith.addi %mul3A_96, %mul3A_98 : i32
    %add3A_100 = arith.constant 320 : i32
    %add3A_101 = arith.addi %add3A_99, %add3A_100 : i32
    "tpu.region"() ({
      %run_scoped3A = tpu.sem_alloc : memref<!tpu.dma_semaphore, #tpu.memory_space<semaphore_mem>>
      %dma_start3A = arith.constant 0 : i32
      %dma_start3A_135 = tpu.memref_slice %arg5[%add3A_101, %dma_start3A] : memref<20480x128xf32, #tpu.memory_space<hbm>> -> memref<80x128xf32, #tpu.memory_space<hbm>>
      %dma_start3A_136 = arith.constant 0 : i32
      %dma_start3A_137 = tpu.memref_slice %arg5[%add3A_101, %dma_start3A_136] : memref<20480x128xf32, #tpu.memory_space<hbm>> -> memref<80x128xf32, #tpu.memory_space<hbm>>
      tpu.enqueue_dma source(%arg8 : memref<80x128xf32, #tpu.memory_space<vmem>>) target(%dma_start3A_137 : memref<80x128xf32, #tpu.memory_space<hbm>>) target_semaphore(%run_scoped3A : memref<!tpu.dma_semaphore, #tpu.memory_space<semaphore_mem>>)
      %dma_wait3A = arith.constant 0 : i32
      %dma_wait3A_138 = tpu.memref_slice %arg5[%add3A_101, %dma_wait3A] : memref<20480x128xf32, #tpu.memory_space<hbm>> -> memref<80x128xf32, #tpu.memory_space<hbm>>
      %dma_wait3A_139 = arith.constant 0 : i32
      %dma_wait3A_140 = tpu.memref_slice %arg5[%add3A_101, %dma_wait3A_139] : memref<20480x128xf32, #tpu.memory_space<hbm>> -> memref<80x128xf32, #tpu.memory_space<hbm>>
      tpu.wait_dma2 semaphore(%run_scoped3A : memref<!tpu.dma_semaphore, #tpu.memory_space<semaphore_mem>>) src(%arg8 : memref<80x128xf32, #tpu.memory_space<vmem>>) dst(%dma_wait3A_140 : memref<80x128xf32, #tpu.memory_space<hbm>>)
      tpu.yield
    }) : () -> ()
    %mul3A_102 = arith.constant 640 : i32
    %mul3A_103 = arith.muli %arg1, %mul3A_102 : i32
    %add3A_104 = arith.constant 400 : i32
    %add3A_105 = arith.addi %mul3A_103, %add3A_104 : i32
    "tpu.region"() ({
      %run_scoped3A = tpu.sem_alloc : memref<!tpu.dma_semaphore, #tpu.memory_space<semaphore_mem>>
      %dma_start3A = arith.constant 0 : i32
      %dma_start3A_135 = tpu.memref_slice %arg10[%add3A_105, %dma_start3A] : memref<10240x128xf32, #tpu.memory_space<vmem_shared>> -> memref<80x128xf32, #tpu.memory_space<vmem_shared>>
      %dma_start3A_136 = arith.constant 0 : i32
      %dma_start3A_137 = tpu.memref_slice %arg10[%add3A_105, %dma_start3A_136] : memref<10240x128xf32, #tpu.memory_space<vmem_shared>> -> memref<80x128xf32, #tpu.memory_space<vmem_shared>>
      tpu.enqueue_dma source(%dma_start3A_137 : memref<80x128xf32, #tpu.memory_space<vmem_shared>>) target(%arg8 : memref<80x128xf32, #tpu.memory_space<vmem>>) target_semaphore(%run_scoped3A : memref<!tpu.dma_semaphore, #tpu.memory_space<semaphore_mem>>)
      %dma_wait3A = arith.constant 0 : i32
      %dma_wait3A_138 = tpu.memref_slice %arg10[%add3A_105, %dma_wait3A] : memref<10240x128xf32, #tpu.memory_space<vmem_shared>> -> memref<80x128xf32, #tpu.memory_space<vmem_shared>>
      %dma_wait3A_139 = arith.constant 0 : i32
      %dma_wait3A_140 = tpu.memref_slice %arg10[%add3A_105, %dma_wait3A_139] : memref<10240x128xf32, #tpu.memory_space<vmem_shared>> -> memref<80x128xf32, #tpu.memory_space<vmem_shared>>
      tpu.wait_dma2 semaphore(%run_scoped3A : memref<!tpu.dma_semaphore, #tpu.memory_space<semaphore_mem>>) src(%dma_wait3A_140 : memref<80x128xf32, #tpu.memory_space<vmem_shared>>) dst(%arg8 : memref<80x128xf32, #tpu.memory_space<vmem>>)
      tpu.yield
    }) : () -> ()
    %mul3A_106 = arith.constant 10240 : i32
    %mul3A_107 = arith.muli %arg0, %mul3A_106 : i32
    %mul3A_108 = arith.constant 640 : i32
    %mul3A_109 = arith.muli %arg1, %mul3A_108 : i32
    %add3A_110 = arith.addi %mul3A_107, %mul3A_109 : i32
    %add3A_111 = arith.constant 400 : i32
    %add3A_112 = arith.addi %add3A_110, %add3A_111 : i32
    "tpu.region"() ({
      %run_scoped3A = tpu.sem_alloc : memref<!tpu.dma_semaphore, #tpu.memory_space<semaphore_mem>>
      %dma_start3A = arith.constant 0 : i32
      %dma_start3A_135 = tpu.memref_slice %arg5[%add3A_112, %dma_start3A] : memref<20480x128xf32, #tpu.memory_space<hbm>> -> memref<80x128xf32, #tpu.memory_space<hbm>>
      %dma_start3A_136 = arith.constant 0 : i32
      %dma_start3A_137 = tpu.memref_slice %arg5[%add3A_112, %dma_start3A_136] : memref<20480x128xf32, #tpu.memory_space<hbm>> -> memref<80x128xf32, #tpu.memory_space<hbm>>
      tpu.enqueue_dma source(%arg8 : memref<80x128xf32, #tpu.memory_space<vmem>>) target(%dma_start3A_137 : memref<80x128xf32, #tpu.memory_space<hbm>>) target_semaphore(%run_scoped3A : memref<!tpu.dma_semaphore, #tpu.memory_space<semaphore_mem>>)
      %dma_wait3A = arith.constant 0 : i32
      %dma_wait3A_138 = tpu.memref_slice %arg5[%add3A_112, %dma_wait3A] : memref<20480x128xf32, #tpu.memory_space<hbm>> -> memref<80x128xf32, #tpu.memory_space<hbm>>
      %dma_wait3A_139 = arith.constant 0 : i32
      %dma_wait3A_140 = tpu.memref_slice %arg5[%add3A_112, %dma_wait3A_139] : memref<20480x128xf32, #tpu.memory_space<hbm>> -> memref<80x128xf32, #tpu.memory_space<hbm>>
      tpu.wait_dma2 semaphore(%run_scoped3A : memref<!tpu.dma_semaphore, #tpu.memory_space<semaphore_mem>>) src(%arg8 : memref<80x128xf32, #tpu.memory_space<vmem>>) dst(%dma_wait3A_140 : memref<80x128xf32, #tpu.memory_space<hbm>>)
      tpu.yield
    }) : () -> ()
    %mul3A_113 = arith.constant 640 : i32
    %mul3A_114 = arith.muli %arg1, %mul3A_113 : i32
    %add3A_115 = arith.constant 480 : i32
    %add3A_116 = arith.addi %mul3A_114, %add3A_115 : i32
    "tpu.region"() ({
      %run_scoped3A = tpu.sem_alloc : memref<!tpu.dma_semaphore, #tpu.memory_space<semaphore_mem>>
      %dma_start3A = arith.constant 0 : i32
      %dma_start3A_135 = tpu.memref_slice %arg10[%add3A_116, %dma_start3A] : memref<10240x128xf32, #tpu.memory_space<vmem_shared>> -> memref<80x128xf32, #tpu.memory_space<vmem_shared>>
      %dma_start3A_136 = arith.constant 0 : i32
      %dma_start3A_137 = tpu.memref_slice %arg10[%add3A_116, %dma_start3A_136] : memref<10240x128xf32, #tpu.memory_space<vmem_shared>> -> memref<80x128xf32, #tpu.memory_space<vmem_shared>>
      tpu.enqueue_dma source(%dma_start3A_137 : memref<80x128xf32, #tpu.memory_space<vmem_shared>>) target(%arg8 : memref<80x128xf32, #tpu.memory_space<vmem>>) target_semaphore(%run_scoped3A : memref<!tpu.dma_semaphore, #tpu.memory_space<semaphore_mem>>)
      %dma_wait3A = arith.constant 0 : i32
      %dma_wait3A_138 = tpu.memref_slice %arg10[%add3A_116, %dma_wait3A] : memref<10240x128xf32, #tpu.memory_space<vmem_shared>> -> memref<80x128xf32, #tpu.memory_space<vmem_shared>>
      %dma_wait3A_139 = arith.constant 0 : i32
      %dma_wait3A_140 = tpu.memref_slice %arg10[%add3A_116, %dma_wait3A_139] : memref<10240x128xf32, #tpu.memory_space<vmem_shared>> -> memref<80x128xf32, #tpu.memory_space<vmem_shared>>
      tpu.wait_dma2 semaphore(%run_scoped3A : memref<!tpu.dma_semaphore, #tpu.memory_space<semaphore_mem>>) src(%dma_wait3A_140 : memref<80x128xf32, #tpu.memory_space<vmem_shared>>) dst(%arg8 : memref<80x128xf32, #tpu.memory_space<vmem>>)
      tpu.yield
    }) : () -> ()
    %mul3A_117 = arith.constant 10240 : i32
    %mul3A_118 = arith.muli %arg0, %mul3A_117 : i32
    %mul3A_119 = arith.constant 640 : i32
    %mul3A_120 = arith.muli %arg1, %mul3A_119 : i32
    %add3A_121 = arith.addi %mul3A_118, %mul3A_120 : i32
    %add3A_122 = arith.constant 480 : i32
    %add3A_123 = arith.addi %add3A_121, %add3A_122 : i32
    "tpu.region"() ({
      %run_scoped3A = tpu.sem_alloc : memref<!tpu.dma_semaphore, #tpu.memory_space<semaphore_mem>>
      %dma_start3A = arith.constant 0 : i32
      %dma_start3A_135 = tpu.memref_slice %arg5[%add3A_123, %dma_start3A] : memref<20480x128xf32, #tpu.memory_space<hbm>> -> memref<80x128xf32, #tpu.memory_space<hbm>>
      %dma_start3A_136 = arith.constant 0 : i32
      %dma_start3A_137 = tpu.memref_slice %arg5[%add3A_123, %dma_start3A_136] : memref<20480x128xf32, #tpu.memory_space<hbm>> -> memref<80x128xf32, #tpu.memory_space<hbm>>
      tpu.enqueue_dma source(%arg8 : memref<80x128xf32, #tpu.memory_space<vmem>>) target(%dma_start3A_137 : memref<80x128xf32, #tpu.memory_space<hbm>>) target_semaphore(%run_scoped3A : memref<!tpu.dma_semaphore, #tpu.memory_space<semaphore_mem>>)
      %dma_wait3A = arith.constant 0 : i32
      %dma_wait3A_138 = tpu.memref_slice %arg5[%add3A_123, %dma_wait3A] : memref<20480x128xf32, #tpu.memory_space<hbm>> -> memref<80x128xf32, #tpu.memory_space<hbm>>
      %dma_wait3A_139 = arith.constant 0 : i32
      %dma_wait3A_140 = tpu.memref_slice %arg5[%add3A_123, %dma_wait3A_139] : memref<20480x128xf32, #tpu.memory_space<hbm>> -> memref<80x128xf32, #tpu.memory_space<hbm>>
      tpu.wait_dma2 semaphore(%run_scoped3A : memref<!tpu.dma_semaphore, #tpu.memory_space<semaphore_mem>>) src(%arg8 : memref<80x128xf32, #tpu.memory_space<vmem>>) dst(%dma_wait3A_140 : memref<80x128xf32, #tpu.memory_space<hbm>>)
      tpu.yield
    }) : () -> ()
    %mul3A_124 = arith.constant 640 : i32
    %mul3A_125 = arith.muli %arg1, %mul3A_124 : i32
    %add3A_126 = arith.constant 560 : i32
    %add3A_127 = arith.addi %mul3A_125, %add3A_126 : i32
    "tpu.region"() ({
      %run_scoped3A = tpu.sem_alloc : memref<!tpu.dma_semaphore, #tpu.memory_space<semaphore_mem>>
      %dma_start3A = arith.constant 0 : i32
      %dma_start3A_135 = tpu.memref_slice %arg10[%add3A_127, %dma_start3A] : memref<10240x128xf32, #tpu.memory_space<vmem_shared>> -> memref<80x128xf32, #tpu.memory_space<vmem_shared>>
      %dma_start3A_136 = arith.constant 0 : i32
      %dma_start3A_137 = tpu.memref_slice %arg10[%add3A_127, %dma_start3A_136] : memref<10240x128xf32, #tpu.memory_space<vmem_shared>> -> memref<80x128xf32, #tpu.memory_space<vmem_shared>>
      tpu.enqueue_dma source(%dma_start3A_137 : memref<80x128xf32, #tpu.memory_space<vmem_shared>>) target(%arg8 : memref<80x128xf32, #tpu.memory_space<vmem>>) target_semaphore(%run_scoped3A : memref<!tpu.dma_semaphore, #tpu.memory_space<semaphore_mem>>)
      %dma_wait3A = arith.constant 0 : i32
      %dma_wait3A_138 = tpu.memref_slice %arg10[%add3A_127, %dma_wait3A] : memref<10240x128xf32, #tpu.memory_space<vmem_shared>> -> memref<80x128xf32, #tpu.memory_space<vmem_shared>>
      %dma_wait3A_139 = arith.constant 0 : i32
      %dma_wait3A_140 = tpu.memref_slice %arg10[%add3A_127, %dma_wait3A_139] : memref<10240x128xf32, #tpu.memory_space<vmem_shared>> -> memref<80x128xf32, #tpu.memory_space<vmem_shared>>
      tpu.wait_dma2 semaphore(%run_scoped3A : memref<!tpu.dma_semaphore, #tpu.memory_space<semaphore_mem>>) src(%dma_wait3A_140 : memref<80x128xf32, #tpu.memory_space<vmem_shared>>) dst(%arg8 : memref<80x128xf32, #tpu.memory_space<vmem>>)
      tpu.yield
    }) : () -> ()
    %mul3A_128 = arith.constant 10240 : i32
    %mul3A_129 = arith.muli %arg0, %mul3A_128 : i32
    %mul3A_130 = arith.constant 640 : i32
    %mul3A_131 = arith.muli %arg1, %mul3A_130 : i32
    %add3A_132 = arith.addi %mul3A_129, %mul3A_131 : i32
    %add3A_133 = arith.constant 560 : i32
    %add3A_134 = arith.addi %add3A_132, %add3A_133 : i32
    "tpu.region"() ({
      %run_scoped3A = tpu.sem_alloc : memref<!tpu.dma_semaphore, #tpu.memory_space<semaphore_mem>>
      %dma_start3A = arith.constant 0 : i32
      %dma_start3A_135 = tpu.memref_slice %arg5[%add3A_134, %dma_start3A] : memref<20480x128xf32, #tpu.memory_space<hbm>> -> memref<80x128xf32, #tpu.memory_space<hbm>>
      %dma_start3A_136 = arith.constant 0 : i32
      %dma_start3A_137 = tpu.memref_slice %arg5[%add3A_134, %dma_start3A_136] : memref<20480x128xf32, #tpu.memory_space<hbm>> -> memref<80x128xf32, #tpu.memory_space<hbm>>
      tpu.enqueue_dma source(%arg8 : memref<80x128xf32, #tpu.memory_space<vmem>>) target(%dma_start3A_137 : memref<80x128xf32, #tpu.memory_space<hbm>>) target_semaphore(%run_scoped3A : memref<!tpu.dma_semaphore, #tpu.memory_space<semaphore_mem>>)
      %dma_wait3A = arith.constant 0 : i32
      %dma_wait3A_138 = tpu.memref_slice %arg5[%add3A_134, %dma_wait3A] : memref<20480x128xf32, #tpu.memory_space<hbm>> -> memref<80x128xf32, #tpu.memory_space<hbm>>
      %dma_wait3A_139 = arith.constant 0 : i32
      %dma_wait3A_140 = tpu.memref_slice %arg5[%add3A_134, %dma_wait3A_139] : memref<20480x128xf32, #tpu.memory_space<hbm>> -> memref<80x128xf32, #tpu.memory_space<hbm>>
      tpu.wait_dma2 semaphore(%run_scoped3A : memref<!tpu.dma_semaphore, #tpu.memory_space<semaphore_mem>>) src(%arg8 : memref<80x128xf32, #tpu.memory_space<vmem>>) dst(%dma_wait3A_140 : memref<80x128xf32, #tpu.memory_space<hbm>>)
      tpu.yield
    }) : () -> ()
    return
  }
}

#map = affine_map<(d0, d1) -> (0, 0)>
#map1 = affine_map<(d0, d1) -> (0, 0, 0)>
module attributes {stable_mosaic.version = 14 : i64} {
  func.func @_sc_aggregate(%arg0: i32, %arg1: i32, %arg2: memref<10000x128xf32, #tpu.memory_space<hbm>>, %arg3: memref<32x125x80xi32, #tpu.memory_space<hbm>>, %arg4: memref<32x125x80xi32, #tpu.memory_space<hbm>>, %arg5: memref<20480x128xf32, #tpu.memory_space<hbm>>, %arg6: memref<125x80xi32, #tpu.memory_space<vmem>>, %arg7: memref<125x80xi32, #tpu.memory_space<vmem>>, %arg8: memref<80x128xf32, #tpu.memory_space<vmem>>, %arg9: memref<!tpu.dma_semaphore, #tpu.memory_space<semaphore_mem>>, %arg10: memref<10240x128xf32, #tpu.memory_space<vmem_shared>>) attributes {dimension_semantics = [#tpu.dimension_semantics<core_parallel>, #tpu.dimension_semantics<subcore_parallel>], iteration_bounds = array<i64: 2, 16>, scalar_prefetch = 0 : i64, scratch_operands = 5 : i64, tpu.core_type = #tpu.core_type<sc_vector_subcore>, window_params = [{transform_indices = #map}, {transform_indices = #map1}, {transform_indices = #map1}, {transform_indices = #map}]} {
    %mul3A = arith.constant 2 : i32
    %mul3A_0 = arith.muli %arg1, %mul3A : i32
    %add3A = arith.addi %mul3A_0, %arg0 : i32
    %scan3A = arith.constant 0 : i32
    %scan3A_1 = arith.constant 0 : i32
    %scan3A_2 = arith.constant 80 : i32
    %scan3A_3 = arith.addi %scan3A_1, %scan3A_2 : i32
    %scan3A_4 = arith.constant 1 : i32
    %scan3A_5 = scf.for %scan3A_135 = %scan3A_1 to %scan3A_3 step %scan3A_4 iter_args(%scan3A_136 = %scan3A) -> (i32)  : i32 {
      %broadcast_in_dim3A = arith.constant 0.000000e+00 : f32
      %broadcast_in_dim3A_137 = vector.broadcast %broadcast_in_dim3A : f32 to vector<16xf32>
      %swap3A = arith.index_cast %scan3A_135 : i32 to index
      %swap3A_138 = arith.constant 0 : index
      %swap3A_139 = tpu.vector_load %arg8[%swap3A, %swap3A_138] {strides = array<i32>} : memref<80x128xf32, #tpu.memory_space<vmem>>, vector<1x16xf32>,
      %swap3A_140 = vector.shape_cast %swap3A_139 : vector<1x16xf32> to vector<16xf32>
      %swap3A_141 = vector.shape_cast %broadcast_in_dim3A_137 : vector<16xf32> to vector<1x16xf32>
      tpu.vector_store %arg8[%swap3A, %swap3A_138], %swap3A_141 {strides = array<i32>} : memref<80x128xf32, #tpu.memory_space<vmem>>, vector<1x16xf32>,
      %broadcast_in_dim3A_142 = arith.constant 0.000000e+00 : f32
      %broadcast_in_dim3A_143 = vector.broadcast %broadcast_in_dim3A_142 : f32 to vector<16xf32>
      %swap3A_144 = arith.index_cast %scan3A_135 : i32 to index
      %swap3A_145 = arith.constant 16 : index
      %swap3A_146 = tpu.vector_load %arg8[%swap3A_144, %swap3A_145] {strides = array<i32>} : memref<80x128xf32, #tpu.memory_space<vmem>>, vector<1x16xf32>,
      %swap3A_147 = vector.shape_cast %swap3A_146 : vector<1x16xf32> to vector<16xf32>
      %swap3A_148 = vector.shape_cast %broadcast_in_dim3A_143 : vector<16xf32> to vector<1x16xf32>
      tpu.vector_store %arg8[%swap3A_144, %swap3A_145], %swap3A_148 {strides = array<i32>} : memref<80x128xf32, #tpu.memory_space<vmem>>, vector<1x16xf32>,
      %broadcast_in_dim3A_149 = arith.constant 0.000000e+00 : f32
      %broadcast_in_dim3A_150 = vector.broadcast %broadcast_in_dim3A_149 : f32 to vector<16xf32>
      %swap3A_151 = arith.index_cast %scan3A_135 : i32 to index
      %swap3A_152 = arith.constant 32 : index
      %swap3A_153 = tpu.vector_load %arg8[%swap3A_151, %swap3A_152] {strides = array<i32>} : memref<80x128xf32, #tpu.memory_space<vmem>>, vector<1x16xf32>,
      %swap3A_154 = vector.shape_cast %swap3A_153 : vector<1x16xf32> to vector<16xf32>
      %swap3A_155 = vector.shape_cast %broadcast_in_dim3A_150 : vector<16xf32> to vector<1x16xf32>
      tpu.vector_store %arg8[%swap3A_151, %swap3A_152], %swap3A_155 {strides = array<i32>} : memref<80x128xf32, #tpu.memory_space<vmem>>, vector<1x16xf32>,
      %broadcast_in_dim3A_156 = arith.constant 0.000000e+00 : f32
      %broadcast_in_dim3A_157 = vector.broadcast %broadcast_in_dim3A_156 : f32 to vector<16xf32>
      %swap3A_158 = arith.index_cast %scan3A_135 : i32 to index
      %swap3A_159 = arith.constant 48 : index
      %swap3A_160 = tpu.vector_load %arg8[%swap3A_158, %swap3A_159] {strides = array<i32>} : memref<80x128xf32, #tpu.memory_space<vmem>>, vector<1x16xf32>,
      %swap3A_161 = vector.shape_cast %swap3A_160 : vector<1x16xf32> to vector<16xf32>
      %swap3A_162 = vector.shape_cast %broadcast_in_dim3A_157 : vector<16xf32> to vector<1x16xf32>
      tpu.vector_store %arg8[%swap3A_158, %swap3A_159], %swap3A_162 {strides = array<i32>} : memref<80x128xf32, #tpu.memory_space<vmem>>, vector<1x16xf32>,
      %broadcast_in_dim3A_163 = arith.constant 0.000000e+00 : f32
      %broadcast_in_dim3A_164 = vector.broadcast %broadcast_in_dim3A_163 : f32 to vector<16xf32>
      %swap3A_165 = arith.index_cast %scan3A_135 : i32 to index
      %swap3A_166 = arith.constant 64 : index
      %swap3A_167 = tpu.vector_load %arg8[%swap3A_165, %swap3A_166] {strides = array<i32>} : memref<80x128xf32, #tpu.memory_space<vmem>>, vector<1x16xf32>,
      %swap3A_168 = vector.shape_cast %swap3A_167 : vector<1x16xf32> to vector<16xf32>
      %swap3A_169 = vector.shape_cast %broadcast_in_dim3A_164 : vector<16xf32> to vector<1x16xf32>
      tpu.vector_store %arg8[%swap3A_165, %swap3A_166], %swap3A_169 {strides = array<i32>} : memref<80x128xf32, #tpu.memory_space<vmem>>, vector<1x16xf32>,
      %broadcast_in_dim3A_170 = arith.constant 0.000000e+00 : f32
      %broadcast_in_dim3A_171 = vector.broadcast %broadcast_in_dim3A_170 : f32 to vector<16xf32>
      %swap3A_172 = arith.index_cast %scan3A_135 : i32 to index
      %swap3A_173 = arith.constant 80 : index
      %swap3A_174 = tpu.vector_load %arg8[%swap3A_172, %swap3A_173] {strides = array<i32>} : memref<80x128xf32, #tpu.memory_space<vmem>>, vector<1x16xf32>,
      %swap3A_175 = vector.shape_cast %swap3A_174 : vector<1x16xf32> to vector<16xf32>
      %swap3A_176 = vector.shape_cast %broadcast_in_dim3A_171 : vector<16xf32> to vector<1x16xf32>
      tpu.vector_store %arg8[%swap3A_172, %swap3A_173], %swap3A_176 {strides = array<i32>} : memref<80x128xf32, #tpu.memory_space<vmem>>, vector<1x16xf32>,
      %broadcast_in_dim3A_177 = arith.constant 0.000000e+00 : f32
      %broadcast_in_dim3A_178 = vector.broadcast %broadcast_in_dim3A_177 : f32 to vector<16xf32>
      %swap3A_179 = arith.index_cast %scan3A_135 : i32 to index
      %swap3A_180 = arith.constant 96 : index
      %swap3A_181 = tpu.vector_load %arg8[%swap3A_179, %swap3A_180] {strides = array<i32>} : memref<80x128xf32, #tpu.memory_space<vmem>>, vector<1x16xf32>,
      %swap3A_182 = vector.shape_cast %swap3A_181 : vector<1x16xf32> to vector<16xf32>
      %swap3A_183 = vector.shape_cast %broadcast_in_dim3A_178 : vector<16xf32> to vector<1x16xf32>
      tpu.vector_store %arg8[%swap3A_179, %swap3A_180], %swap3A_183 {strides = array<i32>} : memref<80x128xf32, #tpu.memory_space<vmem>>, vector<1x16xf32>,
      %broadcast_in_dim3A_184 = arith.constant 0.000000e+00 : f32
      %broadcast_in_dim3A_185 = vector.broadcast %broadcast_in_dim3A_184 : f32 to vector<16xf32>
      %swap3A_186 = arith.index_cast %scan3A_135 : i32 to index
      %swap3A_187 = arith.constant 112 : index
      %swap3A_188 = tpu.vector_load %arg8[%swap3A_186, %swap3A_187] {strides = array<i32>} : memref<80x128xf32, #tpu.memory_space<vmem>>, vector<1x16xf32>,
      %swap3A_189 = vector.shape_cast %swap3A_188 : vector<1x16xf32> to vector<16xf32>
      %swap3A_190 = vector.shape_cast %broadcast_in_dim3A_185 : vector<16xf32> to vector<1x16xf32>
      tpu.vector_store %arg8[%swap3A_186, %swap3A_187], %swap3A_190 {strides = array<i32>} : memref<80x128xf32, #tpu.memory_space<vmem>>, vector<1x16xf32>,
      %scan3A_191 = arith.constant 0 : i32
      scf.yield %scan3A_191 : i32
    }
    %scan3A_6 = arith.constant 80 : i32
    "tpu.region"() ({
      %run_scoped3A = tpu.sem_alloc : memref<!tpu.dma_semaphore, #tpu.memory_space<semaphore_mem>>
      %dma_start3A = arith.constant 0 : i32
      %dma_start3A_135 = arith.constant 0 : i32
      %dma_start3A_136 = tpu.memref_slice %arg3[%add3A, %dma_start3A, %dma_start3A_135] : memref<32x125x80xi32, #tpu.memory_space<hbm>> -> memref<1x125x80xi32, #tpu.memory_space<hbm>>
      %dma_start3A_137 = tpu.memref_squeeze %dma_start3A_136 : memref<1x125x80xi32, #tpu.memory_space<hbm>> -> memref<125x80xi32, #tpu.memory_space<hbm>>
      %dma_start3A_138 = arith.constant 0 : i32
      %dma_start3A_139 = arith.constant 0 : i32
      %dma_start3A_140 = tpu.memref_slice %arg3[%add3A, %dma_start3A_138, %dma_start3A_139] : memref<32x125x80xi32, #tpu.memory_space<hbm>> -> memref<1x125x80xi32, #tpu.memory_space<hbm>>
      %dma_start3A_141 = tpu.memref_squeeze %dma_start3A_140 : memref<1x125x80xi32, #tpu.memory_space<hbm>> -> memref<125x80xi32, #tpu.memory_space<hbm>>
      tpu.enqueue_dma source(%dma_start3A_141 : memref<125x80xi32, #tpu.memory_space<hbm>>) target(%arg6 : memref<125x80xi32, #tpu.memory_space<vmem>>) target_semaphore(%run_scoped3A : memref<!tpu.dma_semaphore, #tpu.memory_space<semaphore_mem>>)
      %dma_wait3A = arith.constant 0 : i32
      %dma_wait3A_142 = arith.constant 0 : i32
      %dma_wait3A_143 = tpu.memref_slice %arg3[%add3A, %dma_wait3A, %dma_wait3A_142] : memref<32x125x80xi32, #tpu.memory_space<hbm>> -> memref<1x125x80xi32, #tpu.memory_space<hbm>>
      %dma_wait3A_144 = tpu.memref_squeeze %dma_wait3A_143 : memref<1x125x80xi32, #tpu.memory_space<hbm>> -> memref<125x80xi32, #tpu.memory_space<hbm>>
      %dma_wait3A_145 = arith.constant 0 : i32
      %dma_wait3A_146 = arith.constant 0 : i32
      %dma_wait3A_147 = tpu.memref_slice %arg3[%add3A, %dma_wait3A_145, %dma_wait3A_146] : memref<32x125x80xi32, #tpu.memory_space<hbm>> -> memref<1x125x80xi32, #tpu.memory_space<hbm>>
      %dma_wait3A_148 = tpu.memref_squeeze %dma_wait3A_147 : memref<1x125x80xi32, #tpu.memory_space<hbm>> -> memref<125x80xi32, #tpu.memory_space<hbm>>
      tpu.wait_dma2 semaphore(%run_scoped3A : memref<!tpu.dma_semaphore, #tpu.memory_space<semaphore_mem>>) src(%dma_wait3A_148 : memref<125x80xi32, #tpu.memory_space<hbm>>) dst(%arg6 : memref<125x80xi32, #tpu.memory_space<vmem>>)
      tpu.yield
    }) : () -> ()
    "tpu.region"() ({
      %run_scoped3A = tpu.sem_alloc : memref<!tpu.dma_semaphore, #tpu.memory_space<semaphore_mem>>
      %dma_start3A = arith.constant 0 : i32
      %dma_start3A_135 = arith.constant 0 : i32
      %dma_start3A_136 = tpu.memref_slice %arg4[%add3A, %dma_start3A, %dma_start3A_135] : memref<32x125x80xi32, #tpu.memory_space<hbm>> -> memref<1x125x80xi32, #tpu.memory_space<hbm>>
      %dma_start3A_137 = tpu.memref_squeeze %dma_start3A_136 : memref<1x125x80xi32, #tpu.memory_space<hbm>> -> memref<125x80xi32, #tpu.memory_space<hbm>>
      %dma_start3A_138 = arith.constant 0 : i32
      %dma_start3A_139 = arith.constant 0 : i32
      %dma_start3A_140 = tpu.memref_slice %arg4[%add3A, %dma_start3A_138, %dma_start3A_139] : memref<32x125x80xi32, #tpu.memory_space<hbm>> -> memref<1x125x80xi32, #tpu.memory_space<hbm>>
      %dma_start3A_141 = tpu.memref_squeeze %dma_start3A_140 : memref<1x125x80xi32, #tpu.memory_space<hbm>> -> memref<125x80xi32, #tpu.memory_space<hbm>>
      tpu.enqueue_dma source(%dma_start3A_141 : memref<125x80xi32, #tpu.memory_space<hbm>>) target(%arg7 : memref<125x80xi32, #tpu.memory_space<vmem>>) target_semaphore(%run_scoped3A : memref<!tpu.dma_semaphore, #tpu.memory_space<semaphore_mem>>)
      %dma_wait3A = arith.constant 0 : i32
      %dma_wait3A_142 = arith.constant 0 : i32
      %dma_wait3A_143 = tpu.memref_slice %arg4[%add3A, %dma_wait3A, %dma_wait3A_142] : memref<32x125x80xi32, #tpu.memory_space<hbm>> -> memref<1x125x80xi32, #tpu.memory_space<hbm>>
      %dma_wait3A_144 = tpu.memref_squeeze %dma_wait3A_143 : memref<1x125x80xi32, #tpu.memory_space<hbm>> -> memref<125x80xi32, #tpu.memory_space<hbm>>
      %dma_wait3A_145 = arith.constant 0 : i32
      %dma_wait3A_146 = arith.constant 0 : i32
      %dma_wait3A_147 = tpu.memref_slice %arg4[%add3A, %dma_wait3A_145, %dma_wait3A_146] : memref<32x125x80xi32, #tpu.memory_space<hbm>> -> memref<1x125x80xi32, #tpu.memory_space<hbm>>
      %dma_wait3A_148 = tpu.memref_squeeze %dma_wait3A_147 : memref<1x125x80xi32, #tpu.memory_space<hbm>> -> memref<125x80xi32, #tpu.memory_space<hbm>>
      tpu.wait_dma2 semaphore(%run_scoped3A : memref<!tpu.dma_semaphore, #tpu.memory_space<semaphore_mem>>) src(%dma_wait3A_148 : memref<125x80xi32, #tpu.memory_space<hbm>>) dst(%arg7 : memref<125x80xi32, #tpu.memory_space<vmem>>)
      tpu.yield
    }) : () -> ()
    %mul3A_7 = arith.constant 640 : i32
    %mul3A_8 = arith.muli %arg1, %mul3A_7 : i32
    %add3A_9 = arith.constant 0 : i32
    %add3A_10 = arith.addi %mul3A_8, %add3A_9 : i32
    "tpu.region"() ({
      %run_scoped3A = tpu.sem_alloc : memref<!tpu.dma_semaphore, #tpu.memory_space<semaphore_mem>>
      %dma_start3A = arith.constant 0 : i32
      %dma_start3A_135 = tpu.memref_slice %arg10[%add3A_10, %dma_start3A] : memref<10240x128xf32, #tpu.memory_space<vmem_shared>> -> memref<80x128xf32, #tpu.memory_space<vmem_shared>>
      %dma_start3A_136 = arith.constant 0 : i32
      %dma_start3A_137 = tpu.memref_slice %arg10[%add3A_10, %dma_start3A_136] : memref<10240x128xf32, #tpu.memory_space<vmem_shared>> -> memref<80x128xf32, #tpu.memory_space<vmem_shared>>
      tpu.enqueue_dma source(%arg8 : memref<80x128xf32, #tpu.memory_space<vmem>>) target(%dma_start3A_137 : memref<80x128xf32, #tpu.memory_space<vmem_shared>>) target_semaphore(%run_scoped3A : memref<!tpu.dma_semaphore, #tpu.memory_space<semaphore_mem>>)
      %dma_wait3A = arith.constant 0 : i32
      %dma_wait3A_138 = tpu.memref_slice %arg10[%add3A_10, %dma_wait3A] : memref<10240x128xf32, #tpu.memory_space<vmem_shared>> -> memref<80x128xf32, #tpu.memory_space<vmem_shared>>
      %dma_wait3A_139 = arith.constant 0 : i32
      %dma_wait3A_140 = tpu.memref_slice %arg10[%add3A_10, %dma_wait3A_139] : memref<10240x128xf32, #tpu.memory_space<vmem_shared>> -> memref<80x128xf32, #tpu.memory_space<vmem_shared>>
      tpu.wait_dma2 semaphore(%run_scoped3A : memref<!tpu.dma_semaphore, #tpu.memory_space<semaphore_mem>>) src(%arg8 : memref<80x128xf32, #tpu.memory_space<vmem>>) dst(%dma_wait3A_140 : memref<80x128xf32, #tpu.memory_space<vmem_shared>>)
      tpu.yield
    }) : () -> ()
    %mul3A_11 = arith.constant 640 : i32
    %mul3A_12 = arith.muli %arg1, %mul3A_11 : i32
    %add3A_13 = arith.constant 80 : i32
    %add3A_14 = arith.addi %mul3A_12, %add3A_13 : i32
    "tpu.region"() ({
      %run_scoped3A = tpu.sem_alloc : memref<!tpu.dma_semaphore, #tpu.memory_space<semaphore_mem>>
      %dma_start3A = arith.constant 0 : i32
      %dma_start3A_135 = tpu.memref_slice %arg10[%add3A_14, %dma_start3A] : memref<10240x128xf32, #tpu.memory_space<vmem_shared>> -> memref<80x128xf32, #tpu.memory_space<vmem_shared>>
      %dma_start3A_136 = arith.constant 0 : i32
      %dma_start3A_137 = tpu.memref_slice %arg10[%add3A_14, %dma_start3A_136] : memref<10240x128xf32, #tpu.memory_space<vmem_shared>> -> memref<80x128xf32, #tpu.memory_space<vmem_shared>>
      tpu.enqueue_dma source(%arg8 : memref<80x128xf32, #tpu.memory_space<vmem>>) target(%dma_start3A_137 : memref<80x128xf32, #tpu.memory_space<vmem_shared>>) target_semaphore(%run_scoped3A : memref<!tpu.dma_semaphore, #tpu.memory_space<semaphore_mem>>)
      %dma_wait3A = arith.constant 0 : i32
      %dma_wait3A_138 = tpu.memref_slice %arg10[%add3A_14, %dma_wait3A] : memref<10240x128xf32, #tpu.memory_space<vmem_shared>> -> memref<80x128xf32, #tpu.memory_space<vmem_shared>>
      %dma_wait3A_139 = arith.constant 0 : i32
      %dma_wait3A_140 = tpu.memref_slice %arg10[%add3A_14, %dma_wait3A_139] : memref<10240x128xf32, #tpu.memory_space<vmem_shared>> -> memref<80x128xf32, #tpu.memory_space<vmem_shared>>
      tpu.wait_dma2 semaphore(%run_scoped3A : memref<!tpu.dma_semaphore, #tpu.memory_space<semaphore_mem>>) src(%arg8 : memref<80x128xf32, #tpu.memory_space<vmem>>) dst(%dma_wait3A_140 : memref<80x128xf32, #tpu.memory_space<vmem_shared>>)
      tpu.yield
    }) : () -> ()
    %mul3A_15 = arith.constant 640 : i32
    %mul3A_16 = arith.muli %arg1, %mul3A_15 : i32
    %add3A_17 = arith.constant 160 : i32
    %add3A_18 = arith.addi %mul3A_16, %add3A_17 : i32
    "tpu.region"() ({
      %run_scoped3A = tpu.sem_alloc : memref<!tpu.dma_semaphore, #tpu.memory_space<semaphore_mem>>
      %dma_start3A = arith.constant 0 : i32
      %dma_start3A_135 = tpu.memref_slice %arg10[%add3A_18, %dma_start3A] : memref<10240x128xf32, #tpu.memory_space<vmem_shared>> -> memref<80x128xf32, #tpu.memory_space<vmem_shared>>
      %dma_start3A_136 = arith.constant 0 : i32
      %dma_start3A_137 = tpu.memref_slice %arg10[%add3A_18, %dma_start3A_136] : memref<10240x128xf32, #tpu.memory_space<vmem_shared>> -> memref<80x128xf32, #tpu.memory_space<vmem_shared>>
      tpu.enqueue_dma source(%arg8 : memref<80x128xf32, #tpu.memory_space<vmem>>) target(%dma_start3A_137 : memref<80x128xf32, #tpu.memory_space<vmem_shared>>) target_semaphore(%run_scoped3A : memref<!tpu.dma_semaphore, #tpu.memory_space<semaphore_mem>>)
      %dma_wait3A = arith.constant 0 : i32
      %dma_wait3A_138 = tpu.memref_slice %arg10[%add3A_18, %dma_wait3A] : memref<10240x128xf32, #tpu.memory_space<vmem_shared>> -> memref<80x128xf32, #tpu.memory_space<vmem_shared>>
      %dma_wait3A_139 = arith.constant 0 : i32
      %dma_wait3A_140 = tpu.memref_slice %arg10[%add3A_18, %dma_wait3A_139] : memref<10240x128xf32, #tpu.memory_space<vmem_shared>> -> memref<80x128xf32, #tpu.memory_space<vmem_shared>>
      tpu.wait_dma2 semaphore(%run_scoped3A : memref<!tpu.dma_semaphore, #tpu.memory_space<semaphore_mem>>) src(%arg8 : memref<80x128xf32, #tpu.memory_space<vmem>>) dst(%dma_wait3A_140 : memref<80x128xf32, #tpu.memory_space<vmem_shared>>)
      tpu.yield
    }) : () -> ()
    %mul3A_19 = arith.constant 640 : i32
    %mul3A_20 = arith.muli %arg1, %mul3A_19 : i32
    %add3A_21 = arith.constant 240 : i32
    %add3A_22 = arith.addi %mul3A_20, %add3A_21 : i32
    "tpu.region"() ({
      %run_scoped3A = tpu.sem_alloc : memref<!tpu.dma_semaphore, #tpu.memory_space<semaphore_mem>>
      %dma_start3A = arith.constant 0 : i32
      %dma_start3A_135 = tpu.memref_slice %arg10[%add3A_22, %dma_start3A] : memref<10240x128xf32, #tpu.memory_space<vmem_shared>> -> memref<80x128xf32, #tpu.memory_space<vmem_shared>>
      %dma_start3A_136 = arith.constant 0 : i32
      %dma_start3A_137 = tpu.memref_slice %arg10[%add3A_22, %dma_start3A_136] : memref<10240x128xf32, #tpu.memory_space<vmem_shared>> -> memref<80x128xf32, #tpu.memory_space<vmem_shared>>
      tpu.enqueue_dma source(%arg8 : memref<80x128xf32, #tpu.memory_space<vmem>>) target(%dma_start3A_137 : memref<80x128xf32, #tpu.memory_space<vmem_shared>>) target_semaphore(%run_scoped3A : memref<!tpu.dma_semaphore, #tpu.memory_space<semaphore_mem>>)
      %dma_wait3A = arith.constant 0 : i32
      %dma_wait3A_138 = tpu.memref_slice %arg10[%add3A_22, %dma_wait3A] : memref<10240x128xf32, #tpu.memory_space<vmem_shared>> -> memref<80x128xf32, #tpu.memory_space<vmem_shared>>
      %dma_wait3A_139 = arith.constant 0 : i32
      %dma_wait3A_140 = tpu.memref_slice %arg10[%add3A_22, %dma_wait3A_139] : memref<10240x128xf32, #tpu.memory_space<vmem_shared>> -> memref<80x128xf32, #tpu.memory_space<vmem_shared>>
      tpu.wait_dma2 semaphore(%run_scoped3A : memref<!tpu.dma_semaphore, #tpu.memory_space<semaphore_mem>>) src(%arg8 : memref<80x128xf32, #tpu.memory_space<vmem>>) dst(%dma_wait3A_140 : memref<80x128xf32, #tpu.memory_space<vmem_shared>>)
      tpu.yield
    }) : () -> ()
    %mul3A_23 = arith.constant 640 : i32
    %mul3A_24 = arith.muli %arg1, %mul3A_23 : i32
    %add3A_25 = arith.constant 320 : i32
    %add3A_26 = arith.addi %mul3A_24, %add3A_25 : i32
    "tpu.region"() ({
      %run_scoped3A = tpu.sem_alloc : memref<!tpu.dma_semaphore, #tpu.memory_space<semaphore_mem>>
      %dma_start3A = arith.constant 0 : i32
      %dma_start3A_135 = tpu.memref_slice %arg10[%add3A_26, %dma_start3A] : memref<10240x128xf32, #tpu.memory_space<vmem_shared>> -> memref<80x128xf32, #tpu.memory_space<vmem_shared>>
      %dma_start3A_136 = arith.constant 0 : i32
      %dma_start3A_137 = tpu.memref_slice %arg10[%add3A_26, %dma_start3A_136] : memref<10240x128xf32, #tpu.memory_space<vmem_shared>> -> memref<80x128xf32, #tpu.memory_space<vmem_shared>>
      tpu.enqueue_dma source(%arg8 : memref<80x128xf32, #tpu.memory_space<vmem>>) target(%dma_start3A_137 : memref<80x128xf32, #tpu.memory_space<vmem_shared>>) target_semaphore(%run_scoped3A : memref<!tpu.dma_semaphore, #tpu.memory_space<semaphore_mem>>)
      %dma_wait3A = arith.constant 0 : i32
      %dma_wait3A_138 = tpu.memref_slice %arg10[%add3A_26, %dma_wait3A] : memref<10240x128xf32, #tpu.memory_space<vmem_shared>> -> memref<80x128xf32, #tpu.memory_space<vmem_shared>>
      %dma_wait3A_139 = arith.constant 0 : i32
      %dma_wait3A_140 = tpu.memref_slice %arg10[%add3A_26, %dma_wait3A_139] : memref<10240x128xf32, #tpu.memory_space<vmem_shared>> -> memref<80x128xf32, #tpu.memory_space<vmem_shared>>
      tpu.wait_dma2 semaphore(%run_scoped3A : memref<!tpu.dma_semaphore, #tpu.memory_space<semaphore_mem>>) src(%arg8 : memref<80x128xf32, #tpu.memory_space<vmem>>) dst(%dma_wait3A_140 : memref<80x128xf32, #tpu.memory_space<vmem_shared>>)
      tpu.yield
    }) : () -> ()
    %mul3A_27 = arith.constant 640 : i32
    %mul3A_28 = arith.muli %arg1, %mul3A_27 : i32
    %add3A_29 = arith.constant 400 : i32
    %add3A_30 = arith.addi %mul3A_28, %add3A_29 : i32
    "tpu.region"() ({
      %run_scoped3A = tpu.sem_alloc : memref<!tpu.dma_semaphore, #tpu.memory_space<semaphore_mem>>
      %dma_start3A = arith.constant 0 : i32
      %dma_start3A_135 = tpu.memref_slice %arg10[%add3A_30, %dma_start3A] : memref<10240x128xf32, #tpu.memory_space<vmem_shared>> -> memref<80x128xf32, #tpu.memory_space<vmem_shared>>
      %dma_start3A_136 = arith.constant 0 : i32
      %dma_start3A_137 = tpu.memref_slice %arg10[%add3A_30, %dma_start3A_136] : memref<10240x128xf32, #tpu.memory_space<vmem_shared>> -> memref<80x128xf32, #tpu.memory_space<vmem_shared>>
      tpu.enqueue_dma source(%arg8 : memref<80x128xf32, #tpu.memory_space<vmem>>) target(%dma_start3A_137 : memref<80x128xf32, #tpu.memory_space<vmem_shared>>) target_semaphore(%run_scoped3A : memref<!tpu.dma_semaphore, #tpu.memory_space<semaphore_mem>>)
      %dma_wait3A = arith.constant 0 : i32
      %dma_wait3A_138 = tpu.memref_slice %arg10[%add3A_30, %dma_wait3A] : memref<10240x128xf32, #tpu.memory_space<vmem_shared>> -> memref<80x128xf32, #tpu.memory_space<vmem_shared>>
      %dma_wait3A_139 = arith.constant 0 : i32
      %dma_wait3A_140 = tpu.memref_slice %arg10[%add3A_30, %dma_wait3A_139] : memref<10240x128xf32, #tpu.memory_space<vmem_shared>> -> memref<80x128xf32, #tpu.memory_space<vmem_shared>>
      tpu.wait_dma2 semaphore(%run_scoped3A : memref<!tpu.dma_semaphore, #tpu.memory_space<semaphore_mem>>) src(%arg8 : memref<80x128xf32, #tpu.memory_space<vmem>>) dst(%dma_wait3A_140 : memref<80x128xf32, #tpu.memory_space<vmem_shared>>)
      tpu.yield
    }) : () -> ()
    %mul3A_31 = arith.constant 640 : i32
    %mul3A_32 = arith.muli %arg1, %mul3A_31 : i32
    %add3A_33 = arith.constant 480 : i32
    %add3A_34 = arith.addi %mul3A_32, %add3A_33 : i32
    "tpu.region"() ({
      %run_scoped3A = tpu.sem_alloc : memref<!tpu.dma_semaphore, #tpu.memory_space<semaphore_mem>>
      %dma_start3A = arith.constant 0 : i32
      %dma_start3A_135 = tpu.memref_slice %arg10[%add3A_34, %dma_start3A] : memref<10240x128xf32, #tpu.memory_space<vmem_shared>> -> memref<80x128xf32, #tpu.memory_space<vmem_shared>>
      %dma_start3A_136 = arith.constant 0 : i32
      %dma_start3A_137 = tpu.memref_slice %arg10[%add3A_34, %dma_start3A_136] : memref<10240x128xf32, #tpu.memory_space<vmem_shared>> -> memref<80x128xf32, #tpu.memory_space<vmem_shared>>
      tpu.enqueue_dma source(%arg8 : memref<80x128xf32, #tpu.memory_space<vmem>>) target(%dma_start3A_137 : memref<80x128xf32, #tpu.memory_space<vmem_shared>>) target_semaphore(%run_scoped3A : memref<!tpu.dma_semaphore, #tpu.memory_space<semaphore_mem>>)
      %dma_wait3A = arith.constant 0 : i32
      %dma_wait3A_138 = tpu.memref_slice %arg10[%add3A_34, %dma_wait3A] : memref<10240x128xf32, #tpu.memory_space<vmem_shared>> -> memref<80x128xf32, #tpu.memory_space<vmem_shared>>
      %dma_wait3A_139 = arith.constant 0 : i32
      %dma_wait3A_140 = tpu.memref_slice %arg10[%add3A_34, %dma_wait3A_139] : memref<10240x128xf32, #tpu.memory_space<vmem_shared>> -> memref<80x128xf32, #tpu.memory_space<vmem_shared>>
      tpu.wait_dma2 semaphore(%run_scoped3A : memref<!tpu.dma_semaphore, #tpu.memory_space<semaphore_mem>>) src(%arg8 : memref<80x128xf32, #tpu.memory_space<vmem>>) dst(%dma_wait3A_140 : memref<80x128xf32, #tpu.memory_space<vmem_shared>>)
      tpu.yield
    }) : () -> ()
    %mul3A_35 = arith.constant 640 : i32
    %mul3A_36 = arith.muli %arg1, %mul3A_35 : i32
    %add3A_37 = arith.constant 560 : i32
    %add3A_38 = arith.addi %mul3A_36, %add3A_37 : i32
    "tpu.region"() ({
      %run_scoped3A = tpu.sem_alloc : memref<!tpu.dma_semaphore, #tpu.memory_space<semaphore_mem>>
      %dma_start3A = arith.constant 0 : i32
      %dma_start3A_135 = tpu.memref_slice %arg10[%add3A_38, %dma_start3A] : memref<10240x128xf32, #tpu.memory_space<vmem_shared>> -> memref<80x128xf32, #tpu.memory_space<vmem_shared>>
      %dma_start3A_136 = arith.constant 0 : i32
      %dma_start3A_137 = tpu.memref_slice %arg10[%add3A_38, %dma_start3A_136] : memref<10240x128xf32, #tpu.memory_space<vmem_shared>> -> memref<80x128xf32, #tpu.memory_space<vmem_shared>>
      tpu.enqueue_dma source(%arg8 : memref<80x128xf32, #tpu.memory_space<vmem>>) target(%dma_start3A_137 : memref<80x128xf32, #tpu.memory_space<vmem_shared>>) target_semaphore(%run_scoped3A : memref<!tpu.dma_semaphore, #tpu.memory_space<semaphore_mem>>)
      %dma_wait3A = arith.constant 0 : i32
      %dma_wait3A_138 = tpu.memref_slice %arg10[%add3A_38, %dma_wait3A] : memref<10240x128xf32, #tpu.memory_space<vmem_shared>> -> memref<80x128xf32, #tpu.memory_space<vmem_shared>>
      %dma_wait3A_139 = arith.constant 0 : i32
      %dma_wait3A_140 = tpu.memref_slice %arg10[%add3A_38, %dma_wait3A_139] : memref<10240x128xf32, #tpu.memory_space<vmem_shared>> -> memref<80x128xf32, #tpu.memory_space<vmem_shared>>
      tpu.wait_dma2 semaphore(%run_scoped3A : memref<!tpu.dma_semaphore, #tpu.memory_space<semaphore_mem>>) src(%arg8 : memref<80x128xf32, #tpu.memory_space<vmem>>) dst(%dma_wait3A_140 : memref<80x128xf32, #tpu.memory_space<vmem_shared>>)
      tpu.yield
    }) : () -> ()
    %barrier3A = arith.constant 0 : index
    tpu.barrier barrier_id(%barrier3A)
    %scan3A_39 = arith.constant 0 : i32
    %scan3A_40 = arith.constant 0 : i32
    %scan3A_41 = arith.constant 125 : i32
    %scan3A_42 = arith.addi %scan3A_40, %scan3A_41 : i32
    %scan3A_43 = arith.constant 1 : i32
    %scan3A_44 = scf.for %scan3A_135 = %scan3A_40 to %scan3A_42 step %scan3A_43 iter_args(%scan3A_136 = %scan3A_39) -> (i32)  : i32 {
      %dma_start3A = arith.constant 0 : i32
      %dma_start3A_137 = tpu.memref_slice %arg6[%scan3A_135, %dma_start3A] : memref<125x80xi32, #tpu.memory_space<vmem>> -> memref<1x80xi32, #tpu.memory_space<vmem>>
      %dma_start3A_138 = tpu.memref_squeeze %dma_start3A_137 : memref<1x80xi32, #tpu.memory_space<vmem>> -> memref<80xi32, #tpu.memory_space<vmem>>
      %dma_start3A_139 = arith.constant 0 : i32
      %dma_start3A_140 = arith.constant 0 : i32
      %dma_start3A_141 = tpu.memref_slice %arg2[%dma_start3A_139, %dma_start3A_140] : memref<10000x128xf32, #tpu.memory_space<hbm>> -> memref<10000x128xf32, #tpu.memory_space<hbm>>
      tpu.enqueue_indirect_dma source(%dma_start3A_141 : memref<10000x128xf32, #tpu.memory_space<hbm>>) target(%arg8 : memref<80x128xf32, #tpu.memory_space<vmem>>) offsets(%dma_start3A_138 : memref<80xi32, #tpu.memory_space<vmem>>) semaphore(%arg9 : memref<!tpu.dma_semaphore, #tpu.memory_space<semaphore_mem>>)
      %dma_wait3A = arith.constant 0 : i32
      %dma_wait3A_142 = tpu.memref_slice %arg6[%scan3A_135, %dma_wait3A] : memref<125x80xi32, #tpu.memory_space<vmem>> -> memref<1x80xi32, #tpu.memory_space<vmem>>
      %dma_wait3A_143 = tpu.memref_squeeze %dma_wait3A_142 : memref<1x80xi32, #tpu.memory_space<vmem>> -> memref<80xi32, #tpu.memory_space<vmem>>
      %dma_wait3A_144 = arith.constant 0 : i32
      %dma_wait3A_145 = arith.constant 0 : i32
      %dma_wait3A_146 = tpu.memref_slice %arg2[%dma_wait3A_144, %dma_wait3A_145] : memref<10000x128xf32, #tpu.memory_space<hbm>> -> memref<10000x128xf32, #tpu.memory_space<hbm>>
      tpu.wait_indirect_dma semaphore(%arg9 : memref<!tpu.dma_semaphore, #tpu.memory_space<semaphore_mem>>) src(%dma_wait3A_146 : memref<10000x128xf32, #tpu.memory_space<hbm>>) dst(%arg8 : memref<80x128xf32, #tpu.memory_space<vmem>>)
      "tpu.region"() ({
        %run_scoped3A = tpu.sem_alloc : memref<!tpu.dma_semaphore, #tpu.memory_space<semaphore_mem>>
        %dma_start3A_148 = arith.constant 0 : i32
        %dma_start3A_149 = tpu.memref_slice %arg7[%scan3A_135, %dma_start3A_148] : memref<125x80xi32, #tpu.memory_space<vmem>> -> memref<1x80xi32, #tpu.memory_space<vmem>>
        %dma_start3A_150 = tpu.memref_squeeze %dma_start3A_149 : memref<1x80xi32, #tpu.memory_space<vmem>> -> memref<80xi32, #tpu.memory_space<vmem>>
        %dma_start3A_151 = arith.constant 0 : i32
        %dma_start3A_152 = arith.constant 0 : i32
        %dma_start3A_153 = tpu.memref_slice %arg10[%dma_start3A_151, %dma_start3A_152] : memref<10240x128xf32, #tpu.memory_space<vmem_shared>> -> memref<10240x128xf32, #tpu.memory_space<vmem_shared>>
        tpu.enqueue_indirect_dma source(%arg8 : memref<80x128xf32, #tpu.memory_space<vmem>>) target(%dma_start3A_153 : memref<10240x128xf32, #tpu.memory_space<vmem_shared>>) offsets(%dma_start3A_150 : memref<80xi32, #tpu.memory_space<vmem>>) semaphore(%run_scoped3A : memref<!tpu.dma_semaphore, #tpu.memory_space<semaphore_mem>>) {add = true}
        %dma_wait3A_154 = arith.constant 0 : i32
        %dma_wait3A_155 = tpu.memref_slice %arg7[%scan3A_135, %dma_wait3A_154] : memref<125x80xi32, #tpu.memory_space<vmem>> -> memref<1x80xi32, #tpu.memory_space<vmem>>
        %dma_wait3A_156 = tpu.memref_squeeze %dma_wait3A_155 : memref<1x80xi32, #tpu.memory_space<vmem>> -> memref<80xi32, #tpu.memory_space<vmem>>
        %dma_wait3A_157 = arith.constant 0 : i32
        %dma_wait3A_158 = arith.constant 0 : i32
        %dma_wait3A_159 = tpu.memref_slice %arg10[%dma_wait3A_157, %dma_wait3A_158] : memref<10240x128xf32, #tpu.memory_space<vmem_shared>> -> memref<10240x128xf32, #tpu.memory_space<vmem_shared>>
        tpu.wait_indirect_dma semaphore(%run_scoped3A : memref<!tpu.dma_semaphore, #tpu.memory_space<semaphore_mem>>) src(%arg8 : memref<80x128xf32, #tpu.memory_space<vmem>>) dst(%dma_wait3A_159 : memref<10240x128xf32, #tpu.memory_space<vmem_shared>>)
        tpu.yield
      }) : () -> ()
      %scan3A_147 = arith.constant 0 : i32
      scf.yield %scan3A_147 : i32
    }
    %scan3A_45 = arith.constant 125 : i32
    %barrier3A_46 = arith.constant 0 : index
    tpu.barrier barrier_id(%barrier3A_46)
    %mul3A_47 = arith.constant 640 : i32
    %mul3A_48 = arith.muli %arg1, %mul3A_47 : i32
    %add3A_49 = arith.constant 0 : i32
    %add3A_50 = arith.addi %mul3A_48, %add3A_49 : i32
    "tpu.region"() ({
      %run_scoped3A = tpu.sem_alloc : memref<!tpu.dma_semaphore, #tpu.memory_space<semaphore_mem>>
      %dma_start3A = arith.constant 0 : i32
      %dma_start3A_135 = tpu.memref_slice %arg10[%add3A_50, %dma_start3A] : memref<10240x128xf32, #tpu.memory_space<vmem_shared>> -> memref<80x128xf32, #tpu.memory_space<vmem_shared>>
      %dma_start3A_136 = arith.constant 0 : i32
      %dma_start3A_137 = tpu.memref_slice %arg10[%add3A_50, %dma_start3A_136] : memref<10240x128xf32, #tpu.memory_space<vmem_shared>> -> memref<80x128xf32, #tpu.memory_space<vmem_shared>>
      tpu.enqueue_dma source(%dma_start3A_137 : memref<80x128xf32, #tpu.memory_space<vmem_shared>>) target(%arg8 : memref<80x128xf32, #tpu.memory_space<vmem>>) target_semaphore(%run_scoped3A : memref<!tpu.dma_semaphore, #tpu.memory_space<semaphore_mem>>)
      %dma_wait3A = arith.constant 0 : i32
      %dma_wait3A_138 = tpu.memref_slice %arg10[%add3A_50, %dma_wait3A] : memref<10240x128xf32, #tpu.memory_space<vmem_shared>> -> memref<80x128xf32, #tpu.memory_space<vmem_shared>>
      %dma_wait3A_139 = arith.constant 0 : i32
      %dma_wait3A_140 = tpu.memref_slice %arg10[%add3A_50, %dma_wait3A_139] : memref<10240x128xf32, #tpu.memory_space<vmem_shared>> -> memref<80x128xf32, #tpu.memory_space<vmem_shared>>
      tpu.wait_dma2 semaphore(%run_scoped3A : memref<!tpu.dma_semaphore, #tpu.memory_space<semaphore_mem>>) src(%dma_wait3A_140 : memref<80x128xf32, #tpu.memory_space<vmem_shared>>) dst(%arg8 : memref<80x128xf32, #tpu.memory_space<vmem>>)
      tpu.yield
    }) : () -> ()
    %mul3A_51 = arith.constant 10240 : i32
    %mul3A_52 = arith.muli %arg0, %mul3A_51 : i32
    %mul3A_53 = arith.constant 640 : i32
    %mul3A_54 = arith.muli %arg1, %mul3A_53 : i32
    %add3A_55 = arith.addi %mul3A_52, %mul3A_54 : i32
    %add3A_56 = arith.constant 0 : i32
    %add3A_57 = arith.addi %add3A_55, %add3A_56 : i32
    "tpu.region"() ({
      %run_scoped3A = tpu.sem_alloc : memref<!tpu.dma_semaphore, #tpu.memory_space<semaphore_mem>>
      %dma_start3A = arith.constant 0 : i32
      %dma_start3A_135 = tpu.memref_slice %arg5[%add3A_57, %dma_start3A] : memref<20480x128xf32, #tpu.memory_space<hbm>> -> memref<80x128xf32, #tpu.memory_space<hbm>>
      %dma_start3A_136 = arith.constant 0 : i32
      %dma_start3A_137 = tpu.memref_slice %arg5[%add3A_57, %dma_start3A_136] : memref<20480x128xf32, #tpu.memory_space<hbm>> -> memref<80x128xf32, #tpu.memory_space<hbm>>
      tpu.enqueue_dma source(%arg8 : memref<80x128xf32, #tpu.memory_space<vmem>>) target(%dma_start3A_137 : memref<80x128xf32, #tpu.memory_space<hbm>>) target_semaphore(%run_scoped3A : memref<!tpu.dma_semaphore, #tpu.memory_space<semaphore_mem>>)
      %dma_wait3A = arith.constant 0 : i32
      %dma_wait3A_138 = tpu.memref_slice %arg5[%add3A_57, %dma_wait3A] : memref<20480x128xf32, #tpu.memory_space<hbm>> -> memref<80x128xf32, #tpu.memory_space<hbm>>
      %dma_wait3A_139 = arith.constant 0 : i32
      %dma_wait3A_140 = tpu.memref_slice %arg5[%add3A_57, %dma_wait3A_139] : memref<20480x128xf32, #tpu.memory_space<hbm>> -> memref<80x128xf32, #tpu.memory_space<hbm>>
      tpu.wait_dma2 semaphore(%run_scoped3A : memref<!tpu.dma_semaphore, #tpu.memory_space<semaphore_mem>>) src(%arg8 : memref<80x128xf32, #tpu.memory_space<vmem>>) dst(%dma_wait3A_140 : memref<80x128xf32, #tpu.memory_space<hbm>>)
      tpu.yield
    }) : () -> ()
    %mul3A_58 = arith.constant 640 : i32
    %mul3A_59 = arith.muli %arg1, %mul3A_58 : i32
    %add3A_60 = arith.constant 80 : i32
    %add3A_61 = arith.addi %mul3A_59, %add3A_60 : i32
    "tpu.region"() ({
      %run_scoped3A = tpu.sem_alloc : memref<!tpu.dma_semaphore, #tpu.memory_space<semaphore_mem>>
      %dma_start3A = arith.constant 0 : i32
      %dma_start3A_135 = tpu.memref_slice %arg10[%add3A_61, %dma_start3A] : memref<10240x128xf32, #tpu.memory_space<vmem_shared>> -> memref<80x128xf32, #tpu.memory_space<vmem_shared>>
      %dma_start3A_136 = arith.constant 0 : i32
      %dma_start3A_137 = tpu.memref_slice %arg10[%add3A_61, %dma_start3A_136] : memref<10240x128xf32, #tpu.memory_space<vmem_shared>> -> memref<80x128xf32, #tpu.memory_space<vmem_shared>>
      tpu.enqueue_dma source(%dma_start3A_137 : memref<80x128xf32, #tpu.memory_space<vmem_shared>>) target(%arg8 : memref<80x128xf32, #tpu.memory_space<vmem>>) target_semaphore(%run_scoped3A : memref<!tpu.dma_semaphore, #tpu.memory_space<semaphore_mem>>)
      %dma_wait3A = arith.constant 0 : i32
      %dma_wait3A_138 = tpu.memref_slice %arg10[%add3A_61, %dma_wait3A] : memref<10240x128xf32, #tpu.memory_space<vmem_shared>> -> memref<80x128xf32, #tpu.memory_space<vmem_shared>>
      %dma_wait3A_139 = arith.constant 0 : i32
      %dma_wait3A_140 = tpu.memref_slice %arg10[%add3A_61, %dma_wait3A_139] : memref<10240x128xf32, #tpu.memory_space<vmem_shared>> -> memref<80x128xf32, #tpu.memory_space<vmem_shared>>
      tpu.wait_dma2 semaphore(%run_scoped3A : memref<!tpu.dma_semaphore, #tpu.memory_space<semaphore_mem>>) src(%dma_wait3A_140 : memref<80x128xf32, #tpu.memory_space<vmem_shared>>) dst(%arg8 : memref<80x128xf32, #tpu.memory_space<vmem>>)
      tpu.yield
    }) : () -> ()
    %mul3A_62 = arith.constant 10240 : i32
    %mul3A_63 = arith.muli %arg0, %mul3A_62 : i32
    %mul3A_64 = arith.constant 640 : i32
    %mul3A_65 = arith.muli %arg1, %mul3A_64 : i32
    %add3A_66 = arith.addi %mul3A_63, %mul3A_65 : i32
    %add3A_67 = arith.constant 80 : i32
    %add3A_68 = arith.addi %add3A_66, %add3A_67 : i32
    "tpu.region"() ({
      %run_scoped3A = tpu.sem_alloc : memref<!tpu.dma_semaphore, #tpu.memory_space<semaphore_mem>>
      %dma_start3A = arith.constant 0 : i32
      %dma_start3A_135 = tpu.memref_slice %arg5[%add3A_68, %dma_start3A] : memref<20480x128xf32, #tpu.memory_space<hbm>> -> memref<80x128xf32, #tpu.memory_space<hbm>>
      %dma_start3A_136 = arith.constant 0 : i32
      %dma_start3A_137 = tpu.memref_slice %arg5[%add3A_68, %dma_start3A_136] : memref<20480x128xf32, #tpu.memory_space<hbm>> -> memref<80x128xf32, #tpu.memory_space<hbm>>
      tpu.enqueue_dma source(%arg8 : memref<80x128xf32, #tpu.memory_space<vmem>>) target(%dma_start3A_137 : memref<80x128xf32, #tpu.memory_space<hbm>>) target_semaphore(%run_scoped3A : memref<!tpu.dma_semaphore, #tpu.memory_space<semaphore_mem>>)
      %dma_wait3A = arith.constant 0 : i32
      %dma_wait3A_138 = tpu.memref_slice %arg5[%add3A_68, %dma_wait3A] : memref<20480x128xf32, #tpu.memory_space<hbm>> -> memref<80x128xf32, #tpu.memory_space<hbm>>
      %dma_wait3A_139 = arith.constant 0 : i32
      %dma_wait3A_140 = tpu.memref_slice %arg5[%add3A_68, %dma_wait3A_139] : memref<20480x128xf32, #tpu.memory_space<hbm>> -> memref<80x128xf32, #tpu.memory_space<hbm>>
      tpu.wait_dma2 semaphore(%run_scoped3A : memref<!tpu.dma_semaphore, #tpu.memory_space<semaphore_mem>>) src(%arg8 : memref<80x128xf32, #tpu.memory_space<vmem>>) dst(%dma_wait3A_140 : memref<80x128xf32, #tpu.memory_space<hbm>>)
      tpu.yield
    }) : () -> ()
    %mul3A_69 = arith.constant 640 : i32
    %mul3A_70 = arith.muli %arg1, %mul3A_69 : i32
    %add3A_71 = arith.constant 160 : i32
    %add3A_72 = arith.addi %mul3A_70, %add3A_71 : i32
    "tpu.region"() ({
      %run_scoped3A = tpu.sem_alloc : memref<!tpu.dma_semaphore, #tpu.memory_space<semaphore_mem>>
      %dma_start3A = arith.constant 0 : i32
      %dma_start3A_135 = tpu.memref_slice %arg10[%add3A_72, %dma_start3A] : memref<10240x128xf32, #tpu.memory_space<vmem_shared>> -> memref<80x128xf32, #tpu.memory_space<vmem_shared>>
      %dma_start3A_136 = arith.constant 0 : i32
      %dma_start3A_137 = tpu.memref_slice %arg10[%add3A_72, %dma_start3A_136] : memref<10240x128xf32, #tpu.memory_space<vmem_shared>> -> memref<80x128xf32, #tpu.memory_space<vmem_shared>>
      tpu.enqueue_dma source(%dma_start3A_137 : memref<80x128xf32, #tpu.memory_space<vmem_shared>>) target(%arg8 : memref<80x128xf32, #tpu.memory_space<vmem>>) target_semaphore(%run_scoped3A : memref<!tpu.dma_semaphore, #tpu.memory_space<semaphore_mem>>)
      %dma_wait3A = arith.constant 0 : i32
      %dma_wait3A_138 = tpu.memref_slice %arg10[%add3A_72, %dma_wait3A] : memref<10240x128xf32, #tpu.memory_space<vmem_shared>> -> memref<80x128xf32, #tpu.memory_space<vmem_shared>>
      %dma_wait3A_139 = arith.constant 0 : i32
      %dma_wait3A_140 = tpu.memref_slice %arg10[%add3A_72, %dma_wait3A_139] : memref<10240x128xf32, #tpu.memory_space<vmem_shared>> -> memref<80x128xf32, #tpu.memory_space<vmem_shared>>
      tpu.wait_dma2 semaphore(%run_scoped3A : memref<!tpu.dma_semaphore, #tpu.memory_space<semaphore_mem>>) src(%dma_wait3A_140 : memref<80x128xf32, #tpu.memory_space<vmem_shared>>) dst(%arg8 : memref<80x128xf32, #tpu.memory_space<vmem>>)
      tpu.yield
    }) : () -> ()
    %mul3A_73 = arith.constant 10240 : i32
    %mul3A_74 = arith.muli %arg0, %mul3A_73 : i32
    %mul3A_75 = arith.constant 640 : i32
    %mul3A_76 = arith.muli %arg1, %mul3A_75 : i32
    %add3A_77 = arith.addi %mul3A_74, %mul3A_76 : i32
    %add3A_78 = arith.constant 160 : i32
    %add3A_79 = arith.addi %add3A_77, %add3A_78 : i32
    "tpu.region"() ({
      %run_scoped3A = tpu.sem_alloc : memref<!tpu.dma_semaphore, #tpu.memory_space<semaphore_mem>>
      %dma_start3A = arith.constant 0 : i32
      %dma_start3A_135 = tpu.memref_slice %arg5[%add3A_79, %dma_start3A] : memref<20480x128xf32, #tpu.memory_space<hbm>> -> memref<80x128xf32, #tpu.memory_space<hbm>>
      %dma_start3A_136 = arith.constant 0 : i32
      %dma_start3A_137 = tpu.memref_slice %arg5[%add3A_79, %dma_start3A_136] : memref<20480x128xf32, #tpu.memory_space<hbm>> -> memref<80x128xf32, #tpu.memory_space<hbm>>
      tpu.enqueue_dma source(%arg8 : memref<80x128xf32, #tpu.memory_space<vmem>>) target(%dma_start3A_137 : memref<80x128xf32, #tpu.memory_space<hbm>>) target_semaphore(%run_scoped3A : memref<!tpu.dma_semaphore, #tpu.memory_space<semaphore_mem>>)
      %dma_wait3A = arith.constant 0 : i32
      %dma_wait3A_138 = tpu.memref_slice %arg5[%add3A_79, %dma_wait3A] : memref<20480x128xf32, #tpu.memory_space<hbm>> -> memref<80x128xf32, #tpu.memory_space<hbm>>
      %dma_wait3A_139 = arith.constant 0 : i32
      %dma_wait3A_140 = tpu.memref_slice %arg5[%add3A_79, %dma_wait3A_139] : memref<20480x128xf32, #tpu.memory_space<hbm>> -> memref<80x128xf32, #tpu.memory_space<hbm>>
      tpu.wait_dma2 semaphore(%run_scoped3A : memref<!tpu.dma_semaphore, #tpu.memory_space<semaphore_mem>>) src(%arg8 : memref<80x128xf32, #tpu.memory_space<vmem>>) dst(%dma_wait3A_140 : memref<80x128xf32, #tpu.memory_space<hbm>>)
      tpu.yield
    }) : () -> ()
    %mul3A_80 = arith.constant 640 : i32
    %mul3A_81 = arith.muli %arg1, %mul3A_80 : i32
    %add3A_82 = arith.constant 240 : i32
    %add3A_83 = arith.addi %mul3A_81, %add3A_82 : i32
    "tpu.region"() ({
      %run_scoped3A = tpu.sem_alloc : memref<!tpu.dma_semaphore, #tpu.memory_space<semaphore_mem>>
      %dma_start3A = arith.constant 0 : i32
      %dma_start3A_135 = tpu.memref_slice %arg10[%add3A_83, %dma_start3A] : memref<10240x128xf32, #tpu.memory_space<vmem_shared>> -> memref<80x128xf32, #tpu.memory_space<vmem_shared>>
      %dma_start3A_136 = arith.constant 0 : i32
      %dma_start3A_137 = tpu.memref_slice %arg10[%add3A_83, %dma_start3A_136] : memref<10240x128xf32, #tpu.memory_space<vmem_shared>> -> memref<80x128xf32, #tpu.memory_space<vmem_shared>>
      tpu.enqueue_dma source(%dma_start3A_137 : memref<80x128xf32, #tpu.memory_space<vmem_shared>>) target(%arg8 : memref<80x128xf32, #tpu.memory_space<vmem>>) target_semaphore(%run_scoped3A : memref<!tpu.dma_semaphore, #tpu.memory_space<semaphore_mem>>)
      %dma_wait3A = arith.constant 0 : i32
      %dma_wait3A_138 = tpu.memref_slice %arg10[%add3A_83, %dma_wait3A] : memref<10240x128xf32, #tpu.memory_space<vmem_shared>> -> memref<80x128xf32, #tpu.memory_space<vmem_shared>>
      %dma_wait3A_139 = arith.constant 0 : i32
      %dma_wait3A_140 = tpu.memref_slice %arg10[%add3A_83, %dma_wait3A_139] : memref<10240x128xf32, #tpu.memory_space<vmem_shared>> -> memref<80x128xf32, #tpu.memory_space<vmem_shared>>
      tpu.wait_dma2 semaphore(%run_scoped3A : memref<!tpu.dma_semaphore, #tpu.memory_space<semaphore_mem>>) src(%dma_wait3A_140 : memref<80x128xf32, #tpu.memory_space<vmem_shared>>) dst(%arg8 : memref<80x128xf32, #tpu.memory_space<vmem>>)
      tpu.yield
    }) : () -> ()
    %mul3A_84 = arith.constant 10240 : i32
    %mul3A_85 = arith.muli %arg0, %mul3A_84 : i32
    %mul3A_86 = arith.constant 640 : i32
    %mul3A_87 = arith.muli %arg1, %mul3A_86 : i32
    %add3A_88 = arith.addi %mul3A_85, %mul3A_87 : i32
    %add3A_89 = arith.constant 240 : i32
    %add3A_90 = arith.addi %add3A_88, %add3A_89 : i32
    "tpu.region"() ({
      %run_scoped3A = tpu.sem_alloc : memref<!tpu.dma_semaphore, #tpu.memory_space<semaphore_mem>>
      %dma_start3A = arith.constant 0 : i32
      %dma_start3A_135 = tpu.memref_slice %arg5[%add3A_90, %dma_start3A] : memref<20480x128xf32, #tpu.memory_space<hbm>> -> memref<80x128xf32, #tpu.memory_space<hbm>>
      %dma_start3A_136 = arith.constant 0 : i32
      %dma_start3A_137 = tpu.memref_slice %arg5[%add3A_90, %dma_start3A_136] : memref<20480x128xf32, #tpu.memory_space<hbm>> -> memref<80x128xf32, #tpu.memory_space<hbm>>
      tpu.enqueue_dma source(%arg8 : memref<80x128xf32, #tpu.memory_space<vmem>>) target(%dma_start3A_137 : memref<80x128xf32, #tpu.memory_space<hbm>>) target_semaphore(%run_scoped3A : memref<!tpu.dma_semaphore, #tpu.memory_space<semaphore_mem>>)
      %dma_wait3A = arith.constant 0 : i32
      %dma_wait3A_138 = tpu.memref_slice %arg5[%add3A_90, %dma_wait3A] : memref<20480x128xf32, #tpu.memory_space<hbm>> -> memref<80x128xf32, #tpu.memory_space<hbm>>
      %dma_wait3A_139 = arith.constant 0 : i32
      %dma_wait3A_140 = tpu.memref_slice %arg5[%add3A_90, %dma_wait3A_139] : memref<20480x128xf32, #tpu.memory_space<hbm>> -> memref<80x128xf32, #tpu.memory_space<hbm>>
      tpu.wait_dma2 semaphore(%run_scoped3A : memref<!tpu.dma_semaphore, #tpu.memory_space<semaphore_mem>>) src(%arg8 : memref<80x128xf32, #tpu.memory_space<vmem>>) dst(%dma_wait3A_140 : memref<80x128xf32, #tpu.memory_space<hbm>>)
      tpu.yield
    }) : () -> ()
    %mul3A_91 = arith.constant 640 : i32
    %mul3A_92 = arith.muli %arg1, %mul3A_91 : i32
    %add3A_93 = arith.constant 320 : i32
    %add3A_94 = arith.addi %mul3A_92, %add3A_93 : i32
    "tpu.region"() ({
      %run_scoped3A = tpu.sem_alloc : memref<!tpu.dma_semaphore, #tpu.memory_space<semaphore_mem>>
      %dma_start3A = arith.constant 0 : i32
      %dma_start3A_135 = tpu.memref_slice %arg10[%add3A_94, %dma_start3A] : memref<10240x128xf32, #tpu.memory_space<vmem_shared>> -> memref<80x128xf32, #tpu.memory_space<vmem_shared>>
      %dma_start3A_136 = arith.constant 0 : i32
      %dma_start3A_137 = tpu.memref_slice %arg10[%add3A_94, %dma_start3A_136] : memref<10240x128xf32, #tpu.memory_space<vmem_shared>> -> memref<80x128xf32, #tpu.memory_space<vmem_shared>>
      tpu.enqueue_dma source(%dma_start3A_137 : memref<80x128xf32, #tpu.memory_space<vmem_shared>>) target(%arg8 : memref<80x128xf32, #tpu.memory_space<vmem>>) target_semaphore(%run_scoped3A : memref<!tpu.dma_semaphore, #tpu.memory_space<semaphore_mem>>)
      %dma_wait3A = arith.constant 0 : i32
      %dma_wait3A_138 = tpu.memref_slice %arg10[%add3A_94, %dma_wait3A] : memref<10240x128xf32, #tpu.memory_space<vmem_shared>> -> memref<80x128xf32, #tpu.memory_space<vmem_shared>>
      %dma_wait3A_139 = arith.constant 0 : i32
      %dma_wait3A_140 = tpu.memref_slice %arg10[%add3A_94, %dma_wait3A_139] : memref<10240x128xf32, #tpu.memory_space<vmem_shared>> -> memref<80x128xf32, #tpu.memory_space<vmem_shared>>
      tpu.wait_dma2 semaphore(%run_scoped3A : memref<!tpu.dma_semaphore, #tpu.memory_space<semaphore_mem>>) src(%dma_wait3A_140 : memref<80x128xf32, #tpu.memory_space<vmem_shared>>) dst(%arg8 : memref<80x128xf32, #tpu.memory_space<vmem>>)
      tpu.yield
    }) : () -> ()
    %mul3A_95 = arith.constant 10240 : i32
    %mul3A_96 = arith.muli %arg0, %mul3A_95 : i32
    %mul3A_97 = arith.constant 640 : i32
    %mul3A_98 = arith.muli %arg1, %mul3A_97 : i32
    %add3A_99 = arith.addi %mul3A_96, %mul3A_98 : i32
    %add3A_100 = arith.constant 320 : i32
    %add3A_101 = arith.addi %add3A_99, %add3A_100 : i32
    "tpu.region"() ({
      %run_scoped3A = tpu.sem_alloc : memref<!tpu.dma_semaphore, #tpu.memory_space<semaphore_mem>>
      %dma_start3A = arith.constant 0 : i32
      %dma_start3A_135 = tpu.memref_slice %arg5[%add3A_101, %dma_start3A] : memref<20480x128xf32, #tpu.memory_space<hbm>> -> memref<80x128xf32, #tpu.memory_space<hbm>>
      %dma_start3A_136 = arith.constant 0 : i32
      %dma_start3A_137 = tpu.memref_slice %arg5[%add3A_101, %dma_start3A_136] : memref<20480x128xf32, #tpu.memory_space<hbm>> -> memref<80x128xf32, #tpu.memory_space<hbm>>
      tpu.enqueue_dma source(%arg8 : memref<80x128xf32, #tpu.memory_space<vmem>>) target(%dma_start3A_137 : memref<80x128xf32, #tpu.memory_space<hbm>>) target_semaphore(%run_scoped3A : memref<!tpu.dma_semaphore, #tpu.memory_space<semaphore_mem>>)
      %dma_wait3A = arith.constant 0 : i32
      %dma_wait3A_138 = tpu.memref_slice %arg5[%add3A_101, %dma_wait3A] : memref<20480x128xf32, #tpu.memory_space<hbm>> -> memref<80x128xf32, #tpu.memory_space<hbm>>
      %dma_wait3A_139 = arith.constant 0 : i32
      %dma_wait3A_140 = tpu.memref_slice %arg5[%add3A_101, %dma_wait3A_139] : memref<20480x128xf32, #tpu.memory_space<hbm>> -> memref<80x128xf32, #tpu.memory_space<hbm>>
      tpu.wait_dma2 semaphore(%run_scoped3A : memref<!tpu.dma_semaphore, #tpu.memory_space<semaphore_mem>>) src(%arg8 : memref<80x128xf32, #tpu.memory_space<vmem>>) dst(%dma_wait3A_140 : memref<80x128xf32, #tpu.memory_space<hbm>>)
      tpu.yield
    }) : () -> ()
    %mul3A_102 = arith.constant 640 : i32
    %mul3A_103 = arith.muli %arg1, %mul3A_102 : i32
    %add3A_104 = arith.constant 400 : i32
    %add3A_105 = arith.addi %mul3A_103, %add3A_104 : i32
    "tpu.region"() ({
      %run_scoped3A = tpu.sem_alloc : memref<!tpu.dma_semaphore, #tpu.memory_space<semaphore_mem>>
      %dma_start3A = arith.constant 0 : i32
      %dma_start3A_135 = tpu.memref_slice %arg10[%add3A_105, %dma_start3A] : memref<10240x128xf32, #tpu.memory_space<vmem_shared>> -> memref<80x128xf32, #tpu.memory_space<vmem_shared>>
      %dma_start3A_136 = arith.constant 0 : i32
      %dma_start3A_137 = tpu.memref_slice %arg10[%add3A_105, %dma_start3A_136] : memref<10240x128xf32, #tpu.memory_space<vmem_shared>> -> memref<80x128xf32, #tpu.memory_space<vmem_shared>>
      tpu.enqueue_dma source(%dma_start3A_137 : memref<80x128xf32, #tpu.memory_space<vmem_shared>>) target(%arg8 : memref<80x128xf32, #tpu.memory_space<vmem>>) target_semaphore(%run_scoped3A : memref<!tpu.dma_semaphore, #tpu.memory_space<semaphore_mem>>)
      %dma_wait3A = arith.constant 0 : i32
      %dma_wait3A_138 = tpu.memref_slice %arg10[%add3A_105, %dma_wait3A] : memref<10240x128xf32, #tpu.memory_space<vmem_shared>> -> memref<80x128xf32, #tpu.memory_space<vmem_shared>>
      %dma_wait3A_139 = arith.constant 0 : i32
      %dma_wait3A_140 = tpu.memref_slice %arg10[%add3A_105, %dma_wait3A_139] : memref<10240x128xf32, #tpu.memory_space<vmem_shared>> -> memref<80x128xf32, #tpu.memory_space<vmem_shared>>
      tpu.wait_dma2 semaphore(%run_scoped3A : memref<!tpu.dma_semaphore, #tpu.memory_space<semaphore_mem>>) src(%dma_wait3A_140 : memref<80x128xf32, #tpu.memory_space<vmem_shared>>) dst(%arg8 : memref<80x128xf32, #tpu.memory_space<vmem>>)
      tpu.yield
    }) : () -> ()
    %mul3A_106 = arith.constant 10240 : i32
    %mul3A_107 = arith.muli %arg0, %mul3A_106 : i32
    %mul3A_108 = arith.constant 640 : i32
    %mul3A_109 = arith.muli %arg1, %mul3A_108 : i32
    %add3A_110 = arith.addi %mul3A_107, %mul3A_109 : i32
    %add3A_111 = arith.constant 400 : i32
    %add3A_112 = arith.addi %add3A_110, %add3A_111 : i32
    "tpu.region"() ({
      %run_scoped3A = tpu.sem_alloc : memref<!tpu.dma_semaphore, #tpu.memory_space<semaphore_mem>>
      %dma_start3A = arith.constant 0 : i32
      %dma_start3A_135 = tpu.memref_slice %arg5[%add3A_112, %dma_start3A] : memref<20480x128xf32, #tpu.memory_space<hbm>> -> memref<80x128xf32, #tpu.memory_space<hbm>>
      %dma_start3A_136 = arith.constant 0 : i32
      %dma_start3A_137 = tpu.memref_slice %arg5[%add3A_112, %dma_start3A_136] : memref<20480x128xf32, #tpu.memory_space<hbm>> -> memref<80x128xf32, #tpu.memory_space<hbm>>
      tpu.enqueue_dma source(%arg8 : memref<80x128xf32, #tpu.memory_space<vmem>>) target(%dma_start3A_137 : memref<80x128xf32, #tpu.memory_space<hbm>>) target_semaphore(%run_scoped3A : memref<!tpu.dma_semaphore, #tpu.memory_space<semaphore_mem>>)
      %dma_wait3A = arith.constant 0 : i32
      %dma_wait3A_138 = tpu.memref_slice %arg5[%add3A_112, %dma_wait3A] : memref<20480x128xf32, #tpu.memory_space<hbm>> -> memref<80x128xf32, #tpu.memory_space<hbm>>
      %dma_wait3A_139 = arith.constant 0 : i32
      %dma_wait3A_140 = tpu.memref_slice %arg5[%add3A_112, %dma_wait3A_139] : memref<20480x128xf32, #tpu.memory_space<hbm>> -> memref<80x128xf32, #tpu.memory_space<hbm>>
      tpu.wait_dma2 semaphore(%run_scoped3A : memref<!tpu.dma_semaphore, #tpu.memory_space<semaphore_mem>>) src(%arg8 : memref<80x128xf32, #tpu.memory_space<vmem>>) dst(%dma_wait3A_140 : memref<80x128xf32, #tpu.memory_space<hbm>>)
      tpu.yield
    }) : () -> ()
    %mul3A_113 = arith.constant 640 : i32
    %mul3A_114 = arith.muli %arg1, %mul3A_113 : i32
    %add3A_115 = arith.constant 480 : i32
    %add3A_116 = arith.addi %mul3A_114, %add3A_115 : i32
    "tpu.region"() ({
      %run_scoped3A = tpu.sem_alloc : memref<!tpu.dma_semaphore, #tpu.memory_space<semaphore_mem>>
      %dma_start3A = arith.constant 0 : i32
      %dma_start3A_135 = tpu.memref_slice %arg10[%add3A_116, %dma_start3A] : memref<10240x128xf32, #tpu.memory_space<vmem_shared>> -> memref<80x128xf32, #tpu.memory_space<vmem_shared>>
      %dma_start3A_136 = arith.constant 0 : i32
      %dma_start3A_137 = tpu.memref_slice %arg10[%add3A_116, %dma_start3A_136] : memref<10240x128xf32, #tpu.memory_space<vmem_shared>> -> memref<80x128xf32, #tpu.memory_space<vmem_shared>>
      tpu.enqueue_dma source(%dma_start3A_137 : memref<80x128xf32, #tpu.memory_space<vmem_shared>>) target(%arg8 : memref<80x128xf32, #tpu.memory_space<vmem>>) target_semaphore(%run_scoped3A : memref<!tpu.dma_semaphore, #tpu.memory_space<semaphore_mem>>)
      %dma_wait3A = arith.constant 0 : i32
      %dma_wait3A_138 = tpu.memref_slice %arg10[%add3A_116, %dma_wait3A] : memref<10240x128xf32, #tpu.memory_space<vmem_shared>> -> memref<80x128xf32, #tpu.memory_space<vmem_shared>>
      %dma_wait3A_139 = arith.constant 0 : i32
      %dma_wait3A_140 = tpu.memref_slice %arg10[%add3A_116, %dma_wait3A_139] : memref<10240x128xf32, #tpu.memory_space<vmem_shared>> -> memref<80x128xf32, #tpu.memory_space<vmem_shared>>
      tpu.wait_dma2 semaphore(%run_scoped3A : memref<!tpu.dma_semaphore, #tpu.memory_space<semaphore_mem>>) src(%dma_wait3A_140 : memref<80x128xf32, #tpu.memory_space<vmem_shared>>) dst(%arg8 : memref<80x128xf32, #tpu.memory_space<vmem>>)
      tpu.yield
    }) : () -> ()
    %mul3A_117 = arith.constant 10240 : i32
    %mul3A_118 = arith.muli %arg0, %mul3A_117 : i32
    %mul3A_119 = arith.constant 640 : i32
    %mul3A_120 = arith.muli %arg1, %mul3A_119 : i32
    %add3A_121 = arith.addi %mul3A_118, %mul3A_120 : i32
    %add3A_122 = arith.constant 480 : i32
    %add3A_123 = arith.addi %add3A_121, %add3A_122 : i32
    "tpu.region"() ({
      %run_scoped3A = tpu.sem_alloc : memref<!tpu.dma_semaphore, #tpu.memory_space<semaphore_mem>>
      %dma_start3A = arith.constant 0 : i32
      %dma_start3A_135 = tpu.memref_slice %arg5[%add3A_123, %dma_start3A] : memref<20480x128xf32, #tpu.memory_space<hbm>> -> memref<80x128xf32, #tpu.memory_space<hbm>>
      %dma_start3A_136 = arith.constant 0 : i32
      %dma_start3A_137 = tpu.memref_slice %arg5[%add3A_123, %dma_start3A_136] : memref<20480x128xf32, #tpu.memory_space<hbm>> -> memref<80x128xf32, #tpu.memory_space<hbm>>
      tpu.enqueue_dma source(%arg8 : memref<80x128xf32, #tpu.memory_space<vmem>>) target(%dma_start3A_137 : memref<80x128xf32, #tpu.memory_space<hbm>>) target_semaphore(%run_scoped3A : memref<!tpu.dma_semaphore, #tpu.memory_space<semaphore_mem>>)
      %dma_wait3A = arith.constant 0 : i32
      %dma_wait3A_138 = tpu.memref_slice %arg5[%add3A_123, %dma_wait3A] : memref<20480x128xf32, #tpu.memory_space<hbm>> -> memref<80x128xf32, #tpu.memory_space<hbm>>
      %dma_wait3A_139 = arith.constant 0 : i32
      %dma_wait3A_140 = tpu.memref_slice %arg5[%add3A_123, %dma_wait3A_139] : memref<20480x128xf32, #tpu.memory_space<hbm>> -> memref<80x128xf32, #tpu.memory_space<hbm>>
      tpu.wait_dma2 semaphore(%run_scoped3A : memref<!tpu.dma_semaphore, #tpu.memory_space<semaphore_mem>>) src(%arg8 : memref<80x128xf32, #tpu.memory_space<vmem>>) dst(%dma_wait3A_140 : memref<80x128xf32, #tpu.memory_space<hbm>>)
      tpu.yield
    }) : () -> ()
    %mul3A_124 = arith.constant 640 : i32
    %mul3A_125 = arith.muli %arg1, %mul3A_124 : i32
    %add3A_126 = arith.constant 560 : i32
    %add3A_127 = arith.addi %mul3A_125, %add3A_126 : i32
    "tpu.region"() ({
      %run_scoped3A = tpu.sem_alloc : memref<!tpu.dma_semaphore, #tpu.memory_space<semaphore_mem>>
      %dma_start3A = arith.constant 0 : i32
      %dma_start3A_135 = tpu.memref_slice %arg10[%add3A_127, %dma_start3A] : memref<10240x128xf32, #tpu.memory_space<vmem_shared>> -> memref<80x128xf32, #tpu.memory_space<vmem_shared>>
      %dma_start3A_136 = arith.constant 0 : i32
      %dma_start3A_137 = tpu.memref_slice %arg10[%add3A_127, %dma_start3A_136] : memref<10240x128xf32, #tpu.memory_space<vmem_shared>> -> memref<80x128xf32, #tpu.memory_space<vmem_shared>>
      tpu.enqueue_dma source(%dma_start3A_137 : memref<80x128xf32, #tpu.memory_space<vmem_shared>>) target(%arg8 : memref<80x128xf32, #tpu.memory_space<vmem>>) target_semaphore(%run_scoped3A : memref<!tpu.dma_semaphore, #tpu.memory_space<semaphore_mem>>)
      %dma_wait3A = arith.constant 0 : i32
      %dma_wait3A_138 = tpu.memref_slice %arg10[%add3A_127, %dma_wait3A] : memref<10240x128xf32, #tpu.memory_space<vmem_shared>> -> memref<80x128xf32, #tpu.memory_space<vmem_shared>>
      %dma_wait3A_139 = arith.constant 0 : i32
      %dma_wait3A_140 = tpu.memref_slice %arg10[%add3A_127, %dma_wait3A_139] : memref<10240x128xf32, #tpu.memory_space<vmem_shared>> -> memref<80x128xf32, #tpu.memory_space<vmem_shared>>
      tpu.wait_dma2 semaphore(%run_scoped3A : memref<!tpu.dma_semaphore, #tpu.memory_space<semaphore_mem>>) src(%dma_wait3A_140 : memref<80x128xf32, #tpu.memory_space<vmem_shared>>) dst(%arg8 : memref<80x128xf32, #tpu.memory_space<vmem>>)
      tpu.yield
    }) : () -> ()
    %mul3A_128 = arith.constant 10240 : i32
    %mul3A_129 = arith.muli %arg0, %mul3A_128 : i32
    %mul3A_130 = arith.constant 640 : i32
    %mul3A_131 = arith.muli %arg1, %mul3A_130 : i32
    %add3A_132 = arith.addi %mul3A_129, %mul3A_131 : i32
    %add3A_133 = arith.constant 560 : i32
    %add3A_134 = arith.addi %add3A_132, %add3A_133 : i32
    "tpu.region"() ({
      %run_scoped3A = tpu.sem_alloc : memref<!tpu.dma_semaphore, #tpu.memory_space<semaphore_mem>>
      %dma_start3A = arith.constant 0 : i32
      %dma_start3A_135 = tpu.memref_slice %arg5[%add3A_134, %dma_start3A] : memref<20480x128xf32, #tpu.memory_space<hbm>> -> memref<80x128xf32, #tpu.memory_space<hbm>>
      %dma_start3A_136 = arith.constant 0 : i32
      %dma_start3A_137 = tpu.memref_slice %arg5[%add3A_134, %dma_start3A_136] : memref<20480x128xf32, #tpu.memory_space<hbm>> -> memref<80x128xf32, #tpu.memory_space<hbm>>
      tpu.enqueue_dma source(%arg8 : memref<80x128xf32, #tpu.memory_space<vmem>>) target(%dma_start3A_137 : memref<80x128xf32, #tpu.memory_space<hbm>>) target_semaphore(%run_scoped3A : memref<!tpu.dma_semaphore, #tpu.memory_space<semaphore_mem>>)
      %dma_wait3A = arith.constant 0 : i32
      %dma_wait3A_138 = tpu.memref_slice %arg5[%add3A_134, %dma_wait3A] : memref<20480x128xf32, #tpu.memory_space<hbm>> -> memref<80x128xf32, #tpu.memory_space<hbm>>
      %dma_wait3A_139 = arith.constant 0 : i32
      %dma_wait3A_140 = tpu.memref_slice %arg5[%add3A_134, %dma_wait3A_139] : memref<20480x128xf32, #tpu.memory_space<hbm>> -> memref<80x128xf32, #tpu.memory_space<hbm>>
      tpu.wait_dma2 semaphore(%run_scoped3A : memref<!tpu.dma_semaphore, #tpu.memory_space<semaphore_mem>>) src(%arg8 : memref<80x128xf32, #tpu.memory_space<vmem>>) dst(%dma_wait3A_140 : memref<80x128xf32, #tpu.memory_space<hbm>>)
      tpu.yield
    }) : () -> ()
    return
  }
}

module attributes {stable_mosaic.version = 14 : i64} {
  func.func @_tc_first_body(%arg0: i32, %arg1: memref<2000x128xf32, #tpu.memory_space<vmem>>, %arg2: memref<128x128xf32, #tpu.memory_space<vmem>>, %arg3: memref<2000x1xf32, #tpu.memory_space<vmem>>, %arg4: memref<2000x1xf32, #tpu.memory_space<vmem>>, %arg5: memref<2000x128xf32, #tpu.memory_space<vmem>>, %arg6: memref<2000x1xf32, #tpu.memory_space<vmem>>) attributes {dimension_semantics = [#tpu.dimension_semantics<arbitrary>], iteration_bounds = array<i64: 5>, scalar_prefetch = 0 : i64, scratch_operands = 0 : i64, tpu.core_type = #tpu.core_type<tc>, window_params = [{transform_indices = @transform_0, window_bounds = array<i64: 2000, 128>}, {pipeline_mode = #tpu.pipeline_mode<synchronous>, transform_indices = @transform_1, window_bounds = array<i64: 128, 128>}, {transform_indices = @transform_2, window_bounds = array<i64: 2000, 1>}, {transform_indices = @transform_3, window_bounds = array<i64: 2000, 1>}, {transform_indices = @transform_4, window_bounds = array<i64: 2000, 128>}, {transform_indices = @transform_5, window_bounds = array<i64: 2000, 1>}]} {
    %get3A = arith.constant 0 : index
    %get3A_0 = arith.constant 0 : index
    %get3A_1 = vector.load %arg3[%get3A, %get3A_0] : memref<2000x1xf32, #tpu.memory_space<vmem>>, vector<2000x1xf32>
    %get3A_2 = arith.constant 0 : index
    %get3A_3 = arith.constant 0 : index
    %get3A_4 = vector.load %arg4[%get3A_2, %get3A_3] : memref<2000x1xf32, #tpu.memory_space<vmem>>, vector<2000x1xf32>
    %add3A = arith.addf %get3A_1, %get3A_4 : vector<2000x1xf32>
    %add3A_5 = arith.constant 1.000000e+00 : f32
    %add3A_6 = vector.broadcast %add3A_5 : f32 to vector<2000x1xf32>
    %add3A_7 = arith.addf %add3A, %add3A_6 : vector<2000x1xf32>
    %rsqrt3A = math.rsqrt %add3A_7 : vector<2000x1xf32>
    %swap3A = arith.constant 0 : index
    %swap3A_8 = arith.constant 0 : index
    %swap3A_9 = vector.load %arg6[%swap3A, %swap3A_8] : memref<2000x1xf32, #tpu.memory_space<vmem>>, vector<2000x1xf32>
    tpu.vector_store %arg6[%swap3A, %swap3A_8], %rsqrt3A {strides = array<i32>} : memref<2000x1xf32, #tpu.memory_space<vmem>>, vector<2000x1xf32>,
    %get3A_10 = arith.constant 0 : index
    %get3A_11 = arith.constant 0 : index
    %get3A_12 = vector.load %arg1[%get3A_10, %get3A_11] : memref<2000x128xf32, #tpu.memory_space<vmem>>, vector<2000x128xf32>
    %get3A_13 = arith.constant 0 : index
    %get3A_14 = arith.constant 0 : index
    %get3A_15 = vector.load %arg2[%get3A_13, %get3A_14] : memref<128x128xf32, #tpu.memory_space<vmem>>, vector<128x128xf32>
    %dot_general3A = arith.constant dense<0.000000e+00> : vector<2000x128xf32>
    %dot_general3A_16 = tpu.matmul %get3A_12, %get3A_15, %dot_general3A {dimension_numbers = #tpu.dot_dimension_numbers<[1], [0], [0], [1], [0, 0, 1, 1], [], []>, transpose_lhs_hint = false} : vector<2000x128xf32>, vector<128x128xf32>, vector<2000x128xf32> -> vector<2000x128xf32>
    %mul3A = vector.broadcast %rsqrt3A : vector<2000x1xf32> to vector<2000x128xf32>
    %mul3A_17 = arith.mulf %dot_general3A_16, %mul3A : vector<2000x128xf32>
    %swap3A_18 = arith.constant 0 : index
    %swap3A_19 = arith.constant 0 : index
    %swap3A_20 = vector.load %arg5[%swap3A_18, %swap3A_19] : memref<2000x128xf32, #tpu.memory_space<vmem>>, vector<2000x128xf32>
    tpu.vector_store %arg5[%swap3A_18, %swap3A_19], %mul3A_17 {strides = array<i32>} : memref<2000x128xf32, #tpu.memory_space<vmem>>, vector<2000x128xf32>,
    return
  }
  func.func @transform_0(%arg0: i32) -> (i32, i32) {
    %c0_i32 = arith.constant 0 : i32
    %c0_i32_0 = arith.constant 0 : i32
    return %arg0, %c0_i32 : i32, i32
  }
  func.func @transform_1(%arg0: i32) -> (i32, i32) {
    %c0_i32 = arith.constant 0 : i32
    %c0_i32_0 = arith.constant 0 : i32
    %c0_i32_1 = arith.constant 0 : i32
    return %c0_i32, %c0_i32_0 : i32, i32
  }
  func.func @transform_2(%arg0: i32) -> (i32, i32) {
    %c0_i32 = arith.constant 0 : i32
    %c0_i32_0 = arith.constant 0 : i32
    return %arg0, %c0_i32 : i32, i32
  }
  func.func @transform_3(%arg0: i32) -> (i32, i32) {
    %c0_i32 = arith.constant 0 : i32
    %c0_i32_0 = arith.constant 0 : i32
    return %arg0, %c0_i32 : i32, i32
  }
  func.func @transform_4(%arg0: i32) -> (i32, i32) {
    %c0_i32 = arith.constant 0 : i32
    %c0_i32_0 = arith.constant 0 : i32
    return %arg0, %c0_i32 : i32, i32
  }
  func.func @transform_5(%arg0: i32) -> (i32, i32) {
    %c0_i32 = arith.constant 0 : i32
    %c0_i32_0 = arith.constant 0 : i32
    return %arg0, %c0_i32 : i32, i32
  }
}

module attributes {stable_mosaic.version = 14 : i64} {
  func.func @_tc_mid_body(%arg0: i32, %arg1: memref<2000x128xf32, #tpu.memory_space<vmem>>, %arg2: memref<2000x128xf32, #tpu.memory_space<vmem>>, %arg3: memref<2000x128xf32, #tpu.memory_space<vmem>>, %arg4: memref<2000x1xf32, #tpu.memory_space<vmem>>, %arg5: memref<128xf32, #tpu.memory_space<vmem>>, %arg6: memref<128x128xf32, #tpu.memory_space<vmem>>, %arg7: memref<2000x128xf32, #tpu.memory_space<vmem>>) attributes {dimension_semantics = [#tpu.dimension_semantics<arbitrary>], iteration_bounds = array<i64: 5>, scalar_prefetch = 0 : i64, scratch_operands = 0 : i64, tpu.core_type = #tpu.core_type<tc>, window_params = [{transform_indices = @transform_0, window_bounds = array<i64: 2000, 128>}, {transform_indices = @transform_1, window_bounds = array<i64: 2000, 128>}, {transform_indices = @transform_2, window_bounds = array<i64: 2000, 128>}, {transform_indices = @transform_3, window_bounds = array<i64: 2000, 1>}, {pipeline_mode = #tpu.pipeline_mode<synchronous>, transform_indices = @transform_4, window_bounds = array<i64: 128>}, {pipeline_mode = #tpu.pipeline_mode<synchronous>, transform_indices = @transform_5, window_bounds = array<i64: 128, 128>}, {transform_indices = @transform_6, window_bounds = array<i64: 2000, 128>}]} {
    %get3A = arith.constant 0 : index
    %get3A_0 = arith.constant 0 : index
    %get3A_1 = vector.load %arg4[%get3A, %get3A_0] : memref<2000x1xf32, #tpu.memory_space<vmem>>, vector<2000x1xf32>
    %get3A_2 = arith.constant 0 : index
    %get3A_3 = arith.constant 0 : index
    %get3A_4 = vector.load %arg1[%get3A_2, %get3A_3] : memref<2000x128xf32, #tpu.memory_space<vmem>>, vector<2000x128xf32>
    %get3A_5 = arith.constant 0 : index
    %get3A_6 = arith.constant 0 : index
    %get3A_7 = vector.load %arg2[%get3A_5, %get3A_6] : memref<2000x128xf32, #tpu.memory_space<vmem>>, vector<2000x128xf32>
    %add3A = arith.addf %get3A_4, %get3A_7 : vector<2000x128xf32>
    %get3A_8 = arith.constant 0 : index
    %get3A_9 = arith.constant 0 : index
    %get3A_10 = vector.load %arg3[%get3A_8, %get3A_9] : memref<2000x128xf32, #tpu.memory_space<vmem>>, vector<2000x128xf32>
    %add3A_11 = arith.addf %add3A, %get3A_10 : vector<2000x128xf32>
    %mul3A = vector.broadcast %get3A_1 : vector<2000x1xf32> to vector<2000x128xf32>
    %mul3A_12 = arith.mulf %add3A_11, %mul3A : vector<2000x128xf32>
    %get3A_13 = arith.constant 0 : index
    %get3A_14 = vector.load %arg5[%get3A_13] : memref<128xf32, #tpu.memory_space<vmem>>, vector<128xf32>
    %broadcast_in_dim3A = vector.shape_cast %get3A_14 : vector<128xf32> to vector<1x128xf32>
    %add3A_15 = vector.broadcast %broadcast_in_dim3A : vector<1x128xf32> to vector<2000x128xf32>
    %add3A_16 = arith.addf %mul3A_12, %add3A_15 : vector<2000x128xf32>
    %max3A = arith.constant 0.000000e+00 : f32
    %max3A_17 = vector.broadcast %max3A : f32 to vector<2000x128xf32>
    %max3A_18 = arith.maximumf %add3A_16, %max3A_17 : vector<2000x128xf32>
    %get3A_19 = arith.constant 0 : index
    %get3A_20 = arith.constant 0 : index
    %get3A_21 = vector.load %arg6[%get3A_19, %get3A_20] : memref<128x128xf32, #tpu.memory_space<vmem>>, vector<128x128xf32>
    %dot_general3A = arith.constant dense<0.000000e+00> : vector<2000x128xf32>
    %dot_general3A_22 = tpu.matmul %max3A_18, %get3A_21, %dot_general3A {dimension_numbers = #tpu.dot_dimension_numbers<[1], [0], [0], [1], [0, 0, 1, 1], [], []>, transpose_lhs_hint = false} : vector<2000x128xf32>, vector<128x128xf32>, vector<2000x128xf32> -> vector<2000x128xf32>
    %mul3A_23 = vector.broadcast %get3A_1 : vector<2000x1xf32> to vector<2000x128xf32>
    %mul3A_24 = arith.mulf %dot_general3A_22, %mul3A_23 : vector<2000x128xf32>
    %swap3A = arith.constant 0 : index
    %swap3A_25 = arith.constant 0 : index
    %swap3A_26 = vector.load %arg7[%swap3A, %swap3A_25] : memref<2000x128xf32, #tpu.memory_space<vmem>>, vector<2000x128xf32>
    tpu.vector_store %arg7[%swap3A, %swap3A_25], %mul3A_24 {strides = array<i32>} : memref<2000x128xf32, #tpu.memory_space<vmem>>, vector<2000x128xf32>,
    return
  }
  func.func @transform_0(%arg0: i32) -> (i32, i32) {
    %c0_i32 = arith.constant 0 : i32
    %c0_i32_0 = arith.constant 0 : i32
    return %arg0, %c0_i32 : i32, i32
  }
  func.func @transform_1(%arg0: i32) -> (i32, i32) {
    %c0_i32 = arith.constant 0 : i32
    %c0_i32_0 = arith.constant 0 : i32
    return %arg0, %c0_i32 : i32, i32
  }
  func.func @transform_2(%arg0: i32) -> (i32, i32) {
    %c0_i32 = arith.constant 0 : i32
    %c0_i32_0 = arith.constant 0 : i32
    return %arg0, %c0_i32 : i32, i32
  }
  func.func @transform_3(%arg0: i32) -> (i32, i32) {
    %c0_i32 = arith.constant 0 : i32
    %c0_i32_0 = arith.constant 0 : i32
    return %arg0, %c0_i32 : i32, i32
  }
  func.func @transform_4(%arg0: i32) -> i32 {
    %c0_i32 = arith.constant 0 : i32
    %c0_i32_0 = arith.constant 0 : i32
    return %c0_i32 : i32
  }
  func.func @transform_5(%arg0: i32) -> (i32, i32) {
    %c0_i32 = arith.constant 0 : i32
    %c0_i32_0 = arith.constant 0 : i32
    %c0_i32_1 = arith.constant 0 : i32
    return %c0_i32, %c0_i32_0 : i32, i32
  }
  func.func @transform_6(%arg0: i32) -> (i32, i32) {
    %c0_i32 = arith.constant 0 : i32
    %c0_i32_0 = arith.constant 0 : i32
    return %arg0, %c0_i32 : i32, i32
  }
}

module attributes {stable_mosaic.version = 14 : i64} {
  func.func @_tc_last_body(%arg0: i32, %arg1: memref<2000x128xf32, #tpu.memory_space<vmem>>, %arg2: memref<2000x128xf32, #tpu.memory_space<vmem>>, %arg3: memref<2000x128xf32, #tpu.memory_space<vmem>>, %arg4: memref<2000x1xf32, #tpu.memory_space<vmem>>, %arg5: memref<128xf32, #tpu.memory_space<vmem>>, %arg6: memref<2000x128xf32, #tpu.memory_space<vmem>>) attributes {dimension_semantics = [#tpu.dimension_semantics<arbitrary>], iteration_bounds = array<i64: 5>, scalar_prefetch = 0 : i64, scratch_operands = 0 : i64, tpu.core_type = #tpu.core_type<tc>, window_params = [{transform_indices = @transform_0, window_bounds = array<i64: 2000, 128>}, {transform_indices = @transform_1, window_bounds = array<i64: 2000, 128>}, {transform_indices = @transform_2, window_bounds = array<i64: 2000, 128>}, {transform_indices = @transform_3, window_bounds = array<i64: 2000, 1>}, {pipeline_mode = #tpu.pipeline_mode<synchronous>, transform_indices = @transform_4, window_bounds = array<i64: 128>}, {transform_indices = @transform_5, window_bounds = array<i64: 2000, 128>}]} {
    %get3A = arith.constant 0 : index
    %get3A_0 = arith.constant 0 : index
    %get3A_1 = vector.load %arg1[%get3A, %get3A_0] : memref<2000x128xf32, #tpu.memory_space<vmem>>, vector<2000x128xf32>
    %get3A_2 = arith.constant 0 : index
    %get3A_3 = arith.constant 0 : index
    %get3A_4 = vector.load %arg2[%get3A_2, %get3A_3] : memref<2000x128xf32, #tpu.memory_space<vmem>>, vector<2000x128xf32>
    %add3A = arith.addf %get3A_1, %get3A_4 : vector<2000x128xf32>
    %get3A_5 = arith.constant 0 : index
    %get3A_6 = arith.constant 0 : index
    %get3A_7 = vector.load %arg3[%get3A_5, %get3A_6] : memref<2000x128xf32, #tpu.memory_space<vmem>>, vector<2000x128xf32>
    %add3A_8 = arith.addf %add3A, %get3A_7 : vector<2000x128xf32>
    %get3A_9 = arith.constant 0 : index
    %get3A_10 = arith.constant 0 : index
    %get3A_11 = vector.load %arg4[%get3A_9, %get3A_10] : memref<2000x1xf32, #tpu.memory_space<vmem>>, vector<2000x1xf32>
    %mul3A = vector.broadcast %get3A_11 : vector<2000x1xf32> to vector<2000x128xf32>
    %mul3A_12 = arith.mulf %add3A_8, %mul3A : vector<2000x128xf32>
    %get3A_13 = arith.constant 0 : index
    %get3A_14 = vector.load %arg5[%get3A_13] : memref<128xf32, #tpu.memory_space<vmem>>, vector<128xf32>
    %broadcast_in_dim3A = vector.shape_cast %get3A_14 : vector<128xf32> to vector<1x128xf32>
    %add3A_15 = vector.broadcast %broadcast_in_dim3A : vector<1x128xf32> to vector<2000x128xf32>
    %add3A_16 = arith.addf %mul3A_12, %add3A_15 : vector<2000x128xf32>
    %swap3A = arith.constant 0 : index
    %swap3A_17 = arith.constant 0 : index
    %swap3A_18 = vector.load %arg6[%swap3A, %swap3A_17] : memref<2000x128xf32, #tpu.memory_space<vmem>>, vector<2000x128xf32>
    tpu.vector_store %arg6[%swap3A, %swap3A_17], %add3A_16 {strides = array<i32>} : memref<2000x128xf32, #tpu.memory_space<vmem>>, vector<2000x128xf32>,
    return
  }
  func.func @transform_0(%arg0: i32) -> (i32, i32) {
    %c0_i32 = arith.constant 0 : i32
    %c0_i32_0 = arith.constant 0 : i32
    return %arg0, %c0_i32 : i32, i32
  }
  func.func @transform_1(%arg0: i32) -> (i32, i32) {
    %c0_i32 = arith.constant 0 : i32
    %c0_i32_0 = arith.constant 0 : i32
    return %arg0, %c0_i32 : i32, i32
  }
  func.func @transform_2(%arg0: i32) -> (i32, i32) {
    %c0_i32 = arith.constant 0 : i32
    %c0_i32_0 = arith.constant 0 : i32
    return %arg0, %c0_i32 : i32, i32
  }
  func.func @transform_3(%arg0: i32) -> (i32, i32) {
    %c0_i32 = arith.constant 0 : i32
    %c0_i32_0 = arith.constant 0 : i32
    return %arg0, %c0_i32 : i32, i32
  }
  func.func @transform_4(%arg0: i32) -> i32 {
    %c0_i32 = arith.constant 0 : i32
    %c0_i32_0 = arith.constant 0 : i32
    return %c0_i32 : i32
  }
  func.func @transform_5(%arg0: i32) -> (i32, i32) {
    %c0_i32 = arith.constant 0 : i32
    %c0_i32_0 = arith.constant 0 : i32
    return %arg0, %c0_i32 : i32, i32
  }
}

</mosaic_0001>

<sc_bundles>
// kernel: kernel.10.cloned.1.call-start
scs
__scs_entry_jumppad:
0x0: {  	(pc) =	sbr.rel $0x88, $3  }
0x1: {  	(tag) =	ssettag $0x0;
	lr =	simm.s32 $0x1  }
0x2: {  	[smem:$0x3F99] =	sst lr;
	_ =	strace $0xD0000000  }
0x3: {  	_ = 	snop  }
0x4: {  	_ = 	snop  }
0x5: {  	_ = 	snop  }
0x6: {  	_ = 	snop  }
0x7: {  	_ = 	snop  }
__scs_overlays_trampoline_lowered:
0x8: {  	[smem:$0x3FA8] =	sst s0  }
0x9: {  	[smem:$0x3FA9] =	sst s1  }
0xa: {  	[smem:$0x3FAA] =	sst s2  }
0xb: {  	[smem:$0x3FAB] =	sst s3  }
0xc: {  	[smem:$0x3FAC] =	sst s4  }
0xd: {  	[smem:$0x3FAD] =	sst s5  }
0xe: {  	[smem:$0x3FAE] =	sst s6  }
0xf: {  	[smem:$0x3FAF] =	sst s7  }
0x10: {  	[smem:$0x3FB0] =	sst s8  }
0x11: {  	[smem:$0x3FB1] =	sst s9;
	s0 =	simm.s32 @!p0 $0x0  }
0x12: {  	s1 =	sld [smem:$0x3F97];
	s0 =	simm.s32 @p0 $0x1  }
0x13: {  	[smem:$0x3FB2] =	sst s0;
	s0 =	simm.s32 @!p1 $0x0  }
0x14: {  	s2 =	sld [smem:$0x3F96];
	s0 =	simm.s32 @p1 $0x1  }
0x15: {  	[smem:$0x3FB3] =	sst s0;
	s0 =	simm.s32 @!p2 $0x0  }
0x16: {  	s3 =	sld [smem:$0x3FDB];
	s0 =	simm.s32 @p2 $0x1  }
0x17: {  	s4 =	simm.s32 $0x1BF5;
	[smem:$0x3FB5] =	sst s0  }
0x18: {  	s0 =	sld [smem:$0x3F98];
	_ =	swait.ge [sflag:s4], $0x0  }
0x19: {  	s7 =	sld [smem:$0x3F99]  }
0x1a: {  	s8 =	sadd.s32 $0xFFFFE003, lr  }
0x1b: {  	s9 =	sadd.s32 $0xFFFFFEF7, lr;
	s5 =	simm.s32 $0xFFFFFFFF;
	p2 =	slt.u32 s8, $0xFFFFF086  }
0x1c: {  	p1 =	slt.u32 s9, $0xF7A;
	s5 =	simm.s32 @!p2 $0x0  }
0x1d: {  	s5 =	simm.s32 @p1 $0x1;
	p0 =	seq.s32 s7, s2  }
0x1e: {  	s7 =	smul.u32 @!p0 $0xF7A, s2;
	p2 =	seq.s32 @!p0 s5, $0x0  }
0x1f: {  	s9 =	smul.u32 $0xF7A, s1;
	s8 =	simm.s32 @!p0 $0x1BF5;
	p2 =	por !p2, p0  }
0x20: {  	[sflag:s8] =	ssyncset.s32 @!p0 $0xFFFFF086;
	s6 =	sadd.s32 @!p0 s3, s7;
	s7 =	simm.s32 @!p0 $0x108  }
0x21: {  	s3 =	sadd.s32 s3, s9;
	s6 =	sadd.s32 @!p0 $0x88, s6;
	s7 =	simm.s32 @p2 $0x1082  }
0x22: {  	[simem:s7], [sflag:s8] =	dma.local @!p0 [hbm:s6], $0xF7A  }
0x23: {  	s9 =	sor.u32 $0xD0000000, s2;
	s6 =	simm.s32 $0x108;
	_ =	swait.ge @!p0 [sflag:s8], $0x0  }
0x24: {  	s3 =	sadd.s32 $0x88, s3;
	s6 =	simm.s32 @!p1 $0x1082;
	[sflag:s4] =	ssyncset.s32 $0xFFFFF086  }
0x25: {  	[simem:s6], [sflag:s4] =	dma.local [hbm:s3], $0xF7A  }
0x26: {  	[smem:$0x3F99] =	sst s1;
	(tag) =	ssettag s2;
	_ =	strace s9  }
0x27: {  	s1 =	sld [smem:$0x3FA9]  }
0x28: {  	s2 =	sld [smem:$0x3FAA]  }
0x29: {  	s4 =	sld [smem:$0x3FAC]  }
0x2a: {  	p0 =	seq.s32 s5, $0x0;
	s5 =	sld [smem:$0x3FAD]  }
0x2b: {  	s6 =	sld [smem:$0x3FAE]  }
0x2c: {  	s7 =	sld [smem:$0x3FAF]  }
0x2d: {  	s3 =	simm.s32 $0x108;
	s8 =	sld [smem:$0x3FB0]  }
0x2e: {  	s3 =	simm.s32 @!p0 $0x1082;
	s9 =	sld [smem:$0x3FB1]  }
0x2f: {  	lr =	sadd.s32 s0, s3;
	s0 =	sld [smem:$0x3FA8]  }
0x30: {  	s3 =	sld [smem:$0x3FAB]  }
0x31: {  	[smem:$0x3FB4] =	sst s10  }
0x32: {  	s10 =	sld [smem:$0x3FB2];
	_ =	sdelay $0x3  }
0x33: {  	p0 =	seq.s32 s10, $0x1;
	s10 =	sld [smem:$0x3FB4];
	_ =	sdelay $0x3  }
0x34: {  	[smem:$0x3FB4] =	sst s10  }
0x35: {  	s10 =	sld [smem:$0x3FB3];
	_ =	sdelay $0x3  }
0x36: {  	p1 =	seq.s32 s10, $0x1;
	s10 =	sld [smem:$0x3FB4];
	_ =	sdelay $0x3  }
0x37: {  	[smem:$0x3FB4] =	sst s10  }
0x38: {  	s10 =	sld [smem:$0x3FB5]  }
0x39: {  	_ = 	snop;
	(pc) =	sbr.ind lr, $3  }
0x3a: {  	_ = 	snop  }
0x3b: {  	_ = 	snop  }
0x3c: {  	p2 =	seq.s32 s10, $0x1;
	s10 =	sld [smem:$0x3FB4]  }
0x3d: {  	_ =	shalt  }
0x3e: {  	_ =	shalt  }
0x3f: {  	_ =	shalt  }
0x40: {  	_ =	shalt  }
0x41: {  	_ =	shalt  }
0x42: {  	_ =	shalt  }
0x43: {  	_ =	shalt  }
0x44: {  	_ =	shalt  }
0x45: {  	_ =	shalt  }
0x46: {  	_ =	shalt  }
0x47: {  	_ =	shalt  }
0x48: {  	_ =	shalt  }
0x49: {  	_ =	shalt  }
0x4a: {  	_ =	shalt  }
0x4b: {  	_ =	shalt  }
0x4c: {  	_ =	shalt  }
0x4d: {  	_ =	shalt  }
0x4e: {  	_ =	shalt  }
0x4f: {  	_ =	shalt  }
0x50: {  	_ =	shalt  }
0x51: {  	_ =	shalt  }
0x52: {  	_ =	shalt  }
0x53: {  	_ =	shalt  }
0x54: {  	_ =	shalt  }
0x55: {  	_ =	shalt  }
0x56: {  	_ =	shalt  }
0x57: {  	_ =	shalt  }
0x58: {  	_ =	shalt  }
0x59: {  	_ =	shalt  }
0x5a: {  	_ =	shalt  }
0x5b: {  	_ =	shalt  }
0x5c: {  	_ =	shalt  }
0x5d: {  	_ =	shalt  }
0x5e: {  	_ =	shalt  }
0x5f: {  	_ =	shalt  }
0x60: {  	_ =	shalt  }
0x61: {  	_ =	shalt  }
0x62: {  	_ =	shalt  }
0x63: {  	_ =	shalt  }
0x64: {  	_ =	shalt  }
0x65: {  	_ =	shalt  }
0x66: {  	_ =	shalt  }
0x67: {  	_ =	shalt  }
0x68: {  	_ =	shalt  }
0x69: {  	_ =	shalt  }
0x6a: {  	_ =	shalt  }
0x6b: {  	_ =	shalt  }
0x6c: {  	_ =	shalt  }
0x6d: {  	_ =	shalt  }
0x6e: {  	_ =	shalt  }
0x6f: {  	_ =	shalt  }
0x70: {  	_ =	shalt  }
0x71: {  	_ =	shalt  }
0x72: {  	_ =	shalt  }
0x73: {  	_ =	shalt  }
0x74: {  	_ =	shalt  }
0x75: {  	_ =	shalt  }
0x76: {  	_ =	shalt  }
0x77: {  	_ =	shalt  }
0x78: {  	_ =	shalt  }
0x79: {  	_ =	shalt  }
0x7a: {  	_ =	shalt  }
0x7b: {  	_ =	shalt  }
0x7c: {  	_ =	shalt  }
0x7d: {  	_ =	shalt  }
0x7e: {  	_ =	shalt  }
0x7f: {  	_ =	shalt  }
0x80: {  	_ =	shalt  }
0x81: {  	_ =	shalt  }
0x82: {  	_ =	shalt  }
0x83: {  	_ =	shalt  }
0x84: {  	_ =	shalt  }
0x85: {  	_ =	shalt  }
0x86: {  	_ =	shalt  }
0x87: {  	_ =	shalt  }
.Lfunc_end0:
.L_simem_size_0:
called_computation_lowered:
.L_overlay_start_0:
0x88: {  	s2 =	sld [smem:$0x3FD9]  }
0x89: {  	s3 =	sld [smem:$0x3FFE];
	_ =	sdelay $0x1  }
0x8a: {  	s1 =	srdreg.scid  }
0x8b: {  	s0 =	sand.u32 $0x1, s1  }
0x8c: {  	s17 =	sshll.u32 s0, $0xA;
	s2 =	sadd.s32 s3, s2  }
0x8d: {  	s2 =	sadd.s32 s2, s17  }
0x8e: {  	[smem:$0x3FC0] =	sst s2  }
0x8f: {  	_ = 	snop  }
0x90: {  	s2 =	sld [smem:$0x3FD0];
	(tm) =	ssettm $0x1  }
0x91: {  	s18 =	sld [smem:$0x3FFB];
	_ =	sdelay $0x3  }
0x92: {  	_ =	strace s18  }
0x93: {  	s3 =	sld [smem:$0x3FFC];
	_ =	sdelay $0x3  }
0x94: {  	_ =	strace s3  }
0x95: {  	s3 =	sld [smem:$0x3FFD];
	_ =	sdelay $0x3  }
0x96: {  	_ =	strace s3  }
0x97: {  	_ =	strace $0x8FFFFFFF  }
0x98: {  	s19 =	sld [smem:$0x3FDB];
	_ =	sdelay $0x1  }
0x99: {  	s4 =	simm.s32 $_scs_section_size  }
0x9a: {  	s5 =	simm.s32 $_size__tile_overlayer_lowered;
	s6 =	simm.s32 $_tile_overlayer_lowered  }
0x9b: {  	s22 =	simm.s32 $0x1BFF;
	s21 =	sshll.u32 s6, $0x1;
	s3 =	sadd.s32 s4, s19  }
0x9c: {  	s7 =	simm.s32 $0x0;
	s20 =	sshll.u32 s5, $0x1;
	s5 =	sadd.s32 s21, s3  }
0x9d: {  	[timem:s7], [sflag:s22] =	dma.local [hbm:s5], s20  }
0x9e: {  	_ =	swait.ge [sflag:s22], s20  }
0x9f: {  	s4 =	ssub.s32 $0x0, s20;
	[sflag:s22] =	ssyncset.done $0x0  }
0xa0: {  	[sflag:s22] =	ssyncadd.s32 s4;
	_ =	sdelay $0x1  }
0xa1: {  	s23 =	simm.s32 $0x1B8B  }
0xa2: {  	_ =	swait.ge [sflag:s23], $0x1  }
0xa3: {  	[sflag:s23] =	ssyncset.done $0x0  }
0xa4: {  	s25 =	simm.s32 $0x1B8E;
	s24 =	sld [smem:$0x3FFE];
	[sflag:s23] =	ssyncadd.s32 $0xFFFFFFFF  }
0xa5: {  	s26 =	simm.s32 $execute0_lowered;
	[smem:$0x3FD2] =	sst s25  }
0xa6: {  	s5 =	sshll.u32 s26, $0x1;
	_ =	strace $0x80000046;
	[dreg:$0x1] =	wrdreg $0xFFFFFFFF  }
0xa7: {  	s28 =	simm.s32 $_size_execute0_lowered;
	s3 =	sadd.s32 s3, s5;
	[dreg:$0x0] =	wrdreg $0x0  }
0xa8: {  	s5 =	sshll.u32 s28, $0x1;
	[dreg:$0x2] =	wrdreg s3  }
0xa9: {  	[dreg:$0x3] =	wrdreg s5  }
0xaa: {  	[dreg:$0x4] =	wrdreg $0xC0  }
0xab: {  	_ =	task [dreg:s7], $0x5FFFF  }
0xac: {  	[dreg:$0x1] =	wrdreg $0xFFFFFFFF  }
0xad: {  	[dreg:$0x0] =	wrdreg $0x60  }
0xae: {  	[dreg:$0x2] =	wrdreg s2  }
0xaf: {  	[dreg:$0x3] =	wrdreg s24  }
0xb0: {  	[dreg:$0x4] =	wrdreg $0x2B000  }
0xb1: {  	[dreg:$0x5] =	wrdreg $0x9  }
0xb2: {  	_ =	task.clear_ibuf [dreg:s7], $0x6FFFF;
	_ =	strace $0x90000046  }
0xb3: {  	s29 =	simm.s32 $0x9;
	_ =	strace $0x80000048  }
0xb4: {  	_ =	swait.ge [sflag:s29], $0x1  }
0xb5: {  	[sflag:s29] =	ssyncadd.s32 $0xFFFFFFFF  }
0xb6: {  	_ =	strace $0x90000048  }
0xb7: {  	_ =	sfence  }
0xb8: {  	s30 =	sld [smem:$0x0];
	_ =	sdelay $0x2  }
0xb9: {  	s31 =	sshll.u32 s1, $0xD;
	s1 =	sshrl.u32 s1, $0x2  }
0xba: {  	s3 =	sand.u32 $0x4000, s31;
	s1 =	sadd.s32 s1, s30  }
0xbb: {  	s0 =	sor.u32 s3, s0;
	s1 =	sshll.u32 s1, $0x11  }
0xbc: {  	s0 =	sor.u32 s1, s0  }
0xbd: {  	s0 =	sadd.s32 $0x8F2B, s0  }
0xbe: {  	[sflag:s0] =	ssyncadd.remote.s32 $0x1  }
0xbf: {  	_ =	sfence.sel $0xFFFF  }
0xc0: {  	[dreg:$0x0] =	wrdreg $0xFFFFFFFF;
	(pc) =	sbr.abs _section_cstart, $3  }
0xc1: {  	[dreg:$0x1] =	wrdreg $0xFFFFFFFF  }
0xc2: {  	_ =	task.clear_ibuf [dreg:s7], $0x2FFFF;
	_ =	strace $0x9FFFFFFF  }
0xc3: {  	(tm) =	ssettm $0x7FFFFFFF  }
tec
execute0_lowered:
.L_overlay_start_1:
0x0: {  	(tag) =	ssettag $0x1  }
0x1: {  	s4 =	rddreg [dreg:$0x0];
	s1 =	srdreg.scid  }
0x2: {  	s0 =	stileid.u32;
	s5 =	rddreg [dreg:$0x1]  }
0x3: {  	s2 =	rddreg [dreg:$0x2];
	s12 =	simm.s32 $0x2800;
	s13 =	simm.s32 $0x0  }
0x4: {  	s6 =	sand.u32 $0x1, s1;
	s29 =	sshll.u32 s0, $0x1;
	s1 =	rddreg [dreg:$0x3]  }
0x5: {  	s9 =	smul.u32 $0x280, s0;
	s11 =	sadd.s32 $0x4600, s5;
	p0 =	seq.s32 s0, $0xF  }
0x6: {  	s3 =	sor.u32 s6, s29;
	s8 =	ssub.s32 $0x2, s6;
	s6 =	smul.u32 $0x2710, s6  }
0x7: {  	s7 =	smul.u32 $0x500, s3;
	s3 =	simm.s32 $0x0;
	s10 =	sshrl.u32 s8, $0x1  }
0x8: {  	s5 =	sadd.s32 s9, s2;
	[smem:$0x7FF] =	sst s3;
	s8 =	ssub.s32 s8, s10  }
0x9: {  	s30 =	sadd.s32 s9, s6;
	s6 =	sshrl.u32 s6, $0x3;
	s9 =	simm.s32 $0x1  }
0xa: {  	s10 =	simm.s32 $0x2880;
	_ =	strace $0x80000047;
	s4 =	sadd.s32 s4, s7  }
0xb: {  	s7 =	sshrl.u32 s30, $0x3;
	s31 =	sadd.s32 s11, s6;
	s8 =	smax.u32 s8, $0x1  }
0xc: {  	v0 =	vimm.f32 $0.0e+00;
	v1 =	vimm.f32 $1.000000000e+00;
	s6 =	sadd.s32 s11, s7;
	s7 =	sadd.s32 $0x4B0, s31;
	s11 =	simm.s32 $0x80  }
.LBB2_1:
0xd: {  	[tilespmem:$0x2880] =	vst v0  }
0xe: {  	[tilespmem:$0x2890] =	vst v0  }
0xf: {  	[tilespmem:$0x28A0] =	vst v0  }
0x10: {  	[tilespmem:$0x28B0] =	vst v0  }
0x11: {  	[tilespmem:$0x28C0] =	vst v0  }
0x12: {  	[tilespmem:$0x28D0] =	vst v0  }
0x13: {  	[tilespmem:$0x28E0] =	vst v0  }
0x14: {  	[tilespmem:$0x28F0] =	vst v0  }
0x15: {  	[tilespmem:$0x2900] =	vst v0  }
0x16: {  	[tilespmem:$0x2910] =	vst v0  }
0x17: {  	[tilespmem:$0x2920] =	vst v0  }
0x18: {  	[tilespmem:$0x2930] =	vst v0  }
0x19: {  	[tilespmem:$0x2940] =	vst v0  }
0x1a: {  	[tilespmem:$0x2950] =	vst v0  }
0x1b: {  	[tilespmem:$0x2960] =	vst v0  }
0x1c: {  	[tilespmem:$0x2970] =	vst v0  }
0x1d: {  	[tilespmem:$0x2980] =	vst v0  }
0x1e: {  	[tilespmem:$0x2990] =	vst v0  }
0x1f: {  	[tilespmem:$0x29A0] =	vst v0  }
0x20: {  	[tilespmem:$0x29B0] =	vst v0  }
0x21: {  	[tilespmem:$0x29C0] =	vst v0  }
0x22: {  	[tilespmem:$0x29D0] =	vst v0  }
0x23: {  	[tilespmem:$0x29E0] =	vst v0  }
0x24: {  	[tilespmem:$0x29F0] =	vst v0  }
0x25: {  	[tilespmem:$0x2A00] =	vst v0  }
0x26: {  	[tilespmem:$0x2A10] =	vst v0  }
0x27: {  	[tilespmem:$0x2A20] =	vst v0  }
0x28: {  	[tilespmem:$0x2A30] =	vst v0  }
0x29: {  	[tilespmem:$0x2A40] =	vst v0  }
0x2a: {  	[tilespmem:$0x2A50] =	vst v0  }
0x2b: {  	[tilespmem:$0x2A60] =	vst v0  }
0x2c: {  	[tilespmem:$0x2A70] =	vst v0  }
0x2d: {  	[tilespmem:$0x2A80] =	vst v0  }
0x2e: {  	[tilespmem:$0x2A90] =	vst v0  }
0x2f: {  	[tilespmem:$0x2AA0] =	vst v0  }
0x30: {  	[tilespmem:$0x2AB0] =	vst v0  }
0x31: {  	[tilespmem:$0x2AC0] =	vst v0  }
0x32: {  	[tilespmem:$0x2AD0] =	vst v0  }
0x33: {  	[tilespmem:$0x2AE0] =	vst v0  }
0x34: {  	[tilespmem:$0x2AF0] =	vst v0  }
0x35: {  	[tilespmem:$0x2800] =	vst v1  }
0x36: {  	[tilespmem:$0x2810] =	vst v1  }
0x37: {  	[tilespmem:$0x2820] =	vst v1  }
0x38: {  	[tilespmem:$0x2830] =	vst v1  }
0x39: {  	[tilespmem:$0x2840] =	vst v1  }
0x3a: {  	[tilespmem:$0x2850] =	vst v1  }
0x3b: {  	[tilespmem:$0x2860] =	vst v1  }
0x3c: {  	[tilespmem:$0x2870] =	vst v1  }
0x3d: {  	[tilespmem:s3], [sflag:$0x1] =	stream.linear.gather [hbm4b:s4+s3], $0x2800, $0x38;
	[tilespmem:$0x2D80] =	vst v63  }
0x3e: {  	_ =	swait.ge [sflag:s9], $0x2800  }
0x3f: {  	[sflag:s9] =	ssyncset.done $0x0  }
0x40: {  	[sflag:s9] =	ssyncadd.s32 $0xFFFFD800  }
0x41: {  	[spmem:s5] =	stream.linear.scatter [tilespmem:s10], [sflag:$0x1], $0x280, $0x38;
	[tilespmem:$0x2D80] =	vst v63  }
0x42: {  	_ =	swait.ge [sflag:s9], $0x280  }
0x43: {  	[sflag:s9] =	ssyncset.done $0x0  }
0x44: {  	[sflag:s9] =	ssyncadd.s32 $0xFFFFFD80  }
0x45: {  	s14 =	simm.s32 $0x0;
	[bflag:$0x0] =	sbarrier.arrive $0xFFFF  }
0x46: {  	[spmem:s2] =	stream.indirect.scatter.add.f32 [tilespmem:s12], [sflag:$0x1], $0x1, s14, s11, $0xb8;
	[tilespmem:$0x2D80] =	vst v63  }
0x47: {  	_ =	swait.ge [sflag:s9], $0x80  }
0x48: {  	s14 =	simm.s32 $0x200;
	[sflag:s9] =	ssyncset.done $0x0  }
.LBB2_2:
0x49: {  	s15 =	sshra.s32 s14, $0x2;
	[sflag:s9] =	ssyncadd.s32 $0xFFFFFF80;
	p1 =	sne.s32 s14, $0x9E00  }
0x4a: {  	[spmem:s2] =	stream.indirect.scatter.add.f32 [tilespmem:s12], [sflag:$0x1], $0x1, s15, s11, $0xb8;
	[tilespmem:$0x2D80] =	vst v63  }
.Ltmp0:
0x4b: {  	_ = 	snop;
	(pc) =	sbr.rel @p1 .LBB2_2-.Ltmp0, $4  }
0x4c: {  	_ = 	snop  }
0x4d: {  	s14 =	sadd.s32 $0x200, s14  }
0x4e: {  	_ =	swait.ge [sflag:s9], $0x80  }
0x4f: {  	[sflag:s9] =	ssyncset.done $0x0  }
0x50: {  	[sflag:s9] =	ssyncadd.s32 $0xFFFFFF80  }
0x51: {  	[bflag:$0x0] =	sbarrier.arrive $0xFFFF  }
0x52: {  	[tilespmem:s10], [sflag:$0x1] =	stream.linear.gather [spmem:s5], $0x280, $0x38;
	[tilespmem:$0x2D80] =	vst v63  }
0x53: {  	_ =	swait.ge [sflag:s9], $0x280  }
0x54: {  	[sflag:s9] =	ssyncset.done $0x0  }
0x55: {  	s14 =	simm.s32 @p0 $0x0;
	s15 =	simm.s32 @p0 $0x2880;
	[sflag:s9] =	ssyncadd.s32 $0xFFFFFD80  }
0x56: {  	[hbm4b:s7+s14] =	stream.linear.scatter @p0 [tilespmem:s15], [sflag:$0x1], $0x190, $0x38;
	[tilespmem:$0x2D80] =	vst v63  }
0x57: {  	s14 =	simm.s32 @p0 $0x1  }
0x58: {  	s13 =	sadd.s32 $0x1, s13;
	_ =	swait.ge @p0 [sflag:s14], $0x190  }
0x59: {  	p1 =	sne.s32 s13, s8;
	[sflag:s14] =	ssyncset.done @p0 $0x0  }
0x5a: {  	s15 =	simm.s32 @!p0 $0x2880;
	[sflag:s14] =	ssyncadd.s32 @p0 $0xFFFFFE70;
	s14 =	simm.s32 @!p0 $0x0  }
0x5b: {  	[hbm4b:s6+s14] =	stream.linear.scatter @!p0 [tilespmem:s15], [sflag:$0x1], $0x280, $0x38;
	[tilespmem:$0x2D80] =	vst v63  }
.Ltmp1:
0x5c: {  	_ = 	snop;
	(pc) =	sbr.rel @p1 .LBB2_1-.Ltmp1, $4  }
0x5d: {  	s14 =	simm.s32 @!p0 $0x1  }
0x5e: {  	_ =	swait.ge @!p0 [sflag:s14], $0x280  }
0x5f: {  	[sflag:s14] =	ssyncset.done @!p0 $0x0  }
0x60: {  	[sflag:s14] =	ssyncadd.s32 @!p0 $0xFFFFFD80  }
0x61: {  	_ =	sfence.sel $0x180000  }
0x62: {  	[bflag:$0x0] =	sbarrier.arrive $0xFFFF  }
0x63: {  	p0 =	sne.s32 s0, $0x0;
	_ =	strace $0x90000047  }
0x64: {  	s0 =	sadd.s32 @!p0 $0x100000, s1;
	[bflag:$0x2] =	sbarrier.arrive $0xFFFF  }
0x65: {  	[sflag:s0] =	ssyncadd.tile.s32 @!p0 $0x1;
	_ =	shalt  }
.Lfunc_end2:
_tile_overlayer_lowered:
.L_overlay_start_2:
0x66: {  	(tag) =	ssettag $0x2  }
0x67: {  	s0 =	rddreg [dreg:$0x0];
	s2 =	stileid.u32  }
0x68: {  	s1 =	rddreg [dreg:$0x1];
	p0 =	sne.s32 s2, $0x0  }
0x69: {  	s3 =	rddreg [dreg:$0x2];
	[bflag:$0x3] =	sbarrier.arrive $0xFFFF;
	s2 =	simm.s32 @!p0 $0x1C01  }
0x6a: {  	[timem:s3], [sflag:s2] =	dma.local @!p0 [hbm:s0], s1  }
0x6b: {  	s0 =	simm.s32 @!p0 $0x1  }
0x6c: {  	_ =	swait.ge @!p0 [sflag:s0], s1  }
0x6d: {  	s1 =	ssub.s32 @!p0 $0x0, s1;
	[sflag:s0] =	ssyncset.done @!p0 $0x0  }
0x6e: {  	[sflag:s0] =	ssyncadd.s32 @!p0 s1  }
0x6f: {  	[bflag:$0x3] =	sbarrier.arrive $0xFFFF  }
0x70: {  	_ =	shalt  }

// kernel: kernel.13.cloned.1.call-start
scs
__scs_entry_jumppad:
0x0: {  	(pc) =	sbr.rel $0x88, $3  }
0x1: {  	(tag) =	ssettag $0x0;
	lr =	simm.s32 $0x1  }
0x2: {  	[smem:$0x3F99] =	sst lr;
	_ =	strace $0xD0000000  }
0x3: {  	_ = 	snop  }
0x4: {  	_ = 	snop  }
0x5: {  	_ = 	snop  }
0x6: {  	_ = 	snop  }
0x7: {  	_ = 	snop  }
__scs_overlays_trampoline_lowered:
0x8: {  	[smem:$0x3FA8] =	sst s0  }
0x9: {  	[smem:$0x3FA9] =	sst s1  }
0xa: {  	[smem:$0x3FAA] =	sst s2  }
0xb: {  	[smem:$0x3FAB] =	sst s3  }
0xc: {  	[smem:$0x3FAC] =	sst s4  }
0xd: {  	[smem:$0x3FAD] =	sst s5  }
0xe: {  	[smem:$0x3FAE] =	sst s6  }
0xf: {  	[smem:$0x3FAF] =	sst s7  }
0x10: {  	[smem:$0x3FB0] =	sst s8  }
0x11: {  	[smem:$0x3FB1] =	sst s9;
	s0 =	simm.s32 @!p0 $0x0  }
0x12: {  	s1 =	sld [smem:$0x3F97];
	s0 =	simm.s32 @p0 $0x1  }
0x13: {  	[smem:$0x3FB2] =	sst s0;
	s0 =	simm.s32 @!p1 $0x0  }
0x14: {  	s2 =	sld [smem:$0x3F96];
	s0 =	simm.s32 @p1 $0x1  }
0x15: {  	[smem:$0x3FB3] =	sst s0;
	s0 =	simm.s32 @!p2 $0x0  }
0x16: {  	s3 =	sld [smem:$0x3FDB];
	s0 =	simm.s32 @p2 $0x1  }
0x17: {  	s4 =	simm.s32 $0x1BF5;
	[smem:$0x3FB5] =	sst s0  }
0x18: {  	s0 =	sld [smem:$0x3F98];
	_ =	swait.ge [sflag:s4], $0x0  }
0x19: {  	s7 =	sld [smem:$0x3F99]  }
0x1a: {  	s8 =	sadd.s32 $0xFFFFE003, lr  }
0x1b: {  	s9 =	sadd.s32 $0xFFFFFEF7, lr;
	s5 =	simm.s32 $0xFFFFFFFF;
	p2 =	slt.u32 s8, $0xFFFFF086  }
0x1c: {  	p1 =	slt.u32 s9, $0xF7A;
	s5 =	simm.s32 @!p2 $0x0  }
0x1d: {  	s5 =	simm.s32 @p1 $0x1;
	p0 =	seq.s32 s7, s2  }
0x1e: {  	s7 =	smul.u32 @!p0 $0xF7A, s2;
	p2 =	seq.s32 @!p0 s5, $0x0  }
0x1f: {  	s9 =	smul.u32 $0xF7A, s1;
	s8 =	simm.s32 @!p0 $0x1BF5;
	p2 =	por !p2, p0  }
0x20: {  	[sflag:s8] =	ssyncset.s32 @!p0 $0xFFFFF086;
	s6 =	sadd.s32 @!p0 s3, s7;
	s7 =	simm.s32 @!p0 $0x108  }
0x21: {  	s3 =	sadd.s32 s3, s9;
	s6 =	sadd.s32 @!p0 $0x88, s6;
	s7 =	simm.s32 @p2 $0x1082  }
0x22: {  	[simem:s7], [sflag:s8] =	dma.local @!p0 [hbm:s6], $0xF7A  }
0x23: {  	s9 =	sor.u32 $0xD0000000, s2;
	s6 =	simm.s32 $0x108;
	_ =	swait.ge @!p0 [sflag:s8], $0x0  }
0x24: {  	s3 =	sadd.s32 $0x88, s3;
	s6 =	simm.s32 @!p1 $0x1082;
	[sflag:s4] =	ssyncset.s32 $0xFFFFF086  }
0x25: {  	[simem:s6], [sflag:s4] =	dma.local [hbm:s3], $0xF7A  }
0x26: {  	[smem:$0x3F99] =	sst s1;
	(tag) =	ssettag s2;
	_ =	strace s9  }
0x27: {  	s1 =	sld [smem:$0x3FA9]  }
0x28: {  	s2 =	sld [smem:$0x3FAA]  }
0x29: {  	s4 =	sld [smem:$0x3FAC]  }
0x2a: {  	p0 =	seq.s32 s5, $0x0;
	s5 =	sld [smem:$0x3FAD]  }
0x2b: {  	s6 =	sld [smem:$0x3FAE]  }
0x2c: {  	s7 =	sld [smem:$0x3FAF]  }
0x2d: {  	s3 =	simm.s32 $0x108;
	s8 =	sld [smem:$0x3FB0]  }
0x2e: {  	s3 =	simm.s32 @!p0 $0x1082;
	s9 =	sld [smem:$0x3FB1]  }
0x2f: {  	lr =	sadd.s32 s0, s3;
	s0 =	sld [smem:$0x3FA8]  }
0x30: {  	s3 =	sld [smem:$0x3FAB]  }
0x31: {  	[smem:$0x3FB4] =	sst s10  }
0x32: {  	s10 =	sld [smem:$0x3FB2];
	_ =	sdelay $0x3  }
0x33: {  	p0 =	seq.s32 s10, $0x1;
	s10 =	sld [smem:$0x3FB4];
	_ =	sdelay $0x3  }
0x34: {  	[smem:$0x3FB4] =	sst s10  }
0x35: {  	s10 =	sld [smem:$0x3FB3];
	_ =	sdelay $0x3  }
0x36: {  	p1 =	seq.s32 s10, $0x1;
	s10 =	sld [smem:$0x3FB4];
	_ =	sdelay $0x3  }
0x37: {  	[smem:$0x3FB4] =	sst s10  }
0x38: {  	s10 =	sld [smem:$0x3FB5]  }
0x39: {  	_ = 	snop;
	(pc) =	sbr.ind lr, $3  }
0x3a: {  	_ = 	snop  }
0x3b: {  	_ = 	snop  }
0x3c: {  	p2 =	seq.s32 s10, $0x1;
	s10 =	sld [smem:$0x3FB4]  }
0x3d: {  	_ =	shalt  }
0x3e: {  	_ =	shalt  }
0x3f: {  	_ =	shalt  }
0x40: {  	_ =	shalt  }
0x41: {  	_ =	shalt  }
0x42: {  	_ =	shalt  }
0x43: {  	_ =	shalt  }
0x44: {  	_ =	shalt  }
0x45: {  	_ =	shalt  }
0x46: {  	_ =	shalt  }
0x47: {  	_ =	shalt  }
0x48: {  	_ =	shalt  }
0x49: {  	_ =	shalt  }
0x4a: {  	_ =	shalt  }
0x4b: {  	_ =	shalt  }
0x4c: {  	_ =	shalt  }
0x4d: {  	_ =	shalt  }
0x4e: {  	_ =	shalt  }
0x4f: {  	_ =	shalt  }
0x50: {  	_ =	shalt  }
0x51: {  	_ =	shalt  }
0x52: {  	_ =	shalt  }
0x53: {  	_ =	shalt  }
0x54: {  	_ =	shalt  }
0x55: {  	_ =	shalt  }
0x56: {  	_ =	shalt  }
0x57: {  	_ =	shalt  }
0x58: {  	_ =	shalt  }
0x59: {  	_ =	shalt  }
0x5a: {  	_ =	shalt  }
0x5b: {  	_ =	shalt  }
0x5c: {  	_ =	shalt  }
0x5d: {  	_ =	shalt  }
0x5e: {  	_ =	shalt  }
0x5f: {  	_ =	shalt  }
0x60: {  	_ =	shalt  }
0x61: {  	_ =	shalt  }
0x62: {  	_ =	shalt  }
0x63: {  	_ =	shalt  }
0x64: {  	_ =	shalt  }
0x65: {  	_ =	shalt  }
0x66: {  	_ =	shalt  }
0x67: {  	_ =	shalt  }
0x68: {  	_ =	shalt  }
0x69: {  	_ =	shalt  }
0x6a: {  	_ =	shalt  }
0x6b: {  	_ =	shalt  }
0x6c: {  	_ =	shalt  }
0x6d: {  	_ =	shalt  }
0x6e: {  	_ =	shalt  }
0x6f: {  	_ =	shalt  }
0x70: {  	_ =	shalt  }
0x71: {  	_ =	shalt  }
0x72: {  	_ =	shalt  }
0x73: {  	_ =	shalt  }
0x74: {  	_ =	shalt  }
0x75: {  	_ =	shalt  }
0x76: {  	_ =	shalt  }
0x77: {  	_ =	shalt  }
0x78: {  	_ =	shalt  }
0x79: {  	_ =	shalt  }
0x7a: {  	_ =	shalt  }
0x7b: {  	_ =	shalt  }
0x7c: {  	_ =	shalt  }
0x7d: {  	_ =	shalt  }
0x7e: {  	_ =	shalt  }
0x7f: {  	_ =	shalt  }
0x80: {  	_ =	shalt  }
0x81: {  	_ =	shalt  }
0x82: {  	_ =	shalt  }
0x83: {  	_ =	shalt  }
0x84: {  	_ =	shalt  }
0x85: {  	_ =	shalt  }
0x86: {  	_ =	shalt  }
0x87: {  	_ =	shalt  }
.Lfunc_end0:
.L_simem_size_0:
called_computation.1_lowered:
.L_overlay_start_0:
0x88: {  	s2 =	sld [smem:$0x3FD9]  }
0x89: {  	s3 =	sld [smem:$0x3FFE];
	_ =	sdelay $0x1  }
0x8a: {  	s1 =	srdreg.scid  }
0x8b: {  	s0 =	sand.u32 $0x1, s1  }
0x8c: {  	s17 =	sshll.u32 s0, $0xA;
	s2 =	sadd.s32 s3, s2  }
0x8d: {  	s2 =	sadd.s32 s2, s17  }
0x8e: {  	[smem:$0x3FC0] =	sst s2  }
0x8f: {  	_ = 	snop  }
0x90: {  	s2 =	sld [smem:$0x3FD0];
	(tm) =	ssettm $0x1  }
0x91: {  	s18 =	sld [smem:$0x3FFB];
	_ =	sdelay $0x3  }
0x92: {  	_ =	strace s18  }
0x93: {  	s3 =	sld [smem:$0x3FFC];
	_ =	sdelay $0x3  }
0x94: {  	_ =	strace s3  }
0x95: {  	s3 =	sld [smem:$0x3FFD];
	_ =	sdelay $0x3  }
0x96: {  	_ =	strace s3  }
0x97: {  	_ =	strace $0x8FFFFFFF  }
0x98: {  	s19 =	sld [smem:$0x3FDB];
	_ =	sdelay $0x1  }
0x99: {  	s4 =	simm.s32 $_scs_section_size  }
0x9a: {  	s5 =	simm.s32 $_size__tile_overlayer_lowered;
	s6 =	simm.s32 $_tile_overlayer_lowered  }
0x9b: {  	s22 =	simm.s32 $0x1BFF;
	s21 =	sshll.u32 s6, $0x1;
	s3 =	sadd.s32 s4, s19  }
0x9c: {  	s7 =	simm.s32 $0x0;
	s20 =	sshll.u32 s5, $0x1;
	s5 =	sadd.s32 s21, s3  }
0x9d: {  	[timem:s7], [sflag:s22] =	dma.local [hbm:s5], s20  }
0x9e: {  	_ =	swait.ge [sflag:s22], s20  }
0x9f: {  	s4 =	ssub.s32 $0x0, s20;
	[sflag:s22] =	ssyncset.done $0x0  }
0xa0: {  	[sflag:s22] =	ssyncadd.s32 s4;
	_ =	sdelay $0x1  }
0xa1: {  	s23 =	simm.s32 $0x1B8B  }
0xa2: {  	_ =	swait.ge [sflag:s23], $0x1  }
0xa3: {  	[sflag:s23] =	ssyncset.done $0x0  }
0xa4: {  	s25 =	simm.s32 $0x1B8E;
	s24 =	sld [smem:$0x3FFE];
	[sflag:s23] =	ssyncadd.s32 $0xFFFFFFFF  }
0xa5: {  	s26 =	simm.s32 $execute0_lowered;
	[smem:$0x3FD2] =	sst s25  }
0xa6: {  	s5 =	sshll.u32 s26, $0x1;
	_ =	strace $0x80000049;
	[dreg:$0x1] =	wrdreg $0xFFFFFFFF  }
0xa7: {  	s28 =	simm.s32 $_size_execute0_lowered;
	s3 =	sadd.s32 s3, s5;
	[dreg:$0x0] =	wrdreg $0x0  }
0xa8: {  	s5 =	sshll.u32 s28, $0x1;
	[dreg:$0x2] =	wrdreg s3  }
0xa9: {  	[dreg:$0x3] =	wrdreg s5  }
0xaa: {  	[dreg:$0x4] =	wrdreg $0xC0  }
0xab: {  	_ =	task [dreg:s7], $0x5FFFF  }
0xac: {  	[dreg:$0x1] =	wrdreg $0xFFFFFFFF  }
0xad: {  	[dreg:$0x0] =	wrdreg $0x60  }
0xae: {  	[dreg:$0x2] =	wrdreg s2  }
0xaf: {  	[dreg:$0x3] =	wrdreg s24  }
0xb0: {  	[dreg:$0x4] =	wrdreg $0xA8000  }
0xb1: {  	[dreg:$0x5] =	wrdreg $0x9  }
0xb2: {  	_ =	task.clear_ibuf [dreg:s7], $0x6FFFF;
	_ =	strace $0x90000049  }
0xb3: {  	s29 =	simm.s32 $0x9;
	_ =	strace $0x8000004B  }
0xb4: {  	_ =	swait.ge [sflag:s29], $0x1  }
0xb5: {  	[sflag:s29] =	ssyncadd.s32 $0xFFFFFFFF  }
0xb6: {  	_ =	strace $0x9000004B  }
0xb7: {  	_ =	sfence  }
0xb8: {  	s30 =	sld [smem:$0x0];
	_ =	sdelay $0x2  }
0xb9: {  	s31 =	sshll.u32 s1, $0xD;
	s1 =	sshrl.u32 s1, $0x2  }
0xba: {  	s3 =	sand.u32 $0x4000, s31;
	s1 =	sadd.s32 s1, s30  }
0xbb: {  	s0 =	sor.u32 s3, s0;
	s1 =	sshll.u32 s1, $0x11  }
0xbc: {  	s0 =	sor.u32 s1, s0  }
0xbd: {  	s0 =	sadd.s32 $0x8F2B, s0  }
0xbe: {  	[sflag:s0] =	ssyncadd.remote.s32 $0x1  }
0xbf: {  	_ =	sfence.sel $0xFFFF  }
0xc0: {  	[dreg:$0x0] =	wrdreg $0xFFFFFFFF;
	(pc) =	sbr.abs _section_cstart, $3  }
0xc1: {  	[dreg:$0x1] =	wrdreg $0xFFFFFFFF  }
0xc2: {  	_ =	task.clear_ibuf [dreg:s7], $0x2FFFF;
	_ =	strace $0x9FFFFFFF  }
0xc3: {  	(tm) =	ssettm $0x7FFFFFFF  }
tec
execute0_lowered:
.L_overlay_start_1:
0x0: {  	(tag) =	ssettag $0x1  }
0x1: {  	s1 =	rddreg [dreg:$0x0]  }
0x2: {  	s0 =	rddreg [dreg:$0x1]  }
0x3: {  	s3 =	rddreg [dreg:$0x2];
	s4 =	simm.s32 $0x0;
	s5 =	srdreg.scid  }
0x4: {  	s2 =	stileid.u32;
	s24 =	simm.s32 $0x2;
	s28 =	simm.s32 $0x50  }
0x5: {  	s29 =	simm.s32 $0x1;
	s30 =	simm.s32 $0x0;
	s6 =	smul.u32 $0x280, s2  }
0x6: {  	[smem:$0x7FF] =	sst s4;
	s5 =	sand.u32 $0x1, s5;
	s26 =	smul.u32 $0x50000, s2  }
0x7: {  	s7 =	sshll.u32 s2, $0xC;
	s8 =	sshll.u32 s5, $0xB;
	s9 =	smul.u32 $0x2800, s5  }
0x8: {  	_ =	strace $0x8000004A;
	s5 =	ssub.s32 $0x2, s5;
	s7 =	sor.u32 s8, s7  }
0x9: {  	s31 =	sshrl.u32 s5, $0x1;
	s8 =	sshrl.u32 s26, $0x2;
	s26 =	simm.s32 $0x8000  }
0xa: {  	s6 =	sadd.s32 s6, s9;
	s23 =	ssub.s32 s5, s31;
	s5 =	sadd.s32 s8, s3  }
0xb: {  	s7 =	sadd.s32 s7, s0;
	s6 =	sshll.u32 s6, $0x4;
	s8 =	sadd.s32 $0x2800, s5  }
0xc: {  	s9 =	sadd.s32 $0x5000, s5;
	s10 =	sadd.s32 $0x7800, s5;
	s11 =	sadd.s32 $0xA000, s5  }
0xd: {  	s12 =	sadd.s32 $0xC800, s5;
	s13 =	sadd.s32 $0xF000, s5;
	s14 =	sadd.s32 $0x11800, s5  }
0xe: {  	s23 =	smax.u32 s23, $0x1;
	s0 =	sadd.s32 s6, s0;
	s6 =	sadd.s32 $0x15000, s7  }
0xf: {  	s7 =	sadd.s32 $0x5000, s7;
	s15 =	sadd.s32 $0x4C200, s0;
	s16 =	sadd.s32 $0x4C700, s0  }
0x10: {  	s17 =	sadd.s32 $0x4CC00, s0;
	s18 =	sadd.s32 $0x4D100, s0;
	s19 =	sadd.s32 $0x4D600, s0  }
0x11: {  	v0 =	vimm.f32 $0.0e+00;
	s20 =	sadd.s32 $0x4DB00, s0;
	s21 =	sadd.s32 $0x4E000, s0;
	s22 =	sadd.s32 $0x4E500, s0  }
.LBB2_1:
0x12: {  	s31 =	simm.s32 $0x0;
	s0 =	simm.s32 $0x200  }
.LBB2_2:
0x13: {  	p0 =	sne.s32 s0, $0x9E00;
	[tilespmem:s31+$0x8070] =	vst v0  }
0x14: {  	[tilespmem:s31+$0x8000] =	vst v0  }
0x15: {  	[tilespmem:s31+$0x8010] =	vst v0  }
.Ltmp0:
0x16: {  	[tilespmem:s31+$0x8020] =	vst v0;
	(pc) =	sbr.rel @p0 .LBB2_2-.Ltmp0, $4  }
0x17: {  	[tilespmem:s31+$0x8030] =	vst v0  }
0x18: {  	[tilespmem:s31+$0x8040] =	vst v0  }
0x19: {  	[tilespmem:s31+$0x8050] =	vst v0  }
0x1a: {  	[tilespmem:s31+$0x8060] =	vst v0;
	s31 =	sshra.s32 s0, $0x2;
	s0 =	sadd.s32 $0x200, s0  }
0x1b: {  	[tilespmem:s31+$0x8070] =	vst v0  }
0x1c: {  	[tilespmem:s31+$0x8000] =	vst v0  }
0x1d: {  	[tilespmem:s31+$0x8010] =	vst v0  }
0x1e: {  	[tilespmem:s31+$0x8020] =	vst v0  }
0x1f: {  	[tilespmem:s31+$0x8030] =	vst v0  }
0x20: {  	[tilespmem:s31+$0x8040] =	vst v0  }
0x21: {  	[tilespmem:s31+$0x8050] =	vst v0  }
0x22: {  	[tilespmem:s31+$0x8060] =	vst v0;
	s0 =	simm.s32 $0x0  }
0x23: {  	[tilespmem:s0], [sflag:$0x2] =	stream.linear.gather [hbm4b:s6+s0], $0x3E80, $0x38;
	[tilespmem:$0x1E800] =	vst v63  }
0x24: {  	_ =	swait.ge [sflag:s24], $0x3E80  }
0x25: {  	[sflag:s24] =	ssyncset.done $0x0  }
0x26: {  	s2 =	simm.s32 $0x4000;
	[sflag:s24] =	ssyncadd.s32 $0xFFFFC180  }
0x27: {  	[tilespmem:s2], [sflag:$0x2] =	stream.linear.gather [hbm4b:s7+s0], $0x3E80, $0x38;
	[tilespmem:$0x1E800] =	vst v63  }
0x28: {  	_ =	swait.ge [sflag:s24], $0x3E80  }
0x29: {  	[sflag:s24] =	ssyncset.done $0x0  }
0x2a: {  	[sflag:s24] =	ssyncadd.s32 $0xFFFFC180  }
0x2b: {  	[spmem:s5] =	stream.linear.scatter [tilespmem:s26], [sflag:$0x2], $0x2800, $0x38;
	[tilespmem:$0x1E800] =	vst v63  }
0x2c: {  	_ =	swait.ge [sflag:s24], $0x2800  }
0x2d: {  	[sflag:s24] =	ssyncset.done $0x0  }
0x2e: {  	[sflag:s24] =	ssyncadd.s32 $0xFFFFD800  }
0x2f: {  	[spmem:s8] =	stream.linear.scatter [tilespmem:s26], [sflag:$0x2], $0x2800, $0x38;
	[tilespmem:$0x1E800] =	vst v63  }
0x30: {  	_ =	swait.ge [sflag:s24], $0x2800  }
0x31: {  	[sflag:s24] =	ssyncset.done $0x0  }
0x32: {  	[sflag:s24] =	ssyncadd.s32 $0xFFFFD800  }
0x33: {  	[spmem:s9] =	stream.linear.scatter [tilespmem:s26], [sflag:$0x2], $0x2800, $0x38;
	[tilespmem:$0x1E800] =	vst v63  }
0x34: {  	_ =	swait.ge [sflag:s24], $0x2800  }
0x35: {  	[sflag:s24] =	ssyncset.done $0x0  }
0x36: {  	[sflag:s24] =	ssyncadd.s32 $0xFFFFD800  }
0x37: {  	[spmem:s10] =	stream.linear.scatter [tilespmem:s26], [sflag:$0x2], $0x2800, $0x38;
	[tilespmem:$0x1E800] =	vst v63  }
0x38: {  	_ =	swait.ge [sflag:s24], $0x2800  }
0x39: {  	[sflag:s24] =	ssyncset.done $0x0  }
0x3a: {  	[sflag:s24] =	ssyncadd.s32 $0xFFFFD800  }
0x3b: {  	[spmem:s11] =	stream.linear.scatter [tilespmem:s26], [sflag:$0x2], $0x2800, $0x38;
	[tilespmem:$0x1E800] =	vst v63  }
0x3c: {  	_ =	swait.ge [sflag:s24], $0x2800  }
0x3d: {  	[sflag:s24] =	ssyncset.done $0x0  }
0x3e: {  	[sflag:s24] =	ssyncadd.s32 $0xFFFFD800  }
0x3f: {  	[spmem:s12] =	stream.linear.scatter [tilespmem:s26], [sflag:$0x2], $0x2800, $0x38;
	[tilespmem:$0x1E800] =	vst v63  }
0x40: {  	_ =	swait.ge [sflag:s24], $0x2800  }
0x41: {  	[sflag:s24] =	ssyncset.done $0x0  }
0x42: {  	[sflag:s24] =	ssyncadd.s32 $0xFFFFD800  }
0x43: {  	[spmem:s13] =	stream.linear.scatter [tilespmem:s26], [sflag:$0x2], $0x2800, $0x38;
	[tilespmem:$0x1E800] =	vst v63  }
0x44: {  	_ =	swait.ge [sflag:s24], $0x2800  }
0x45: {  	[sflag:s24] =	ssyncset.done $0x0  }
0x46: {  	[sflag:s24] =	ssyncadd.s32 $0xFFFFD800  }
0x47: {  	[spmem:s14] =	stream.linear.scatter [tilespmem:s26], [sflag:$0x2], $0x2800, $0x38;
	[tilespmem:$0x1E800] =	vst v63  }
0x48: {  	_ =	swait.ge [sflag:s24], $0x2800  }
0x49: {  	[sflag:s24] =	ssyncset.done $0x0  }
0x4a: {  	[sflag:s24] =	ssyncadd.s32 $0xFFFFD800  }
0x4b: {  	s2 =	simm.s32 $0x0;
	[bflag:$0x0] =	sbarrier.arrive $0xFFFF  }
0x4c: {  	[tilespmem:s26], [sflag:$0x1] =	stream.indirect.gather [hbm4b:s1+s28], $0x80, s2, s28, $0xb8;
	[tilespmem:$0x1E800] =	vst v63  }
0x4d: {  	_ =	swait.ge [sflag:s29], $0x2800  }
0x4e: {  	[sflag:s29] =	ssyncset.done $0x0  }
0x4f: {  	s25 =	simm.s32 $0x4000;
	[sflag:s29] =	ssyncadd.s32 $0xFFFFD800  }
0x50: {  	[spmem:s3] =	stream.indirect.scatter.add.f32 [tilespmem:s26], [sflag:$0x2], $0x80, s25, s28, $0xb8;
	[tilespmem:$0x1E800] =	vst v63  }
0x51: {  	_ =	swait.ge [sflag:s24], $0x2800  }
0x52: {  	s31 =	simm.s32 $0x200;
	s0 =	simm.s32 $0x400;
	[sflag:s24] =	ssyncset.done $0x0  }
.LBB2_4:
0x53: {  	s2 =	sshra.s32 s31, $0x2  }
0x54: {  	[sflag:s24] =	ssyncadd.s32 $0xFFFFD800;
	s31 =	smov.u32 s0;
	s25 =	sadd.s32 $0x200, s0  }
0x55: {  	[tilespmem:s26], [sflag:$0x1] =	stream.indirect.gather [hbm4b:s1+s28], $0x80, s2, s28, $0xb8;
	[tilespmem:$0x1E800] =	vst v63  }
0x56: {  	p0 =	sne.s32 s0, $0xF800;
	_ =	swait.ge [sflag:s29], $0x2800  }
.Ltmp1:
0x57: {  	[sflag:s29] =	ssyncset.done $0x0;
	(pc) =	sbr.rel @p0 .LBB2_4-.Ltmp1, $4  }
0x58: {  	s0 =	sadd.s32 $0x4000, s2;
	[sflag:s29] =	ssyncadd.s32 $0xFFFFD800  }
0x59: {  	[spmem:s3] =	stream.indirect.scatter.add.f32 [tilespmem:s26], [sflag:$0x2], $0x80, s0, s28, $0xb8;
	[tilespmem:$0x1E800] =	vst v63  }
0x5a: {  	_ =	swait.ge [sflag:s24], $0x2800  }
0x5b: {  	s0 =	smov.u32 s25;
	[sflag:s24] =	ssyncset.done $0x0  }
0x5c: {  	s0 =	sshra.s32 s31, $0x2;
	[sflag:s24] =	ssyncadd.s32 $0xFFFFD800  }
0x5d: {  	[tilespmem:s26], [sflag:$0x1] =	stream.indirect.gather [hbm4b:s1+s28], $0x80, s0, s28, $0xb8;
	[tilespmem:$0x1E800] =	vst v63  }
0x5e: {  	_ =	swait.ge [sflag:s29], $0x2800  }
0x5f: {  	[sflag:s29] =	ssyncset.done $0x0  }
0x60: {  	s0 =	sadd.s32 $0x4000, s0;
	[sflag:s29] =	ssyncadd.s32 $0xFFFFD800  }
0x61: {  	[spmem:s3] =	stream.indirect.scatter.add.f32 [tilespmem:s26], [sflag:$0x2], $0x80, s0, s28, $0xb8;
	[tilespmem:$0x1E800] =	vst v63  }
0x62: {  	_ =	swait.ge [sflag:s24], $0x2800  }
0x63: {  	[sflag:s24] =	ssyncset.done $0x0  }
0x64: {  	[sflag:s24] =	ssyncadd.s32 $0xFFFFD800  }
0x65: {  	[bflag:$0x0] =	sbarrier.arrive $0xFFFF  }
0x66: {  	[tilespmem:s26], [sflag:$0x2] =	stream.linear.gather [spmem:s5], $0x2800, $0x38;
	[tilespmem:$0x1E800] =	vst v63  }
0x67: {  	_ =	swait.ge [sflag:s24], $0x2800  }
0x68: {  	[sflag:s24] =	ssyncset.done $0x0  }
0x69: {  	[sflag:s24] =	ssyncadd.s32 $0xFFFFD800  }
0x6a: {  	[hbm4b:s15+s4] =	stream.linear.scatter [tilespmem:s26], [sflag:$0x2], $0x2800, $0x38;
	[tilespmem:$0x1E800] =	vst v63  }
0x6b: {  	_ =	swait.ge [sflag:s24], $0x2800  }
0x6c: {  	[sflag:s24] =	ssyncset.done $0x0  }
0x6d: {  	[sflag:s24] =	ssyncadd.s32 $0xFFFFD800  }
0x6e: {  	[tilespmem:s26], [sflag:$0x2] =	stream.linear.gather [spmem:s8], $0x2800, $0x38;
	[tilespmem:$0x1E800] =	vst v63  }
0x6f: {  	_ =	swait.ge [sflag:s24], $0x2800  }
0x70: {  	[sflag:s24] =	ssyncset.done $0x0  }
0x71: {  	[sflag:s24] =	ssyncadd.s32 $0xFFFFD800  }
0x72: {  	[hbm4b:s16+s4] =	stream.linear.scatter [tilespmem:s26], [sflag:$0x2], $0x2800, $0x38;
	[tilespmem:$0x1E800] =	vst v63  }
0x73: {  	_ =	swait.ge [sflag:s24], $0x2800  }
0x74: {  	[sflag:s24] =	ssyncset.done $0x0  }
0x75: {  	[sflag:s24] =	ssyncadd.s32 $0xFFFFD800  }
0x76: {  	[tilespmem:s26], [sflag:$0x2] =	stream.linear.gather [spmem:s9], $0x2800, $0x38;
	[tilespmem:$0x1E800] =	vst v63  }
0x77: {  	_ =	swait.ge [sflag:s24], $0x2800  }
0x78: {  	[sflag:s24] =	ssyncset.done $0x0  }
0x79: {  	[sflag:s24] =	ssyncadd.s32 $0xFFFFD800  }
0x7a: {  	[hbm4b:s17+s4] =	stream.linear.scatter [tilespmem:s26], [sflag:$0x2], $0x2800, $0x38;
	[tilespmem:$0x1E800] =	vst v63  }
0x7b: {  	_ =	swait.ge [sflag:s24], $0x2800  }
0x7c: {  	[sflag:s24] =	ssyncset.done $0x0  }
0x7d: {  	[sflag:s24] =	ssyncadd.s32 $0xFFFFD800  }
0x7e: {  	[tilespmem:s26], [sflag:$0x2] =	stream.linear.gather [spmem:s10], $0x2800, $0x38;
	[tilespmem:$0x1E800] =	vst v63  }
0x7f: {  	_ =	swait.ge [sflag:s24], $0x2800  }
0x80: {  	[sflag:s24] =	ssyncset.done $0x0  }
0x81: {  	[sflag:s24] =	ssyncadd.s32 $0xFFFFD800  }
0x82: {  	[hbm4b:s18+s4] =	stream.linear.scatter [tilespmem:s26], [sflag:$0x2], $0x2800, $0x38;
	[tilespmem:$0x1E800] =	vst v63  }
0x83: {  	_ =	swait.ge [sflag:s24], $0x2800  }
0x84: {  	[sflag:s24] =	ssyncset.done $0x0  }
0x85: {  	[sflag:s24] =	ssyncadd.s32 $0xFFFFD800  }
0x86: {  	[tilespmem:s26], [sflag:$0x2] =	stream.linear.gather [spmem:s11], $0x2800, $0x38;
	[tilespmem:$0x1E800] =	vst v63  }
0x87: {  	_ =	swait.ge [sflag:s24], $0x2800  }
0x88: {  	[sflag:s24] =	ssyncset.done $0x0  }
0x89: {  	[sflag:s24] =	ssyncadd.s32 $0xFFFFD800  }
0x8a: {  	[hbm4b:s19+s4] =	stream.linear.scatter [tilespmem:s26], [sflag:$0x2], $0x2800, $0x38;
	[tilespmem:$0x1E800] =	vst v63  }
0x8b: {  	_ =	swait.ge [sflag:s24], $0x2800  }
0x8c: {  	[sflag:s24] =	ssyncset.done $0x0  }
0x8d: {  	[sflag:s24] =	ssyncadd.s32 $0xFFFFD800  }
0x8e: {  	[tilespmem:s26], [sflag:$0x2] =	stream.linear.gather [spmem:s12], $0x2800, $0x38;
	[tilespmem:$0x1E800] =	vst v63  }
0x8f: {  	_ =	swait.ge [sflag:s24], $0x2800  }
0x90: {  	[sflag:s24] =	ssyncset.done $0x0  }
0x91: {  	[sflag:s24] =	ssyncadd.s32 $0xFFFFD800  }
0x92: {  	[hbm4b:s20+s4] =	stream.linear.scatter [tilespmem:s26], [sflag:$0x2], $0x2800, $0x38;
	[tilespmem:$0x1E800] =	vst v63  }
0x93: {  	_ =	swait.ge [sflag:s24], $0x2800  }
0x94: {  	[sflag:s24] =	ssyncset.done $0x0  }
0x95: {  	[sflag:s24] =	ssyncadd.s32 $0xFFFFD800  }
0x96: {  	[tilespmem:s26], [sflag:$0x2] =	stream.linear.gather [spmem:s13], $0x2800, $0x38;
	[tilespmem:$0x1E800] =	vst v63  }
0x97: {  	_ =	swait.ge [sflag:s24], $0x2800  }
0x98: {  	[sflag:s24] =	ssyncset.done $0x0  }
0x99: {  	[sflag:s24] =	ssyncadd.s32 $0xFFFFD800  }
0x9a: {  	[hbm4b:s21+s4] =	stream.linear.scatter [tilespmem:s26], [sflag:$0x2], $0x2800, $0x38;
	[tilespmem:$0x1E800] =	vst v63  }
0x9b: {  	_ =	swait.ge [sflag:s24], $0x2800  }
0x9c: {  	[sflag:s24] =	ssyncset.done $0x0  }
0x9d: {  	[sflag:s24] =	ssyncadd.s32 $0xFFFFD800  }
0x9e: {  	[tilespmem:s26], [sflag:$0x2] =	stream.linear.gather [spmem:s14], $0x2800, $0x38;
	[tilespmem:$0x1E800] =	vst v63  }
0x9f: {  	s30 =	sadd.s32 $0x1, s30;
	_ =	swait.ge [sflag:s24], $0x2800  }
0xa0: {  	p0 =	sne.s32 s30, s23;
	[sflag:s24] =	ssyncset.done $0x0  }
.Ltmp2:
0xa1: {  	[sflag:s24] =	ssyncadd.s32 $0xFFFFD800;
	(pc) =	sbr.rel @p0 .LBB2_1-.Ltmp2, $4  }
0xa2: {  	[hbm4b:s22+s4] =	stream.linear.scatter [tilespmem:s26], [sflag:$0x2], $0x2800, $0x38;
	[tilespmem:$0x1E800] =	vst v63  }
0xa3: {  	_ =	swait.ge [sflag:s24], $0x2800  }
0xa4: {  	[sflag:s24] =	ssyncset.done $0x0  }
0xa5: {  	[sflag:s24] =	ssyncadd.s32 $0xFFFFD800  }
0xa6: {  	_ =	sfence.sel $0x180000  }
0xa7: {  	[bflag:$0x0] =	sbarrier.arrive $0xFFFF  }
0xa8: {  	_ =	strace $0x9000004A  }
0xa9: {  	s0 =	stileid.u32;
	[bflag:$0x2] =	sbarrier.arrive $0xFFFF  }
0xaa: {  	p0 =	sne.s32 s0, $0x0;
	s0 =	rddreg [dreg:$0x3]  }
0xab: {  	s0 =	sadd.s32 @!p0 $0x100000, s0  }
0xac: {  	[sflag:s0] =	ssyncadd.tile.s32 @!p0 $0x1;
	_ =	shalt  }
.Lfunc_end2:
_tile_overlayer_lowered:
.L_overlay_start_2:
0xad: {  	(tag) =	ssettag $0x2  }
0xae: {  	s0 =	rddreg [dreg:$0x0];
	s2 =	stileid.u32  }
0xaf: {  	s1 =	rddreg [dreg:$0x1];
	p0 =	sne.s32 s2, $0x0  }
0xb0: {  	s3 =	rddreg [dreg:$0x2];
	[bflag:$0x3] =	sbarrier.arrive $0xFFFF;
	s2 =	simm.s32 @!p0 $0x1C02  }
0xb1: {  	[timem:s3], [sflag:s2] =	dma.local @!p0 [hbm:s0], s1  }
0xb2: {  	s0 =	simm.s32 @!p0 $0x2  }
0xb3: {  	_ =	swait.ge @!p0 [sflag:s0], s1  }
0xb4: {  	s1 =	ssub.s32 @!p0 $0x0, s1;
	[sflag:s0] =	ssyncset.done @!p0 $0x0  }
0xb5: {  	[sflag:s0] =	ssyncadd.s32 @!p0 s1  }
0xb6: {  	[bflag:$0x3] =	sbarrier.arrive $0xFFFF  }
0xb7: {  	_ =	shalt  }

// kernel: kernel.16.cloned.1.call-start
scs
__scs_entry_jumppad:
0x0: {  	(pc) =	sbr.rel $0x88, $3  }
0x1: {  	(tag) =	ssettag $0x0;
	lr =	simm.s32 $0x1  }
0x2: {  	[smem:$0x3F99] =	sst lr;
	_ =	strace $0xD0000000  }
0x3: {  	_ = 	snop  }
0x4: {  	_ = 	snop  }
0x5: {  	_ = 	snop  }
0x6: {  	_ = 	snop  }
0x7: {  	_ = 	snop  }
__scs_overlays_trampoline_lowered:
0x8: {  	[smem:$0x3FA8] =	sst s0  }
0x9: {  	[smem:$0x3FA9] =	sst s1  }
0xa: {  	[smem:$0x3FAA] =	sst s2  }
0xb: {  	[smem:$0x3FAB] =	sst s3  }
0xc: {  	[smem:$0x3FAC] =	sst s4  }
0xd: {  	[smem:$0x3FAD] =	sst s5  }
0xe: {  	[smem:$0x3FAE] =	sst s6  }
0xf: {  	[smem:$0x3FAF] =	sst s7  }
0x10: {  	[smem:$0x3FB0] =	sst s8  }
0x11: {  	[smem:$0x3FB1] =	sst s9;
	s0 =	simm.s32 @!p0 $0x0  }
0x12: {  	s1 =	sld [smem:$0x3F97];
	s0 =	simm.s32 @p0 $0x1  }
0x13: {  	[smem:$0x3FB2] =	sst s0;
	s0 =	simm.s32 @!p1 $0x0  }
0x14: {  	s2 =	sld [smem:$0x3F96];
	s0 =	simm.s32 @p1 $0x1  }
0x15: {  	[smem:$0x3FB3] =	sst s0;
	s0 =	simm.s32 @!p2 $0x0  }
0x16: {  	s3 =	sld [smem:$0x3FDB];
	s0 =	simm.s32 @p2 $0x1  }
0x17: {  	s4 =	simm.s32 $0x1BF5;
	[smem:$0x3FB5] =	sst s0  }
0x18: {  	s0 =	sld [smem:$0x3F98];
	_ =	swait.ge [sflag:s4], $0x0  }
0x19: {  	s7 =	sld [smem:$0x3F99]  }
0x1a: {  	s8 =	sadd.s32 $0xFFFFE003, lr  }
0x1b: {  	s9 =	sadd.s32 $0xFFFFFEF7, lr;
	s5 =	simm.s32 $0xFFFFFFFF;
	p2 =	slt.u32 s8, $0xFFFFF086  }
0x1c: {  	p1 =	slt.u32 s9, $0xF7A;
	s5 =	simm.s32 @!p2 $0x0  }
0x1d: {  	s5 =	simm.s32 @p1 $0x1;
	p0 =	seq.s32 s7, s2  }
0x1e: {  	s7 =	smul.u32 @!p0 $0xF7A, s2;
	p2 =	seq.s32 @!p0 s5, $0x0  }
0x1f: {  	s9 =	smul.u32 $0xF7A, s1;
	s8 =	simm.s32 @!p0 $0x1BF5;
	p2 =	por !p2, p0  }
0x20: {  	[sflag:s8] =	ssyncset.s32 @!p0 $0xFFFFF086;
	s6 =	sadd.s32 @!p0 s3, s7;
	s7 =	simm.s32 @!p0 $0x108  }
0x21: {  	s3 =	sadd.s32 s3, s9;
	s6 =	sadd.s32 @!p0 $0x88, s6;
	s7 =	simm.s32 @p2 $0x1082  }
0x22: {  	[simem:s7], [sflag:s8] =	dma.local @!p0 [hbm:s6], $0xF7A  }
0x23: {  	s9 =	sor.u32 $0xD0000000, s2;
	s6 =	simm.s32 $0x108;
	_ =	swait.ge @!p0 [sflag:s8], $0x0  }
0x24: {  	s3 =	sadd.s32 $0x88, s3;
	s6 =	simm.s32 @!p1 $0x1082;
	[sflag:s4] =	ssyncset.s32 $0xFFFFF086  }
0x25: {  	[simem:s6], [sflag:s4] =	dma.local [hbm:s3], $0xF7A  }
0x26: {  	[smem:$0x3F99] =	sst s1;
	(tag) =	ssettag s2;
	_ =	strace s9  }
0x27: {  	s1 =	sld [smem:$0x3FA9]  }
0x28: {  	s2 =	sld [smem:$0x3FAA]  }
0x29: {  	s4 =	sld [smem:$0x3FAC]  }
0x2a: {  	p0 =	seq.s32 s5, $0x0;
	s5 =	sld [smem:$0x3FAD]  }
0x2b: {  	s6 =	sld [smem:$0x3FAE]  }
0x2c: {  	s7 =	sld [smem:$0x3FAF]  }
0x2d: {  	s3 =	simm.s32 $0x108;
	s8 =	sld [smem:$0x3FB0]  }
0x2e: {  	s3 =	simm.s32 @!p0 $0x1082;
	s9 =	sld [smem:$0x3FB1]  }
0x2f: {  	lr =	sadd.s32 s0, s3;
	s0 =	sld [smem:$0x3FA8]  }
0x30: {  	s3 =	sld [smem:$0x3FAB]  }
0x31: {  	[smem:$0x3FB4] =	sst s10  }
0x32: {  	s10 =	sld [smem:$0x3FB2];
	_ =	sdelay $0x3  }
0x33: {  	p0 =	seq.s32 s10, $0x1;
	s10 =	sld [smem:$0x3FB4];
	_ =	sdelay $0x3  }
0x34: {  	[smem:$0x3FB4] =	sst s10  }
0x35: {  	s10 =	sld [smem:$0x3FB3];
	_ =	sdelay $0x3  }
0x36: {  	p1 =	seq.s32 s10, $0x1;
	s10 =	sld [smem:$0x3FB4];
	_ =	sdelay $0x3  }
0x37: {  	[smem:$0x3FB4] =	sst s10  }
0x38: {  	s10 =	sld [smem:$0x3FB5]  }
0x39: {  	_ = 	snop;
	(pc) =	sbr.ind lr, $3  }
0x3a: {  	_ = 	snop  }
0x3b: {  	_ = 	snop  }
0x3c: {  	p2 =	seq.s32 s10, $0x1;
	s10 =	sld [smem:$0x3FB4]  }
0x3d: {  	_ =	shalt  }
0x3e: {  	_ =	shalt  }
0x3f: {  	_ =	shalt  }
0x40: {  	_ =	shalt  }
0x41: {  	_ =	shalt  }
0x42: {  	_ =	shalt  }
0x43: {  	_ =	shalt  }
0x44: {  	_ =	shalt  }
0x45: {  	_ =	shalt  }
0x46: {  	_ =	shalt  }
0x47: {  	_ =	shalt  }
0x48: {  	_ =	shalt  }
0x49: {  	_ =	shalt  }
0x4a: {  	_ =	shalt  }
0x4b: {  	_ =	shalt  }
0x4c: {  	_ =	shalt  }
0x4d: {  	_ =	shalt  }
0x4e: {  	_ =	shalt  }
0x4f: {  	_ =	shalt  }
0x50: {  	_ =	shalt  }
0x51: {  	_ =	shalt  }
0x52: {  	_ =	shalt  }
0x53: {  	_ =	shalt  }
0x54: {  	_ =	shalt  }
0x55: {  	_ =	shalt  }
0x56: {  	_ =	shalt  }
0x57: {  	_ =	shalt  }
0x58: {  	_ =	shalt  }
0x59: {  	_ =	shalt  }
0x5a: {  	_ =	shalt  }
0x5b: {  	_ =	shalt  }
0x5c: {  	_ =	shalt  }
0x5d: {  	_ =	shalt  }
0x5e: {  	_ =	shalt  }
0x5f: {  	_ =	shalt  }
0x60: {  	_ =	shalt  }
0x61: {  	_ =	shalt  }
0x62: {  	_ =	shalt  }
0x63: {  	_ =	shalt  }
0x64: {  	_ =	shalt  }
0x65: {  	_ =	shalt  }
0x66: {  	_ =	shalt  }
0x67: {  	_ =	shalt  }
0x68: {  	_ =	shalt  }
0x69: {  	_ =	shalt  }
0x6a: {  	_ =	shalt  }
0x6b: {  	_ =	shalt  }
0x6c: {  	_ =	shalt  }
0x6d: {  	_ =	shalt  }
0x6e: {  	_ =	shalt  }
0x6f: {  	_ =	shalt  }
0x70: {  	_ =	shalt  }
0x71: {  	_ =	shalt  }
0x72: {  	_ =	shalt  }
0x73: {  	_ =	shalt  }
0x74: {  	_ =	shalt  }
0x75: {  	_ =	shalt  }
0x76: {  	_ =	shalt  }
0x77: {  	_ =	shalt  }
0x78: {  	_ =	shalt  }
0x79: {  	_ =	shalt  }
0x7a: {  	_ =	shalt  }
0x7b: {  	_ =	shalt  }
0x7c: {  	_ =	shalt  }
0x7d: {  	_ =	shalt  }
0x7e: {  	_ =	shalt  }
0x7f: {  	_ =	shalt  }
0x80: {  	_ =	shalt  }
0x81: {  	_ =	shalt  }
0x82: {  	_ =	shalt  }
0x83: {  	_ =	shalt  }
0x84: {  	_ =	shalt  }
0x85: {  	_ =	shalt  }
0x86: {  	_ =	shalt  }
0x87: {  	_ =	shalt  }
.Lfunc_end0:
.L_simem_size_0:
called_computation.2_lowered:
.L_overlay_start_0:
0x88: {  	s2 =	sld [smem:$0x3FD9]  }
0x89: {  	s3 =	sld [smem:$0x3FFE];
	_ =	sdelay $0x1  }
0x8a: {  	s1 =	srdreg.scid  }
0x8b: {  	s0 =	sand.u32 $0x1, s1  }
0x8c: {  	s17 =	sshll.u32 s0, $0xA;
	s2 =	sadd.s32 s3, s2  }
0x8d: {  	s2 =	sadd.s32 s2, s17  }
0x8e: {  	[smem:$0x3FC0] =	sst s2  }
0x8f: {  	_ = 	snop  }
0x90: {  	s2 =	sld [smem:$0x3FD0];
	(tm) =	ssettm $0x1  }
0x91: {  	s18 =	sld [smem:$0x3FFB];
	_ =	sdelay $0x3  }
0x92: {  	_ =	strace s18  }
0x93: {  	s3 =	sld [smem:$0x3FFC];
	_ =	sdelay $0x3  }
0x94: {  	_ =	strace s3  }
0x95: {  	s3 =	sld [smem:$0x3FFD];
	_ =	sdelay $0x3  }
0x96: {  	_ =	strace s3  }
0x97: {  	_ =	strace $0x8FFFFFFF  }
0x98: {  	s19 =	sld [smem:$0x3FDB];
	_ =	sdelay $0x1  }
0x99: {  	s4 =	simm.s32 $_scs_section_size  }
0x9a: {  	s5 =	simm.s32 $_size__tile_overlayer_lowered;
	s6 =	simm.s32 $_tile_overlayer_lowered  }
0x9b: {  	s22 =	simm.s32 $0x1BFF;
	s21 =	sshll.u32 s6, $0x1;
	s3 =	sadd.s32 s4, s19  }
0x9c: {  	s7 =	simm.s32 $0x0;
	s20 =	sshll.u32 s5, $0x1;
	s5 =	sadd.s32 s21, s3  }
0x9d: {  	[timem:s7], [sflag:s22] =	dma.local [hbm:s5], s20  }
0x9e: {  	_ =	swait.ge [sflag:s22], s20  }
0x9f: {  	s4 =	ssub.s32 $0x0, s20;
	[sflag:s22] =	ssyncset.done $0x0  }
0xa0: {  	[sflag:s22] =	ssyncadd.s32 s4;
	_ =	sdelay $0x1  }
0xa1: {  	s23 =	simm.s32 $0x1B8B  }
0xa2: {  	_ =	swait.ge [sflag:s23], $0x1  }
0xa3: {  	[sflag:s23] =	ssyncset.done $0x0  }
0xa4: {  	s25 =	simm.s32 $0x1B8E;
	s24 =	sld [smem:$0x3FFE];
	[sflag:s23] =	ssyncadd.s32 $0xFFFFFFFF  }
0xa5: {  	s26 =	simm.s32 $execute0_lowered;
	[smem:$0x3FD2] =	sst s25  }
0xa6: {  	s5 =	sshll.u32 s26, $0x1;
	_ =	strace $0x8000004C;
	[dreg:$0x1] =	wrdreg $0xFFFFFFFF  }
0xa7: {  	s28 =	simm.s32 $_size_execute0_lowered;
	s3 =	sadd.s32 s3, s5;
	[dreg:$0x0] =	wrdreg $0x0  }
0xa8: {  	s5 =	sshll.u32 s28, $0x1;
	[dreg:$0x2] =	wrdreg s3  }
0xa9: {  	[dreg:$0x3] =	wrdreg s5  }
0xaa: {  	[dreg:$0x4] =	wrdreg $0xC0  }
0xab: {  	_ =	task [dreg:s7], $0x5FFFF  }
0xac: {  	[dreg:$0x1] =	wrdreg $0xFFFFFFFF  }
0xad: {  	[dreg:$0x0] =	wrdreg $0x60  }
0xae: {  	[dreg:$0x2] =	wrdreg s2  }
0xaf: {  	[dreg:$0x3] =	wrdreg s24  }
0xb0: {  	[dreg:$0x4] =	wrdreg $0xA8000  }
0xb1: {  	[dreg:$0x5] =	wrdreg $0x9  }
0xb2: {  	_ =	task.clear_ibuf [dreg:s7], $0x6FFFF;
	_ =	strace $0x9000004C  }
0xb3: {  	s29 =	simm.s32 $0x9;
	_ =	strace $0x8000004E  }
0xb4: {  	_ =	swait.ge [sflag:s29], $0x1  }
0xb5: {  	[sflag:s29] =	ssyncadd.s32 $0xFFFFFFFF  }
0xb6: {  	_ =	strace $0x9000004E  }
0xb7: {  	_ =	sfence  }
0xb8: {  	s30 =	sld [smem:$0x0];
	_ =	sdelay $0x2  }
0xb9: {  	s31 =	sshll.u32 s1, $0xD;
	s1 =	sshrl.u32 s1, $0x2  }
0xba: {  	s3 =	sand.u32 $0x4000, s31;
	s1 =	sadd.s32 s1, s30  }
0xbb: {  	s0 =	sor.u32 s3, s0;
	s1 =	sshll.u32 s1, $0x11  }
0xbc: {  	s0 =	sor.u32 s1, s0  }
0xbd: {  	s0 =	sadd.s32 $0x8F2B, s0  }
0xbe: {  	[sflag:s0] =	ssyncadd.remote.s32 $0x1  }
0xbf: {  	_ =	sfence.sel $0xFFFF  }
0xc0: {  	[dreg:$0x0] =	wrdreg $0xFFFFFFFF;
	(pc) =	sbr.abs _section_cstart, $3  }
0xc1: {  	[dreg:$0x1] =	wrdreg $0xFFFFFFFF  }
0xc2: {  	_ =	task.clear_ibuf [dreg:s7], $0x2FFFF;
	_ =	strace $0x9FFFFFFF  }
0xc3: {  	(tm) =	ssettm $0x7FFFFFFF  }
tec
execute0_lowered:
.L_overlay_start_1:
0x0: {  	(tag) =	ssettag $0x1  }
0x1: {  	s1 =	rddreg [dreg:$0x0]  }
0x2: {  	s0 =	rddreg [dreg:$0x1]  }
0x3: {  	s3 =	rddreg [dreg:$0x2];
	s4 =	simm.s32 $0x0;
	s5 =	srdreg.scid  }
0x4: {  	s2 =	stileid.u32;
	s24 =	simm.s32 $0x2;
	s28 =	simm.s32 $0x50  }
0x5: {  	s29 =	simm.s32 $0x1;
	s30 =	simm.s32 $0x0;
	s6 =	smul.u32 $0x280, s2  }
0x6: {  	[smem:$0x7FF] =	sst s4;
	s5 =	sand.u32 $0x1, s5;
	s26 =	smul.u32 $0x50000, s2  }
0x7: {  	s7 =	sshll.u32 s2, $0xC;
	s8 =	sshll.u32 s5, $0xB;
	s9 =	smul.u32 $0x2800, s5  }
0x8: {  	_ =	strace $0x8000004D;
	s5 =	ssub.s32 $0x2, s5;
	s7 =	sor.u32 s8, s7  }
0x9: {  	s31 =	sshrl.u32 s5, $0x1;
	s8 =	sshrl.u32 s26, $0x2;
	s26 =	simm.s32 $0x8000  }
0xa: {  	s6 =	sadd.s32 s6, s9;
	s23 =	ssub.s32 s5, s31;
	s5 =	sadd.s32 s8, s3  }
0xb: {  	s7 =	sadd.s32 s7, s0;
	s6 =	sshll.u32 s6, $0x4;
	s8 =	sadd.s32 $0x2800, s5  }
0xc: {  	s9 =	sadd.s32 $0x5000, s5;
	s10 =	sadd.s32 $0x7800, s5;
	s11 =	sadd.s32 $0xA000, s5  }
0xd: {  	s12 =	sadd.s32 $0xC800, s5;
	s13 =	sadd.s32 $0xF000, s5;
	s14 =	sadd.s32 $0x11800, s5  }
0xe: {  	s23 =	smax.u32 s23, $0x1;
	s0 =	sadd.s32 s6, s0;
	s6 =	sadd.s32 $0x15000, s7  }
0xf: {  	s7 =	sadd.s32 $0x5000, s7;
	s15 =	sadd.s32 $0x4C200, s0;
	s16 =	sadd.s32 $0x4C700, s0  }
0x10: {  	s17 =	sadd.s32 $0x4CC00, s0;
	s18 =	sadd.s32 $0x4D100, s0;
	s19 =	sadd.s32 $0x4D600, s0  }
0x11: {  	v0 =	vimm.f32 $0.0e+00;
	s20 =	sadd.s32 $0x4DB00, s0;
	s21 =	sadd.s32 $0x4E000, s0;
	s22 =	sadd.s32 $0x4E500, s0  }
.LBB2_1:
0x12: {  	s31 =	simm.s32 $0x0;
	s0 =	simm.s32 $0x200  }
.LBB2_2:
0x13: {  	p0 =	sne.s32 s0, $0x9E00;
	[tilespmem:s31+$0x8070] =	vst v0  }
0x14: {  	[tilespmem:s31+$0x8000] =	vst v0  }
0x15: {  	[tilespmem:s31+$0x8010] =	vst v0  }
.Ltmp0:
0x16: {  	[tilespmem:s31+$0x8020] =	vst v0;
	(pc) =	sbr.rel @p0 .LBB2_2-.Ltmp0, $4  }
0x17: {  	[tilespmem:s31+$0x8030] =	vst v0  }
0x18: {  	[tilespmem:s31+$0x8040] =	vst v0  }
0x19: {  	[tilespmem:s31+$0x8050] =	vst v0  }
0x1a: {  	[tilespmem:s31+$0x8060] =	vst v0;
	s31 =	sshra.s32 s0, $0x2;
	s0 =	sadd.s32 $0x200, s0  }
0x1b: {  	[tilespmem:s31+$0x8070] =	vst v0  }
0x1c: {  	[tilespmem:s31+$0x8000] =	vst v0  }
0x1d: {  	[tilespmem:s31+$0x8010] =	vst v0  }
0x1e: {  	[tilespmem:s31+$0x8020] =	vst v0  }
0x1f: {  	[tilespmem:s31+$0x8030] =	vst v0  }
0x20: {  	[tilespmem:s31+$0x8040] =	vst v0  }
0x21: {  	[tilespmem:s31+$0x8050] =	vst v0  }
0x22: {  	[tilespmem:s31+$0x8060] =	vst v0;
	s0 =	simm.s32 $0x0  }
0x23: {  	[tilespmem:s0], [sflag:$0x2] =	stream.linear.gather [hbm4b:s6+s0], $0x3E80, $0x38;
	[tilespmem:$0x1E800] =	vst v63  }
0x24: {  	_ =	swait.ge [sflag:s24], $0x3E80  }
0x25: {  	[sflag:s24] =	ssyncset.done $0x0  }
0x26: {  	s2 =	simm.s32 $0x4000;
	[sflag:s24] =	ssyncadd.s32 $0xFFFFC180  }
0x27: {  	[tilespmem:s2], [sflag:$0x2] =	stream.linear.gather [hbm4b:s7+s0], $0x3E80, $0x38;
	[tilespmem:$0x1E800] =	vst v63  }
0x28: {  	_ =	swait.ge [sflag:s24], $0x3E80  }
0x29: {  	[sflag:s24] =	ssyncset.done $0x0  }
0x2a: {  	[sflag:s24] =	ssyncadd.s32 $0xFFFFC180  }
0x2b: {  	[spmem:s5] =	stream.linear.scatter [tilespmem:s26], [sflag:$0x2], $0x2800, $0x38;
	[tilespmem:$0x1E800] =	vst v63  }
0x2c: {  	_ =	swait.ge [sflag:s24], $0x2800  }
0x2d: {  	[sflag:s24] =	ssyncset.done $0x0  }
0x2e: {  	[sflag:s24] =	ssyncadd.s32 $0xFFFFD800  }
0x2f: {  	[spmem:s8] =	stream.linear.scatter [tilespmem:s26], [sflag:$0x2], $0x2800, $0x38;
	[tilespmem:$0x1E800] =	vst v63  }
0x30: {  	_ =	swait.ge [sflag:s24], $0x2800  }
0x31: {  	[sflag:s24] =	ssyncset.done $0x0  }
0x32: {  	[sflag:s24] =	ssyncadd.s32 $0xFFFFD800  }
0x33: {  	[spmem:s9] =	stream.linear.scatter [tilespmem:s26], [sflag:$0x2], $0x2800, $0x38;
	[tilespmem:$0x1E800] =	vst v63  }
0x34: {  	_ =	swait.ge [sflag:s24], $0x2800  }
0x35: {  	[sflag:s24] =	ssyncset.done $0x0  }
0x36: {  	[sflag:s24] =	ssyncadd.s32 $0xFFFFD800  }
0x37: {  	[spmem:s10] =	stream.linear.scatter [tilespmem:s26], [sflag:$0x2], $0x2800, $0x38;
	[tilespmem:$0x1E800] =	vst v63  }
0x38: {  	_ =	swait.ge [sflag:s24], $0x2800  }
0x39: {  	[sflag:s24] =	ssyncset.done $0x0  }
0x3a: {  	[sflag:s24] =	ssyncadd.s32 $0xFFFFD800  }
0x3b: {  	[spmem:s11] =	stream.linear.scatter [tilespmem:s26], [sflag:$0x2], $0x2800, $0x38;
	[tilespmem:$0x1E800] =	vst v63  }
0x3c: {  	_ =	swait.ge [sflag:s24], $0x2800  }
0x3d: {  	[sflag:s24] =	ssyncset.done $0x0  }
0x3e: {  	[sflag:s24] =	ssyncadd.s32 $0xFFFFD800  }
0x3f: {  	[spmem:s12] =	stream.linear.scatter [tilespmem:s26], [sflag:$0x2], $0x2800, $0x38;
	[tilespmem:$0x1E800] =	vst v63  }
0x40: {  	_ =	swait.ge [sflag:s24], $0x2800  }
0x41: {  	[sflag:s24] =	ssyncset.done $0x0  }
0x42: {  	[sflag:s24] =	ssyncadd.s32 $0xFFFFD800  }
0x43: {  	[spmem:s13] =	stream.linear.scatter [tilespmem:s26], [sflag:$0x2], $0x2800, $0x38;
	[tilespmem:$0x1E800] =	vst v63  }
0x44: {  	_ =	swait.ge [sflag:s24], $0x2800  }
0x45: {  	[sflag:s24] =	ssyncset.done $0x0  }
0x46: {  	[sflag:s24] =	ssyncadd.s32 $0xFFFFD800  }
0x47: {  	[spmem:s14] =	stream.linear.scatter [tilespmem:s26], [sflag:$0x2], $0x2800, $0x38;
	[tilespmem:$0x1E800] =	vst v63  }
0x48: {  	_ =	swait.ge [sflag:s24], $0x2800  }
0x49: {  	[sflag:s24] =	ssyncset.done $0x0  }
0x4a: {  	[sflag:s24] =	ssyncadd.s32 $0xFFFFD800  }
0x4b: {  	s2 =	simm.s32 $0x0;
	[bflag:$0x0] =	sbarrier.arrive $0xFFFF  }
0x4c: {  	[tilespmem:s26], [sflag:$0x1] =	stream.indirect.gather [hbm4b:s1+s28], $0x80, s2, s28, $0xb8;
	[tilespmem:$0x1E800] =	vst v63  }
0x4d: {  	_ =	swait.ge [sflag:s29], $0x2800  }
0x4e: {  	[sflag:s29] =	ssyncset.done $0x0  }
0x4f: {  	s25 =	simm.s32 $0x4000;
	[sflag:s29] =	ssyncadd.s32 $0xFFFFD800  }
0x50: {  	[spmem:s3] =	stream.indirect.scatter.add.f32 [tilespmem:s26], [sflag:$0x2], $0x80, s25, s28, $0xb8;
	[tilespmem:$0x1E800] =	vst v63  }
0x51: {  	_ =	swait.ge [sflag:s24], $0x2800  }
0x52: {  	s31 =	simm.s32 $0x200;
	s0 =	simm.s32 $0x400;
	[sflag:s24] =	ssyncset.done $0x0  }
.LBB2_4:
0x53: {  	s2 =	sshra.s32 s31, $0x2  }
0x54: {  	[sflag:s24] =	ssyncadd.s32 $0xFFFFD800;
	s31 =	smov.u32 s0;
	s25 =	sadd.s32 $0x200, s0  }
0x55: {  	[tilespmem:s26], [sflag:$0x1] =	stream.indirect.gather [hbm4b:s1+s28], $0x80, s2, s28, $0xb8;
	[tilespmem:$0x1E800] =	vst v63  }
0x56: {  	p0 =	sne.s32 s0, $0xF800;
	_ =	swait.ge [sflag:s29], $0x2800  }
.Ltmp1:
0x57: {  	[sflag:s29] =	ssyncset.done $0x0;
	(pc) =	sbr.rel @p0 .LBB2_4-.Ltmp1, $4  }
0x58: {  	s0 =	sadd.s32 $0x4000, s2;
	[sflag:s29] =	ssyncadd.s32 $0xFFFFD800  }
0x59: {  	[spmem:s3] =	stream.indirect.scatter.add.f32 [tilespmem:s26], [sflag:$0x2], $0x80, s0, s28, $0xb8;
	[tilespmem:$0x1E800] =	vst v63  }
0x5a: {  	_ =	swait.ge [sflag:s24], $0x2800  }
0x5b: {  	s0 =	smov.u32 s25;
	[sflag:s24] =	ssyncset.done $0x0  }
0x5c: {  	s0 =	sshra.s32 s31, $0x2;
	[sflag:s24] =	ssyncadd.s32 $0xFFFFD800  }
0x5d: {  	[tilespmem:s26], [sflag:$0x1] =	stream.indirect.gather [hbm4b:s1+s28], $0x80, s0, s28, $0xb8;
	[tilespmem:$0x1E800] =	vst v63  }
0x5e: {  	_ =	swait.ge [sflag:s29], $0x2800  }
0x5f: {  	[sflag:s29] =	ssyncset.done $0x0  }
0x60: {  	s0 =	sadd.s32 $0x4000, s0;
	[sflag:s29] =	ssyncadd.s32 $0xFFFFD800  }
0x61: {  	[spmem:s3] =	stream.indirect.scatter.add.f32 [tilespmem:s26], [sflag:$0x2], $0x80, s0, s28, $0xb8;
	[tilespmem:$0x1E800] =	vst v63  }
0x62: {  	_ =	swait.ge [sflag:s24], $0x2800  }
0x63: {  	[sflag:s24] =	ssyncset.done $0x0  }
0x64: {  	[sflag:s24] =	ssyncadd.s32 $0xFFFFD800  }
0x65: {  	[bflag:$0x0] =	sbarrier.arrive $0xFFFF  }
0x66: {  	[tilespmem:s26], [sflag:$0x2] =	stream.linear.gather [spmem:s5], $0x2800, $0x38;
	[tilespmem:$0x1E800] =	vst v63  }
0x67: {  	_ =	swait.ge [sflag:s24], $0x2800  }
0x68: {  	[sflag:s24] =	ssyncset.done $0x0  }
0x69: {  	[sflag:s24] =	ssyncadd.s32 $0xFFFFD800  }
0x6a: {  	[hbm4b:s15+s4] =	stream.linear.scatter [tilespmem:s26], [sflag:$0x2], $0x2800, $0x38;
	[tilespmem:$0x1E800] =	vst v63  }
0x6b: {  	_ =	swait.ge [sflag:s24], $0x2800  }
0x6c: {  	[sflag:s24] =	ssyncset.done $0x0  }
0x6d: {  	[sflag:s24] =	ssyncadd.s32 $0xFFFFD800  }
0x6e: {  	[tilespmem:s26], [sflag:$0x2] =	stream.linear.gather [spmem:s8], $0x2800, $0x38;
	[tilespmem:$0x1E800] =	vst v63  }
0x6f: {  	_ =	swait.ge [sflag:s24], $0x2800  }
0x70: {  	[sflag:s24] =	ssyncset.done $0x0  }
0x71: {  	[sflag:s24] =	ssyncadd.s32 $0xFFFFD800  }
0x72: {  	[hbm4b:s16+s4] =	stream.linear.scatter [tilespmem:s26], [sflag:$0x2], $0x2800, $0x38;
	[tilespmem:$0x1E800] =	vst v63  }
0x73: {  	_ =	swait.ge [sflag:s24], $0x2800  }
0x74: {  	[sflag:s24] =	ssyncset.done $0x0  }
0x75: {  	[sflag:s24] =	ssyncadd.s32 $0xFFFFD800  }
0x76: {  	[tilespmem:s26], [sflag:$0x2] =	stream.linear.gather [spmem:s9], $0x2800, $0x38;
	[tilespmem:$0x1E800] =	vst v63  }
0x77: {  	_ =	swait.ge [sflag:s24], $0x2800  }
0x78: {  	[sflag:s24] =	ssyncset.done $0x0  }
0x79: {  	[sflag:s24] =	ssyncadd.s32 $0xFFFFD800  }
0x7a: {  	[hbm4b:s17+s4] =	stream.linear.scatter [tilespmem:s26], [sflag:$0x2], $0x2800, $0x38;
	[tilespmem:$0x1E800] =	vst v63  }
0x7b: {  	_ =	swait.ge [sflag:s24], $0x2800  }
0x7c: {  	[sflag:s24] =	ssyncset.done $0x0  }
0x7d: {  	[sflag:s24] =	ssyncadd.s32 $0xFFFFD800  }
0x7e: {  	[tilespmem:s26], [sflag:$0x2] =	stream.linear.gather [spmem:s10], $0x2800, $0x38;
	[tilespmem:$0x1E800] =	vst v63  }
0x7f: {  	_ =	swait.ge [sflag:s24], $0x2800  }
0x80: {  	[sflag:s24] =	ssyncset.done $0x0  }
0x81: {  	[sflag:s24] =	ssyncadd.s32 $0xFFFFD800  }
0x82: {  	[hbm4b:s18+s4] =	stream.linear.scatter [tilespmem:s26], [sflag:$0x2], $0x2800, $0x38;
	[tilespmem:$0x1E800] =	vst v63  }
0x83: {  	_ =	swait.ge [sflag:s24], $0x2800  }
0x84: {  	[sflag:s24] =	ssyncset.done $0x0  }
0x85: {  	[sflag:s24] =	ssyncadd.s32 $0xFFFFD800  }
0x86: {  	[tilespmem:s26], [sflag:$0x2] =	stream.linear.gather [spmem:s11], $0x2800, $0x38;
	[tilespmem:$0x1E800] =	vst v63  }
0x87: {  	_ =	swait.ge [sflag:s24], $0x2800  }
0x88: {  	[sflag:s24] =	ssyncset.done $0x0  }
0x89: {  	[sflag:s24] =	ssyncadd.s32 $0xFFFFD800  }
0x8a: {  	[hbm4b:s19+s4] =	stream.linear.scatter [tilespmem:s26], [sflag:$0x2], $0x2800, $0x38;
	[tilespmem:$0x1E800] =	vst v63  }
0x8b: {  	_ =	swait.ge [sflag:s24], $0x2800  }
0x8c: {  	[sflag:s24] =	ssyncset.done $0x0  }
0x8d: {  	[sflag:s24] =	ssyncadd.s32 $0xFFFFD800  }
0x8e: {  	[tilespmem:s26], [sflag:$0x2] =	stream.linear.gather [spmem:s12], $0x2800, $0x38;
	[tilespmem:$0x1E800] =	vst v63  }
0x8f: {  	_ =	swait.ge [sflag:s24], $0x2800  }
0x90: {  	[sflag:s24] =	ssyncset.done $0x0  }
0x91: {  	[sflag:s24] =	ssyncadd.s32 $0xFFFFD800  }
0x92: {  	[hbm4b:s20+s4] =	stream.linear.scatter [tilespmem:s26], [sflag:$0x2], $0x2800, $0x38;
	[tilespmem:$0x1E800] =	vst v63  }
0x93: {  	_ =	swait.ge [sflag:s24], $0x2800  }
0x94: {  	[sflag:s24] =	ssyncset.done $0x0  }
0x95: {  	[sflag:s24] =	ssyncadd.s32 $0xFFFFD800  }
0x96: {  	[tilespmem:s26], [sflag:$0x2] =	stream.linear.gather [spmem:s13], $0x2800, $0x38;
	[tilespmem:$0x1E800] =	vst v63  }
0x97: {  	_ =	swait.ge [sflag:s24], $0x2800  }
0x98: {  	[sflag:s24] =	ssyncset.done $0x0  }
0x99: {  	[sflag:s24] =	ssyncadd.s32 $0xFFFFD800  }
0x9a: {  	[hbm4b:s21+s4] =	stream.linear.scatter [tilespmem:s26], [sflag:$0x2], $0x2800, $0x38;
	[tilespmem:$0x1E800] =	vst v63  }
0x9b: {  	_ =	swait.ge [sflag:s24], $0x2800  }
0x9c: {  	[sflag:s24] =	ssyncset.done $0x0  }
0x9d: {  	[sflag:s24] =	ssyncadd.s32 $0xFFFFD800  }
0x9e: {  	[tilespmem:s26], [sflag:$0x2] =	stream.linear.gather [spmem:s14], $0x2800, $0x38;
	[tilespmem:$0x1E800] =	vst v63  }
0x9f: {  	s30 =	sadd.s32 $0x1, s30;
	_ =	swait.ge [sflag:s24], $0x2800  }
0xa0: {  	p0 =	sne.s32 s30, s23;
	[sflag:s24] =	ssyncset.done $0x0  }
.Ltmp2:
0xa1: {  	[sflag:s24] =	ssyncadd.s32 $0xFFFFD800;
	(pc) =	sbr.rel @p0 .LBB2_1-.Ltmp2, $4  }
0xa2: {  	[hbm4b:s22+s4] =	stream.linear.scatter [tilespmem:s26], [sflag:$0x2], $0x2800, $0x38;
	[tilespmem:$0x1E800] =	vst v63  }
0xa3: {  	_ =	swait.ge [sflag:s24], $0x2800  }
0xa4: {  	[sflag:s24] =	ssyncset.done $0x0  }
0xa5: {  	[sflag:s24] =	ssyncadd.s32 $0xFFFFD800  }
0xa6: {  	_ =	sfence.sel $0x180000  }
0xa7: {  	[bflag:$0x0] =	sbarrier.arrive $0xFFFF  }
0xa8: {  	_ =	strace $0x9000004D  }
0xa9: {  	s0 =	stileid.u32;
	[bflag:$0x2] =	sbarrier.arrive $0xFFFF  }
0xaa: {  	p0 =	sne.s32 s0, $0x0;
	s0 =	rddreg [dreg:$0x3]  }
0xab: {  	s0 =	sadd.s32 @!p0 $0x100000, s0  }
0xac: {  	[sflag:s0] =	ssyncadd.tile.s32 @!p0 $0x1;
	_ =	shalt  }
.Lfunc_end2:
_tile_overlayer_lowered:
.L_overlay_start_2:
0xad: {  	(tag) =	ssettag $0x2  }
0xae: {  	s0 =	rddreg [dreg:$0x0];
	s2 =	stileid.u32  }
0xaf: {  	s1 =	rddreg [dreg:$0x1];
	p0 =	sne.s32 s2, $0x0  }
0xb0: {  	s3 =	rddreg [dreg:$0x2];
	[bflag:$0x3] =	sbarrier.arrive $0xFFFF;
	s2 =	simm.s32 @!p0 $0x1C02  }
0xb1: {  	[timem:s3], [sflag:s2] =	dma.local @!p0 [hbm:s0], s1  }
0xb2: {  	s0 =	simm.s32 @!p0 $0x2  }
0xb3: {  	_ =	swait.ge @!p0 [sflag:s0], s1  }
0xb4: {  	s1 =	ssub.s32 @!p0 $0x0, s1;
	[sflag:s0] =	ssyncset.done @!p0 $0x0  }
0xb5: {  	[sflag:s0] =	ssyncadd.s32 @!p0 s1  }
0xb6: {  	[bflag:$0x3] =	sbarrier.arrive $0xFFFF  }
0xb7: {  	_ =	shalt  }

// kernel: kernel.19.cloned.1.call-start
scs
__scs_entry_jumppad:
0x0: {  	(pc) =	sbr.rel $0x88, $3  }
0x1: {  	(tag) =	ssettag $0x0;
	lr =	simm.s32 $0x1  }
0x2: {  	[smem:$0x3F99] =	sst lr;
	_ =	strace $0xD0000000  }
0x3: {  	_ = 	snop  }
0x4: {  	_ = 	snop  }
0x5: {  	_ = 	snop  }
0x6: {  	_ = 	snop  }
0x7: {  	_ = 	snop  }
__scs_overlays_trampoline_lowered:
0x8: {  	[smem:$0x3FA8] =	sst s0  }
0x9: {  	[smem:$0x3FA9] =	sst s1  }
0xa: {  	[smem:$0x3FAA] =	sst s2  }
0xb: {  	[smem:$0x3FAB] =	sst s3  }
0xc: {  	[smem:$0x3FAC] =	sst s4  }
0xd: {  	[smem:$0x3FAD] =	sst s5  }
0xe: {  	[smem:$0x3FAE] =	sst s6  }
0xf: {  	[smem:$0x3FAF] =	sst s7  }
0x10: {  	[smem:$0x3FB0] =	sst s8  }
0x11: {  	[smem:$0x3FB1] =	sst s9;
	s0 =	simm.s32 @!p0 $0x0  }
0x12: {  	s1 =	sld [smem:$0x3F97];
	s0 =	simm.s32 @p0 $0x1  }
0x13: {  	[smem:$0x3FB2] =	sst s0;
	s0 =	simm.s32 @!p1 $0x0  }
0x14: {  	s2 =	sld [smem:$0x3F96];
	s0 =	simm.s32 @p1 $0x1  }
0x15: {  	[smem:$0x3FB3] =	sst s0;
	s0 =	simm.s32 @!p2 $0x0  }
0x16: {  	s3 =	sld [smem:$0x3FDB];
	s0 =	simm.s32 @p2 $0x1  }
0x17: {  	s4 =	simm.s32 $0x1BF5;
	[smem:$0x3FB5] =	sst s0  }
0x18: {  	s0 =	sld [smem:$0x3F98];
	_ =	swait.ge [sflag:s4], $0x0  }
0x19: {  	s7 =	sld [smem:$0x3F99]  }
0x1a: {  	s8 =	sadd.s32 $0xFFFFE003, lr  }
0x1b: {  	s9 =	sadd.s32 $0xFFFFFEF7, lr;
	s5 =	simm.s32 $0xFFFFFFFF;
	p2 =	slt.u32 s8, $0xFFFFF086  }
0x1c: {  	p1 =	slt.u32 s9, $0xF7A;
	s5 =	simm.s32 @!p2 $0x0  }
0x1d: {  	s5 =	simm.s32 @p1 $0x1;
	p0 =	seq.s32 s7, s2  }
0x1e: {  	s7 =	smul.u32 @!p0 $0xF7A, s2;
	p2 =	seq.s32 @!p0 s5, $0x0  }
0x1f: {  	s9 =	smul.u32 $0xF7A, s1;
	s8 =	simm.s32 @!p0 $0x1BF5;
	p2 =	por !p2, p0  }
0x20: {  	[sflag:s8] =	ssyncset.s32 @!p0 $0xFFFFF086;
	s6 =	sadd.s32 @!p0 s3, s7;
	s7 =	simm.s32 @!p0 $0x108  }
0x21: {  	s3 =	sadd.s32 s3, s9;
	s6 =	sadd.s32 @!p0 $0x88, s6;
	s7 =	simm.s32 @p2 $0x1082  }
0x22: {  	[simem:s7], [sflag:s8] =	dma.local @!p0 [hbm:s6], $0xF7A  }
0x23: {  	s9 =	sor.u32 $0xD0000000, s2;
	s6 =	simm.s32 $0x108;
	_ =	swait.ge @!p0 [sflag:s8], $0x0  }
0x24: {  	s3 =	sadd.s32 $0x88, s3;
	s6 =	simm.s32 @!p1 $0x1082;
	[sflag:s4] =	ssyncset.s32 $0xFFFFF086  }
0x25: {  	[simem:s6], [sflag:s4] =	dma.local [hbm:s3], $0xF7A  }
0x26: {  	[smem:$0x3F99] =	sst s1;
	(tag) =	ssettag s2;
	_ =	strace s9  }
0x27: {  	s1 =	sld [smem:$0x3FA9]  }
0x28: {  	s2 =	sld [smem:$0x3FAA]  }
0x29: {  	s4 =	sld [smem:$0x3FAC]  }
0x2a: {  	p0 =	seq.s32 s5, $0x0;
	s5 =	sld [smem:$0x3FAD]  }
0x2b: {  	s6 =	sld [smem:$0x3FAE]  }
0x2c: {  	s7 =	sld [smem:$0x3FAF]  }
0x2d: {  	s3 =	simm.s32 $0x108;
	s8 =	sld [smem:$0x3FB0]  }
0x2e: {  	s3 =	simm.s32 @!p0 $0x1082;
	s9 =	sld [smem:$0x3FB1]  }
0x2f: {  	lr =	sadd.s32 s0, s3;
	s0 =	sld [smem:$0x3FA8]  }
0x30: {  	s3 =	sld [smem:$0x3FAB]  }
0x31: {  	[smem:$0x3FB4] =	sst s10  }
0x32: {  	s10 =	sld [smem:$0x3FB2];
	_ =	sdelay $0x3  }
0x33: {  	p0 =	seq.s32 s10, $0x1;
	s10 =	sld [smem:$0x3FB4];
	_ =	sdelay $0x3  }
0x34: {  	[smem:$0x3FB4] =	sst s10  }
0x35: {  	s10 =	sld [smem:$0x3FB3];
	_ =	sdelay $0x3  }
0x36: {  	p1 =	seq.s32 s10, $0x1;
	s10 =	sld [smem:$0x3FB4];
	_ =	sdelay $0x3  }
0x37: {  	[smem:$0x3FB4] =	sst s10  }
0x38: {  	s10 =	sld [smem:$0x3FB5]  }
0x39: {  	_ = 	snop;
	(pc) =	sbr.ind lr, $3  }
0x3a: {  	_ = 	snop  }
0x3b: {  	_ = 	snop  }
0x3c: {  	p2 =	seq.s32 s10, $0x1;
	s10 =	sld [smem:$0x3FB4]  }
0x3d: {  	_ =	shalt  }
0x3e: {  	_ =	shalt  }
0x3f: {  	_ =	shalt  }
0x40: {  	_ =	shalt  }
0x41: {  	_ =	shalt  }
0x42: {  	_ =	shalt  }
0x43: {  	_ =	shalt  }
0x44: {  	_ =	shalt  }
0x45: {  	_ =	shalt  }
0x46: {  	_ =	shalt  }
0x47: {  	_ =	shalt  }
0x48: {  	_ =	shalt  }
0x49: {  	_ =	shalt  }
0x4a: {  	_ =	shalt  }
0x4b: {  	_ =	shalt  }
0x4c: {  	_ =	shalt  }
0x4d: {  	_ =	shalt  }
0x4e: {  	_ =	shalt  }
0x4f: {  	_ =	shalt  }
0x50: {  	_ =	shalt  }
0x51: {  	_ =	shalt  }
0x52: {  	_ =	shalt  }
0x53: {  	_ =	shalt  }
0x54: {  	_ =	shalt  }
0x55: {  	_ =	shalt  }
0x56: {  	_ =	shalt  }
0x57: {  	_ =	shalt  }
0x58: {  	_ =	shalt  }
0x59: {  	_ =	shalt  }
0x5a: {  	_ =	shalt  }
0x5b: {  	_ =	shalt  }
0x5c: {  	_ =	shalt  }
0x5d: {  	_ =	shalt  }
0x5e: {  	_ =	shalt  }
0x5f: {  	_ =	shalt  }
0x60: {  	_ =	shalt  }
0x61: {  	_ =	shalt  }
0x62: {  	_ =	shalt  }
0x63: {  	_ =	shalt  }
0x64: {  	_ =	shalt  }
0x65: {  	_ =	shalt  }
0x66: {  	_ =	shalt  }
0x67: {  	_ =	shalt  }
0x68: {  	_ =	shalt  }
0x69: {  	_ =	shalt  }
0x6a: {  	_ =	shalt  }
0x6b: {  	_ =	shalt  }
0x6c: {  	_ =	shalt  }
0x6d: {  	_ =	shalt  }
0x6e: {  	_ =	shalt  }
0x6f: {  	_ =	shalt  }
0x70: {  	_ =	shalt  }
0x71: {  	_ =	shalt  }
0x72: {  	_ =	shalt  }
0x73: {  	_ =	shalt  }
0x74: {  	_ =	shalt  }
0x75: {  	_ =	shalt  }
0x76: {  	_ =	shalt  }
0x77: {  	_ =	shalt  }
0x78: {  	_ =	shalt  }
0x79: {  	_ =	shalt  }
0x7a: {  	_ =	shalt  }
0x7b: {  	_ =	shalt  }
0x7c: {  	_ =	shalt  }
0x7d: {  	_ =	shalt  }
0x7e: {  	_ =	shalt  }
0x7f: {  	_ =	shalt  }
0x80: {  	_ =	shalt  }
0x81: {  	_ =	shalt  }
0x82: {  	_ =	shalt  }
0x83: {  	_ =	shalt  }
0x84: {  	_ =	shalt  }
0x85: {  	_ =	shalt  }
0x86: {  	_ =	shalt  }
0x87: {  	_ =	shalt  }
.Lfunc_end0:
.L_simem_size_0:
called_computation.3_lowered:
.L_overlay_start_0:
0x88: {  	s2 =	sld [smem:$0x3FD9]  }
0x89: {  	s3 =	sld [smem:$0x3FFE];
	_ =	sdelay $0x1  }
0x8a: {  	s1 =	srdreg.scid  }
0x8b: {  	s0 =	sand.u32 $0x1, s1  }
0x8c: {  	s17 =	sshll.u32 s0, $0xA;
	s2 =	sadd.s32 s3, s2  }
0x8d: {  	s2 =	sadd.s32 s2, s17  }
0x8e: {  	[smem:$0x3FC0] =	sst s2  }
0x8f: {  	_ = 	snop  }
0x90: {  	s2 =	sld [smem:$0x3FD0];
	(tm) =	ssettm $0x1  }
0x91: {  	s18 =	sld [smem:$0x3FFB];
	_ =	sdelay $0x3  }
0x92: {  	_ =	strace s18  }
0x93: {  	s3 =	sld [smem:$0x3FFC];
	_ =	sdelay $0x3  }
0x94: {  	_ =	strace s3  }
0x95: {  	s3 =	sld [smem:$0x3FFD];
	_ =	sdelay $0x3  }
0x96: {  	_ =	strace s3  }
0x97: {  	_ =	strace $0x8FFFFFFF  }
0x98: {  	s19 =	sld [smem:$0x3FDB];
	_ =	sdelay $0x1  }
0x99: {  	s4 =	simm.s32 $_scs_section_size  }
0x9a: {  	s5 =	simm.s32 $_size__tile_overlayer_lowered;
	s6 =	simm.s32 $_tile_overlayer_lowered  }
0x9b: {  	s22 =	simm.s32 $0x1BFF;
	s21 =	sshll.u32 s6, $0x1;
	s3 =	sadd.s32 s4, s19  }
0x9c: {  	s7 =	simm.s32 $0x0;
	s20 =	sshll.u32 s5, $0x1;
	s5 =	sadd.s32 s21, s3  }
0x9d: {  	[timem:s7], [sflag:s22] =	dma.local [hbm:s5], s20  }
0x9e: {  	_ =	swait.ge [sflag:s22], s20  }
0x9f: {  	s4 =	ssub.s32 $0x0, s20;
	[sflag:s22] =	ssyncset.done $0x0  }
0xa0: {  	[sflag:s22] =	ssyncadd.s32 s4;
	_ =	sdelay $0x1  }
0xa1: {  	s23 =	simm.s32 $0x1B8B  }
0xa2: {  	_ =	swait.ge [sflag:s23], $0x1  }
0xa3: {  	[sflag:s23] =	ssyncset.done $0x0  }
0xa4: {  	s25 =	simm.s32 $0x1B8E;
	s24 =	sld [smem:$0x3FFE];
	[sflag:s23] =	ssyncadd.s32 $0xFFFFFFFF  }
0xa5: {  	s26 =	simm.s32 $execute0_lowered;
	[smem:$0x3FD2] =	sst s25  }
0xa6: {  	s5 =	sshll.u32 s26, $0x1;
	_ =	strace $0x8000004F;
	[dreg:$0x1] =	wrdreg $0xFFFFFFFF  }
0xa7: {  	s28 =	simm.s32 $_size_execute0_lowered;
	s3 =	sadd.s32 s3, s5;
	[dreg:$0x0] =	wrdreg $0x0  }
0xa8: {  	s5 =	sshll.u32 s28, $0x1;
	[dreg:$0x2] =	wrdreg s3  }
0xa9: {  	[dreg:$0x3] =	wrdreg s5  }
0xaa: {  	[dreg:$0x4] =	wrdreg $0xC0  }
0xab: {  	_ =	task [dreg:s7], $0x5FFFF  }
0xac: {  	[dreg:$0x1] =	wrdreg $0xFFFFFFFF  }
0xad: {  	[dreg:$0x0] =	wrdreg $0x60  }
0xae: {  	[dreg:$0x2] =	wrdreg s2  }
0xaf: {  	[dreg:$0x3] =	wrdreg s24  }
0xb0: {  	[dreg:$0x4] =	wrdreg $0xA8000  }
0xb1: {  	[dreg:$0x5] =	wrdreg $0x9  }
0xb2: {  	_ =	task.clear_ibuf [dreg:s7], $0x6FFFF;
	_ =	strace $0x9000004F  }
0xb3: {  	s29 =	simm.s32 $0x9;
	_ =	strace $0x80000051  }
0xb4: {  	_ =	swait.ge [sflag:s29], $0x1  }
0xb5: {  	[sflag:s29] =	ssyncadd.s32 $0xFFFFFFFF  }
0xb6: {  	_ =	strace $0x90000051  }
0xb7: {  	_ =	sfence  }
0xb8: {  	s30 =	sld [smem:$0x0];
	_ =	sdelay $0x2  }
0xb9: {  	s31 =	sshll.u32 s1, $0xD;
	s1 =	sshrl.u32 s1, $0x2  }
0xba: {  	s3 =	sand.u32 $0x4000, s31;
	s1 =	sadd.s32 s1, s30  }
0xbb: {  	s0 =	sor.u32 s3, s0;
	s1 =	sshll.u32 s1, $0x11  }
0xbc: {  	s0 =	sor.u32 s1, s0  }
0xbd: {  	s0 =	sadd.s32 $0x8F2B, s0  }
0xbe: {  	[sflag:s0] =	ssyncadd.remote.s32 $0x1  }
0xbf: {  	_ =	sfence.sel $0xFFFF  }
0xc0: {  	[dreg:$0x0] =	wrdreg $0xFFFFFFFF;
	(pc) =	sbr.abs _section_cstart, $3  }
0xc1: {  	[dreg:$0x1] =	wrdreg $0xFFFFFFFF  }
0xc2: {  	_ =	task.clear_ibuf [dreg:s7], $0x2FFFF;
	_ =	strace $0x9FFFFFFF  }
0xc3: {  	(tm) =	ssettm $0x7FFFFFFF  }
tec
execute0_lowered:
.L_overlay_start_1:
0x0: {  	(tag) =	ssettag $0x1  }
0x1: {  	s1 =	rddreg [dreg:$0x0]  }
0x2: {  	s0 =	rddreg [dreg:$0x1]  }
0x3: {  	s3 =	rddreg [dreg:$0x2];
	s4 =	simm.s32 $0x0;
	s5 =	srdreg.scid  }
0x4: {  	s2 =	stileid.u32;
	s24 =	simm.s32 $0x2;
	s28 =	simm.s32 $0x50  }
0x5: {  	s29 =	simm.s32 $0x1;
	s30 =	simm.s32 $0x0;
	s6 =	smul.u32 $0x280, s2  }
0x6: {  	[smem:$0x7FF] =	sst s4;
	s5 =	sand.u32 $0x1, s5;
	s26 =	smul.u32 $0x50000, s2  }
0x7: {  	s7 =	sshll.u32 s2, $0xC;
	s8 =	sshll.u32 s5, $0xB;
	s9 =	smul.u32 $0x2800, s5  }
0x8: {  	_ =	strace $0x80000050;
	s5 =	ssub.s32 $0x2, s5;
	s7 =	sor.u32 s8, s7  }
0x9: {  	s31 =	sshrl.u32 s5, $0x1;
	s8 =	sshrl.u32 s26, $0x2;
	s26 =	simm.s32 $0x8000  }
0xa: {  	s6 =	sadd.s32 s6, s9;
	s23 =	ssub.s32 s5, s31;
	s5 =	sadd.s32 s8, s3  }
0xb: {  	s7 =	sadd.s32 s7, s0;
	s6 =	sshll.u32 s6, $0x4;
	s8 =	sadd.s32 $0x2800, s5  }
0xc: {  	s9 =	sadd.s32 $0x5000, s5;
	s10 =	sadd.s32 $0x7800, s5;
	s11 =	sadd.s32 $0xA000, s5  }
0xd: {  	s12 =	sadd.s32 $0xC800, s5;
	s13 =	sadd.s32 $0xF000, s5;
	s14 =	sadd.s32 $0x11800, s5  }
0xe: {  	s23 =	smax.u32 s23, $0x1;
	s0 =	sadd.s32 s6, s0;
	s6 =	sadd.s32 $0x15000, s7  }
0xf: {  	s7 =	sadd.s32 $0x5000, s7;
	s15 =	sadd.s32 $0x4C200, s0;
	s16 =	sadd.s32 $0x4C700, s0  }
0x10: {  	s17 =	sadd.s32 $0x4CC00, s0;
	s18 =	sadd.s32 $0x4D100, s0;
	s19 =	sadd.s32 $0x4D600, s0  }
0x11: {  	v0 =	vimm.f32 $0.0e+00;
	s20 =	sadd.s32 $0x4DB00, s0;
	s21 =	sadd.s32 $0x4E000, s0;
	s22 =	sadd.s32 $0x4E500, s0  }
.LBB2_1:
0x12: {  	s31 =	simm.s32 $0x0;
	s0 =	simm.s32 $0x200  }
.LBB2_2:
0x13: {  	p0 =	sne.s32 s0, $0x9E00;
	[tilespmem:s31+$0x8070] =	vst v0  }
0x14: {  	[tilespmem:s31+$0x8000] =	vst v0  }
0x15: {  	[tilespmem:s31+$0x8010] =	vst v0  }
.Ltmp0:
0x16: {  	[tilespmem:s31+$0x8020] =	vst v0;
	(pc) =	sbr.rel @p0 .LBB2_2-.Ltmp0, $4  }
0x17: {  	[tilespmem:s31+$0x8030] =	vst v0  }
0x18: {  	[tilespmem:s31+$0x8040] =	vst v0  }
0x19: {  	[tilespmem:s31+$0x8050] =	vst v0  }
0x1a: {  	[tilespmem:s31+$0x8060] =	vst v0;
	s31 =	sshra.s32 s0, $0x2;
	s0 =	sadd.s32 $0x200, s0  }
0x1b: {  	[tilespmem:s31+$0x8070] =	vst v0  }
0x1c: {  	[tilespmem:s31+$0x8000] =	vst v0  }
0x1d: {  	[tilespmem:s31+$0x8010] =	vst v0  }
0x1e: {  	[tilespmem:s31+$0x8020] =	vst v0  }
0x1f: {  	[tilespmem:s31+$0x8030] =	vst v0  }
0x20: {  	[tilespmem:s31+$0x8040] =	vst v0  }
0x21: {  	[tilespmem:s31+$0x8050] =	vst v0  }
0x22: {  	[tilespmem:s31+$0x8060] =	vst v0;
	s0 =	simm.s32 $0x0  }
0x23: {  	[tilespmem:s0], [sflag:$0x2] =	stream.linear.gather [hbm4b:s6+s0], $0x3E80, $0x38;
	[tilespmem:$0x1E800] =	vst v63  }
0x24: {  	_ =	swait.ge [sflag:s24], $0x3E80  }
0x25: {  	[sflag:s24] =	ssyncset.done $0x0  }
0x26: {  	s2 =	simm.s32 $0x4000;
	[sflag:s24] =	ssyncadd.s32 $0xFFFFC180  }
0x27: {  	[tilespmem:s2], [sflag:$0x2] =	stream.linear.gather [hbm4b:s7+s0], $0x3E80, $0x38;
	[tilespmem:$0x1E800] =	vst v63  }
0x28: {  	_ =	swait.ge [sflag:s24], $0x3E80  }
0x29: {  	[sflag:s24] =	ssyncset.done $0x0  }
0x2a: {  	[sflag:s24] =	ssyncadd.s32 $0xFFFFC180  }
0x2b: {  	[spmem:s5] =	stream.linear.scatter [tilespmem:s26], [sflag:$0x2], $0x2800, $0x38;
	[tilespmem:$0x1E800] =	vst v63  }
0x2c: {  	_ =	swait.ge [sflag:s24], $0x2800  }
0x2d: {  	[sflag:s24] =	ssyncset.done $0x0  }
0x2e: {  	[sflag:s24] =	ssyncadd.s32 $0xFFFFD800  }
0x2f: {  	[spmem:s8] =	stream.linear.scatter [tilespmem:s26], [sflag:$0x2], $0x2800, $0x38;
	[tilespmem:$0x1E800] =	vst v63  }
0x30: {  	_ =	swait.ge [sflag:s24], $0x2800  }
0x31: {  	[sflag:s24] =	ssyncset.done $0x0  }
0x32: {  	[sflag:s24] =	ssyncadd.s32 $0xFFFFD800  }
0x33: {  	[spmem:s9] =	stream.linear.scatter [tilespmem:s26], [sflag:$0x2], $0x2800, $0x38;
	[tilespmem:$0x1E800] =	vst v63  }
0x34: {  	_ =	swait.ge [sflag:s24], $0x2800  }
0x35: {  	[sflag:s24] =	ssyncset.done $0x0  }
0x36: {  	[sflag:s24] =	ssyncadd.s32 $0xFFFFD800  }
0x37: {  	[spmem:s10] =	stream.linear.scatter [tilespmem:s26], [sflag:$0x2], $0x2800, $0x38;
	[tilespmem:$0x1E800] =	vst v63  }
0x38: {  	_ =	swait.ge [sflag:s24], $0x2800  }
0x39: {  	[sflag:s24] =	ssyncset.done $0x0  }
0x3a: {  	[sflag:s24] =	ssyncadd.s32 $0xFFFFD800  }
0x3b: {  	[spmem:s11] =	stream.linear.scatter [tilespmem:s26], [sflag:$0x2], $0x2800, $0x38;
	[tilespmem:$0x1E800] =	vst v63  }
0x3c: {  	_ =	swait.ge [sflag:s24], $0x2800  }
0x3d: {  	[sflag:s24] =	ssyncset.done $0x0  }
0x3e: {  	[sflag:s24] =	ssyncadd.s32 $0xFFFFD800  }
0x3f: {  	[spmem:s12] =	stream.linear.scatter [tilespmem:s26], [sflag:$0x2], $0x2800, $0x38;
	[tilespmem:$0x1E800] =	vst v63  }
0x40: {  	_ =	swait.ge [sflag:s24], $0x2800  }
0x41: {  	[sflag:s24] =	ssyncset.done $0x0  }
0x42: {  	[sflag:s24] =	ssyncadd.s32 $0xFFFFD800  }
0x43: {  	[spmem:s13] =	stream.linear.scatter [tilespmem:s26], [sflag:$0x2], $0x2800, $0x38;
	[tilespmem:$0x1E800] =	vst v63  }
0x44: {  	_ =	swait.ge [sflag:s24], $0x2800  }
0x45: {  	[sflag:s24] =	ssyncset.done $0x0  }
0x46: {  	[sflag:s24] =	ssyncadd.s32 $0xFFFFD800  }
0x47: {  	[spmem:s14] =	stream.linear.scatter [tilespmem:s26], [sflag:$0x2], $0x2800, $0x38;
	[tilespmem:$0x1E800] =	vst v63  }
0x48: {  	_ =	swait.ge [sflag:s24], $0x2800  }
0x49: {  	[sflag:s24] =	ssyncset.done $0x0  }
0x4a: {  	[sflag:s24] =	ssyncadd.s32 $0xFFFFD800  }
0x4b: {  	s2 =	simm.s32 $0x0;
	[bflag:$0x0] =	sbarrier.arrive $0xFFFF  }
0x4c: {  	[tilespmem:s26], [sflag:$0x1] =	stream.indirect.gather [hbm4b:s1+s28], $0x80, s2, s28, $0xb8;
	[tilespmem:$0x1E800] =	vst v63  }
0x4d: {  	_ =	swait.ge [sflag:s29], $0x2800  }
0x4e: {  	[sflag:s29] =	ssyncset.done $0x0  }
0x4f: {  	s25 =	simm.s32 $0x4000;
	[sflag:s29] =	ssyncadd.s32 $0xFFFFD800  }
0x50: {  	[spmem:s3] =	stream.indirect.scatter.add.f32 [tilespmem:s26], [sflag:$0x2], $0x80, s25, s28, $0xb8;
	[tilespmem:$0x1E800] =	vst v63  }
0x51: {  	_ =	swait.ge [sflag:s24], $0x2800  }
0x52: {  	s31 =	simm.s32 $0x200;
	s0 =	simm.s32 $0x400;
	[sflag:s24] =	ssyncset.done $0x0  }
.LBB2_4:
0x53: {  	s2 =	sshra.s32 s31, $0x2  }
0x54: {  	[sflag:s24] =	ssyncadd.s32 $0xFFFFD800;
	s31 =	smov.u32 s0;
	s25 =	sadd.s32 $0x200, s0  }
0x55: {  	[tilespmem:s26], [sflag:$0x1] =	stream.indirect.gather [hbm4b:s1+s28], $0x80, s2, s28, $0xb8;
	[tilespmem:$0x1E800] =	vst v63  }
0x56: {  	p0 =	sne.s32 s0, $0xF800;
	_ =	swait.ge [sflag:s29], $0x2800  }
.Ltmp1:
0x57: {  	[sflag:s29] =	ssyncset.done $0x0;
	(pc) =	sbr.rel @p0 .LBB2_4-.Ltmp1, $4  }
0x58: {  	s0 =	sadd.s32 $0x4000, s2;
	[sflag:s29] =	ssyncadd.s32 $0xFFFFD800  }
0x59: {  	[spmem:s3] =	stream.indirect.scatter.add.f32 [tilespmem:s26], [sflag:$0x2], $0x80, s0, s28, $0xb8;
	[tilespmem:$0x1E800] =	vst v63  }
0x5a: {  	_ =	swait.ge [sflag:s24], $0x2800  }
0x5b: {  	s0 =	smov.u32 s25;
	[sflag:s24] =	ssyncset.done $0x0  }
0x5c: {  	s0 =	sshra.s32 s31, $0x2;
	[sflag:s24] =	ssyncadd.s32 $0xFFFFD800  }
0x5d: {  	[tilespmem:s26], [sflag:$0x1] =	stream.indirect.gather [hbm4b:s1+s28], $0x80, s0, s28, $0xb8;
	[tilespmem:$0x1E800] =	vst v63  }
0x5e: {  	_ =	swait.ge [sflag:s29], $0x2800  }
0x5f: {  	[sflag:s29] =	ssyncset.done $0x0  }
0x60: {  	s0 =	sadd.s32 $0x4000, s0;
	[sflag:s29] =	ssyncadd.s32 $0xFFFFD800  }
0x61: {  	[spmem:s3] =	stream.indirect.scatter.add.f32 [tilespmem:s26], [sflag:$0x2], $0x80, s0, s28, $0xb8;
	[tilespmem:$0x1E800] =	vst v63  }
0x62: {  	_ =	swait.ge [sflag:s24], $0x2800  }
0x63: {  	[sflag:s24] =	ssyncset.done $0x0  }
0x64: {  	[sflag:s24] =	ssyncadd.s32 $0xFFFFD800  }
0x65: {  	[bflag:$0x0] =	sbarrier.arrive $0xFFFF  }
0x66: {  	[tilespmem:s26], [sflag:$0x2] =	stream.linear.gather [spmem:s5], $0x2800, $0x38;
	[tilespmem:$0x1E800] =	vst v63  }
0x67: {  	_ =	swait.ge [sflag:s24], $0x2800  }
0x68: {  	[sflag:s24] =	ssyncset.done $0x0  }
0x69: {  	[sflag:s24] =	ssyncadd.s32 $0xFFFFD800  }
0x6a: {  	[hbm4b:s15+s4] =	stream.linear.scatter [tilespmem:s26], [sflag:$0x2], $0x2800, $0x38;
	[tilespmem:$0x1E800] =	vst v63  }
0x6b: {  	_ =	swait.ge [sflag:s24], $0x2800  }
0x6c: {  	[sflag:s24] =	ssyncset.done $0x0  }
0x6d: {  	[sflag:s24] =	ssyncadd.s32 $0xFFFFD800  }
0x6e: {  	[tilespmem:s26], [sflag:$0x2] =	stream.linear.gather [spmem:s8], $0x2800, $0x38;
	[tilespmem:$0x1E800] =	vst v63  }
0x6f: {  	_ =	swait.ge [sflag:s24], $0x2800  }
0x70: {  	[sflag:s24] =	ssyncset.done $0x0  }
0x71: {  	[sflag:s24] =	ssyncadd.s32 $0xFFFFD800  }
0x72: {  	[hbm4b:s16+s4] =	stream.linear.scatter [tilespmem:s26], [sflag:$0x2], $0x2800, $0x38;
	[tilespmem:$0x1E800] =	vst v63  }
0x73: {  	_ =	swait.ge [sflag:s24], $0x2800  }
0x74: {  	[sflag:s24] =	ssyncset.done $0x0  }
0x75: {  	[sflag:s24] =	ssyncadd.s32 $0xFFFFD800  }
0x76: {  	[tilespmem:s26], [sflag:$0x2] =	stream.linear.gather [spmem:s9], $0x2800, $0x38;
	[tilespmem:$0x1E800] =	vst v63  }
0x77: {  	_ =	swait.ge [sflag:s24], $0x2800  }
0x78: {  	[sflag:s24] =	ssyncset.done $0x0  }
0x79: {  	[sflag:s24] =	ssyncadd.s32 $0xFFFFD800  }
0x7a: {  	[hbm4b:s17+s4] =	stream.linear.scatter [tilespmem:s26], [sflag:$0x2], $0x2800, $0x38;
	[tilespmem:$0x1E800] =	vst v63  }
0x7b: {  	_ =	swait.ge [sflag:s24], $0x2800  }
0x7c: {  	[sflag:s24] =	ssyncset.done $0x0  }
0x7d: {  	[sflag:s24] =	ssyncadd.s32 $0xFFFFD800  }
0x7e: {  	[tilespmem:s26], [sflag:$0x2] =	stream.linear.gather [spmem:s10], $0x2800, $0x38;
	[tilespmem:$0x1E800] =	vst v63  }
0x7f: {  	_ =	swait.ge [sflag:s24], $0x2800  }
0x80: {  	[sflag:s24] =	ssyncset.done $0x0  }
0x81: {  	[sflag:s24] =	ssyncadd.s32 $0xFFFFD800  }
0x82: {  	[hbm4b:s18+s4] =	stream.linear.scatter [tilespmem:s26], [sflag:$0x2], $0x2800, $0x38;
	[tilespmem:$0x1E800] =	vst v63  }
0x83: {  	_ =	swait.ge [sflag:s24], $0x2800  }
0x84: {  	[sflag:s24] =	ssyncset.done $0x0  }
0x85: {  	[sflag:s24] =	ssyncadd.s32 $0xFFFFD800  }
0x86: {  	[tilespmem:s26], [sflag:$0x2] =	stream.linear.gather [spmem:s11], $0x2800, $0x38;
	[tilespmem:$0x1E800] =	vst v63  }
0x87: {  	_ =	swait.ge [sflag:s24], $0x2800  }
0x88: {  	[sflag:s24] =	ssyncset.done $0x0  }
0x89: {  	[sflag:s24] =	ssyncadd.s32 $0xFFFFD800  }
0x8a: {  	[hbm4b:s19+s4] =	stream.linear.scatter [tilespmem:s26], [sflag:$0x2], $0x2800, $0x38;
	[tilespmem:$0x1E800] =	vst v63  }
0x8b: {  	_ =	swait.ge [sflag:s24], $0x2800  }
0x8c: {  	[sflag:s24] =	ssyncset.done $0x0  }
0x8d: {  	[sflag:s24] =	ssyncadd.s32 $0xFFFFD800  }
0x8e: {  	[tilespmem:s26], [sflag:$0x2] =	stream.linear.gather [spmem:s12], $0x2800, $0x38;
	[tilespmem:$0x1E800] =	vst v63  }
0x8f: {  	_ =	swait.ge [sflag:s24], $0x2800  }
0x90: {  	[sflag:s24] =	ssyncset.done $0x0  }
0x91: {  	[sflag:s24] =	ssyncadd.s32 $0xFFFFD800  }
0x92: {  	[hbm4b:s20+s4] =	stream.linear.scatter [tilespmem:s26], [sflag:$0x2], $0x2800, $0x38;
	[tilespmem:$0x1E800] =	vst v63  }
0x93: {  	_ =	swait.ge [sflag:s24], $0x2800  }
0x94: {  	[sflag:s24] =	ssyncset.done $0x0  }
0x95: {  	[sflag:s24] =	ssyncadd.s32 $0xFFFFD800  }
0x96: {  	[tilespmem:s26], [sflag:$0x2] =	stream.linear.gather [spmem:s13], $0x2800, $0x38;
	[tilespmem:$0x1E800] =	vst v63  }
0x97: {  	_ =	swait.ge [sflag:s24], $0x2800  }
0x98: {  	[sflag:s24] =	ssyncset.done $0x0  }
0x99: {  	[sflag:s24] =	ssyncadd.s32 $0xFFFFD800  }
0x9a: {  	[hbm4b:s21+s4] =	stream.linear.scatter [tilespmem:s26], [sflag:$0x2], $0x2800, $0x38;
	[tilespmem:$0x1E800] =	vst v63  }
0x9b: {  	_ =	swait.ge [sflag:s24], $0x2800  }
0x9c: {  	[sflag:s24] =	ssyncset.done $0x0  }
0x9d: {  	[sflag:s24] =	ssyncadd.s32 $0xFFFFD800  }
0x9e: {  	[tilespmem:s26], [sflag:$0x2] =	stream.linear.gather [spmem:s14], $0x2800, $0x38;
	[tilespmem:$0x1E800] =	vst v63  }
0x9f: {  	s30 =	sadd.s32 $0x1, s30;
	_ =	swait.ge [sflag:s24], $0x2800  }
0xa0: {  	p0 =	sne.s32 s30, s23;
	[sflag:s24] =	ssyncset.done $0x0  }
.Ltmp2:
0xa1: {  	[sflag:s24] =	ssyncadd.s32 $0xFFFFD800;
	(pc) =	sbr.rel @p0 .LBB2_1-.Ltmp2, $4  }
0xa2: {  	[hbm4b:s22+s4] =	stream.linear.scatter [tilespmem:s26], [sflag:$0x2], $0x2800, $0x38;
	[tilespmem:$0x1E800] =	vst v63  }
0xa3: {  	_ =	swait.ge [sflag:s24], $0x2800  }
0xa4: {  	[sflag:s24] =	ssyncset.done $0x0  }
0xa5: {  	[sflag:s24] =	ssyncadd.s32 $0xFFFFD800  }
0xa6: {  	_ =	sfence.sel $0x180000  }
0xa7: {  	[bflag:$0x0] =	sbarrier.arrive $0xFFFF  }
0xa8: {  	_ =	strace $0x90000050  }
0xa9: {  	s0 =	stileid.u32;
	[bflag:$0x2] =	sbarrier.arrive $0xFFFF  }
0xaa: {  	p0 =	sne.s32 s0, $0x0;
	s0 =	rddreg [dreg:$0x3]  }
0xab: {  	s0 =	sadd.s32 @!p0 $0x100000, s0  }
0xac: {  	[sflag:s0] =	ssyncadd.tile.s32 @!p0 $0x1;
	_ =	shalt  }
.Lfunc_end2:
_tile_overlayer_lowered:
.L_overlay_start_2:
0xad: {  	(tag) =	ssettag $0x2  }
0xae: {  	s0 =	rddreg [dreg:$0x0];
	s2 =	stileid.u32  }
0xaf: {  	s1 =	rddreg [dreg:$0x1];
	p0 =	sne.s32 s2, $0x0  }
0xb0: {  	s3 =	rddreg [dreg:$0x2];
	[bflag:$0x3] =	sbarrier.arrive $0xFFFF;
	s2 =	simm.s32 @!p0 $0x1C02  }
0xb1: {  	[timem:s3], [sflag:s2] =	dma.local @!p0 [hbm:s0], s1  }
0xb2: {  	s0 =	simm.s32 @!p0 $0x2  }
0xb3: {  	_ =	swait.ge @!p0 [sflag:s0], s1  }
0xb4: {  	s1 =	ssub.s32 @!p0 $0x0, s1;
	[sflag:s0] =	ssyncset.done @!p0 $0x0  }
0xb5: {  	[sflag:s0] =	ssyncadd.s32 @!p0 s1  }
0xb6: {  	[bflag:$0x3] =	sbarrier.arrive $0xFFFF  }
0xb7: {  	_ =	shalt  }

</sc_bundles>
